<compile_context>
chip_gen: v7x
topology: tpu7x:2x2x1
jax: 0.10.2.dev20260603
libtpu: 0.0.44.dev20260713+nightly
codegen_flags: <defaults>
</compile_context>

<pallas_src>
import dataclasses
import functools

import jax
import jax.numpy as jnp
from jax import lax
from jax.experimental import pallas as pl
from jax.experimental.pallas import tpu as pltpu
from jax.experimental.pallas import tpu_sc as plsc

NC = 2
NS = 16
NW = NC * NS
CH = 100
BR = 25


def _dinv_of(degp):
    deg = degp[0] + degp[1]
    return jnp.where(deg > 0,
                     lax.rsqrt(jnp.maximum(deg, 1e-12)),
                     jnp.zeros_like(deg))


def _mlpscale_body(x_ref, W1_ref, b1_ref, W2_ref, b2_ref, degp_ref,
                   h_ref, g_ref):
    t = jnp.maximum(
        jnp.dot(x_ref[...], W1_ref[...], preferred_element_type=jnp.float32)
        + b1_ref[...], 0.0)
    h = (jnp.dot(t, W2_ref[...], preferred_element_type=jnp.float32)
         + b2_ref[...])
    h_ref[...] = h
    g_ref[...] = _dinv_of(degp_ref[...]) * h


def _mlpscale(x, W1, b1, W2, b2, degp, blk):
    n, d = x.shape
    h_dim = W1.shape[1]
    out = jax.ShapeDtypeStruct((n, h_dim), jnp.float32)
    return pl.pallas_call(
        _mlpscale_body,
        grid=(n // blk,),
        in_specs=[
            pl.BlockSpec((blk, d), lambda i: (i, 0)),
            pl.BlockSpec((d, h_dim), lambda i: (0, 0)),
            pl.BlockSpec((1, h_dim), lambda i: (0, 0)),
            pl.BlockSpec((h_dim, h_dim), lambda i: (0, 0)),
            pl.BlockSpec((1, h_dim), lambda i: (0, 0)),
            pl.BlockSpec((NC, blk, 1), lambda i: (0, i, 0)),
        ],
        out_specs=[pl.BlockSpec((blk, h_dim), lambda i: (i, 0)),
                   pl.BlockSpec((blk, h_dim), lambda i: (i, 0))],
        out_shape=[out, out],
    )(x, W1, b1.reshape(1, -1), W2, b2.reshape(1, -1), degp)


def _deg_sc(src_flat, n_pad):
    e = src_flat.shape[0]
    ept = e // NW
    rpt = n_pad // NS
    mesh = plsc.VectorSubcoreMesh(core_axis_name="c", subcore_axis_name="s")
    cp = dataclasses.replace(pltpu.CompilerParams(),
                             needs_layout_passes=False)

    @functools.partial(
        pl.kernel,
        out_type=jax.ShapeDtypeStruct((NC * n_pad,), jnp.float32),
        mesh=mesh,
        compiler_params=cp,
        scratch_types=[
            pltpu.VMEM((ept,), jnp.int32),
            pltpu.VMEM((n_pad,), jnp.float32),
            pltpu.VMEM((n_pad,), jnp.float32),
            pltpu.VMEM((rpt,), jnp.float32),
            pltpu.VMEM_SHARED((NS * n_pad,), jnp.float32),
            pltpu.SemaphoreType.DMA,
        ],
    )
    def deg_kernel(src_hbm, out_hbm, idx_v, hist_v, load_v, out_v,
                   stage_sh, sem):
        c = lax.axis_index("c")
        s = lax.axis_index("s")
        w = s * NC + c

        idma = pltpu.async_copy(src_hbm.at[pl.ds(w * ept, ept)], idx_v, sem)

        @pl.loop(0, n_pad, step=16)
        def _(i):
            hist_v[pl.ds(i, 16)] = jnp.zeros((16,), jnp.float32)

        ones16 = jnp.ones((16,), jnp.float32)
        idma.wait()

        @pl.loop(0, ept, step=400)
        def _(b):
            for k in range(25):
                plsc.addupdate_scatter(
                    hist_v, [idx_v[pl.ds(b + k * 16, 16)]], ones16)

        pltpu.sync_copy(hist_v, stage_sh.at[pl.ds(s * n_pad, n_pad)])
        plsc.subcore_barrier()
        descs = [
            pltpu.async_copy(stage_sh.at[pl.ds(r * n_pad + s * rpt, rpt)],
                             load_v.at[pl.ds(r * rpt, rpt)], sem)
            for r in range(NS)
        ]
        for dsc in descs:
            dsc.wait()

        @pl.loop(0, rpt, step=16)
        def _(k):
            t = load_v[pl.ds(k, 16)]
            for r in range(1, NS):
                t = t + load_v[pl.ds(r * rpt + k, 16)]
            out_v[pl.ds(k, 16)] = t

        pltpu.sync_copy(out_v, out_hbm.at[pl.ds(c * n_pad + s * rpt, rpt)])

    return deg_kernel(src_flat)


def _prop_sc(src3, dst3, g, zrows, n_pad):
    h_dim = g.shape[1]
    nbat = src3.shape[0]
    rpt = n_pad // NS
    mesh = plsc.VectorSubcoreMesh(core_axis_name="c", subcore_axis_name="s")

    @functools.partial(
        pl.kernel,
        out_type=jax.ShapeDtypeStruct((NC, n_pad, h_dim), jnp.float32),
        mesh=mesh,
        scratch_types=[
            pltpu.VMEM((BR, CH), jnp.int32),
            pltpu.VMEM((BR, CH), jnp.int32),
        ] + [pltpu.VMEM((CH, h_dim), jnp.float32)] * 3
          + [pltpu.VMEM_SHARED((n_pad, h_dim), jnp.float32)]
          + [pltpu.SemaphoreType.DMA] * 7,
    )
    def prop_kernel(src_hbm, dst_hbm, g_hbm, z_hbm, out_hbm,
                    sidx_v, didx_v, r0, r1, r2, acc_sh,
                    g0, g1, g2, s0, s1, s2, isem):
        rows = (r0, r1, r2)
        gsem = (g0, g1, g2)
        ssem = (s0, s1, s2)
        nbuf = 3
        c = lax.axis_index("c")
        s = lax.axis_index("s")
        w = s * NC + c
        bpt = nbat // NW
        pltpu.sync_copy(z_hbm, acc_sh.at[pl.ds(s * rpt, rpt)])
        plsc.subcore_barrier()

        @pl.loop(w * bpt, (w + 1) * bpt)
        def _(b):
            i0 = pltpu.async_copy(src_hbm.at[b], sidx_v, isem)
            i1 = pltpu.async_copy(dst_hbm.at[b], didx_v, isem)
            i0.wait()
            i1.wait()
            gat = [None] * BR
            scat = [None] * BR
            for j in range(BR):
                bi = j % nbuf
                if j >= nbuf:
                    scat[j - nbuf].wait()
                gat[j] = pltpu.async_copy(
                    g_hbm.at[sidx_v.at[j]], rows[bi], gsem[bi])
                if j >= 2:
                    k = j - 2
                    gat[k].wait()
                    scat[k] = pltpu.async_copy(
                        rows[k % nbuf], acc_sh.at[didx_v.at[k]],
                        ssem[k % nbuf], add=True)
            for k in (BR - 2, BR - 1):
                gat[k].wait()
                scat[k] = pltpu.async_copy(
                    rows[k % nbuf], acc_sh.at[didx_v.at[k]],
                    ssem[k % nbuf], add=True)
            for k in range(BR - nbuf, BR):
                scat[k].wait()

        plsc.subcore_barrier()
        pltpu.sync_copy(acc_sh.at[pl.ds(s * rpt, rpt)],
                        out_hbm.at[c, pl.ds(s * rpt, rpt)])

    return prop_kernel(src3, dst3, g, zrows)


def _head_body(h_ref, p_ref, degp_ref, Wch_ref, Wf_ref, bf_ref,
               Wx_ref, bx_ref, Wc_ref, bc_ref, y_ref):
    h = h_ref[...]
    dinv = _dinv_of(degp_ref[...])
    p = p_ref[...]
    ph = -dinv * (p[0] + p[1])
    Wch = Wch_ref[...]
    dot = lambda a, b: jnp.dot(a, b, preferred_element_type=jnp.float32)
    f0 = dot(h, Wch[0, 0]) + dot(ph, Wch[0, 1])
    f1 = dot(h, Wch[1, 0]) + dot(ph, Wch[1, 1])
    Wf = Wf_ref[...]
    bf = bf_ref[...]
    hp0 = jnp.tanh(dot(f0, Wf) + bf)
    hp1 = jnp.tanh(dot(f1, Wf) + bf)
    xp = jnp.tanh(dot(h, Wx_ref[...]) + bx_ref[...])
    s0 = jnp.sum(hp0 * xp, axis=1, keepdims=True)
    s1 = jnp.sum(hp1 * xp, axis=1, keepdims=True)
    m = jnp.maximum(s0, s1)
    e0 = jnp.exp(s0 - m)
    e1 = jnp.exp(s1 - m)
    res = (f0 * e0 + f1 * e1) / (e0 + e1)
    y_ref[...] = dot(res, Wc_ref[...]) + bc_ref[...]


def _head(h, part, degp, W_cheb, Wf, bf, Wx, bx, Wc_pad, bc_pad, blk):
    n, h_dim = h.shape
    return pl.pallas_call(
        _head_body,
        grid=(n // blk,),
        in_specs=[
            pl.BlockSpec((blk, h_dim), lambda i: (i, 0)),
            pl.BlockSpec((NC, blk, h_dim), lambda i: (0, i, 0)),
            pl.BlockSpec((NC, blk, 1), lambda i: (0, i, 0)),
            pl.BlockSpec(W_cheb.shape, lambda i: (0, 0, 0, 0)),
            pl.BlockSpec((h_dim, h_dim), lambda i: (0, 0)),
            pl.BlockSpec((1, h_dim), lambda i: (0, 0)),
            pl.BlockSpec((h_dim, h_dim), lambda i: (0, 0)),
            pl.BlockSpec((1, h_dim), lambda i: (0, 0)),
            pl.BlockSpec((h_dim, 8), lambda i: (0, 0)),
            pl.BlockSpec((1, 8), lambda i: (0, 0)),
        ],
        out_specs=pl.BlockSpec((blk, 8), lambda i: (i, 0)),
        out_shape=jax.ShapeDtypeStruct((n, 8), jnp.float32),
    )(h, part, degp, W_cheb, Wf, bf.reshape(1, -1),
      Wx, bx.reshape(1, -1), Wc_pad, bc_pad)


def kernel(x, edge_index, W1, b1, W2, b2, W_cheb, Wf, bf, Wx, bx, Wc, bc):
    n, _ = x.shape
    e = edge_index.shape[1]
    h_dim = W1.shape[1]
    c_dim = Wc.shape[1]
    nbat = e // (BR * CH)
    blk = 1024
    n_pad = ((n + blk - 1) // blk) * blk
    rpt = n_pad // NS

    src3 = edge_index[0].reshape(nbat, BR, CH)
    dst3 = edge_index[1].reshape(nbat, BR, CH)
    z128 = jnp.zeros((rpt, h_dim), jnp.float32)
    Wc_pad = jnp.zeros((h_dim, 8), jnp.float32).at[:, :c_dim].set(Wc)
    bc_pad = jnp.zeros((1, 8), jnp.float32).at[:, :c_dim].set(bc)
    x_pad = jnp.zeros((n_pad, x.shape[1]), jnp.float32).at[:n].set(x)

    deg_flat = _deg_sc(edge_index[0], n_pad)
    degp = deg_flat.reshape(NC, n_pad, 1)
    h, g = _mlpscale(x_pad, W1, b1, W2, b2, degp, blk)
    part = _prop_sc(src3, dst3, g, z128, n_pad)
    y_pad = _head(h, part, degp, W_cheb, Wf, bf, Wx, bx, Wc_pad, bc_pad, blk)
    return y_pad[:n, :c_dim]

# --- scband reference (transcript-rebuilt; emitter-appended) ---
"""Pipeline reference for scband-gnn-model-57105885168180 (READ-ONLY COPY).

The authoritative reference and input builder live on the scoring server;
editing this copy changes nothing except your own understanding.
"""

import jax, jax.numpy as jnp
import numpy as np

N = 10000
E = 320000
D_IN = 128
H = 128
C = 2
F_FILT = 2
K = 2


def setup_inputs(seed: int = 0) -> dict:
    key = jax.random.key(seed)
    ks = jax.random.split(key, 12)
    s = 0.05
    return {
        "x": jax.random.normal(ks[0], (N, D_IN), dtype=jnp.float32),
        "edge_index": jax.random.randint(ks[1], (2, E), 0, N, dtype=jnp.int32),
        "W1": jax.random.normal(ks[2], (D_IN, H), dtype=jnp.float32) * s,
        "b1": jnp.zeros((H,), dtype=jnp.float32),
        "W2": jax.random.normal(ks[3], (H, H), dtype=jnp.float32) * s,
        "b2": jnp.zeros((H,), dtype=jnp.float32),
        "W_cheb": jax.random.normal(ks[4], (F_FILT, K, H, H), dtype=jnp.float32) * s,
        "Wf": jax.random.normal(ks[5], (H, H), dtype=jnp.float32) * s,
        "bf": jnp.zeros((H,), dtype=jnp.float32),
        "Wx": jax.random.normal(ks[6], (H, H), dtype=jnp.float32) * s,
        "bx": jnp.zeros((H,), dtype=jnp.float32),
        "Wc": jax.random.normal(ks[7], (H, C), dtype=jnp.float32) * s,
        "bc": jnp.zeros((C,), dtype=jnp.float32),
    }


def _prop(h, src, dst, w):
    # ChebConv propagate: out[i] = sum_{e: dst[e]=i} w[e] * h[src[e]]
    return jax.ops.segment_sum(w[:, None] * h[src], dst, num_segments=N)


def _cheb(h, src, dst, w, Wk):
    # PyG ChebConv with normalization='sym', lambda_max=2.0, bias=False.
    # Scaled Laplacian L_hat has off-diagonal weights -dinv[src]*dinv[dst],
    # diagonal cancels to 0 (laplacian diag 1 + self-loop fill -1).
    Tx0 = h
    out = Tx0 @ Wk[0]
    Tx1 = _prop(h, src, dst, w)
    out = out + Tx1 @ Wk[1]
    for k in range(2, K):
        Tx2 = 2.0 * _prop(Tx1, src, dst, w) - Tx0
        out = out + Tx2 @ Wk[k]
        Tx0, Tx1 = Tx1, Tx2
    return out


def reference(x, edge_index, W1, b1, W2, b2, W_cheb, Wf, bf, Wx, bx, Wc, bc):
    src = edge_index[0]
    dst = edge_index[1]
    deg = jax.ops.segment_sum(jnp.ones((E,), dtype=x.dtype), src, num_segments=N)
    dinv = jnp.where(deg > 0, jax.lax.rsqrt(jnp.maximum(deg, 1e-12)), 0.0)
    w = -dinv[src] * dinv[dst]

    # linear_transform_in: Linear -> ReLU -> Linear
    h = jax.nn.relu(x @ W1 + b1) @ W2 + b2

    h_filters = jnp.stack([_cheb(h, src, dst, w, W_cheb[f]) for f in range(F_FILT)], axis=1)  # [N, F, H]

    h_proj = jnp.tanh(h_filters @ Wf + bf)          # W_f: Linear + Tanh  -> [N, F, H]
    x_proj = jnp.tanh(h @ Wx + bx)[:, :, None]       # W_x: Linear + Tanh  -> [N, H, 1]
    score_logit = jnp.matmul(h_proj, x_proj)         # bmm -> [N, F, 1]
    score = jax.nn.softmax(score_logit, axis=1)      # softmax over filters

    res = jnp.sum(h_filters * score, axis=1)         # weighted sum over filters [N, H]
    y_hat = res @ Wc + bc                            # linear_cls_out (dropout = identity in eval)
    return y_hat

if __name__ == "__main__":
    import jax
    _d = setup_inputs()
    print(jax.jit(kernel)(*tuple(_d.values())))

</pallas_src>

<mosaic_0001>
#map = affine_map<(d0, d1) -> (0)>
module attributes {stable_mosaic.version = 14 : i64} {
  func.func @deg_kernel(%arg0: i32, %arg1: i32, %arg2: memref<320000xi32, #tpu.memory_space<hbm>>, %arg3: memref<20480xf32, #tpu.memory_space<hbm>>, %arg4: memref<10000xi32, #tpu.memory_space<vmem>>, %arg5: memref<10240xf32, #tpu.memory_space<vmem>>, %arg6: memref<10240xf32, #tpu.memory_space<vmem>>, %arg7: memref<640xf32, #tpu.memory_space<vmem>>, %arg8: memref<163840xf32, #tpu.memory_space<vmem_shared>>, %arg9: memref<!tpu.dma_semaphore, #tpu.memory_space<semaphore_mem>>) attributes {dimension_semantics = [#tpu.dimension_semantics<core_parallel>, #tpu.dimension_semantics<subcore_parallel>], iteration_bounds = array<i64: 2, 16>, scalar_prefetch = 0 : i64, scratch_operands = 6 : i64, tpu.core_type = #tpu.core_type<sc_vector_subcore>, window_params = [{transform_indices = #map}, {transform_indices = #map}]} {
    %mul3A = arith.constant 2 : i32
    %mul3A_0 = arith.muli %arg1, %mul3A : i32
    %add3A = arith.addi %mul3A_0, %arg0 : i32
    %mul3A_1 = arith.constant 10000 : i32
    %mul3A_2 = arith.muli %add3A, %mul3A_1 : i32
    %dma_start3A = tpu.memref_slice %arg2[%mul3A_2] : memref<320000xi32, #tpu.memory_space<hbm>> -> memref<10000xi32, #tpu.memory_space<hbm>>
    %dma_start3A_3 = tpu.memref_slice %arg2[%mul3A_2] : memref<320000xi32, #tpu.memory_space<hbm>> -> memref<10000xi32, #tpu.memory_space<hbm>>
    tpu.enqueue_dma source(%dma_start3A_3 : memref<10000xi32, #tpu.memory_space<hbm>>) target(%arg4 : memref<10000xi32, #tpu.memory_space<vmem>>) target_semaphore(%arg9 : memref<!tpu.dma_semaphore, #tpu.memory_space<semaphore_mem>>)
    %scan3A = arith.constant 0 : i32
    %scan3A_4 = arith.constant 640 : i32
    %scan3A_5 = arith.addi %scan3A, %scan3A_4 : i32
    %scan3A_6 = arith.constant 1 : i32
    scf.for %scan3A_283 = %scan3A to %scan3A_5 step %scan3A_6  : i32 {
      %mul3A_284 = arith.constant 16 : i32
      %mul3A_285 = arith.muli %scan3A_283, %mul3A_284 : i32
      %add3A_286 = arith.constant 0 : i32
      %add3A_287 = arith.addi %add3A_286, %mul3A_285 : i32
      %broadcast_in_dim3A_288 = arith.constant 0.000000e+00 : f32
      %broadcast_in_dim3A_289 = vector.broadcast %broadcast_in_dim3A_288 : f32 to vector<16xf32>
      %swap3A = arith.index_cast %add3A_287 : i32 to index
      %swap3A_290 = tpu.vector_load %arg5[%swap3A] {strides = array<i32>} : memref<10240xf32, #tpu.memory_space<vmem>>, vector<16xf32>,
      tpu.vector_store %arg5[%swap3A], %broadcast_in_dim3A_289 {strides = array<i32>} : memref<10240xf32, #tpu.memory_space<vmem>>, vector<16xf32>,
    }
    %scan3A_7 = arith.constant 640 : i32
    %broadcast_in_dim3A = arith.constant 1.000000e+00 : f32
    %broadcast_in_dim3A_8 = vector.broadcast %broadcast_in_dim3A : f32 to vector<16xf32>
    %dma_wait3A = tpu.memref_slice %arg2[%mul3A_2] : memref<320000xi32, #tpu.memory_space<hbm>> -> memref<10000xi32, #tpu.memory_space<hbm>>
    %dma_wait3A_9 = tpu.memref_slice %arg2[%mul3A_2] : memref<320000xi32, #tpu.memory_space<hbm>> -> memref<10000xi32, #tpu.memory_space<hbm>>
    tpu.wait_dma2 semaphore(%arg9 : memref<!tpu.dma_semaphore, #tpu.memory_space<semaphore_mem>>) src(%dma_wait3A_9 : memref<10000xi32, #tpu.memory_space<hbm>>) dst(%arg4 : memref<10000xi32, #tpu.memory_space<vmem>>)
    %scan3A_10 = arith.constant 0 : i32
    %scan3A_11 = arith.constant 25 : i32
    %scan3A_12 = arith.addi %scan3A_10, %scan3A_11 : i32
    %scan3A_13 = arith.constant 1 : i32
    scf.for %scan3A_283 = %scan3A_10 to %scan3A_12 step %scan3A_13  : i32 {
      %mul3A_284 = arith.constant 400 : i32
      %mul3A_285 = arith.muli %scan3A_283, %mul3A_284 : i32
      %add3A_286 = arith.constant 0 : i32
      %add3A_287 = arith.addi %add3A_286, %mul3A_285 : i32
      %add3A_288 = arith.constant 0 : i32
      %add3A_289 = arith.addi %add3A_287, %add3A_288 : i32
      %get3A = arith.index_cast %add3A_289 : i32 to index
      %get3A_290 = tpu.vector_load %arg4[%get3A] {strides = array<i32>} : memref<10000xi32, #tpu.memory_space<vmem>>, vector<16xi32>,
      tpu.vector_store_idx %arg5[%get3A_290], %broadcast_in_dim3A_8 {add = true} : memref<10240xf32, #tpu.memory_space<vmem>>[vector<16xi32>], vector<16xf32>,
      %add3A_291 = arith.constant 16 : i32
      %add3A_292 = arith.addi %add3A_287, %add3A_291 : i32
      %get3A_293 = arith.index_cast %add3A_292 : i32 to index
      %get3A_294 = tpu.vector_load %arg4[%get3A_293] {strides = array<i32>} : memref<10000xi32, #tpu.memory_space<vmem>>, vector<16xi32>,
      tpu.vector_store_idx %arg5[%get3A_294], %broadcast_in_dim3A_8 {add = true} : memref<10240xf32, #tpu.memory_space<vmem>>[vector<16xi32>], vector<16xf32>,
      %add3A_295 = arith.constant 32 : i32
      %add3A_296 = arith.addi %add3A_287, %add3A_295 : i32
      %get3A_297 = arith.index_cast %add3A_296 : i32 to index
      %get3A_298 = tpu.vector_load %arg4[%get3A_297] {strides = array<i32>} : memref<10000xi32, #tpu.memory_space<vmem>>, vector<16xi32>,
      tpu.vector_store_idx %arg5[%get3A_298], %broadcast_in_dim3A_8 {add = true} : memref<10240xf32, #tpu.memory_space<vmem>>[vector<16xi32>], vector<16xf32>,
      %add3A_299 = arith.constant 48 : i32
      %add3A_300 = arith.addi %add3A_287, %add3A_299 : i32
      %get3A_301 = arith.index_cast %add3A_300 : i32 to index
      %get3A_302 = tpu.vector_load %arg4[%get3A_301] {strides = array<i32>} : memref<10000xi32, #tpu.memory_space<vmem>>, vector<16xi32>,
      tpu.vector_store_idx %arg5[%get3A_302], %broadcast_in_dim3A_8 {add = true} : memref<10240xf32, #tpu.memory_space<vmem>>[vector<16xi32>], vector<16xf32>,
      %add3A_303 = arith.constant 64 : i32
      %add3A_304 = arith.addi %add3A_287, %add3A_303 : i32
      %get3A_305 = arith.index_cast %add3A_304 : i32 to index
      %get3A_306 = tpu.vector_load %arg4[%get3A_305] {strides = array<i32>} : memref<10000xi32, #tpu.memory_space<vmem>>, vector<16xi32>,
      tpu.vector_store_idx %arg5[%get3A_306], %broadcast_in_dim3A_8 {add = true} : memref<10240xf32, #tpu.memory_space<vmem>>[vector<16xi32>], vector<16xf32>,
      %add3A_307 = arith.constant 80 : i32
      %add3A_308 = arith.addi %add3A_287, %add3A_307 : i32
      %get3A_309 = arith.index_cast %add3A_308 : i32 to index
      %get3A_310 = tpu.vector_load %arg4[%get3A_309] {strides = array<i32>} : memref<10000xi32, #tpu.memory_space<vmem>>, vector<16xi32>,
      tpu.vector_store_idx %arg5[%get3A_310], %broadcast_in_dim3A_8 {add = true} : memref<10240xf32, #tpu.memory_space<vmem>>[vector<16xi32>], vector<16xf32>,
      %add3A_311 = arith.constant 96 : i32
      %add3A_312 = arith.addi %add3A_287, %add3A_311 : i32
      %get3A_313 = arith.index_cast %add3A_312 : i32 to index
      %get3A_314 = tpu.vector_load %arg4[%get3A_313] {strides = array<i32>} : memref<10000xi32, #tpu.memory_space<vmem>>, vector<16xi32>,
      tpu.vector_store_idx %arg5[%get3A_314], %broadcast_in_dim3A_8 {add = true} : memref<10240xf32, #tpu.memory_space<vmem>>[vector<16xi32>], vector<16xf32>,
      %add3A_315 = arith.constant 112 : i32
      %add3A_316 = arith.addi %add3A_287, %add3A_315 : i32
      %get3A_317 = arith.index_cast %add3A_316 : i32 to index
      %get3A_318 = tpu.vector_load %arg4[%get3A_317] {strides = array<i32>} : memref<10000xi32, #tpu.memory_space<vmem>>, vector<16xi32>,
      tpu.vector_store_idx %arg5[%get3A_318], %broadcast_in_dim3A_8 {add = true} : memref<10240xf32, #tpu.memory_space<vmem>>[vector<16xi32>], vector<16xf32>,
      %add3A_319 = arith.constant 128 : i32
      %add3A_320 = arith.addi %add3A_287, %add3A_319 : i32
      %get3A_321 = arith.index_cast %add3A_320 : i32 to index
      %get3A_322 = tpu.vector_load %arg4[%get3A_321] {strides = array<i32>} : memref<10000xi32, #tpu.memory_space<vmem>>, vector<16xi32>,
      tpu.vector_store_idx %arg5[%get3A_322], %broadcast_in_dim3A_8 {add = true} : memref<10240xf32, #tpu.memory_space<vmem>>[vector<16xi32>], vector<16xf32>,
      %add3A_323 = arith.constant 144 : i32
      %add3A_324 = arith.addi %add3A_287, %add3A_323 : i32
      %get3A_325 = arith.index_cast %add3A_324 : i32 to index
      %get3A_326 = tpu.vector_load %arg4[%get3A_325] {strides = array<i32>} : memref<10000xi32, #tpu.memory_space<vmem>>, vector<16xi32>,
      tpu.vector_store_idx %arg5[%get3A_326], %broadcast_in_dim3A_8 {add = true} : memref<10240xf32, #tpu.memory_space<vmem>>[vector<16xi32>], vector<16xf32>,
      %add3A_327 = arith.constant 160 : i32
      %add3A_328 = arith.addi %add3A_287, %add3A_327 : i32
      %get3A_329 = arith.index_cast %add3A_328 : i32 to index
      %get3A_330 = tpu.vector_load %arg4[%get3A_329] {strides = array<i32>} : memref<10000xi32, #tpu.memory_space<vmem>>, vector<16xi32>,
      tpu.vector_store_idx %arg5[%get3A_330], %broadcast_in_dim3A_8 {add = true} : memref<10240xf32, #tpu.memory_space<vmem>>[vector<16xi32>], vector<16xf32>,
      %add3A_331 = arith.constant 176 : i32
      %add3A_332 = arith.addi %add3A_287, %add3A_331 : i32
      %get3A_333 = arith.index_cast %add3A_332 : i32 to index
      %get3A_334 = tpu.vector_load %arg4[%get3A_333] {strides = array<i32>} : memref<10000xi32, #tpu.memory_space<vmem>>, vector<16xi32>,
      tpu.vector_store_idx %arg5[%get3A_334], %broadcast_in_dim3A_8 {add = true} : memref<10240xf32, #tpu.memory_space<vmem>>[vector<16xi32>], vector<16xf32>,
      %add3A_335 = arith.constant 192 : i32
      %add3A_336 = arith.addi %add3A_287, %add3A_335 : i32
      %get3A_337 = arith.index_cast %add3A_336 : i32 to index
      %get3A_338 = tpu.vector_load %arg4[%get3A_337] {strides = array<i32>} : memref<10000xi32, #tpu.memory_space<vmem>>, vector<16xi32>,
      tpu.vector_store_idx %arg5[%get3A_338], %broadcast_in_dim3A_8 {add = true} : memref<10240xf32, #tpu.memory_space<vmem>>[vector<16xi32>], vector<16xf32>,
      %add3A_339 = arith.constant 208 : i32
      %add3A_340 = arith.addi %add3A_287, %add3A_339 : i32
      %get3A_341 = arith.index_cast %add3A_340 : i32 to index
      %get3A_342 = tpu.vector_load %arg4[%get3A_341] {strides = array<i32>} : memref<10000xi32, #tpu.memory_space<vmem>>, vector<16xi32>,
      tpu.vector_store_idx %arg5[%get3A_342], %broadcast_in_dim3A_8 {add = true} : memref<10240xf32, #tpu.memory_space<vmem>>[vector<16xi32>], vector<16xf32>,
      %add3A_343 = arith.constant 224 : i32
      %add3A_344 = arith.addi %add3A_287, %add3A_343 : i32
      %get3A_345 = arith.index_cast %add3A_344 : i32 to index
      %get3A_346 = tpu.vector_load %arg4[%get3A_345] {strides = array<i32>} : memref<10000xi32, #tpu.memory_space<vmem>>, vector<16xi32>,
      tpu.vector_store_idx %arg5[%get3A_346], %broadcast_in_dim3A_8 {add = true} : memref<10240xf32, #tpu.memory_space<vmem>>[vector<16xi32>], vector<16xf32>,
      %add3A_347 = arith.constant 240 : i32
      %add3A_348 = arith.addi %add3A_287, %add3A_347 : i32
      %get3A_349 = arith.index_cast %add3A_348 : i32 to index
      %get3A_350 = tpu.vector_load %arg4[%get3A_349] {strides = array<i32>} : memref<10000xi32, #tpu.memory_space<vmem>>, vector<16xi32>,
      tpu.vector_store_idx %arg5[%get3A_350], %broadcast_in_dim3A_8 {add = true} : memref<10240xf32, #tpu.memory_space<vmem>>[vector<16xi32>], vector<16xf32>,
      %add3A_351 = arith.constant 256 : i32
      %add3A_352 = arith.addi %add3A_287, %add3A_351 : i32
      %get3A_353 = arith.index_cast %add3A_352 : i32 to index
      %get3A_354 = tpu.vector_load %arg4[%get3A_353] {strides = array<i32>} : memref<10000xi32, #tpu.memory_space<vmem>>, vector<16xi32>,
      tpu.vector_store_idx %arg5[%get3A_354], %broadcast_in_dim3A_8 {add = true} : memref<10240xf32, #tpu.memory_space<vmem>>[vector<16xi32>], vector<16xf32>,
      %add3A_355 = arith.constant 272 : i32
      %add3A_356 = arith.addi %add3A_287, %add3A_355 : i32
      %get3A_357 = arith.index_cast %add3A_356 : i32 to index
      %get3A_358 = tpu.vector_load %arg4[%get3A_357] {strides = array<i32>} : memref<10000xi32, #tpu.memory_space<vmem>>, vector<16xi32>,
      tpu.vector_store_idx %arg5[%get3A_358], %broadcast_in_dim3A_8 {add = true} : memref<10240xf32, #tpu.memory_space<vmem>>[vector<16xi32>], vector<16xf32>,
      %add3A_359 = arith.constant 288 : i32
      %add3A_360 = arith.addi %add3A_287, %add3A_359 : i32
      %get3A_361 = arith.index_cast %add3A_360 : i32 to index
      %get3A_362 = tpu.vector_load %arg4[%get3A_361] {strides = array<i32>} : memref<10000xi32, #tpu.memory_space<vmem>>, vector<16xi32>,
      tpu.vector_store_idx %arg5[%get3A_362], %broadcast_in_dim3A_8 {add = true} : memref<10240xf32, #tpu.memory_space<vmem>>[vector<16xi32>], vector<16xf32>,
      %add3A_363 = arith.constant 304 : i32
      %add3A_364 = arith.addi %add3A_287, %add3A_363 : i32
      %get3A_365 = arith.index_cast %add3A_364 : i32 to index
      %get3A_366 = tpu.vector_load %arg4[%get3A_365] {strides = array<i32>} : memref<10000xi32, #tpu.memory_space<vmem>>, vector<16xi32>,
      tpu.vector_store_idx %arg5[%get3A_366], %broadcast_in_dim3A_8 {add = true} : memref<10240xf32, #tpu.memory_space<vmem>>[vector<16xi32>], vector<16xf32>,
      %add3A_367 = arith.constant 320 : i32
      %add3A_368 = arith.addi %add3A_287, %add3A_367 : i32
      %get3A_369 = arith.index_cast %add3A_368 : i32 to index
      %get3A_370 = tpu.vector_load %arg4[%get3A_369] {strides = array<i32>} : memref<10000xi32, #tpu.memory_space<vmem>>, vector<16xi32>,
      tpu.vector_store_idx %arg5[%get3A_370], %broadcast_in_dim3A_8 {add = true} : memref<10240xf32, #tpu.memory_space<vmem>>[vector<16xi32>], vector<16xf32>,
      %add3A_371 = arith.constant 336 : i32
      %add3A_372 = arith.addi %add3A_287, %add3A_371 : i32
      %get3A_373 = arith.index_cast %add3A_372 : i32 to index
      %get3A_374 = tpu.vector_load %arg4[%get3A_373] {strides = array<i32>} : memref<10000xi32, #tpu.memory_space<vmem>>, vector<16xi32>,
      tpu.vector_store_idx %arg5[%get3A_374], %broadcast_in_dim3A_8 {add = true} : memref<10240xf32, #tpu.memory_space<vmem>>[vector<16xi32>], vector<16xf32>,
      %add3A_375 = arith.constant 352 : i32
      %add3A_376 = arith.addi %add3A_287, %add3A_375 : i32
      %get3A_377 = arith.index_cast %add3A_376 : i32 to index
      %get3A_378 = tpu.vector_load %arg4[%get3A_377] {strides = array<i32>} : memref<10000xi32, #tpu.memory_space<vmem>>, vector<16xi32>,
      tpu.vector_store_idx %arg5[%get3A_378], %broadcast_in_dim3A_8 {add = true} : memref<10240xf32, #tpu.memory_space<vmem>>[vector<16xi32>], vector<16xf32>,
      %add3A_379 = arith.constant 368 : i32
      %add3A_380 = arith.addi %add3A_287, %add3A_379 : i32
      %get3A_381 = arith.index_cast %add3A_380 : i32 to index
      %get3A_382 = tpu.vector_load %arg4[%get3A_381] {strides = array<i32>} : memref<10000xi32, #tpu.memory_space<vmem>>, vector<16xi32>,
      tpu.vector_store_idx %arg5[%get3A_382], %broadcast_in_dim3A_8 {add = true} : memref<10240xf32, #tpu.memory_space<vmem>>[vector<16xi32>], vector<16xf32>,
      %add3A_383 = arith.constant 384 : i32
      %add3A_384 = arith.addi %add3A_287, %add3A_383 : i32
      %get3A_385 = arith.index_cast %add3A_384 : i32 to index
      %get3A_386 = tpu.vector_load %arg4[%get3A_385] {strides = array<i32>} : memref<10000xi32, #tpu.memory_space<vmem>>, vector<16xi32>,
      tpu.vector_store_idx %arg5[%get3A_386], %broadcast_in_dim3A_8 {add = true} : memref<10240xf32, #tpu.memory_space<vmem>>[vector<16xi32>], vector<16xf32>,
    }
    %scan3A_14 = arith.constant 25 : i32
    %mul3A_15 = arith.constant 10240 : i32
    %mul3A_16 = arith.muli %arg1, %mul3A_15 : i32
    "tpu.region"() ({
      %run_scoped3A = tpu.sem_alloc : memref<!tpu.dma_semaphore, #tpu.memory_space<semaphore_mem>>
      %dma_start3A_283 = tpu.memref_slice %arg8[%mul3A_16] : memref<163840xf32, #tpu.memory_space<vmem_shared>> -> memref<10240xf32, #tpu.memory_space<vmem_shared>>
      %dma_start3A_284 = tpu.memref_slice %arg8[%mul3A_16] : memref<163840xf32, #tpu.memory_space<vmem_shared>> -> memref<10240xf32, #tpu.memory_space<vmem_shared>>
      tpu.enqueue_dma source(%arg5 : memref<10240xf32, #tpu.memory_space<vmem>>) target(%dma_start3A_284 : memref<10240xf32, #tpu.memory_space<vmem_shared>>) target_semaphore(%run_scoped3A : memref<!tpu.dma_semaphore, #tpu.memory_space<semaphore_mem>>)
      %dma_wait3A_285 = tpu.memref_slice %arg8[%mul3A_16] : memref<163840xf32, #tpu.memory_space<vmem_shared>> -> memref<10240xf32, #tpu.memory_space<vmem_shared>>
      %dma_wait3A_286 = tpu.memref_slice %arg8[%mul3A_16] : memref<163840xf32, #tpu.memory_space<vmem_shared>> -> memref<10240xf32, #tpu.memory_space<vmem_shared>>
      tpu.wait_dma2 semaphore(%run_scoped3A : memref<!tpu.dma_semaphore, #tpu.memory_space<semaphore_mem>>) src(%arg5 : memref<10240xf32, #tpu.memory_space<vmem>>) dst(%dma_wait3A_286 : memref<10240xf32, #tpu.memory_space<vmem_shared>>)
      tpu.yield
    }) : () -> ()
    %barrier3A = arith.constant 0 : index
    tpu.barrier barrier_id(%barrier3A)
    %mul3A_17 = arith.constant 640 : i32
    %mul3A_18 = arith.muli %arg1, %mul3A_17 : i32
    %add3A_19 = arith.constant 0 : i32
    %add3A_20 = arith.addi %add3A_19, %mul3A_18 : i32
    %dma_start3A_21 = arith.constant 0 : i32
    %dma_start3A_22 = tpu.memref_slice %arg6[%dma_start3A_21] : memref<10240xf32, #tpu.memory_space<vmem>> -> memref<640xf32, #tpu.memory_space<vmem>>
    %dma_start3A_23 = tpu.memref_slice %arg8[%add3A_20] : memref<163840xf32, #tpu.memory_space<vmem_shared>> -> memref<640xf32, #tpu.memory_space<vmem_shared>>
    %dma_start3A_24 = arith.constant 0 : i32
    %dma_start3A_25 = tpu.memref_slice %arg6[%dma_start3A_24] : memref<10240xf32, #tpu.memory_space<vmem>> -> memref<640xf32, #tpu.memory_space<vmem>>
    %dma_start3A_26 = tpu.memref_slice %arg8[%add3A_20] : memref<163840xf32, #tpu.memory_space<vmem_shared>> -> memref<640xf32, #tpu.memory_space<vmem_shared>>
    tpu.enqueue_dma source(%dma_start3A_26 : memref<640xf32, #tpu.memory_space<vmem_shared>>) target(%dma_start3A_25 : memref<640xf32, #tpu.memory_space<vmem>>) target_semaphore(%arg9 : memref<!tpu.dma_semaphore, #tpu.memory_space<semaphore_mem>>)
    %mul3A_27 = arith.constant 640 : i32
    %mul3A_28 = arith.muli %arg1, %mul3A_27 : i32
    %add3A_29 = arith.constant 10240 : i32
    %add3A_30 = arith.addi %add3A_29, %mul3A_28 : i32
    %dma_start3A_31 = arith.constant 640 : i32
    %dma_start3A_32 = tpu.memref_slice %arg6[%dma_start3A_31] : memref<10240xf32, #tpu.memory_space<vmem>> -> memref<640xf32, #tpu.memory_space<vmem>>
    %dma_start3A_33 = tpu.memref_slice %arg8[%add3A_30] : memref<163840xf32, #tpu.memory_space<vmem_shared>> -> memref<640xf32, #tpu.memory_space<vmem_shared>>
    %dma_start3A_34 = arith.constant 640 : i32
    %dma_start3A_35 = tpu.memref_slice %arg6[%dma_start3A_34] : memref<10240xf32, #tpu.memory_space<vmem>> -> memref<640xf32, #tpu.memory_space<vmem>>
    %dma_start3A_36 = tpu.memref_slice %arg8[%add3A_30] : memref<163840xf32, #tpu.memory_space<vmem_shared>> -> memref<640xf32, #tpu.memory_space<vmem_shared>>
    tpu.enqueue_dma source(%dma_start3A_36 : memref<640xf32, #tpu.memory_space<vmem_shared>>) target(%dma_start3A_35 : memref<640xf32, #tpu.memory_space<vmem>>) target_semaphore(%arg9 : memref<!tpu.dma_semaphore, #tpu.memory_space<semaphore_mem>>)
    %mul3A_37 = arith.constant 640 : i32
    %mul3A_38 = arith.muli %arg1, %mul3A_37 : i32
    %add3A_39 = arith.constant 20480 : i32
    %add3A_40 = arith.addi %add3A_39, %mul3A_38 : i32
    %dma_start3A_41 = arith.constant 1280 : i32
    %dma_start3A_42 = tpu.memref_slice %arg6[%dma_start3A_41] : memref<10240xf32, #tpu.memory_space<vmem>> -> memref<640xf32, #tpu.memory_space<vmem>>
    %dma_start3A_43 = tpu.memref_slice %arg8[%add3A_40] : memref<163840xf32, #tpu.memory_space<vmem_shared>> -> memref<640xf32, #tpu.memory_space<vmem_shared>>
    %dma_start3A_44 = arith.constant 1280 : i32
    %dma_start3A_45 = tpu.memref_slice %arg6[%dma_start3A_44] : memref<10240xf32, #tpu.memory_space<vmem>> -> memref<640xf32, #tpu.memory_space<vmem>>
    %dma_start3A_46 = tpu.memref_slice %arg8[%add3A_40] : memref<163840xf32, #tpu.memory_space<vmem_shared>> -> memref<640xf32, #tpu.memory_space<vmem_shared>>
    tpu.enqueue_dma source(%dma_start3A_46 : memref<640xf32, #tpu.memory_space<vmem_shared>>) target(%dma_start3A_45 : memref<640xf32, #tpu.memory_space<vmem>>) target_semaphore(%arg9 : memref<!tpu.dma_semaphore, #tpu.memory_space<semaphore_mem>>)
    %mul3A_47 = arith.constant 640 : i32
    %mul3A_48 = arith.muli %arg1, %mul3A_47 : i32
    %add3A_49 = arith.constant 30720 : i32
    %add3A_50 = arith.addi %add3A_49, %mul3A_48 : i32
    %dma_start3A_51 = arith.constant 1920 : i32
    %dma_start3A_52 = tpu.memref_slice %arg6[%dma_start3A_51] : memref<10240xf32, #tpu.memory_space<vmem>> -> memref<640xf32, #tpu.memory_space<vmem>>
    %dma_start3A_53 = tpu.memref_slice %arg8[%add3A_50] : memref<163840xf32, #tpu.memory_space<vmem_shared>> -> memref<640xf32, #tpu.memory_space<vmem_shared>>
    %dma_start3A_54 = arith.constant 1920 : i32
    %dma_start3A_55 = tpu.memref_slice %arg6[%dma_start3A_54] : memref<10240xf32, #tpu.memory_space<vmem>> -> memref<640xf32, #tpu.memory_space<vmem>>
    %dma_start3A_56 = tpu.memref_slice %arg8[%add3A_50] : memref<163840xf32, #tpu.memory_space<vmem_shared>> -> memref<640xf32, #tpu.memory_space<vmem_shared>>
    tpu.enqueue_dma source(%dma_start3A_56 : memref<640xf32, #tpu.memory_space<vmem_shared>>) target(%dma_start3A_55 : memref<640xf32, #tpu.memory_space<vmem>>) target_semaphore(%arg9 : memref<!tpu.dma_semaphore, #tpu.memory_space<semaphore_mem>>)
    %mul3A_57 = arith.constant 640 : i32
    %mul3A_58 = arith.muli %arg1, %mul3A_57 : i32
    %add3A_59 = arith.constant 40960 : i32
    %add3A_60 = arith.addi %add3A_59, %mul3A_58 : i32
    %dma_start3A_61 = arith.constant 2560 : i32
    %dma_start3A_62 = tpu.memref_slice %arg6[%dma_start3A_61] : memref<10240xf32, #tpu.memory_space<vmem>> -> memref<640xf32, #tpu.memory_space<vmem>>
    %dma_start3A_63 = tpu.memref_slice %arg8[%add3A_60] : memref<163840xf32, #tpu.memory_space<vmem_shared>> -> memref<640xf32, #tpu.memory_space<vmem_shared>>
    %dma_start3A_64 = arith.constant 2560 : i32
    %dma_start3A_65 = tpu.memref_slice %arg6[%dma_start3A_64] : memref<10240xf32, #tpu.memory_space<vmem>> -> memref<640xf32, #tpu.memory_space<vmem>>
    %dma_start3A_66 = tpu.memref_slice %arg8[%add3A_60] : memref<163840xf32, #tpu.memory_space<vmem_shared>> -> memref<640xf32, #tpu.memory_space<vmem_shared>>
    tpu.enqueue_dma source(%dma_start3A_66 : memref<640xf32, #tpu.memory_space<vmem_shared>>) target(%dma_start3A_65 : memref<640xf32, #tpu.memory_space<vmem>>) target_semaphore(%arg9 : memref<!tpu.dma_semaphore, #tpu.memory_space<semaphore_mem>>)
    %mul3A_67 = arith.constant 640 : i32
    %mul3A_68 = arith.muli %arg1, %mul3A_67 : i32
    %add3A_69 = arith.constant 51200 : i32
    %add3A_70 = arith.addi %add3A_69, %mul3A_68 : i32
    %dma_start3A_71 = arith.constant 3200 : i32
    %dma_start3A_72 = tpu.memref_slice %arg6[%dma_start3A_71] : memref<10240xf32, #tpu.memory_space<vmem>> -> memref<640xf32, #tpu.memory_space<vmem>>
    %dma_start3A_73 = tpu.memref_slice %arg8[%add3A_70] : memref<163840xf32, #tpu.memory_space<vmem_shared>> -> memref<640xf32, #tpu.memory_space<vmem_shared>>
    %dma_start3A_74 = arith.constant 3200 : i32
    %dma_start3A_75 = tpu.memref_slice %arg6[%dma_start3A_74] : memref<10240xf32, #tpu.memory_space<vmem>> -> memref<640xf32, #tpu.memory_space<vmem>>
    %dma_start3A_76 = tpu.memref_slice %arg8[%add3A_70] : memref<163840xf32, #tpu.memory_space<vmem_shared>> -> memref<640xf32, #tpu.memory_space<vmem_shared>>
    tpu.enqueue_dma source(%dma_start3A_76 : memref<640xf32, #tpu.memory_space<vmem_shared>>) target(%dma_start3A_75 : memref<640xf32, #tpu.memory_space<vmem>>) target_semaphore(%arg9 : memref<!tpu.dma_semaphore, #tpu.memory_space<semaphore_mem>>)
    %mul3A_77 = arith.constant 640 : i32
    %mul3A_78 = arith.muli %arg1, %mul3A_77 : i32
    %add3A_79 = arith.constant 61440 : i32
    %add3A_80 = arith.addi %add3A_79, %mul3A_78 : i32
    %dma_start3A_81 = arith.constant 3840 : i32
    %dma_start3A_82 = tpu.memref_slice %arg6[%dma_start3A_81] : memref<10240xf32, #tpu.memory_space<vmem>> -> memref<640xf32, #tpu.memory_space<vmem>>
    %dma_start3A_83 = tpu.memref_slice %arg8[%add3A_80] : memref<163840xf32, #tpu.memory_space<vmem_shared>> -> memref<640xf32, #tpu.memory_space<vmem_shared>>
    %dma_start3A_84 = arith.constant 3840 : i32
    %dma_start3A_85 = tpu.memref_slice %arg6[%dma_start3A_84] : memref<10240xf32, #tpu.memory_space<vmem>> -> memref<640xf32, #tpu.memory_space<vmem>>
    %dma_start3A_86 = tpu.memref_slice %arg8[%add3A_80] : memref<163840xf32, #tpu.memory_space<vmem_shared>> -> memref<640xf32, #tpu.memory_space<vmem_shared>>
    tpu.enqueue_dma source(%dma_start3A_86 : memref<640xf32, #tpu.memory_space<vmem_shared>>) target(%dma_start3A_85 : memref<640xf32, #tpu.memory_space<vmem>>) target_semaphore(%arg9 : memref<!tpu.dma_semaphore, #tpu.memory_space<semaphore_mem>>)
    %mul3A_87 = arith.constant 640 : i32
    %mul3A_88 = arith.muli %arg1, %mul3A_87 : i32
    %add3A_89 = arith.constant 71680 : i32
    %add3A_90 = arith.addi %add3A_89, %mul3A_88 : i32
    %dma_start3A_91 = arith.constant 4480 : i32
    %dma_start3A_92 = tpu.memref_slice %arg6[%dma_start3A_91] : memref<10240xf32, #tpu.memory_space<vmem>> -> memref<640xf32, #tpu.memory_space<vmem>>
    %dma_start3A_93 = tpu.memref_slice %arg8[%add3A_90] : memref<163840xf32, #tpu.memory_space<vmem_shared>> -> memref<640xf32, #tpu.memory_space<vmem_shared>>
    %dma_start3A_94 = arith.constant 4480 : i32
    %dma_start3A_95 = tpu.memref_slice %arg6[%dma_start3A_94] : memref<10240xf32, #tpu.memory_space<vmem>> -> memref<640xf32, #tpu.memory_space<vmem>>
    %dma_start3A_96 = tpu.memref_slice %arg8[%add3A_90] : memref<163840xf32, #tpu.memory_space<vmem_shared>> -> memref<640xf32, #tpu.memory_space<vmem_shared>>
    tpu.enqueue_dma source(%dma_start3A_96 : memref<640xf32, #tpu.memory_space<vmem_shared>>) target(%dma_start3A_95 : memref<640xf32, #tpu.memory_space<vmem>>) target_semaphore(%arg9 : memref<!tpu.dma_semaphore, #tpu.memory_space<semaphore_mem>>)
    %mul3A_97 = arith.constant 640 : i32
    %mul3A_98 = arith.muli %arg1, %mul3A_97 : i32
    %add3A_99 = arith.constant 81920 : i32
    %add3A_100 = arith.addi %add3A_99, %mul3A_98 : i32
    %dma_start3A_101 = arith.constant 5120 : i32
    %dma_start3A_102 = tpu.memref_slice %arg6[%dma_start3A_101] : memref<10240xf32, #tpu.memory_space<vmem>> -> memref<640xf32, #tpu.memory_space<vmem>>
    %dma_start3A_103 = tpu.memref_slice %arg8[%add3A_100] : memref<163840xf32, #tpu.memory_space<vmem_shared>> -> memref<640xf32, #tpu.memory_space<vmem_shared>>
    %dma_start3A_104 = arith.constant 5120 : i32
    %dma_start3A_105 = tpu.memref_slice %arg6[%dma_start3A_104] : memref<10240xf32, #tpu.memory_space<vmem>> -> memref<640xf32, #tpu.memory_space<vmem>>
    %dma_start3A_106 = tpu.memref_slice %arg8[%add3A_100] : memref<163840xf32, #tpu.memory_space<vmem_shared>> -> memref<640xf32, #tpu.memory_space<vmem_shared>>
    tpu.enqueue_dma source(%dma_start3A_106 : memref<640xf32, #tpu.memory_space<vmem_shared>>) target(%dma_start3A_105 : memref<640xf32, #tpu.memory_space<vmem>>) target_semaphore(%arg9 : memref<!tpu.dma_semaphore, #tpu.memory_space<semaphore_mem>>)
    %mul3A_107 = arith.constant 640 : i32
    %mul3A_108 = arith.muli %arg1, %mul3A_107 : i32
    %add3A_109 = arith.constant 92160 : i32
    %add3A_110 = arith.addi %add3A_109, %mul3A_108 : i32
    %dma_start3A_111 = arith.constant 5760 : i32
    %dma_start3A_112 = tpu.memref_slice %arg6[%dma_start3A_111] : memref<10240xf32, #tpu.memory_space<vmem>> -> memref<640xf32, #tpu.memory_space<vmem>>
    %dma_start3A_113 = tpu.memref_slice %arg8[%add3A_110] : memref<163840xf32, #tpu.memory_space<vmem_shared>> -> memref<640xf32, #tpu.memory_space<vmem_shared>>
    %dma_start3A_114 = arith.constant 5760 : i32
    %dma_start3A_115 = tpu.memref_slice %arg6[%dma_start3A_114] : memref<10240xf32, #tpu.memory_space<vmem>> -> memref<640xf32, #tpu.memory_space<vmem>>
    %dma_start3A_116 = tpu.memref_slice %arg8[%add3A_110] : memref<163840xf32, #tpu.memory_space<vmem_shared>> -> memref<640xf32, #tpu.memory_space<vmem_shared>>
    tpu.enqueue_dma source(%dma_start3A_116 : memref<640xf32, #tpu.memory_space<vmem_shared>>) target(%dma_start3A_115 : memref<640xf32, #tpu.memory_space<vmem>>) target_semaphore(%arg9 : memref<!tpu.dma_semaphore, #tpu.memory_space<semaphore_mem>>)
    %mul3A_117 = arith.constant 640 : i32
    %mul3A_118 = arith.muli %arg1, %mul3A_117 : i32
    %add3A_119 = arith.constant 102400 : i32
    %add3A_120 = arith.addi %add3A_119, %mul3A_118 : i32
    %dma_start3A_121 = arith.constant 6400 : i32
    %dma_start3A_122 = tpu.memref_slice %arg6[%dma_start3A_121] : memref<10240xf32, #tpu.memory_space<vmem>> -> memref<640xf32, #tpu.memory_space<vmem>>
    %dma_start3A_123 = tpu.memref_slice %arg8[%add3A_120] : memref<163840xf32, #tpu.memory_space<vmem_shared>> -> memref<640xf32, #tpu.memory_space<vmem_shared>>
    %dma_start3A_124 = arith.constant 6400 : i32
    %dma_start3A_125 = tpu.memref_slice %arg6[%dma_start3A_124] : memref<10240xf32, #tpu.memory_space<vmem>> -> memref<640xf32, #tpu.memory_space<vmem>>
    %dma_start3A_126 = tpu.memref_slice %arg8[%add3A_120] : memref<163840xf32, #tpu.memory_space<vmem_shared>> -> memref<640xf32, #tpu.memory_space<vmem_shared>>
    tpu.enqueue_dma source(%dma_start3A_126 : memref<640xf32, #tpu.memory_space<vmem_shared>>) target(%dma_start3A_125 : memref<640xf32, #tpu.memory_space<vmem>>) target_semaphore(%arg9 : memref<!tpu.dma_semaphore, #tpu.memory_space<semaphore_mem>>)
    %mul3A_127 = arith.constant 640 : i32
    %mul3A_128 = arith.muli %arg1, %mul3A_127 : i32
    %add3A_129 = arith.constant 112640 : i32
    %add3A_130 = arith.addi %add3A_129, %mul3A_128 : i32
    %dma_start3A_131 = arith.constant 7040 : i32
    %dma_start3A_132 = tpu.memref_slice %arg6[%dma_start3A_131] : memref<10240xf32, #tpu.memory_space<vmem>> -> memref<640xf32, #tpu.memory_space<vmem>>
    %dma_start3A_133 = tpu.memref_slice %arg8[%add3A_130] : memref<163840xf32, #tpu.memory_space<vmem_shared>> -> memref<640xf32, #tpu.memory_space<vmem_shared>>
    %dma_start3A_134 = arith.constant 7040 : i32
    %dma_start3A_135 = tpu.memref_slice %arg6[%dma_start3A_134] : memref<10240xf32, #tpu.memory_space<vmem>> -> memref<640xf32, #tpu.memory_space<vmem>>
    %dma_start3A_136 = tpu.memref_slice %arg8[%add3A_130] : memref<163840xf32, #tpu.memory_space<vmem_shared>> -> memref<640xf32, #tpu.memory_space<vmem_shared>>
    tpu.enqueue_dma source(%dma_start3A_136 : memref<640xf32, #tpu.memory_space<vmem_shared>>) target(%dma_start3A_135 : memref<640xf32, #tpu.memory_space<vmem>>) target_semaphore(%arg9 : memref<!tpu.dma_semaphore, #tpu.memory_space<semaphore_mem>>)
    %mul3A_137 = arith.constant 640 : i32
    %mul3A_138 = arith.muli %arg1, %mul3A_137 : i32
    %add3A_139 = arith.constant 122880 : i32
    %add3A_140 = arith.addi %add3A_139, %mul3A_138 : i32
    %dma_start3A_141 = arith.constant 7680 : i32
    %dma_start3A_142 = tpu.memref_slice %arg6[%dma_start3A_141] : memref<10240xf32, #tpu.memory_space<vmem>> -> memref<640xf32, #tpu.memory_space<vmem>>
    %dma_start3A_143 = tpu.memref_slice %arg8[%add3A_140] : memref<163840xf32, #tpu.memory_space<vmem_shared>> -> memref<640xf32, #tpu.memory_space<vmem_shared>>
    %dma_start3A_144 = arith.constant 7680 : i32
    %dma_start3A_145 = tpu.memref_slice %arg6[%dma_start3A_144] : memref<10240xf32, #tpu.memory_space<vmem>> -> memref<640xf32, #tpu.memory_space<vmem>>
    %dma_start3A_146 = tpu.memref_slice %arg8[%add3A_140] : memref<163840xf32, #tpu.memory_space<vmem_shared>> -> memref<640xf32, #tpu.memory_space<vmem_shared>>
    tpu.enqueue_dma source(%dma_start3A_146 : memref<640xf32, #tpu.memory_space<vmem_shared>>) target(%dma_start3A_145 : memref<640xf32, #tpu.memory_space<vmem>>) target_semaphore(%arg9 : memref<!tpu.dma_semaphore, #tpu.memory_space<semaphore_mem>>)
    %mul3A_147 = arith.constant 640 : i32
    %mul3A_148 = arith.muli %arg1, %mul3A_147 : i32
    %add3A_149 = arith.constant 133120 : i32
    %add3A_150 = arith.addi %add3A_149, %mul3A_148 : i32
    %dma_start3A_151 = arith.constant 8320 : i32
    %dma_start3A_152 = tpu.memref_slice %arg6[%dma_start3A_151] : memref<10240xf32, #tpu.memory_space<vmem>> -> memref<640xf32, #tpu.memory_space<vmem>>
    %dma_start3A_153 = tpu.memref_slice %arg8[%add3A_150] : memref<163840xf32, #tpu.memory_space<vmem_shared>> -> memref<640xf32, #tpu.memory_space<vmem_shared>>
    %dma_start3A_154 = arith.constant 8320 : i32
    %dma_start3A_155 = tpu.memref_slice %arg6[%dma_start3A_154] : memref<10240xf32, #tpu.memory_space<vmem>> -> memref<640xf32, #tpu.memory_space<vmem>>
    %dma_start3A_156 = tpu.memref_slice %arg8[%add3A_150] : memref<163840xf32, #tpu.memory_space<vmem_shared>> -> memref<640xf32, #tpu.memory_space<vmem_shared>>
    tpu.enqueue_dma source(%dma_start3A_156 : memref<640xf32, #tpu.memory_space<vmem_shared>>) target(%dma_start3A_155 : memref<640xf32, #tpu.memory_space<vmem>>) target_semaphore(%arg9 : memref<!tpu.dma_semaphore, #tpu.memory_space<semaphore_mem>>)
    %mul3A_157 = arith.constant 640 : i32
    %mul3A_158 = arith.muli %arg1, %mul3A_157 : i32
    %add3A_159 = arith.constant 143360 : i32
    %add3A_160 = arith.addi %add3A_159, %mul3A_158 : i32
    %dma_start3A_161 = arith.constant 8960 : i32
    %dma_start3A_162 = tpu.memref_slice %arg6[%dma_start3A_161] : memref<10240xf32, #tpu.memory_space<vmem>> -> memref<640xf32, #tpu.memory_space<vmem>>
    %dma_start3A_163 = tpu.memref_slice %arg8[%add3A_160] : memref<163840xf32, #tpu.memory_space<vmem_shared>> -> memref<640xf32, #tpu.memory_space<vmem_shared>>
    %dma_start3A_164 = arith.constant 8960 : i32
    %dma_start3A_165 = tpu.memref_slice %arg6[%dma_start3A_164] : memref<10240xf32, #tpu.memory_space<vmem>> -> memref<640xf32, #tpu.memory_space<vmem>>
    %dma_start3A_166 = tpu.memref_slice %arg8[%add3A_160] : memref<163840xf32, #tpu.memory_space<vmem_shared>> -> memref<640xf32, #tpu.memory_space<vmem_shared>>
    tpu.enqueue_dma source(%dma_start3A_166 : memref<640xf32, #tpu.memory_space<vmem_shared>>) target(%dma_start3A_165 : memref<640xf32, #tpu.memory_space<vmem>>) target_semaphore(%arg9 : memref<!tpu.dma_semaphore, #tpu.memory_space<semaphore_mem>>)
    %mul3A_167 = arith.constant 640 : i32
    %mul3A_168 = arith.muli %arg1, %mul3A_167 : i32
    %add3A_169 = arith.constant 153600 : i32
    %add3A_170 = arith.addi %add3A_169, %mul3A_168 : i32
    %dma_start3A_171 = arith.constant 9600 : i32
    %dma_start3A_172 = tpu.memref_slice %arg6[%dma_start3A_171] : memref<10240xf32, #tpu.memory_space<vmem>> -> memref<640xf32, #tpu.memory_space<vmem>>
    %dma_start3A_173 = tpu.memref_slice %arg8[%add3A_170] : memref<163840xf32, #tpu.memory_space<vmem_shared>> -> memref<640xf32, #tpu.memory_space<vmem_shared>>
    %dma_start3A_174 = arith.constant 9600 : i32
    %dma_start3A_175 = tpu.memref_slice %arg6[%dma_start3A_174] : memref<10240xf32, #tpu.memory_space<vmem>> -> memref<640xf32, #tpu.memory_space<vmem>>
    %dma_start3A_176 = tpu.memref_slice %arg8[%add3A_170] : memref<163840xf32, #tpu.memory_space<vmem_shared>> -> memref<640xf32, #tpu.memory_space<vmem_shared>>
    tpu.enqueue_dma source(%dma_start3A_176 : memref<640xf32, #tpu.memory_space<vmem_shared>>) target(%dma_start3A_175 : memref<640xf32, #tpu.memory_space<vmem>>) target_semaphore(%arg9 : memref<!tpu.dma_semaphore, #tpu.memory_space<semaphore_mem>>)
    %dma_wait3A_177 = arith.constant 0 : i32
    %dma_wait3A_178 = tpu.memref_slice %arg6[%dma_wait3A_177] : memref<10240xf32, #tpu.memory_space<vmem>> -> memref<640xf32, #tpu.memory_space<vmem>>
    %dma_wait3A_179 = tpu.memref_slice %arg8[%add3A_20] : memref<163840xf32, #tpu.memory_space<vmem_shared>> -> memref<640xf32, #tpu.memory_space<vmem_shared>>
    %dma_wait3A_180 = arith.constant 0 : i32
    %dma_wait3A_181 = tpu.memref_slice %arg6[%dma_wait3A_180] : memref<10240xf32, #tpu.memory_space<vmem>> -> memref<640xf32, #tpu.memory_space<vmem>>
    %dma_wait3A_182 = tpu.memref_slice %arg8[%add3A_20] : memref<163840xf32, #tpu.memory_space<vmem_shared>> -> memref<640xf32, #tpu.memory_space<vmem_shared>>
    tpu.wait_dma2 semaphore(%arg9 : memref<!tpu.dma_semaphore, #tpu.memory_space<semaphore_mem>>) src(%dma_wait3A_182 : memref<640xf32, #tpu.memory_space<vmem_shared>>) dst(%dma_wait3A_181 : memref<640xf32, #tpu.memory_space<vmem>>)
    %dma_wait3A_183 = arith.constant 640 : i32
    %dma_wait3A_184 = tpu.memref_slice %arg6[%dma_wait3A_183] : memref<10240xf32, #tpu.memory_space<vmem>> -> memref<640xf32, #tpu.memory_space<vmem>>
    %dma_wait3A_185 = tpu.memref_slice %arg8[%add3A_30] : memref<163840xf32, #tpu.memory_space<vmem_shared>> -> memref<640xf32, #tpu.memory_space<vmem_shared>>
    %dma_wait3A_186 = arith.constant 640 : i32
    %dma_wait3A_187 = tpu.memref_slice %arg6[%dma_wait3A_186] : memref<10240xf32, #tpu.memory_space<vmem>> -> memref<640xf32, #tpu.memory_space<vmem>>
    %dma_wait3A_188 = tpu.memref_slice %arg8[%add3A_30] : memref<163840xf32, #tpu.memory_space<vmem_shared>> -> memref<640xf32, #tpu.memory_space<vmem_shared>>
    tpu.wait_dma2 semaphore(%arg9 : memref<!tpu.dma_semaphore, #tpu.memory_space<semaphore_mem>>) src(%dma_wait3A_188 : memref<640xf32, #tpu.memory_space<vmem_shared>>) dst(%dma_wait3A_187 : memref<640xf32, #tpu.memory_space<vmem>>)
    %dma_wait3A_189 = arith.constant 1280 : i32
    %dma_wait3A_190 = tpu.memref_slice %arg6[%dma_wait3A_189] : memref<10240xf32, #tpu.memory_space<vmem>> -> memref<640xf32, #tpu.memory_space<vmem>>
    %dma_wait3A_191 = tpu.memref_slice %arg8[%add3A_40] : memref<163840xf32, #tpu.memory_space<vmem_shared>> -> memref<640xf32, #tpu.memory_space<vmem_shared>>
    %dma_wait3A_192 = arith.constant 1280 : i32
    %dma_wait3A_193 = tpu.memref_slice %arg6[%dma_wait3A_192] : memref<10240xf32, #tpu.memory_space<vmem>> -> memref<640xf32, #tpu.memory_space<vmem>>
    %dma_wait3A_194 = tpu.memref_slice %arg8[%add3A_40] : memref<163840xf32, #tpu.memory_space<vmem_shared>> -> memref<640xf32, #tpu.memory_space<vmem_shared>>
    tpu.wait_dma2 semaphore(%arg9 : memref<!tpu.dma_semaphore, #tpu.memory_space<semaphore_mem>>) src(%dma_wait3A_194 : memref<640xf32, #tpu.memory_space<vmem_shared>>) dst(%dma_wait3A_193 : memref<640xf32, #tpu.memory_space<vmem>>)
    %dma_wait3A_195 = arith.constant 1920 : i32
    %dma_wait3A_196 = tpu.memref_slice %arg6[%dma_wait3A_195] : memref<10240xf32, #tpu.memory_space<vmem>> -> memref<640xf32, #tpu.memory_space<vmem>>
    %dma_wait3A_197 = tpu.memref_slice %arg8[%add3A_50] : memref<163840xf32, #tpu.memory_space<vmem_shared>> -> memref<640xf32, #tpu.memory_space<vmem_shared>>
    %dma_wait3A_198 = arith.constant 1920 : i32
    %dma_wait3A_199 = tpu.memref_slice %arg6[%dma_wait3A_198] : memref<10240xf32, #tpu.memory_space<vmem>> -> memref<640xf32, #tpu.memory_space<vmem>>
    %dma_wait3A_200 = tpu.memref_slice %arg8[%add3A_50] : memref<163840xf32, #tpu.memory_space<vmem_shared>> -> memref<640xf32, #tpu.memory_space<vmem_shared>>
    tpu.wait_dma2 semaphore(%arg9 : memref<!tpu.dma_semaphore, #tpu.memory_space<semaphore_mem>>) src(%dma_wait3A_200 : memref<640xf32, #tpu.memory_space<vmem_shared>>) dst(%dma_wait3A_199 : memref<640xf32, #tpu.memory_space<vmem>>)
    %dma_wait3A_201 = arith.constant 2560 : i32
    %dma_wait3A_202 = tpu.memref_slice %arg6[%dma_wait3A_201] : memref<10240xf32, #tpu.memory_space<vmem>> -> memref<640xf32, #tpu.memory_space<vmem>>
    %dma_wait3A_203 = tpu.memref_slice %arg8[%add3A_60] : memref<163840xf32, #tpu.memory_space<vmem_shared>> -> memref<640xf32, #tpu.memory_space<vmem_shared>>
    %dma_wait3A_204 = arith.constant 2560 : i32
    %dma_wait3A_205 = tpu.memref_slice %arg6[%dma_wait3A_204] : memref<10240xf32, #tpu.memory_space<vmem>> -> memref<640xf32, #tpu.memory_space<vmem>>
    %dma_wait3A_206 = tpu.memref_slice %arg8[%add3A_60] : memref<163840xf32, #tpu.memory_space<vmem_shared>> -> memref<640xf32, #tpu.memory_space<vmem_shared>>
    tpu.wait_dma2 semaphore(%arg9 : memref<!tpu.dma_semaphore, #tpu.memory_space<semaphore_mem>>) src(%dma_wait3A_206 : memref<640xf32, #tpu.memory_space<vmem_shared>>) dst(%dma_wait3A_205 : memref<640xf32, #tpu.memory_space<vmem>>)
    %dma_wait3A_207 = arith.constant 3200 : i32
    %dma_wait3A_208 = tpu.memref_slice %arg6[%dma_wait3A_207] : memref<10240xf32, #tpu.memory_space<vmem>> -> memref<640xf32, #tpu.memory_space<vmem>>
    %dma_wait3A_209 = tpu.memref_slice %arg8[%add3A_70] : memref<163840xf32, #tpu.memory_space<vmem_shared>> -> memref<640xf32, #tpu.memory_space<vmem_shared>>
    %dma_wait3A_210 = arith.constant 3200 : i32
    %dma_wait3A_211 = tpu.memref_slice %arg6[%dma_wait3A_210] : memref<10240xf32, #tpu.memory_space<vmem>> -> memref<640xf32, #tpu.memory_space<vmem>>
    %dma_wait3A_212 = tpu.memref_slice %arg8[%add3A_70] : memref<163840xf32, #tpu.memory_space<vmem_shared>> -> memref<640xf32, #tpu.memory_space<vmem_shared>>
    tpu.wait_dma2 semaphore(%arg9 : memref<!tpu.dma_semaphore, #tpu.memory_space<semaphore_mem>>) src(%dma_wait3A_212 : memref<640xf32, #tpu.memory_space<vmem_shared>>) dst(%dma_wait3A_211 : memref<640xf32, #tpu.memory_space<vmem>>)
    %dma_wait3A_213 = arith.constant 3840 : i32
    %dma_wait3A_214 = tpu.memref_slice %arg6[%dma_wait3A_213] : memref<10240xf32, #tpu.memory_space<vmem>> -> memref<640xf32, #tpu.memory_space<vmem>>
    %dma_wait3A_215 = tpu.memref_slice %arg8[%add3A_80] : memref<163840xf32, #tpu.memory_space<vmem_shared>> -> memref<640xf32, #tpu.memory_space<vmem_shared>>
    %dma_wait3A_216 = arith.constant 3840 : i32
    %dma_wait3A_217 = tpu.memref_slice %arg6[%dma_wait3A_216] : memref<10240xf32, #tpu.memory_space<vmem>> -> memref<640xf32, #tpu.memory_space<vmem>>
    %dma_wait3A_218 = tpu.memref_slice %arg8[%add3A_80] : memref<163840xf32, #tpu.memory_space<vmem_shared>> -> memref<640xf32, #tpu.memory_space<vmem_shared>>
    tpu.wait_dma2 semaphore(%arg9 : memref<!tpu.dma_semaphore, #tpu.memory_space<semaphore_mem>>) src(%dma_wait3A_218 : memref<640xf32, #tpu.memory_space<vmem_shared>>) dst(%dma_wait3A_217 : memref<640xf32, #tpu.memory_space<vmem>>)
    %dma_wait3A_219 = arith.constant 4480 : i32
    %dma_wait3A_220 = tpu.memref_slice %arg6[%dma_wait3A_219] : memref<10240xf32, #tpu.memory_space<vmem>> -> memref<640xf32, #tpu.memory_space<vmem>>
    %dma_wait3A_221 = tpu.memref_slice %arg8[%add3A_90] : memref<163840xf32, #tpu.memory_space<vmem_shared>> -> memref<640xf32, #tpu.memory_space<vmem_shared>>
    %dma_wait3A_222 = arith.constant 4480 : i32
    %dma_wait3A_223 = tpu.memref_slice %arg6[%dma_wait3A_222] : memref<10240xf32, #tpu.memory_space<vmem>> -> memref<640xf32, #tpu.memory_space<vmem>>
    %dma_wait3A_224 = tpu.memref_slice %arg8[%add3A_90] : memref<163840xf32, #tpu.memory_space<vmem_shared>> -> memref<640xf32, #tpu.memory_space<vmem_shared>>
    tpu.wait_dma2 semaphore(%arg9 : memref<!tpu.dma_semaphore, #tpu.memory_space<semaphore_mem>>) src(%dma_wait3A_224 : memref<640xf32, #tpu.memory_space<vmem_shared>>) dst(%dma_wait3A_223 : memref<640xf32, #tpu.memory_space<vmem>>)
    %dma_wait3A_225 = arith.constant 5120 : i32
    %dma_wait3A_226 = tpu.memref_slice %arg6[%dma_wait3A_225] : memref<10240xf32, #tpu.memory_space<vmem>> -> memref<640xf32, #tpu.memory_space<vmem>>
    %dma_wait3A_227 = tpu.memref_slice %arg8[%add3A_100] : memref<163840xf32, #tpu.memory_space<vmem_shared>> -> memref<640xf32, #tpu.memory_space<vmem_shared>>
    %dma_wait3A_228 = arith.constant 5120 : i32
    %dma_wait3A_229 = tpu.memref_slice %arg6[%dma_wait3A_228] : memref<10240xf32, #tpu.memory_space<vmem>> -> memref<640xf32, #tpu.memory_space<vmem>>
    %dma_wait3A_230 = tpu.memref_slice %arg8[%add3A_100] : memref<163840xf32, #tpu.memory_space<vmem_shared>> -> memref<640xf32, #tpu.memory_space<vmem_shared>>
    tpu.wait_dma2 semaphore(%arg9 : memref<!tpu.dma_semaphore, #tpu.memory_space<semaphore_mem>>) src(%dma_wait3A_230 : memref<640xf32, #tpu.memory_space<vmem_shared>>) dst(%dma_wait3A_229 : memref<640xf32, #tpu.memory_space<vmem>>)
    %dma_wait3A_231 = arith.constant 5760 : i32
    %dma_wait3A_232 = tpu.memref_slice %arg6[%dma_wait3A_231] : memref<10240xf32, #tpu.memory_space<vmem>> -> memref<640xf32, #tpu.memory_space<vmem>>
    %dma_wait3A_233 = tpu.memref_slice %arg8[%add3A_110] : memref<163840xf32, #tpu.memory_space<vmem_shared>> -> memref<640xf32, #tpu.memory_space<vmem_shared>>
    %dma_wait3A_234 = arith.constant 5760 : i32
    %dma_wait3A_235 = tpu.memref_slice %arg6[%dma_wait3A_234] : memref<10240xf32, #tpu.memory_space<vmem>> -> memref<640xf32, #tpu.memory_space<vmem>>
    %dma_wait3A_236 = tpu.memref_slice %arg8[%add3A_110] : memref<163840xf32, #tpu.memory_space<vmem_shared>> -> memref<640xf32, #tpu.memory_space<vmem_shared>>
    tpu.wait_dma2 semaphore(%arg9 : memref<!tpu.dma_semaphore, #tpu.memory_space<semaphore_mem>>) src(%dma_wait3A_236 : memref<640xf32, #tpu.memory_space<vmem_shared>>) dst(%dma_wait3A_235 : memref<640xf32, #tpu.memory_space<vmem>>)
    %dma_wait3A_237 = arith.constant 6400 : i32
    %dma_wait3A_238 = tpu.memref_slice %arg6[%dma_wait3A_237] : memref<10240xf32, #tpu.memory_space<vmem>> -> memref<640xf32, #tpu.memory_space<vmem>>
    %dma_wait3A_239 = tpu.memref_slice %arg8[%add3A_120] : memref<163840xf32, #tpu.memory_space<vmem_shared>> -> memref<640xf32, #tpu.memory_space<vmem_shared>>
    %dma_wait3A_240 = arith.constant 6400 : i32
    %dma_wait3A_241 = tpu.memref_slice %arg6[%dma_wait3A_240] : memref<10240xf32, #tpu.memory_space<vmem>> -> memref<640xf32, #tpu.memory_space<vmem>>
    %dma_wait3A_242 = tpu.memref_slice %arg8[%add3A_120] : memref<163840xf32, #tpu.memory_space<vmem_shared>> -> memref<640xf32, #tpu.memory_space<vmem_shared>>
    tpu.wait_dma2 semaphore(%arg9 : memref<!tpu.dma_semaphore, #tpu.memory_space<semaphore_mem>>) src(%dma_wait3A_242 : memref<640xf32, #tpu.memory_space<vmem_shared>>) dst(%dma_wait3A_241 : memref<640xf32, #tpu.memory_space<vmem>>)
    %dma_wait3A_243 = arith.constant 7040 : i32
    %dma_wait3A_244 = tpu.memref_slice %arg6[%dma_wait3A_243] : memref<10240xf32, #tpu.memory_space<vmem>> -> memref<640xf32, #tpu.memory_space<vmem>>
    %dma_wait3A_245 = tpu.memref_slice %arg8[%add3A_130] : memref<163840xf32, #tpu.memory_space<vmem_shared>> -> memref<640xf32, #tpu.memory_space<vmem_shared>>
    %dma_wait3A_246 = arith.constant 7040 : i32
    %dma_wait3A_247 = tpu.memref_slice %arg6[%dma_wait3A_246] : memref<10240xf32, #tpu.memory_space<vmem>> -> memref<640xf32, #tpu.memory_space<vmem>>
    %dma_wait3A_248 = tpu.memref_slice %arg8[%add3A_130] : memref<163840xf32, #tpu.memory_space<vmem_shared>> -> memref<640xf32, #tpu.memory_space<vmem_shared>>
    tpu.wait_dma2 semaphore(%arg9 : memref<!tpu.dma_semaphore, #tpu.memory_space<semaphore_mem>>) src(%dma_wait3A_248 : memref<640xf32, #tpu.memory_space<vmem_shared>>) dst(%dma_wait3A_247 : memref<640xf32, #tpu.memory_space<vmem>>)
    %dma_wait3A_249 = arith.constant 7680 : i32
    %dma_wait3A_250 = tpu.memref_slice %arg6[%dma_wait3A_249] : memref<10240xf32, #tpu.memory_space<vmem>> -> memref<640xf32, #tpu.memory_space<vmem>>
    %dma_wait3A_251 = tpu.memref_slice %arg8[%add3A_140] : memref<163840xf32, #tpu.memory_space<vmem_shared>> -> memref<640xf32, #tpu.memory_space<vmem_shared>>
    %dma_wait3A_252 = arith.constant 7680 : i32
    %dma_wait3A_253 = tpu.memref_slice %arg6[%dma_wait3A_252] : memref<10240xf32, #tpu.memory_space<vmem>> -> memref<640xf32, #tpu.memory_space<vmem>>
    %dma_wait3A_254 = tpu.memref_slice %arg8[%add3A_140] : memref<163840xf32, #tpu.memory_space<vmem_shared>> -> memref<640xf32, #tpu.memory_space<vmem_shared>>
    tpu.wait_dma2 semaphore(%arg9 : memref<!tpu.dma_semaphore, #tpu.memory_space<semaphore_mem>>) src(%dma_wait3A_254 : memref<640xf32, #tpu.memory_space<vmem_shared>>) dst(%dma_wait3A_253 : memref<640xf32, #tpu.memory_space<vmem>>)
    %dma_wait3A_255 = arith.constant 8320 : i32
    %dma_wait3A_256 = tpu.memref_slice %arg6[%dma_wait3A_255] : memref<10240xf32, #tpu.memory_space<vmem>> -> memref<640xf32, #tpu.memory_space<vmem>>
    %dma_wait3A_257 = tpu.memref_slice %arg8[%add3A_150] : memref<163840xf32, #tpu.memory_space<vmem_shared>> -> memref<640xf32, #tpu.memory_space<vmem_shared>>
    %dma_wait3A_258 = arith.constant 8320 : i32
    %dma_wait3A_259 = tpu.memref_slice %arg6[%dma_wait3A_258] : memref<10240xf32, #tpu.memory_space<vmem>> -> memref<640xf32, #tpu.memory_space<vmem>>
    %dma_wait3A_260 = tpu.memref_slice %arg8[%add3A_150] : memref<163840xf32, #tpu.memory_space<vmem_shared>> -> memref<640xf32, #tpu.memory_space<vmem_shared>>
    tpu.wait_dma2 semaphore(%arg9 : memref<!tpu.dma_semaphore, #tpu.memory_space<semaphore_mem>>) src(%dma_wait3A_260 : memref<640xf32, #tpu.memory_space<vmem_shared>>) dst(%dma_wait3A_259 : memref<640xf32, #tpu.memory_space<vmem>>)
    %dma_wait3A_261 = arith.constant 8960 : i32
    %dma_wait3A_262 = tpu.memref_slice %arg6[%dma_wait3A_261] : memref<10240xf32, #tpu.memory_space<vmem>> -> memref<640xf32, #tpu.memory_space<vmem>>
    %dma_wait3A_263 = tpu.memref_slice %arg8[%add3A_160] : memref<163840xf32, #tpu.memory_space<vmem_shared>> -> memref<640xf32, #tpu.memory_space<vmem_shared>>
    %dma_wait3A_264 = arith.constant 8960 : i32
    %dma_wait3A_265 = tpu.memref_slice %arg6[%dma_wait3A_264] : memref<10240xf32, #tpu.memory_space<vmem>> -> memref<640xf32, #tpu.memory_space<vmem>>
    %dma_wait3A_266 = tpu.memref_slice %arg8[%add3A_160] : memref<163840xf32, #tpu.memory_space<vmem_shared>> -> memref<640xf32, #tpu.memory_space<vmem_shared>>
    tpu.wait_dma2 semaphore(%arg9 : memref<!tpu.dma_semaphore, #tpu.memory_space<semaphore_mem>>) src(%dma_wait3A_266 : memref<640xf32, #tpu.memory_space<vmem_shared>>) dst(%dma_wait3A_265 : memref<640xf32, #tpu.memory_space<vmem>>)
    %dma_wait3A_267 = arith.constant 9600 : i32
    %dma_wait3A_268 = tpu.memref_slice %arg6[%dma_wait3A_267] : memref<10240xf32, #tpu.memory_space<vmem>> -> memref<640xf32, #tpu.memory_space<vmem>>
    %dma_wait3A_269 = tpu.memref_slice %arg8[%add3A_170] : memref<163840xf32, #tpu.memory_space<vmem_shared>> -> memref<640xf32, #tpu.memory_space<vmem_shared>>
    %dma_wait3A_270 = arith.constant 9600 : i32
    %dma_wait3A_271 = tpu.memref_slice %arg6[%dma_wait3A_270] : memref<10240xf32, #tpu.memory_space<vmem>> -> memref<640xf32, #tpu.memory_space<vmem>>
    %dma_wait3A_272 = tpu.memref_slice %arg8[%add3A_170] : memref<163840xf32, #tpu.memory_space<vmem_shared>> -> memref<640xf32, #tpu.memory_space<vmem_shared>>
    tpu.wait_dma2 semaphore(%arg9 : memref<!tpu.dma_semaphore, #tpu.memory_space<semaphore_mem>>) src(%dma_wait3A_272 : memref<640xf32, #tpu.memory_space<vmem_shared>>) dst(%dma_wait3A_271 : memref<640xf32, #tpu.memory_space<vmem>>)
    %scan3A_273 = arith.constant 0 : i32
    %scan3A_274 = arith.constant 40 : i32
    %scan3A_275 = arith.addi %scan3A_273, %scan3A_274 : i32
    %scan3A_276 = arith.constant 1 : i32
    scf.for %scan3A_283 = %scan3A_273 to %scan3A_275 step %scan3A_276  : i32 {
      %mul3A_284 = arith.constant 16 : i32
      %mul3A_285 = arith.muli %scan3A_283, %mul3A_284 : i32
      %add3A_286 = arith.constant 0 : i32
      %add3A_287 = arith.addi %add3A_286, %mul3A_285 : i32
      %get3A = arith.index_cast %add3A_287 : i32 to index
      %get3A_288 = tpu.vector_load %arg6[%get3A] {strides = array<i32>} : memref<10240xf32, #tpu.memory_space<vmem>>, vector<16xf32>,
      %add3A_289 = arith.constant 640 : i32
      %add3A_290 = arith.addi %add3A_289, %add3A_287 : i32
      %get3A_291 = arith.index_cast %add3A_290 : i32 to index
      %get3A_292 = tpu.vector_load %arg6[%get3A_291] {strides = array<i32>} : memref<10240xf32, #tpu.memory_space<vmem>>, vector<16xf32>,
      %add3A_293 = arith.addf %get3A_288, %get3A_292 : vector<16xf32>
      %add3A_294 = arith.constant 1280 : i32
      %add3A_295 = arith.addi %add3A_294, %add3A_287 : i32
      %get3A_296 = arith.index_cast %add3A_295 : i32 to index
      %get3A_297 = tpu.vector_load %arg6[%get3A_296] {strides = array<i32>} : memref<10240xf32, #tpu.memory_space<vmem>>, vector<16xf32>,
      %add3A_298 = arith.addf %add3A_293, %get3A_297 : vector<16xf32>
      %add3A_299 = arith.constant 1920 : i32
      %add3A_300 = arith.addi %add3A_299, %add3A_287 : i32
      %get3A_301 = arith.index_cast %add3A_300 : i32 to index
      %get3A_302 = tpu.vector_load %arg6[%get3A_301] {strides = array<i32>} : memref<10240xf32, #tpu.memory_space<vmem>>, vector<16xf32>,
      %add3A_303 = arith.addf %add3A_298, %get3A_302 : vector<16xf32>
      %add3A_304 = arith.constant 2560 : i32
      %add3A_305 = arith.addi %add3A_304, %add3A_287 : i32
      %get3A_306 = arith.index_cast %add3A_305 : i32 to index
      %get3A_307 = tpu.vector_load %arg6[%get3A_306] {strides = array<i32>} : memref<10240xf32, #tpu.memory_space<vmem>>, vector<16xf32>,
      %add3A_308 = arith.addf %add3A_303, %get3A_307 : vector<16xf32>
      %add3A_309 = arith.constant 3200 : i32
      %add3A_310 = arith.addi %add3A_309, %add3A_287 : i32
      %get3A_311 = arith.index_cast %add3A_310 : i32 to index
      %get3A_312 = tpu.vector_load %arg6[%get3A_311] {strides = array<i32>} : memref<10240xf32, #tpu.memory_space<vmem>>, vector<16xf32>,
      %add3A_313 = arith.addf %add3A_308, %get3A_312 : vector<16xf32>
      %add3A_314 = arith.constant 3840 : i32
      %add3A_315 = arith.addi %add3A_314, %add3A_287 : i32
      %get3A_316 = arith.index_cast %add3A_315 : i32 to index
      %get3A_317 = tpu.vector_load %arg6[%get3A_316] {strides = array<i32>} : memref<10240xf32, #tpu.memory_space<vmem>>, vector<16xf32>,
      %add3A_318 = arith.addf %add3A_313, %get3A_317 : vector<16xf32>
      %add3A_319 = arith.constant 4480 : i32
      %add3A_320 = arith.addi %add3A_319, %add3A_287 : i32
      %get3A_321 = arith.index_cast %add3A_320 : i32 to index
      %get3A_322 = tpu.vector_load %arg6[%get3A_321] {strides = array<i32>} : memref<10240xf32, #tpu.memory_space<vmem>>, vector<16xf32>,
      %add3A_323 = arith.addf %add3A_318, %get3A_322 : vector<16xf32>
      %add3A_324 = arith.constant 5120 : i32
      %add3A_325 = arith.addi %add3A_324, %add3A_287 : i32
      %get3A_326 = arith.index_cast %add3A_325 : i32 to index
      %get3A_327 = tpu.vector_load %arg6[%get3A_326] {strides = array<i32>} : memref<10240xf32, #tpu.memory_space<vmem>>, vector<16xf32>,
      %add3A_328 = arith.addf %add3A_323, %get3A_327 : vector<16xf32>
      %add3A_329 = arith.constant 5760 : i32
      %add3A_330 = arith.addi %add3A_329, %add3A_287 : i32
      %get3A_331 = arith.index_cast %add3A_330 : i32 to index
      %get3A_332 = tpu.vector_load %arg6[%get3A_331] {strides = array<i32>} : memref<10240xf32, #tpu.memory_space<vmem>>, vector<16xf32>,
      %add3A_333 = arith.addf %add3A_328, %get3A_332 : vector<16xf32>
      %add3A_334 = arith.constant 6400 : i32
      %add3A_335 = arith.addi %add3A_334, %add3A_287 : i32
      %get3A_336 = arith.index_cast %add3A_335 : i32 to index
      %get3A_337 = tpu.vector_load %arg6[%get3A_336] {strides = array<i32>} : memref<10240xf32, #tpu.memory_space<vmem>>, vector<16xf32>,
      %add3A_338 = arith.addf %add3A_333, %get3A_337 : vector<16xf32>
      %add3A_339 = arith.constant 7040 : i32
      %add3A_340 = arith.addi %add3A_339, %add3A_287 : i32
      %get3A_341 = arith.index_cast %add3A_340 : i32 to index
      %get3A_342 = tpu.vector_load %arg6[%get3A_341] {strides = array<i32>} : memref<10240xf32, #tpu.memory_space<vmem>>, vector<16xf32>,
      %add3A_343 = arith.addf %add3A_338, %get3A_342 : vector<16xf32>
      %add3A_344 = arith.constant 7680 : i32
      %add3A_345 = arith.addi %add3A_344, %add3A_287 : i32
      %get3A_346 = arith.index_cast %add3A_345 : i32 to index
      %get3A_347 = tpu.vector_load %arg6[%get3A_346] {strides = array<i32>} : memref<10240xf32, #tpu.memory_space<vmem>>, vector<16xf32>,
      %add3A_348 = arith.addf %add3A_343, %get3A_347 : vector<16xf32>
      %add3A_349 = arith.constant 8320 : i32
      %add3A_350 = arith.addi %add3A_349, %add3A_287 : i32
      %get3A_351 = arith.index_cast %add3A_350 : i32 to index
      %get3A_352 = tpu.vector_load %arg6[%get3A_351] {strides = array<i32>} : memref<10240xf32, #tpu.memory_space<vmem>>, vector<16xf32>,
      %add3A_353 = arith.addf %add3A_348, %get3A_352 : vector<16xf32>
      %add3A_354 = arith.constant 8960 : i32
      %add3A_355 = arith.addi %add3A_354, %add3A_287 : i32
      %get3A_356 = arith.index_cast %add3A_355 : i32 to index
      %get3A_357 = tpu.vector_load %arg6[%get3A_356] {strides = array<i32>} : memref<10240xf32, #tpu.memory_space<vmem>>, vector<16xf32>,
      %add3A_358 = arith.addf %add3A_353, %get3A_357 : vector<16xf32>
      %add3A_359 = arith.constant 9600 : i32
      %add3A_360 = arith.addi %add3A_359, %add3A_287 : i32
      %get3A_361 = arith.index_cast %add3A_360 : i32 to index
      %get3A_362 = tpu.vector_load %arg6[%get3A_361] {strides = array<i32>} : memref<10240xf32, #tpu.memory_space<vmem>>, vector<16xf32>,
      %add3A_363 = arith.addf %add3A_358, %get3A_362 : vector<16xf32>
      %swap3A = arith.index_cast %add3A_287 : i32 to index
      %swap3A_364 = tpu.vector_load %arg7[%swap3A] {strides = array<i32>} : memref<640xf32, #tpu.memory_space<vmem>>, vector<16xf32>,
      tpu.vector_store %arg7[%swap3A], %add3A_363 {strides = array<i32>} : memref<640xf32, #tpu.memory_space<vmem>>, vector<16xf32>,
    }
    %scan3A_277 = arith.constant 40 : i32
    %mul3A_278 = arith.constant 10240 : i32
    %mul3A_279 = arith.muli %arg0, %mul3A_278 : i32
    %mul3A_280 = arith.constant 640 : i32
    %mul3A_281 = arith.muli %arg1, %mul3A_280 : i32
    %add3A_282 = arith.addi %mul3A_279, %mul3A_281 : i32
    "tpu.region"() ({
      %run_scoped3A = tpu.sem_alloc : memref<!tpu.dma_semaphore, #tpu.memory_space<semaphore_mem>>
      %dma_start3A_283 = tpu.memref_slice %arg3[%add3A_282] : memref<20480xf32, #tpu.memory_space<hbm>> -> memref<640xf32, #tpu.memory_space<hbm>>
      %dma_start3A_284 = tpu.memref_slice %arg3[%add3A_282] : memref<20480xf32, #tpu.memory_space<hbm>> -> memref<640xf32, #tpu.memory_space<hbm>>
      tpu.enqueue_dma source(%arg7 : memref<640xf32, #tpu.memory_space<vmem>>) target(%dma_start3A_284 : memref<640xf32, #tpu.memory_space<hbm>>) target_semaphore(%run_scoped3A : memref<!tpu.dma_semaphore, #tpu.memory_space<semaphore_mem>>)
      %dma_wait3A_285 = tpu.memref_slice %arg3[%add3A_282] : memref<20480xf32, #tpu.memory_space<hbm>> -> memref<640xf32, #tpu.memory_space<hbm>>
      %dma_wait3A_286 = tpu.memref_slice %arg3[%add3A_282] : memref<20480xf32, #tpu.memory_space<hbm>> -> memref<640xf32, #tpu.memory_space<hbm>>
      tpu.wait_dma2 semaphore(%run_scoped3A : memref<!tpu.dma_semaphore, #tpu.memory_space<semaphore_mem>>) src(%arg7 : memref<640xf32, #tpu.memory_space<vmem>>) dst(%dma_wait3A_286 : memref<640xf32, #tpu.memory_space<hbm>>)
      tpu.yield
    }) : () -> ()
    return
  }
}

#map = affine_map<(d0, d1) -> (0, 0, 0)>
#map1 = affine_map<(d0, d1) -> (0, 0)>
module attributes {stable_mosaic.version = 14 : i64} {
  func.func @prop_kernel(%arg0: i32, %arg1: i32, %arg2: memref<128x25x100xi32, #tpu.memory_space<hbm>>, %arg3: memref<128x25x100xi32, #tpu.memory_space<hbm>>, %arg4: memref<10240x128xf32, #tpu.memory_space<hbm>>, %arg5: memref<640x128xf32, #tpu.memory_space<hbm>>, %arg6: memref<2x10240x128xf32, #tpu.memory_space<hbm>>, %arg7: memref<25x100xi32, #tpu.memory_space<vmem>>, %arg8: memref<25x100xi32, #tpu.memory_space<vmem>>, %arg9: memref<100x128xf32, #tpu.memory_space<vmem>>, %arg10: memref<100x128xf32, #tpu.memory_space<vmem>>, %arg11: memref<100x128xf32, #tpu.memory_space<vmem>>, %arg12: memref<10240x128xf32, #tpu.memory_space<vmem_shared>>, %arg13: memref<!tpu.dma_semaphore, #tpu.memory_space<semaphore_mem>>, %arg14: memref<!tpu.dma_semaphore, #tpu.memory_space<semaphore_mem>>, %arg15: memref<!tpu.dma_semaphore, #tpu.memory_space<semaphore_mem>>, %arg16: memref<!tpu.dma_semaphore, #tpu.memory_space<semaphore_mem>>, %arg17: memref<!tpu.dma_semaphore, #tpu.memory_space<semaphore_mem>>, %arg18: memref<!tpu.dma_semaphore, #tpu.memory_space<semaphore_mem>>, %arg19: memref<!tpu.dma_semaphore, #tpu.memory_space<semaphore_mem>>) attributes {dimension_semantics = [#tpu.dimension_semantics<core_parallel>, #tpu.dimension_semantics<subcore_parallel>], iteration_bounds = array<i64: 2, 16>, scalar_prefetch = 0 : i64, scratch_operands = 13 : i64, tpu.core_type = #tpu.core_type<sc_vector_subcore>, window_params = [{transform_indices = #map}, {transform_indices = #map}, {transform_indices = #map1}, {transform_indices = #map1}, {transform_indices = #map}]} {
    %mul3A = arith.constant 2 : i32
    %mul3A_0 = arith.muli %arg1, %mul3A : i32
    %add3A = arith.addi %mul3A_0, %arg0 : i32
    %mul3A_1 = arith.constant 640 : i32
    %mul3A_2 = arith.muli %arg1, %mul3A_1 : i32
    "tpu.region"() ({
      %run_scoped3A = tpu.sem_alloc : memref<!tpu.dma_semaphore, #tpu.memory_space<semaphore_mem>>
      %dma_start3A = arith.constant 0 : i32
      %dma_start3A_28 = tpu.memref_slice %arg12[%mul3A_2, %dma_start3A] : memref<10240x128xf32, #tpu.memory_space<vmem_shared>> -> memref<640x128xf32, #tpu.memory_space<vmem_shared>>
      tpu.enqueue_dma source(%arg5 : memref<640x128xf32, #tpu.memory_space<hbm>>) target(%dma_start3A_28 : memref<640x128xf32, #tpu.memory_space<vmem_shared>>) target_semaphore(%run_scoped3A : memref<!tpu.dma_semaphore, #tpu.memory_space<semaphore_mem>>)
      %dma_wait3A = arith.constant 0 : i32
      %dma_wait3A_29 = tpu.memref_slice %arg12[%mul3A_2, %dma_wait3A] : memref<10240x128xf32, #tpu.memory_space<vmem_shared>> -> memref<640x128xf32, #tpu.memory_space<vmem_shared>>
      tpu.wait_dma2 semaphore(%run_scoped3A : memref<!tpu.dma_semaphore, #tpu.memory_space<semaphore_mem>>) src(%arg5 : memref<640x128xf32, #tpu.memory_space<hbm>>) dst(%dma_wait3A_29 : memref<640x128xf32, #tpu.memory_space<vmem_shared>>)
      tpu.yield
    }) : () -> ()
    %barrier3A = arith.constant 0 : index
    tpu.barrier barrier_id(%barrier3A)
    %mul3A_3 = arith.constant 4 : i32
    %mul3A_4 = arith.muli %add3A, %mul3A_3 : i32
    %add3A_5 = arith.constant 1 : i32
    %add3A_6 = arith.addi %add3A, %add3A_5 : i32
    %mul3A_7 = arith.constant 4 : i32
    %mul3A_8 = arith.muli %add3A_6, %mul3A_7 : i32
    %sub3A = arith.subi %mul3A_8, %mul3A_4 : i32
    %sub3A_9 = arith.constant 1 : i32
    %sub3A_10 = arith.constant 1 : i32
    %sub3A_11 = arith.subi %sub3A_9, %sub3A_10 : i32
    %add3A_12 = arith.addi %sub3A, %sub3A_11 : i32
    %div3A = arith.constant 1 : i32
    %div3A_13 = arith.divsi %add3A_12, %div3A : i32
    %while3A = arith.constant 1 : i32
    %while3A_14 = arith.constant 0 : i32
    %while3A_15 = arith.subi %div3A_13, %while3A_14 : i32
    %while3A_16 = arith.addi %while3A_14, %while3A_15 : i32
    %while3A_17 = arith.constant 1 : i32
    %while3A_18 = arith.divsi %while3A_15, %while3A_17 : i32
    %while3A_19 = arith.muli %while3A_18, %while3A_17 : i32
    %while3A_20 = arith.addi %while3A_14, %while3A_19 : i32
    %while3A_21 = arith.constant 1 : i32
    scf.for %while3A_28 = %while3A_14 to %while3A_20 step %while3A_21  : i32 {
      %mul3A_29 = arith.muli %while3A_28, %while3A : i32
      %add3A_30 = arith.addi %mul3A_4, %mul3A_29 : i32
      %dma_start3A = arith.constant 0 : i32
      %dma_start3A_31 = arith.constant 0 : i32
      %dma_start3A_32 = tpu.memref_slice %arg2[%add3A_30, %dma_start3A, %dma_start3A_31] : memref<128x25x100xi32, #tpu.memory_space<hbm>> -> memref<1x25x100xi32, #tpu.memory_space<hbm>>
      %dma_start3A_33 = tpu.memref_squeeze %dma_start3A_32 : memref<1x25x100xi32, #tpu.memory_space<hbm>> -> memref<25x100xi32, #tpu.memory_space<hbm>>
      %dma_start3A_34 = arith.constant 0 : i32
      %dma_start3A_35 = arith.constant 0 : i32
      %dma_start3A_36 = tpu.memref_slice %arg2[%add3A_30, %dma_start3A_34, %dma_start3A_35] : memref<128x25x100xi32, #tpu.memory_space<hbm>> -> memref<1x25x100xi32, #tpu.memory_space<hbm>>
      %dma_start3A_37 = tpu.memref_squeeze %dma_start3A_36 : memref<1x25x100xi32, #tpu.memory_space<hbm>> -> memref<25x100xi32, #tpu.memory_space<hbm>>
      tpu.enqueue_dma source(%dma_start3A_37 : memref<25x100xi32, #tpu.memory_space<hbm>>) target(%arg7 : memref<25x100xi32, #tpu.memory_space<vmem>>) target_semaphore(%arg19 : memref<!tpu.dma_semaphore, #tpu.memory_space<semaphore_mem>>)
      %dma_start3A_38 = arith.constant 0 : i32
      %dma_start3A_39 = arith.constant 0 : i32
      %dma_start3A_40 = tpu.memref_slice %arg3[%add3A_30, %dma_start3A_38, %dma_start3A_39] : memref<128x25x100xi32, #tpu.memory_space<hbm>> -> memref<1x25x100xi32, #tpu.memory_space<hbm>>
      %dma_start3A_41 = tpu.memref_squeeze %dma_start3A_40 : memref<1x25x100xi32, #tpu.memory_space<hbm>> -> memref<25x100xi32, #tpu.memory_space<hbm>>
      %dma_start3A_42 = arith.constant 0 : i32
      %dma_start3A_43 = arith.constant 0 : i32
      %dma_start3A_44 = tpu.memref_slice %arg3[%add3A_30, %dma_start3A_42, %dma_start3A_43] : memref<128x25x100xi32, #tpu.memory_space<hbm>> -> memref<1x25x100xi32, #tpu.memory_space<hbm>>
      %dma_start3A_45 = tpu.memref_squeeze %dma_start3A_44 : memref<1x25x100xi32, #tpu.memory_space<hbm>> -> memref<25x100xi32, #tpu.memory_space<hbm>>
      tpu.enqueue_dma source(%dma_start3A_45 : memref<25x100xi32, #tpu.memory_space<hbm>>) target(%arg8 : memref<25x100xi32, #tpu.memory_space<vmem>>) target_semaphore(%arg19 : memref<!tpu.dma_semaphore, #tpu.memory_space<semaphore_mem>>)
      %dma_wait3A = arith.constant 0 : i32
      %dma_wait3A_46 = arith.constant 0 : i32
      %dma_wait3A_47 = tpu.memref_slice %arg2[%add3A_30, %dma_wait3A, %dma_wait3A_46] : memref<128x25x100xi32, #tpu.memory_space<hbm>> -> memref<1x25x100xi32, #tpu.memory_space<hbm>>
      %dma_wait3A_48 = tpu.memref_squeeze %dma_wait3A_47 : memref<1x25x100xi32, #tpu.memory_space<hbm>> -> memref<25x100xi32, #tpu.memory_space<hbm>>
      %dma_wait3A_49 = arith.constant 0 : i32
      %dma_wait3A_50 = arith.constant 0 : i32
      %dma_wait3A_51 = tpu.memref_slice %arg2[%add3A_30, %dma_wait3A_49, %dma_wait3A_50] : memref<128x25x100xi32, #tpu.memory_space<hbm>> -> memref<1x25x100xi32, #tpu.memory_space<hbm>>
      %dma_wait3A_52 = tpu.memref_squeeze %dma_wait3A_51 : memref<1x25x100xi32, #tpu.memory_space<hbm>> -> memref<25x100xi32, #tpu.memory_space<hbm>>
      tpu.wait_dma2 semaphore(%arg19 : memref<!tpu.dma_semaphore, #tpu.memory_space<semaphore_mem>>) src(%dma_wait3A_52 : memref<25x100xi32, #tpu.memory_space<hbm>>) dst(%arg7 : memref<25x100xi32, #tpu.memory_space<vmem>>)
      %dma_wait3A_53 = arith.constant 0 : i32
      %dma_wait3A_54 = arith.constant 0 : i32
      %dma_wait3A_55 = tpu.memref_slice %arg3[%add3A_30, %dma_wait3A_53, %dma_wait3A_54] : memref<128x25x100xi32, #tpu.memory_space<hbm>> -> memref<1x25x100xi32, #tpu.memory_space<hbm>>
      %dma_wait3A_56 = tpu.memref_squeeze %dma_wait3A_55 : memref<1x25x100xi32, #tpu.memory_space<hbm>> -> memref<25x100xi32, #tpu.memory_space<hbm>>
      %dma_wait3A_57 = arith.constant 0 : i32
      %dma_wait3A_58 = arith.constant 0 : i32
      %dma_wait3A_59 = tpu.memref_slice %arg3[%add3A_30, %dma_wait3A_57, %dma_wait3A_58] : memref<128x25x100xi32, #tpu.memory_space<hbm>> -> memref<1x25x100xi32, #tpu.memory_space<hbm>>
      %dma_wait3A_60 = tpu.memref_squeeze %dma_wait3A_59 : memref<1x25x100xi32, #tpu.memory_space<hbm>> -> memref<25x100xi32, #tpu.memory_space<hbm>>
      tpu.wait_dma2 semaphore(%arg19 : memref<!tpu.dma_semaphore, #tpu.memory_space<semaphore_mem>>) src(%dma_wait3A_60 : memref<25x100xi32, #tpu.memory_space<hbm>>) dst(%arg8 : memref<25x100xi32, #tpu.memory_space<vmem>>)
      %dma_start3A_61 = arith.constant 0 : i32
      %dma_start3A_62 = arith.constant 0 : i32
      %dma_start3A_63 = tpu.memref_slice %arg7[%dma_start3A_61, %dma_start3A_62] : memref<25x100xi32, #tpu.memory_space<vmem>> -> memref<1x100xi32, #tpu.memory_space<vmem>>
      %dma_start3A_64 = tpu.memref_squeeze %dma_start3A_63 : memref<1x100xi32, #tpu.memory_space<vmem>> -> memref<100xi32, #tpu.memory_space<vmem>>
      %dma_start3A_65 = arith.constant 0 : i32
      %dma_start3A_66 = arith.constant 0 : i32
      %dma_start3A_67 = tpu.memref_slice %arg4[%dma_start3A_65, %dma_start3A_66] : memref<10240x128xf32, #tpu.memory_space<hbm>> -> memref<10240x128xf32, #tpu.memory_space<hbm>>
      tpu.enqueue_indirect_dma source(%dma_start3A_67 : memref<10240x128xf32, #tpu.memory_space<hbm>>) target(%arg9 : memref<100x128xf32, #tpu.memory_space<vmem>>) offsets(%dma_start3A_64 : memref<100xi32, #tpu.memory_space<vmem>>) semaphore(%arg13 : memref<!tpu.dma_semaphore, #tpu.memory_space<semaphore_mem>>)
      %dma_start3A_68 = arith.constant 1 : i32
      %dma_start3A_69 = arith.constant 0 : i32
      %dma_start3A_70 = tpu.memref_slice %arg7[%dma_start3A_68, %dma_start3A_69] : memref<25x100xi32, #tpu.memory_space<vmem>> -> memref<1x100xi32, #tpu.memory_space<vmem>>
      %dma_start3A_71 = tpu.memref_squeeze %dma_start3A_70 : memref<1x100xi32, #tpu.memory_space<vmem>> -> memref<100xi32, #tpu.memory_space<vmem>>
      %dma_start3A_72 = arith.constant 0 : i32
      %dma_start3A_73 = arith.constant 0 : i32
      %dma_start3A_74 = tpu.memref_slice %arg4[%dma_start3A_72, %dma_start3A_73] : memref<10240x128xf32, #tpu.memory_space<hbm>> -> memref<10240x128xf32, #tpu.memory_space<hbm>>
      tpu.enqueue_indirect_dma source(%dma_start3A_74 : memref<10240x128xf32, #tpu.memory_space<hbm>>) target(%arg10 : memref<100x128xf32, #tpu.memory_space<vmem>>) offsets(%dma_start3A_71 : memref<100xi32, #tpu.memory_space<vmem>>) semaphore(%arg14 : memref<!tpu.dma_semaphore, #tpu.memory_space<semaphore_mem>>)
      %dma_start3A_75 = arith.constant 2 : i32
      %dma_start3A_76 = arith.constant 0 : i32
      %dma_start3A_77 = tpu.memref_slice %arg7[%dma_start3A_75, %dma_start3A_76] : memref<25x100xi32, #tpu.memory_space<vmem>> -> memref<1x100xi32, #tpu.memory_space<vmem>>
      %dma_start3A_78 = tpu.memref_squeeze %dma_start3A_77 : memref<1x100xi32, #tpu.memory_space<vmem>> -> memref<100xi32, #tpu.memory_space<vmem>>
      %dma_start3A_79 = arith.constant 0 : i32
      %dma_start3A_80 = arith.constant 0 : i32
      %dma_start3A_81 = tpu.memref_slice %arg4[%dma_start3A_79, %dma_start3A_80] : memref<10240x128xf32, #tpu.memory_space<hbm>> -> memref<10240x128xf32, #tpu.memory_space<hbm>>
      tpu.enqueue_indirect_dma source(%dma_start3A_81 : memref<10240x128xf32, #tpu.memory_space<hbm>>) target(%arg11 : memref<100x128xf32, #tpu.memory_space<vmem>>) offsets(%dma_start3A_78 : memref<100xi32, #tpu.memory_space<vmem>>) semaphore(%arg15 : memref<!tpu.dma_semaphore, #tpu.memory_space<semaphore_mem>>)
      %dma_wait3A_82 = arith.constant 0 : i32
      %dma_wait3A_83 = arith.constant 0 : i32
      %dma_wait3A_84 = tpu.memref_slice %arg7[%dma_wait3A_82, %dma_wait3A_83] : memref<25x100xi32, #tpu.memory_space<vmem>> -> memref<1x100xi32, #tpu.memory_space<vmem>>
      %dma_wait3A_85 = tpu.memref_squeeze %dma_wait3A_84 : memref<1x100xi32, #tpu.memory_space<vmem>> -> memref<100xi32, #tpu.memory_space<vmem>>
      %dma_wait3A_86 = arith.constant 0 : i32
      %dma_wait3A_87 = arith.constant 0 : i32
      %dma_wait3A_88 = tpu.memref_slice %arg4[%dma_wait3A_86, %dma_wait3A_87] : memref<10240x128xf32, #tpu.memory_space<hbm>> -> memref<10240x128xf32, #tpu.memory_space<hbm>>
      tpu.wait_indirect_dma semaphore(%arg13 : memref<!tpu.dma_semaphore, #tpu.memory_space<semaphore_mem>>) src(%dma_wait3A_88 : memref<10240x128xf32, #tpu.memory_space<hbm>>) dst(%arg9 : memref<100x128xf32, #tpu.memory_space<vmem>>)
      %dma_start3A_89 = arith.constant 0 : i32
      %dma_start3A_90 = arith.constant 0 : i32
      %dma_start3A_91 = tpu.memref_slice %arg8[%dma_start3A_89, %dma_start3A_90] : memref<25x100xi32, #tpu.memory_space<vmem>> -> memref<1x100xi32, #tpu.memory_space<vmem>>
      %dma_start3A_92 = tpu.memref_squeeze %dma_start3A_91 : memref<1x100xi32, #tpu.memory_space<vmem>> -> memref<100xi32, #tpu.memory_space<vmem>>
      %dma_start3A_93 = arith.constant 0 : i32
      %dma_start3A_94 = arith.constant 0 : i32
      %dma_start3A_95 = tpu.memref_slice %arg12[%dma_start3A_93, %dma_start3A_94] : memref<10240x128xf32, #tpu.memory_space<vmem_shared>> -> memref<10240x128xf32, #tpu.memory_space<vmem_shared>>
      tpu.enqueue_indirect_dma source(%arg9 : memref<100x128xf32, #tpu.memory_space<vmem>>) target(%dma_start3A_95 : memref<10240x128xf32, #tpu.memory_space<vmem_shared>>) offsets(%dma_start3A_92 : memref<100xi32, #tpu.memory_space<vmem>>) semaphore(%arg16 : memref<!tpu.dma_semaphore, #tpu.memory_space<semaphore_mem>>) {add = true}
      %dma_wait3A_96 = arith.constant 0 : i32
      %dma_wait3A_97 = arith.constant 0 : i32
      %dma_wait3A_98 = tpu.memref_slice %arg8[%dma_wait3A_96, %dma_wait3A_97] : memref<25x100xi32, #tpu.memory_space<vmem>> -> memref<1x100xi32, #tpu.memory_space<vmem>>
      %dma_wait3A_99 = tpu.memref_squeeze %dma_wait3A_98 : memref<1x100xi32, #tpu.memory_space<vmem>> -> memref<100xi32, #tpu.memory_space<vmem>>
      %dma_wait3A_100 = arith.constant 0 : i32
      %dma_wait3A_101 = arith.constant 0 : i32
      %dma_wait3A_102 = tpu.memref_slice %arg12[%dma_wait3A_100, %dma_wait3A_101] : memref<10240x128xf32, #tpu.memory_space<vmem_shared>> -> memref<10240x128xf32, #tpu.memory_space<vmem_shared>>
      tpu.wait_indirect_dma semaphore(%arg16 : memref<!tpu.dma_semaphore, #tpu.memory_space<semaphore_mem>>) src(%arg9 : memref<100x128xf32, #tpu.memory_space<vmem>>) dst(%dma_wait3A_102 : memref<10240x128xf32, #tpu.memory_space<vmem_shared>>)
      %dma_start3A_103 = arith.constant 3 : i32
      %dma_start3A_104 = arith.constant 0 : i32
      %dma_start3A_105 = tpu.memref_slice %arg7[%dma_start3A_103, %dma_start3A_104] : memref<25x100xi32, #tpu.memory_space<vmem>> -> memref<1x100xi32, #tpu.memory_space<vmem>>
      %dma_start3A_106 = tpu.memref_squeeze %dma_start3A_105 : memref<1x100xi32, #tpu.memory_space<vmem>> -> memref<100xi32, #tpu.memory_space<vmem>>
      %dma_start3A_107 = arith.constant 0 : i32
      %dma_start3A_108 = arith.constant 0 : i32
      %dma_start3A_109 = tpu.memref_slice %arg4[%dma_start3A_107, %dma_start3A_108] : memref<10240x128xf32, #tpu.memory_space<hbm>> -> memref<10240x128xf32, #tpu.memory_space<hbm>>
      tpu.enqueue_indirect_dma source(%dma_start3A_109 : memref<10240x128xf32, #tpu.memory_space<hbm>>) target(%arg9 : memref<100x128xf32, #tpu.memory_space<vmem>>) offsets(%dma_start3A_106 : memref<100xi32, #tpu.memory_space<vmem>>) semaphore(%arg13 : memref<!tpu.dma_semaphore, #tpu.memory_space<semaphore_mem>>)
      %dma_wait3A_110 = arith.constant 1 : i32
      %dma_wait3A_111 = arith.constant 0 : i32
      %dma_wait3A_112 = tpu.memref_slice %arg7[%dma_wait3A_110, %dma_wait3A_111] : memref<25x100xi32, #tpu.memory_space<vmem>> -> memref<1x100xi32, #tpu.memory_space<vmem>>
      %dma_wait3A_113 = tpu.memref_squeeze %dma_wait3A_112 : memref<1x100xi32, #tpu.memory_space<vmem>> -> memref<100xi32, #tpu.memory_space<vmem>>
      %dma_wait3A_114 = arith.constant 0 : i32
      %dma_wait3A_115 = arith.constant 0 : i32
      %dma_wait3A_116 = tpu.memref_slice %arg4[%dma_wait3A_114, %dma_wait3A_115] : memref<10240x128xf32, #tpu.memory_space<hbm>> -> memref<10240x128xf32, #tpu.memory_space<hbm>>
      tpu.wait_indirect_dma semaphore(%arg14 : memref<!tpu.dma_semaphore, #tpu.memory_space<semaphore_mem>>) src(%dma_wait3A_116 : memref<10240x128xf32, #tpu.memory_space<hbm>>) dst(%arg10 : memref<100x128xf32, #tpu.memory_space<vmem>>)
      %dma_start3A_117 = arith.constant 1 : i32
      %dma_start3A_118 = arith.constant 0 : i32
      %dma_start3A_119 = tpu.memref_slice %arg8[%dma_start3A_117, %dma_start3A_118] : memref<25x100xi32, #tpu.memory_space<vmem>> -> memref<1x100xi32, #tpu.memory_space<vmem>>
      %dma_start3A_120 = tpu.memref_squeeze %dma_start3A_119 : memref<1x100xi32, #tpu.memory_space<vmem>> -> memref<100xi32, #tpu.memory_space<vmem>>
      %dma_start3A_121 = arith.constant 0 : i32
      %dma_start3A_122 = arith.constant 0 : i32
      %dma_start3A_123 = tpu.memref_slice %arg12[%dma_start3A_121, %dma_start3A_122] : memref<10240x128xf32, #tpu.memory_space<vmem_shared>> -> memref<10240x128xf32, #tpu.memory_space<vmem_shared>>
      tpu.enqueue_indirect_dma source(%arg10 : memref<100x128xf32, #tpu.memory_space<vmem>>) target(%dma_start3A_123 : memref<10240x128xf32, #tpu.memory_space<vmem_shared>>) offsets(%dma_start3A_120 : memref<100xi32, #tpu.memory_space<vmem>>) semaphore(%arg17 : memref<!tpu.dma_semaphore, #tpu.memory_space<semaphore_mem>>) {add = true}
      %dma_wait3A_124 = arith.constant 1 : i32
      %dma_wait3A_125 = arith.constant 0 : i32
      %dma_wait3A_126 = tpu.memref_slice %arg8[%dma_wait3A_124, %dma_wait3A_125] : memref<25x100xi32, #tpu.memory_space<vmem>> -> memref<1x100xi32, #tpu.memory_space<vmem>>
      %dma_wait3A_127 = tpu.memref_squeeze %dma_wait3A_126 : memref<1x100xi32, #tpu.memory_space<vmem>> -> memref<100xi32, #tpu.memory_space<vmem>>
      %dma_wait3A_128 = arith.constant 0 : i32
      %dma_wait3A_129 = arith.constant 0 : i32
      %dma_wait3A_130 = tpu.memref_slice %arg12[%dma_wait3A_128, %dma_wait3A_129] : memref<10240x128xf32, #tpu.memory_space<vmem_shared>> -> memref<10240x128xf32, #tpu.memory_space<vmem_shared>>
      tpu.wait_indirect_dma semaphore(%arg17 : memref<!tpu.dma_semaphore, #tpu.memory_space<semaphore_mem>>) src(%arg10 : memref<100x128xf32, #tpu.memory_space<vmem>>) dst(%dma_wait3A_130 : memref<10240x128xf32, #tpu.memory_space<vmem_shared>>)
      %dma_start3A_131 = arith.constant 4 : i32
      %dma_start3A_132 = arith.constant 0 : i32
      %dma_start3A_133 = tpu.memref_slice %arg7[%dma_start3A_131, %dma_start3A_132] : memref<25x100xi32, #tpu.memory_space<vmem>> -> memref<1x100xi32, #tpu.memory_space<vmem>>
      %dma_start3A_134 = tpu.memref_squeeze %dma_start3A_133 : memref<1x100xi32, #tpu.memory_space<vmem>> -> memref<100xi32, #tpu.memory_space<vmem>>
      %dma_start3A_135 = arith.constant 0 : i32
      %dma_start3A_136 = arith.constant 0 : i32
      %dma_start3A_137 = tpu.memref_slice %arg4[%dma_start3A_135, %dma_start3A_136] : memref<10240x128xf32, #tpu.memory_space<hbm>> -> memref<10240x128xf32, #tpu.memory_space<hbm>>
      tpu.enqueue_indirect_dma source(%dma_start3A_137 : memref<10240x128xf32, #tpu.memory_space<hbm>>) target(%arg10 : memref<100x128xf32, #tpu.memory_space<vmem>>) offsets(%dma_start3A_134 : memref<100xi32, #tpu.memory_space<vmem>>) semaphore(%arg14 : memref<!tpu.dma_semaphore, #tpu.memory_space<semaphore_mem>>)
      %dma_wait3A_138 = arith.constant 2 : i32
      %dma_wait3A_139 = arith.constant 0 : i32
      %dma_wait3A_140 = tpu.memref_slice %arg7[%dma_wait3A_138, %dma_wait3A_139] : memref<25x100xi32, #tpu.memory_space<vmem>> -> memref<1x100xi32, #tpu.memory_space<vmem>>
      %dma_wait3A_141 = tpu.memref_squeeze %dma_wait3A_140 : memref<1x100xi32, #tpu.memory_space<vmem>> -> memref<100xi32, #tpu.memory_space<vmem>>
      %dma_wait3A_142 = arith.constant 0 : i32
      %dma_wait3A_143 = arith.constant 0 : i32
      %dma_wait3A_144 = tpu.memref_slice %arg4[%dma_wait3A_142, %dma_wait3A_143] : memref<10240x128xf32, #tpu.memory_space<hbm>> -> memref<10240x128xf32, #tpu.memory_space<hbm>>
      tpu.wait_indirect_dma semaphore(%arg15 : memref<!tpu.dma_semaphore, #tpu.memory_space<semaphore_mem>>) src(%dma_wait3A_144 : memref<10240x128xf32, #tpu.memory_space<hbm>>) dst(%arg11 : memref<100x128xf32, #tpu.memory_space<vmem>>)
      %dma_start3A_145 = arith.constant 2 : i32
      %dma_start3A_146 = arith.constant 0 : i32
      %dma_start3A_147 = tpu.memref_slice %arg8[%dma_start3A_145, %dma_start3A_146] : memref<25x100xi32, #tpu.memory_space<vmem>> -> memref<1x100xi32, #tpu.memory_space<vmem>>
      %dma_start3A_148 = tpu.memref_squeeze %dma_start3A_147 : memref<1x100xi32, #tpu.memory_space<vmem>> -> memref<100xi32, #tpu.memory_space<vmem>>
      %dma_start3A_149 = arith.constant 0 : i32
      %dma_start3A_150 = arith.constant 0 : i32
      %dma_start3A_151 = tpu.memref_slice %arg12[%dma_start3A_149, %dma_start3A_150] : memref<10240x128xf32, #tpu.memory_space<vmem_shared>> -> memref<10240x128xf32, #tpu.memory_space<vmem_shared>>
      tpu.enqueue_indirect_dma source(%arg11 : memref<100x128xf32, #tpu.memory_space<vmem>>) target(%dma_start3A_151 : memref<10240x128xf32, #tpu.memory_space<vmem_shared>>) offsets(%dma_start3A_148 : memref<100xi32, #tpu.memory_space<vmem>>) semaphore(%arg18 : memref<!tpu.dma_semaphore, #tpu.memory_space<semaphore_mem>>) {add = true}
      %dma_wait3A_152 = arith.constant 2 : i32
      %dma_wait3A_153 = arith.constant 0 : i32
      %dma_wait3A_154 = tpu.memref_slice %arg8[%dma_wait3A_152, %dma_wait3A_153] : memref<25x100xi32, #tpu.memory_space<vmem>> -> memref<1x100xi32, #tpu.memory_space<vmem>>
      %dma_wait3A_155 = tpu.memref_squeeze %dma_wait3A_154 : memref<1x100xi32, #tpu.memory_space<vmem>> -> memref<100xi32, #tpu.memory_space<vmem>>
      %dma_wait3A_156 = arith.constant 0 : i32
      %dma_wait3A_157 = arith.constant 0 : i32
      %dma_wait3A_158 = tpu.memref_slice %arg12[%dma_wait3A_156, %dma_wait3A_157] : memref<10240x128xf32, #tpu.memory_space<vmem_shared>> -> memref<10240x128xf32, #tpu.memory_space<vmem_shared>>
      tpu.wait_indirect_dma semaphore(%arg18 : memref<!tpu.dma_semaphore, #tpu.memory_space<semaphore_mem>>) src(%arg11 : memref<100x128xf32, #tpu.memory_space<vmem>>) dst(%dma_wait3A_158 : memref<10240x128xf32, #tpu.memory_space<vmem_shared>>)
      %dma_start3A_159 = arith.constant 5 : i32
      %dma_start3A_160 = arith.constant 0 : i32
      %dma_start3A_161 = tpu.memref_slice %arg7[%dma_start3A_159, %dma_start3A_160] : memref<25x100xi32, #tpu.memory_space<vmem>> -> memref<1x100xi32, #tpu.memory_space<vmem>>
      %dma_start3A_162 = tpu.memref_squeeze %dma_start3A_161 : memref<1x100xi32, #tpu.memory_space<vmem>> -> memref<100xi32, #tpu.memory_space<vmem>>
      %dma_start3A_163 = arith.constant 0 : i32
      %dma_start3A_164 = arith.constant 0 : i32
      %dma_start3A_165 = tpu.memref_slice %arg4[%dma_start3A_163, %dma_start3A_164] : memref<10240x128xf32, #tpu.memory_space<hbm>> -> memref<10240x128xf32, #tpu.memory_space<hbm>>
      tpu.enqueue_indirect_dma source(%dma_start3A_165 : memref<10240x128xf32, #tpu.memory_space<hbm>>) target(%arg11 : memref<100x128xf32, #tpu.memory_space<vmem>>) offsets(%dma_start3A_162 : memref<100xi32, #tpu.memory_space<vmem>>) semaphore(%arg15 : memref<!tpu.dma_semaphore, #tpu.memory_space<semaphore_mem>>)
      %dma_wait3A_166 = arith.constant 3 : i32
      %dma_wait3A_167 = arith.constant 0 : i32
      %dma_wait3A_168 = tpu.memref_slice %arg7[%dma_wait3A_166, %dma_wait3A_167] : memref<25x100xi32, #tpu.memory_space<vmem>> -> memref<1x100xi32, #tpu.memory_space<vmem>>
      %dma_wait3A_169 = tpu.memref_squeeze %dma_wait3A_168 : memref<1x100xi32, #tpu.memory_space<vmem>> -> memref<100xi32, #tpu.memory_space<vmem>>
      %dma_wait3A_170 = arith.constant 0 : i32
      %dma_wait3A_171 = arith.constant 0 : i32
      %dma_wait3A_172 = tpu.memref_slice %arg4[%dma_wait3A_170, %dma_wait3A_171] : memref<10240x128xf32, #tpu.memory_space<hbm>> -> memref<10240x128xf32, #tpu.memory_space<hbm>>
      tpu.wait_indirect_dma semaphore(%arg13 : memref<!tpu.dma_semaphore, #tpu.memory_space<semaphore_mem>>) src(%dma_wait3A_172 : memref<10240x128xf32, #tpu.memory_space<hbm>>) dst(%arg9 : memref<100x128xf32, #tpu.memory_space<vmem>>)
      %dma_start3A_173 = arith.constant 3 : i32
      %dma_start3A_174 = arith.constant 0 : i32
      %dma_start3A_175 = tpu.memref_slice %arg8[%dma_start3A_173, %dma_start3A_174] : memref<25x100xi32, #tpu.memory_space<vmem>> -> memref<1x100xi32, #tpu.memory_space<vmem>>
      %dma_start3A_176 = tpu.memref_squeeze %dma_start3A_175 : memref<1x100xi32, #tpu.memory_space<vmem>> -> memref<100xi32, #tpu.memory_space<vmem>>
      %dma_start3A_177 = arith.constant 0 : i32
      %dma_start3A_178 = arith.constant 0 : i32
      %dma_start3A_179 = tpu.memref_slice %arg12[%dma_start3A_177, %dma_start3A_178] : memref<10240x128xf32, #tpu.memory_space<vmem_shared>> -> memref<10240x128xf32, #tpu.memory_space<vmem_shared>>
      tpu.enqueue_indirect_dma source(%arg9 : memref<100x128xf32, #tpu.memory_space<vmem>>) target(%dma_start3A_179 : memref<10240x128xf32, #tpu.memory_space<vmem_shared>>) offsets(%dma_start3A_176 : memref<100xi32, #tpu.memory_space<vmem>>) semaphore(%arg16 : memref<!tpu.dma_semaphore, #tpu.memory_space<semaphore_mem>>) {add = true}
      %dma_wait3A_180 = arith.constant 3 : i32
      %dma_wait3A_181 = arith.constant 0 : i32
      %dma_wait3A_182 = tpu.memref_slice %arg8[%dma_wait3A_180, %dma_wait3A_181] : memref<25x100xi32, #tpu.memory_space<vmem>> -> memref<1x100xi32, #tpu.memory_space<vmem>>
      %dma_wait3A_183 = tpu.memref_squeeze %dma_wait3A_182 : memref<1x100xi32, #tpu.memory_space<vmem>> -> memref<100xi32, #tpu.memory_space<vmem>>
      %dma_wait3A_184 = arith.constant 0 : i32
      %dma_wait3A_185 = arith.constant 0 : i32
      %dma_wait3A_186 = tpu.memref_slice %arg12[%dma_wait3A_184, %dma_wait3A_185] : memref<10240x128xf32, #tpu.memory_space<vmem_shared>> -> memref<10240x128xf32, #tpu.memory_space<vmem_shared>>
      tpu.wait_indirect_dma semaphore(%arg16 : memref<!tpu.dma_semaphore, #tpu.memory_space<semaphore_mem>>) src(%arg9 : memref<100x128xf32, #tpu.memory_space<vmem>>) dst(%dma_wait3A_186 : memref<10240x128xf32, #tpu.memory_space<vmem_shared>>)
      %dma_start3A_187 = arith.constant 6 : i32
      %dma_start3A_188 = arith.constant 0 : i32
      %dma_start3A_189 = tpu.memref_slice %arg7[%dma_start3A_187, %dma_start3A_188] : memref<25x100xi32, #tpu.memory_space<vmem>> -> memref<1x100xi32, #tpu.memory_space<vmem>>
      %dma_start3A_190 = tpu.memref_squeeze %dma_start3A_189 : memref<1x100xi32, #tpu.memory_space<vmem>> -> memref<100xi32, #tpu.memory_space<vmem>>
      %dma_start3A_191 = arith.constant 0 : i32
      %dma_start3A_192 = arith.constant 0 : i32
      %dma_start3A_193 = tpu.memref_slice %arg4[%dma_start3A_191, %dma_start3A_192] : memref<10240x128xf32, #tpu.memory_space<hbm>> -> memref<10240x128xf32, #tpu.memory_space<hbm>>
      tpu.enqueue_indirect_dma source(%dma_start3A_193 : memref<10240x128xf32, #tpu.memory_space<hbm>>) target(%arg9 : memref<100x128xf32, #tpu.memory_space<vmem>>) offsets(%dma_start3A_190 : memref<100xi32, #tpu.memory_space<vmem>>) semaphore(%arg13 : memref<!tpu.dma_semaphore, #tpu.memory_space<semaphore_mem>>)
      %dma_wait3A_194 = arith.constant 4 : i32
      %dma_wait3A_195 = arith.constant 0 : i32
      %dma_wait3A_196 = tpu.memref_slice %arg7[%dma_wait3A_194, %dma_wait3A_195] : memref<25x100xi32, #tpu.memory_space<vmem>> -> memref<1x100xi32, #tpu.memory_space<vmem>>
      %dma_wait3A_197 = tpu.memref_squeeze %dma_wait3A_196 : memref<1x100xi32, #tpu.memory_space<vmem>> -> memref<100xi32, #tpu.memory_space<vmem>>
      %dma_wait3A_198 = arith.constant 0 : i32
      %dma_wait3A_199 = arith.constant 0 : i32
      %dma_wait3A_200 = tpu.memref_slice %arg4[%dma_wait3A_198, %dma_wait3A_199] : memref<10240x128xf32, #tpu.memory_space<hbm>> -> memref<10240x128xf32, #tpu.memory_space<hbm>>
      tpu.wait_indirect_dma semaphore(%arg14 : memref<!tpu.dma_semaphore, #tpu.memory_space<semaphore_mem>>) src(%dma_wait3A_200 : memref<10240x128xf32, #tpu.memory_space<hbm>>) dst(%arg10 : memref<100x128xf32, #tpu.memory_space<vmem>>)
      %dma_start3A_201 = arith.constant 4 : i32
      %dma_start3A_202 = arith.constant 0 : i32
      %dma_start3A_203 = tpu.memref_slice %arg8[%dma_start3A_201, %dma_start3A_202] : memref<25x100xi32, #tpu.memory_space<vmem>> -> memref<1x100xi32, #tpu.memory_space<vmem>>
      %dma_start3A_204 = tpu.memref_squeeze %dma_start3A_203 : memref<1x100xi32, #tpu.memory_space<vmem>> -> memref<100xi32, #tpu.memory_space<vmem>>
      %dma_start3A_205 = arith.constant 0 : i32
      %dma_start3A_206 = arith.constant 0 : i32
      %dma_start3A_207 = tpu.memref_slice %arg12[%dma_start3A_205, %dma_start3A_206] : memref<10240x128xf32, #tpu.memory_space<vmem_shared>> -> memref<10240x128xf32, #tpu.memory_space<vmem_shared>>
      tpu.enqueue_indirect_dma source(%arg10 : memref<100x128xf32, #tpu.memory_space<vmem>>) target(%dma_start3A_207 : memref<10240x128xf32, #tpu.memory_space<vmem_shared>>) offsets(%dma_start3A_204 : memref<100xi32, #tpu.memory_space<vmem>>) semaphore(%arg17 : memref<!tpu.dma_semaphore, #tpu.memory_space<semaphore_mem>>) {add = true}
      %dma_wait3A_208 = arith.constant 4 : i32
      %dma_wait3A_209 = arith.constant 0 : i32
      %dma_wait3A_210 = tpu.memref_slice %arg8[%dma_wait3A_208, %dma_wait3A_209] : memref<25x100xi32, #tpu.memory_space<vmem>> -> memref<1x100xi32, #tpu.memory_space<vmem>>
      %dma_wait3A_211 = tpu.memref_squeeze %dma_wait3A_210 : memref<1x100xi32, #tpu.memory_space<vmem>> -> memref<100xi32, #tpu.memory_space<vmem>>
      %dma_wait3A_212 = arith.constant 0 : i32
      %dma_wait3A_213 = arith.constant 0 : i32
      %dma_wait3A_214 = tpu.memref_slice %arg12[%dma_wait3A_212, %dma_wait3A_213] : memref<10240x128xf32, #tpu.memory_space<vmem_shared>> -> memref<10240x128xf32, #tpu.memory_space<vmem_shared>>
      tpu.wait_indirect_dma semaphore(%arg17 : memref<!tpu.dma_semaphore, #tpu.memory_space<semaphore_mem>>) src(%arg10 : memref<100x128xf32, #tpu.memory_space<vmem>>) dst(%dma_wait3A_214 : memref<10240x128xf32, #tpu.memory_space<vmem_shared>>)
      %dma_start3A_215 = arith.constant 7 : i32
      %dma_start3A_216 = arith.constant 0 : i32
      %dma_start3A_217 = tpu.memref_slice %arg7[%dma_start3A_215, %dma_start3A_216] : memref<25x100xi32, #tpu.memory_space<vmem>> -> memref<1x100xi32, #tpu.memory_space<vmem>>
      %dma_start3A_218 = tpu.memref_squeeze %dma_start3A_217 : memref<1x100xi32, #tpu.memory_space<vmem>> -> memref<100xi32, #tpu.memory_space<vmem>>
      %dma_start3A_219 = arith.constant 0 : i32
      %dma_start3A_220 = arith.constant 0 : i32
      %dma_start3A_221 = tpu.memref_slice %arg4[%dma_start3A_219, %dma_start3A_220] : memref<10240x128xf32, #tpu.memory_space<hbm>> -> memref<10240x128xf32, #tpu.memory_space<hbm>>
      tpu.enqueue_indirect_dma source(%dma_start3A_221 : memref<10240x128xf32, #tpu.memory_space<hbm>>) target(%arg10 : memref<100x128xf32, #tpu.memory_space<vmem>>) offsets(%dma_start3A_218 : memref<100xi32, #tpu.memory_space<vmem>>) semaphore(%arg14 : memref<!tpu.dma_semaphore, #tpu.memory_space<semaphore_mem>>)
      %dma_wait3A_222 = arith.constant 5 : i32
      %dma_wait3A_223 = arith.constant 0 : i32
      %dma_wait3A_224 = tpu.memref_slice %arg7[%dma_wait3A_222, %dma_wait3A_223] : memref<25x100xi32, #tpu.memory_space<vmem>> -> memref<1x100xi32, #tpu.memory_space<vmem>>
      %dma_wait3A_225 = tpu.memref_squeeze %dma_wait3A_224 : memref<1x100xi32, #tpu.memory_space<vmem>> -> memref<100xi32, #tpu.memory_space<vmem>>
      %dma_wait3A_226 = arith.constant 0 : i32
      %dma_wait3A_227 = arith.constant 0 : i32
      %dma_wait3A_228 = tpu.memref_slice %arg4[%dma_wait3A_226, %dma_wait3A_227] : memref<10240x128xf32, #tpu.memory_space<hbm>> -> memref<10240x128xf32, #tpu.memory_space<hbm>>
      tpu.wait_indirect_dma semaphore(%arg15 : memref<!tpu.dma_semaphore, #tpu.memory_space<semaphore_mem>>) src(%dma_wait3A_228 : memref<10240x128xf32, #tpu.memory_space<hbm>>) dst(%arg11 : memref<100x128xf32, #tpu.memory_space<vmem>>)
      %dma_start3A_229 = arith.constant 5 : i32
      %dma_start3A_230 = arith.constant 0 : i32
      %dma_start3A_231 = tpu.memref_slice %arg8[%dma_start3A_229, %dma_start3A_230] : memref<25x100xi32, #tpu.memory_space<vmem>> -> memref<1x100xi32, #tpu.memory_space<vmem>>
      %dma_start3A_232 = tpu.memref_squeeze %dma_start3A_231 : memref<1x100xi32, #tpu.memory_space<vmem>> -> memref<100xi32, #tpu.memory_space<vmem>>
      %dma_start3A_233 = arith.constant 0 : i32
      %dma_start3A_234 = arith.constant 0 : i32
      %dma_start3A_235 = tpu.memref_slice %arg12[%dma_start3A_233, %dma_start3A_234] : memref<10240x128xf32, #tpu.memory_space<vmem_shared>> -> memref<10240x128xf32, #tpu.memory_space<vmem_shared>>
      tpu.enqueue_indirect_dma source(%arg11 : memref<100x128xf32, #tpu.memory_space<vmem>>) target(%dma_start3A_235 : memref<10240x128xf32, #tpu.memory_space<vmem_shared>>) offsets(%dma_start3A_232 : memref<100xi32, #tpu.memory_space<vmem>>) semaphore(%arg18 : memref<!tpu.dma_semaphore, #tpu.memory_space<semaphore_mem>>) {add = true}
      %dma_wait3A_236 = arith.constant 5 : i32
      %dma_wait3A_237 = arith.constant 0 : i32
      %dma_wait3A_238 = tpu.memref_slice %arg8[%dma_wait3A_236, %dma_wait3A_237] : memref<25x100xi32, #tpu.memory_space<vmem>> -> memref<1x100xi32, #tpu.memory_space<vmem>>
      %dma_wait3A_239 = tpu.memref_squeeze %dma_wait3A_238 : memref<1x100xi32, #tpu.memory_space<vmem>> -> memref<100xi32, #tpu.memory_space<vmem>>
      %dma_wait3A_240 = arith.constant 0 : i32
      %dma_wait3A_241 = arith.constant 0 : i32
      %dma_wait3A_242 = tpu.memref_slice %arg12[%dma_wait3A_240, %dma_wait3A_241] : memref<10240x128xf32, #tpu.memory_space<vmem_shared>> -> memref<10240x128xf32, #tpu.memory_space<vmem_shared>>
      tpu.wait_indirect_dma semaphore(%arg18 : memref<!tpu.dma_semaphore, #tpu.memory_space<semaphore_mem>>) src(%arg11 : memref<100x128xf32, #tpu.memory_space<vmem>>) dst(%dma_wait3A_242 : memref<10240x128xf32, #tpu.memory_space<vmem_shared>>)
      %dma_start3A_243 = arith.constant 8 : i32
      %dma_start3A_244 = arith.constant 0 : i32
      %dma_start3A_245 = tpu.memref_slice %arg7[%dma_start3A_243, %dma_start3A_244] : memref<25x100xi32, #tpu.memory_space<vmem>> -> memref<1x100xi32, #tpu.memory_space<vmem>>
      %dma_start3A_246 = tpu.memref_squeeze %dma_start3A_245 : memref<1x100xi32, #tpu.memory_space<vmem>> -> memref<100xi32, #tpu.memory_space<vmem>>
      %dma_start3A_247 = arith.constant 0 : i32
      %dma_start3A_248 = arith.constant 0 : i32
      %dma_start3A_249 = tpu.memref_slice %arg4[%dma_start3A_247, %dma_start3A_248] : memref<10240x128xf32, #tpu.memory_space<hbm>> -> memref<10240x128xf32, #tpu.memory_space<hbm>>
      tpu.enqueue_indirect_dma source(%dma_start3A_249 : memref<10240x128xf32, #tpu.memory_space<hbm>>) target(%arg11 : memref<100x128xf32, #tpu.memory_space<vmem>>) offsets(%dma_start3A_246 : memref<100xi32, #tpu.memory_space<vmem>>) semaphore(%arg15 : memref<!tpu.dma_semaphore, #tpu.memory_space<semaphore_mem>>)
      %dma_wait3A_250 = arith.constant 6 : i32
      %dma_wait3A_251 = arith.constant 0 : i32
      %dma_wait3A_252 = tpu.memref_slice %arg7[%dma_wait3A_250, %dma_wait3A_251] : memref<25x100xi32, #tpu.memory_space<vmem>> -> memref<1x100xi32, #tpu.memory_space<vmem>>
      %dma_wait3A_253 = tpu.memref_squeeze %dma_wait3A_252 : memref<1x100xi32, #tpu.memory_space<vmem>> -> memref<100xi32, #tpu.memory_space<vmem>>
      %dma_wait3A_254 = arith.constant 0 : i32
      %dma_wait3A_255 = arith.constant 0 : i32
      %dma_wait3A_256 = tpu.memref_slice %arg4[%dma_wait3A_254, %dma_wait3A_255] : memref<10240x128xf32, #tpu.memory_space<hbm>> -> memref<10240x128xf32, #tpu.memory_space<hbm>>
      tpu.wait_indirect_dma semaphore(%arg13 : memref<!tpu.dma_semaphore, #tpu.memory_space<semaphore_mem>>) src(%dma_wait3A_256 : memref<10240x128xf32, #tpu.memory_space<hbm>>) dst(%arg9 : memref<100x128xf32, #tpu.memory_space<vmem>>)
      %dma_start3A_257 = arith.constant 6 : i32
      %dma_start3A_258 = arith.constant 0 : i32
      %dma_start3A_259 = tpu.memref_slice %arg8[%dma_start3A_257, %dma_start3A_258] : memref<25x100xi32, #tpu.memory_space<vmem>> -> memref<1x100xi32, #tpu.memory_space<vmem>>
      %dma_start3A_260 = tpu.memref_squeeze %dma_start3A_259 : memref<1x100xi32, #tpu.memory_space<vmem>> -> memref<100xi32, #tpu.memory_space<vmem>>
      %dma_start3A_261 = arith.constant 0 : i32
      %dma_start3A_262 = arith.constant 0 : i32
      %dma_start3A_263 = tpu.memref_slice %arg12[%dma_start3A_261, %dma_start3A_262] : memref<10240x128xf32, #tpu.memory_space<vmem_shared>> -> memref<10240x128xf32, #tpu.memory_space<vmem_shared>>
      tpu.enqueue_indirect_dma source(%arg9 : memref<100x128xf32, #tpu.memory_space<vmem>>) target(%dma_start3A_263 : memref<10240x128xf32, #tpu.memory_space<vmem_shared>>) offsets(%dma_start3A_260 : memref<100xi32, #tpu.memory_space<vmem>>) semaphore(%arg16 : memref<!tpu.dma_semaphore, #tpu.memory_space<semaphore_mem>>) {add = true}
      %dma_wait3A_264 = arith.constant 6 : i32
      %dma_wait3A_265 = arith.constant 0 : i32
      %dma_wait3A_266 = tpu.memref_slice %arg8[%dma_wait3A_264, %dma_wait3A_265] : memref<25x100xi32, #tpu.memory_space<vmem>> -> memref<1x100xi32, #tpu.memory_space<vmem>>
      %dma_wait3A_267 = tpu.memref_squeeze %dma_wait3A_266 : memref<1x100xi32, #tpu.memory_space<vmem>> -> memref<100xi32, #tpu.memory_space<vmem>>
      %dma_wait3A_268 = arith.constant 0 : i32
      %dma_wait3A_269 = arith.constant 0 : i32
      %dma_wait3A_270 = tpu.memref_slice %arg12[%dma_wait3A_268, %dma_wait3A_269] : memref<10240x128xf32, #tpu.memory_space<vmem_shared>> -> memref<10240x128xf32, #tpu.memory_space<vmem_shared>>
      tpu.wait_indirect_dma semaphore(%arg16 : memref<!tpu.dma_semaphore, #tpu.memory_space<semaphore_mem>>) src(%arg9 : memref<100x128xf32, #tpu.memory_space<vmem>>) dst(%dma_wait3A_270 : memref<10240x128xf32, #tpu.memory_space<vmem_shared>>)
      %dma_start3A_271 = arith.constant 9 : i32
      %dma_start3A_272 = arith.constant 0 : i32
      %dma_start3A_273 = tpu.memref_slice %arg7[%dma_start3A_271, %dma_start3A_272] : memref<25x100xi32, #tpu.memory_space<vmem>> -> memref<1x100xi32, #tpu.memory_space<vmem>>
      %dma_start3A_274 = tpu.memref_squeeze %dma_start3A_273 : memref<1x100xi32, #tpu.memory_space<vmem>> -> memref<100xi32, #tpu.memory_space<vmem>>
      %dma_start3A_275 = arith.constant 0 : i32
      %dma_start3A_276 = arith.constant 0 : i32
      %dma_start3A_277 = tpu.memref_slice %arg4[%dma_start3A_275, %dma_start3A_276] : memref<10240x128xf32, #tpu.memory_space<hbm>> -> memref<10240x128xf32, #tpu.memory_space<hbm>>
      tpu.enqueue_indirect_dma source(%dma_start3A_277 : memref<10240x128xf32, #tpu.memory_space<hbm>>) target(%arg9 : memref<100x128xf32, #tpu.memory_space<vmem>>) offsets(%dma_start3A_274 : memref<100xi32, #tpu.memory_space<vmem>>) semaphore(%arg13 : memref<!tpu.dma_semaphore, #tpu.memory_space<semaphore_mem>>)
      %dma_wait3A_278 = arith.constant 7 : i32
      %dma_wait3A_279 = arith.constant 0 : i32
      %dma_wait3A_280 = tpu.memref_slice %arg7[%dma_wait3A_278, %dma_wait3A_279] : memref<25x100xi32, #tpu.memory_space<vmem>> -> memref<1x100xi32, #tpu.memory_space<vmem>>
      %dma_wait3A_281 = tpu.memref_squeeze %dma_wait3A_280 : memref<1x100xi32, #tpu.memory_space<vmem>> -> memref<100xi32, #tpu.memory_space<vmem>>
      %dma_wait3A_282 = arith.constant 0 : i32
      %dma_wait3A_283 = arith.constant 0 : i32
      %dma_wait3A_284 = tpu.memref_slice %arg4[%dma_wait3A_282, %dma_wait3A_283] : memref<10240x128xf32, #tpu.memory_space<hbm>> -> memref<10240x128xf32, #tpu.memory_space<hbm>>
      tpu.wait_indirect_dma semaphore(%arg14 : memref<!tpu.dma_semaphore, #tpu.memory_space<semaphore_mem>>) src(%dma_wait3A_284 : memref<10240x128xf32, #tpu.memory_space<hbm>>) dst(%arg10 : memref<100x128xf32, #tpu.memory_space<vmem>>)
      %dma_start3A_285 = arith.constant 7 : i32
      %dma_start3A_286 = arith.constant 0 : i32
      %dma_start3A_287 = tpu.memref_slice %arg8[%dma_start3A_285, %dma_start3A_286] : memref<25x100xi32, #tpu.memory_space<vmem>> -> memref<1x100xi32, #tpu.memory_space<vmem>>
      %dma_start3A_288 = tpu.memref_squeeze %dma_start3A_287 : memref<1x100xi32, #tpu.memory_space<vmem>> -> memref<100xi32, #tpu.memory_space<vmem>>
      %dma_start3A_289 = arith.constant 0 : i32
      %dma_start3A_290 = arith.constant 0 : i32
      %dma_start3A_291 = tpu.memref_slice %arg12[%dma_start3A_289, %dma_start3A_290] : memref<10240x128xf32, #tpu.memory_space<vmem_shared>> -> memref<10240x128xf32, #tpu.memory_space<vmem_shared>>
      tpu.enqueue_indirect_dma source(%arg10 : memref<100x128xf32, #tpu.memory_space<vmem>>) target(%dma_start3A_291 : memref<10240x128xf32, #tpu.memory_space<vmem_shared>>) offsets(%dma_start3A_288 : memref<100xi32, #tpu.memory_space<vmem>>) semaphore(%arg17 : memref<!tpu.dma_semaphore, #tpu.memory_space<semaphore_mem>>) {add = true}
      %dma_wait3A_292 = arith.constant 7 : i32
      %dma_wait3A_293 = arith.constant 0 : i32
      %dma_wait3A_294 = tpu.memref_slice %arg8[%dma_wait3A_292, %dma_wait3A_293] : memref<25x100xi32, #tpu.memory_space<vmem>> -> memref<1x100xi32, #tpu.memory_space<vmem>>
      %dma_wait3A_295 = tpu.memref_squeeze %dma_wait3A_294 : memref<1x100xi32, #tpu.memory_space<vmem>> -> memref<100xi32, #tpu.memory_space<vmem>>
      %dma_wait3A_296 = arith.constant 0 : i32
      %dma_wait3A_297 = arith.constant 0 : i32
      %dma_wait3A_298 = tpu.memref_slice %arg12[%dma_wait3A_296, %dma_wait3A_297] : memref<10240x128xf32, #tpu.memory_space<vmem_shared>> -> memref<10240x128xf32, #tpu.memory_space<vmem_shared>>
      tpu.wait_indirect_dma semaphore(%arg17 : memref<!tpu.dma_semaphore, #tpu.memory_space<semaphore_mem>>) src(%arg10 : memref<100x128xf32, #tpu.memory_space<vmem>>) dst(%dma_wait3A_298 : memref<10240x128xf32, #tpu.memory_space<vmem_shared>>)
      %dma_start3A_299 = arith.constant 10 : i32
      %dma_start3A_300 = arith.constant 0 : i32
      %dma_start3A_301 = tpu.memref_slice %arg7[%dma_start3A_299, %dma_start3A_300] : memref<25x100xi32, #tpu.memory_space<vmem>> -> memref<1x100xi32, #tpu.memory_space<vmem>>
      %dma_start3A_302 = tpu.memref_squeeze %dma_start3A_301 : memref<1x100xi32, #tpu.memory_space<vmem>> -> memref<100xi32, #tpu.memory_space<vmem>>
      %dma_start3A_303 = arith.constant 0 : i32
      %dma_start3A_304 = arith.constant 0 : i32
      %dma_start3A_305 = tpu.memref_slice %arg4[%dma_start3A_303, %dma_start3A_304] : memref<10240x128xf32, #tpu.memory_space<hbm>> -> memref<10240x128xf32, #tpu.memory_space<hbm>>
      tpu.enqueue_indirect_dma source(%dma_start3A_305 : memref<10240x128xf32, #tpu.memory_space<hbm>>) target(%arg10 : memref<100x128xf32, #tpu.memory_space<vmem>>) offsets(%dma_start3A_302 : memref<100xi32, #tpu.memory_space<vmem>>) semaphore(%arg14 : memref<!tpu.dma_semaphore, #tpu.memory_space<semaphore_mem>>)
      %dma_wait3A_306 = arith.constant 8 : i32
      %dma_wait3A_307 = arith.constant 0 : i32
      %dma_wait3A_308 = tpu.memref_slice %arg7[%dma_wait3A_306, %dma_wait3A_307] : memref<25x100xi32, #tpu.memory_space<vmem>> -> memref<1x100xi32, #tpu.memory_space<vmem>>
      %dma_wait3A_309 = tpu.memref_squeeze %dma_wait3A_308 : memref<1x100xi32, #tpu.memory_space<vmem>> -> memref<100xi32, #tpu.memory_space<vmem>>
      %dma_wait3A_310 = arith.constant 0 : i32
      %dma_wait3A_311 = arith.constant 0 : i32
      %dma_wait3A_312 = tpu.memref_slice %arg4[%dma_wait3A_310, %dma_wait3A_311] : memref<10240x128xf32, #tpu.memory_space<hbm>> -> memref<10240x128xf32, #tpu.memory_space<hbm>>
      tpu.wait_indirect_dma semaphore(%arg15 : memref<!tpu.dma_semaphore, #tpu.memory_space<semaphore_mem>>) src(%dma_wait3A_312 : memref<10240x128xf32, #tpu.memory_space<hbm>>) dst(%arg11 : memref<100x128xf32, #tpu.memory_space<vmem>>)
      %dma_start3A_313 = arith.constant 8 : i32
      %dma_start3A_314 = arith.constant 0 : i32
      %dma_start3A_315 = tpu.memref_slice %arg8[%dma_start3A_313, %dma_start3A_314] : memref<25x100xi32, #tpu.memory_space<vmem>> -> memref<1x100xi32, #tpu.memory_space<vmem>>
      %dma_start3A_316 = tpu.memref_squeeze %dma_start3A_315 : memref<1x100xi32, #tpu.memory_space<vmem>> -> memref<100xi32, #tpu.memory_space<vmem>>
      %dma_start3A_317 = arith.constant 0 : i32
      %dma_start3A_318 = arith.constant 0 : i32
      %dma_start3A_319 = tpu.memref_slice %arg12[%dma_start3A_317, %dma_start3A_318] : memref<10240x128xf32, #tpu.memory_space<vmem_shared>> -> memref<10240x128xf32, #tpu.memory_space<vmem_shared>>
      tpu.enqueue_indirect_dma source(%arg11 : memref<100x128xf32, #tpu.memory_space<vmem>>) target(%dma_start3A_319 : memref<10240x128xf32, #tpu.memory_space<vmem_shared>>) offsets(%dma_start3A_316 : memref<100xi32, #tpu.memory_space<vmem>>) semaphore(%arg18 : memref<!tpu.dma_semaphore, #tpu.memory_space<semaphore_mem>>) {add = true}
      %dma_wait3A_320 = arith.constant 8 : i32
      %dma_wait3A_321 = arith.constant 0 : i32
      %dma_wait3A_322 = tpu.memref_slice %arg8[%dma_wait3A_320, %dma_wait3A_321] : memref<25x100xi32, #tpu.memory_space<vmem>> -> memref<1x100xi32, #tpu.memory_space<vmem>>
      %dma_wait3A_323 = tpu.memref_squeeze %dma_wait3A_322 : memref<1x100xi32, #tpu.memory_space<vmem>> -> memref<100xi32, #tpu.memory_space<vmem>>
      %dma_wait3A_324 = arith.constant 0 : i32
      %dma_wait3A_325 = arith.constant 0 : i32
      %dma_wait3A_326 = tpu.memref_slice %arg12[%dma_wait3A_324, %dma_wait3A_325] : memref<10240x128xf32, #tpu.memory_space<vmem_shared>> -> memref<10240x128xf32, #tpu.memory_space<vmem_shared>>
      tpu.wait_indirect_dma semaphore(%arg18 : memref<!tpu.dma_semaphore, #tpu.memory_space<semaphore_mem>>) src(%arg11 : memref<100x128xf32, #tpu.memory_space<vmem>>) dst(%dma_wait3A_326 : memref<10240x128xf32, #tpu.memory_space<vmem_shared>>)
      %dma_start3A_327 = arith.constant 11 : i32
      %dma_start3A_328 = arith.constant 0 : i32
      %dma_start3A_329 = tpu.memref_slice %arg7[%dma_start3A_327, %dma_start3A_328] : memref<25x100xi32, #tpu.memory_space<vmem>> -> memref<1x100xi32, #tpu.memory_space<vmem>>
      %dma_start3A_330 = tpu.memref_squeeze %dma_start3A_329 : memref<1x100xi32, #tpu.memory_space<vmem>> -> memref<100xi32, #tpu.memory_space<vmem>>
      %dma_start3A_331 = arith.constant 0 : i32
      %dma_start3A_332 = arith.constant 0 : i32
      %dma_start3A_333 = tpu.memref_slice %arg4[%dma_start3A_331, %dma_start3A_332] : memref<10240x128xf32, #tpu.memory_space<hbm>> -> memref<10240x128xf32, #tpu.memory_space<hbm>>
      tpu.enqueue_indirect_dma source(%dma_start3A_333 : memref<10240x128xf32, #tpu.memory_space<hbm>>) target(%arg11 : memref<100x128xf32, #tpu.memory_space<vmem>>) offsets(%dma_start3A_330 : memref<100xi32, #tpu.memory_space<vmem>>) semaphore(%arg15 : memref<!tpu.dma_semaphore, #tpu.memory_space<semaphore_mem>>)
      %dma_wait3A_334 = arith.constant 9 : i32
      %dma_wait3A_335 = arith.constant 0 : i32
      %dma_wait3A_336 = tpu.memref_slice %arg7[%dma_wait3A_334, %dma_wait3A_335] : memref<25x100xi32, #tpu.memory_space<vmem>> -> memref<1x100xi32, #tpu.memory_space<vmem>>
      %dma_wait3A_337 = tpu.memref_squeeze %dma_wait3A_336 : memref<1x100xi32, #tpu.memory_space<vmem>> -> memref<100xi32, #tpu.memory_space<vmem>>
      %dma_wait3A_338 = arith.constant 0 : i32
      %dma_wait3A_339 = arith.constant 0 : i32
      %dma_wait3A_340 = tpu.memref_slice %arg4[%dma_wait3A_338, %dma_wait3A_339] : memref<10240x128xf32, #tpu.memory_space<hbm>> -> memref<10240x128xf32, #tpu.memory_space<hbm>>
      tpu.wait_indirect_dma semaphore(%arg13 : memref<!tpu.dma_semaphore, #tpu.memory_space<semaphore_mem>>) src(%dma_wait3A_340 : memref<10240x128xf32, #tpu.memory_space<hbm>>) dst(%arg9 : memref<100x128xf32, #tpu.memory_space<vmem>>)
      %dma_start3A_341 = arith.constant 9 : i32
      %dma_start3A_342 = arith.constant 0 : i32
      %dma_start3A_343 = tpu.memref_slice %arg8[%dma_start3A_341, %dma_start3A_342] : memref<25x100xi32, #tpu.memory_space<vmem>> -> memref<1x100xi32, #tpu.memory_space<vmem>>
      %dma_start3A_344 = tpu.memref_squeeze %dma_start3A_343 : memref<1x100xi32, #tpu.memory_space<vmem>> -> memref<100xi32, #tpu.memory_space<vmem>>
      %dma_start3A_345 = arith.constant 0 : i32
      %dma_start3A_346 = arith.constant 0 : i32
      %dma_start3A_347 = tpu.memref_slice %arg12[%dma_start3A_345, %dma_start3A_346] : memref<10240x128xf32, #tpu.memory_space<vmem_shared>> -> memref<10240x128xf32, #tpu.memory_space<vmem_shared>>
      tpu.enqueue_indirect_dma source(%arg9 : memref<100x128xf32, #tpu.memory_space<vmem>>) target(%dma_start3A_347 : memref<10240x128xf32, #tpu.memory_space<vmem_shared>>) offsets(%dma_start3A_344 : memref<100xi32, #tpu.memory_space<vmem>>) semaphore(%arg16 : memref<!tpu.dma_semaphore, #tpu.memory_space<semaphore_mem>>) {add = true}
      %dma_wait3A_348 = arith.constant 9 : i32
      %dma_wait3A_349 = arith.constant 0 : i32
      %dma_wait3A_350 = tpu.memref_slice %arg8[%dma_wait3A_348, %dma_wait3A_349] : memref<25x100xi32, #tpu.memory_space<vmem>> -> memref<1x100xi32, #tpu.memory_space<vmem>>
      %dma_wait3A_351 = tpu.memref_squeeze %dma_wait3A_350 : memref<1x100xi32, #tpu.memory_space<vmem>> -> memref<100xi32, #tpu.memory_space<vmem>>
      %dma_wait3A_352 = arith.constant 0 : i32
      %dma_wait3A_353 = arith.constant 0 : i32
      %dma_wait3A_354 = tpu.memref_slice %arg12[%dma_wait3A_352, %dma_wait3A_353] : memref<10240x128xf32, #tpu.memory_space<vmem_shared>> -> memref<10240x128xf32, #tpu.memory_space<vmem_shared>>
      tpu.wait_indirect_dma semaphore(%arg16 : memref<!tpu.dma_semaphore, #tpu.memory_space<semaphore_mem>>) src(%arg9 : memref<100x128xf32, #tpu.memory_space<vmem>>) dst(%dma_wait3A_354 : memref<10240x128xf32, #tpu.memory_space<vmem_shared>>)
      %dma_start3A_355 = arith.constant 12 : i32
      %dma_start3A_356 = arith.constant 0 : i32
      %dma_start3A_357 = tpu.memref_slice %arg7[%dma_start3A_355, %dma_start3A_356] : memref<25x100xi32, #tpu.memory_space<vmem>> -> memref<1x100xi32, #tpu.memory_space<vmem>>
      %dma_start3A_358 = tpu.memref_squeeze %dma_start3A_357 : memref<1x100xi32, #tpu.memory_space<vmem>> -> memref<100xi32, #tpu.memory_space<vmem>>
      %dma_start3A_359 = arith.constant 0 : i32
      %dma_start3A_360 = arith.constant 0 : i32
      %dma_start3A_361 = tpu.memref_slice %arg4[%dma_start3A_359, %dma_start3A_360] : memref<10240x128xf32, #tpu.memory_space<hbm>> -> memref<10240x128xf32, #tpu.memory_space<hbm>>
      tpu.enqueue_indirect_dma source(%dma_start3A_361 : memref<10240x128xf32, #tpu.memory_space<hbm>>) target(%arg9 : memref<100x128xf32, #tpu.memory_space<vmem>>) offsets(%dma_start3A_358 : memref<100xi32, #tpu.memory_space<vmem>>) semaphore(%arg13 : memref<!tpu.dma_semaphore, #tpu.memory_space<semaphore_mem>>)
      %dma_wait3A_362 = arith.constant 10 : i32
      %dma_wait3A_363 = arith.constant 0 : i32
      %dma_wait3A_364 = tpu.memref_slice %arg7[%dma_wait3A_362, %dma_wait3A_363] : memref<25x100xi32, #tpu.memory_space<vmem>> -> memref<1x100xi32, #tpu.memory_space<vmem>>
      %dma_wait3A_365 = tpu.memref_squeeze %dma_wait3A_364 : memref<1x100xi32, #tpu.memory_space<vmem>> -> memref<100xi32, #tpu.memory_space<vmem>>
      %dma_wait3A_366 = arith.constant 0 : i32
      %dma_wait3A_367 = arith.constant 0 : i32
      %dma_wait3A_368 = tpu.memref_slice %arg4[%dma_wait3A_366, %dma_wait3A_367] : memref<10240x128xf32, #tpu.memory_space<hbm>> -> memref<10240x128xf32, #tpu.memory_space<hbm>>
      tpu.wait_indirect_dma semaphore(%arg14 : memref<!tpu.dma_semaphore, #tpu.memory_space<semaphore_mem>>) src(%dma_wait3A_368 : memref<10240x128xf32, #tpu.memory_space<hbm>>) dst(%arg10 : memref<100x128xf32, #tpu.memory_space<vmem>>)
      %dma_start3A_369 = arith.constant 10 : i32
      %dma_start3A_370 = arith.constant 0 : i32
      %dma_start3A_371 = tpu.memref_slice %arg8[%dma_start3A_369, %dma_start3A_370] : memref<25x100xi32, #tpu.memory_space<vmem>> -> memref<1x100xi32, #tpu.memory_space<vmem>>
      %dma_start3A_372 = tpu.memref_squeeze %dma_start3A_371 : memref<1x100xi32, #tpu.memory_space<vmem>> -> memref<100xi32, #tpu.memory_space<vmem>>
      %dma_start3A_373 = arith.constant 0 : i32
      %dma_start3A_374 = arith.constant 0 : i32
      %dma_start3A_375 = tpu.memref_slice %arg12[%dma_start3A_373, %dma_start3A_374] : memref<10240x128xf32, #tpu.memory_space<vmem_shared>> -> memref<10240x128xf32, #tpu.memory_space<vmem_shared>>
      tpu.enqueue_indirect_dma source(%arg10 : memref<100x128xf32, #tpu.memory_space<vmem>>) target(%dma_start3A_375 : memref<10240x128xf32, #tpu.memory_space<vmem_shared>>) offsets(%dma_start3A_372 : memref<100xi32, #tpu.memory_space<vmem>>) semaphore(%arg17 : memref<!tpu.dma_semaphore, #tpu.memory_space<semaphore_mem>>) {add = true}
      %dma_wait3A_376 = arith.constant 10 : i32
      %dma_wait3A_377 = arith.constant 0 : i32
      %dma_wait3A_378 = tpu.memref_slice %arg8[%dma_wait3A_376, %dma_wait3A_377] : memref<25x100xi32, #tpu.memory_space<vmem>> -> memref<1x100xi32, #tpu.memory_space<vmem>>
      %dma_wait3A_379 = tpu.memref_squeeze %dma_wait3A_378 : memref<1x100xi32, #tpu.memory_space<vmem>> -> memref<100xi32, #tpu.memory_space<vmem>>
      %dma_wait3A_380 = arith.constant 0 : i32
      %dma_wait3A_381 = arith.constant 0 : i32
      %dma_wait3A_382 = tpu.memref_slice %arg12[%dma_wait3A_380, %dma_wait3A_381] : memref<10240x128xf32, #tpu.memory_space<vmem_shared>> -> memref<10240x128xf32, #tpu.memory_space<vmem_shared>>
      tpu.wait_indirect_dma semaphore(%arg17 : memref<!tpu.dma_semaphore, #tpu.memory_space<semaphore_mem>>) src(%arg10 : memref<100x128xf32, #tpu.memory_space<vmem>>) dst(%dma_wait3A_382 : memref<10240x128xf32, #tpu.memory_space<vmem_shared>>)
      %dma_start3A_383 = arith.constant 13 : i32
      %dma_start3A_384 = arith.constant 0 : i32
      %dma_start3A_385 = tpu.memref_slice %arg7[%dma_start3A_383, %dma_start3A_384] : memref<25x100xi32, #tpu.memory_space<vmem>> -> memref<1x100xi32, #tpu.memory_space<vmem>>
      %dma_start3A_386 = tpu.memref_squeeze %dma_start3A_385 : memref<1x100xi32, #tpu.memory_space<vmem>> -> memref<100xi32, #tpu.memory_space<vmem>>
      %dma_start3A_387 = arith.constant 0 : i32
      %dma_start3A_388 = arith.constant 0 : i32
      %dma_start3A_389 = tpu.memref_slice %arg4[%dma_start3A_387, %dma_start3A_388] : memref<10240x128xf32, #tpu.memory_space<hbm>> -> memref<10240x128xf32, #tpu.memory_space<hbm>>
      tpu.enqueue_indirect_dma source(%dma_start3A_389 : memref<10240x128xf32, #tpu.memory_space<hbm>>) target(%arg10 : memref<100x128xf32, #tpu.memory_space<vmem>>) offsets(%dma_start3A_386 : memref<100xi32, #tpu.memory_space<vmem>>) semaphore(%arg14 : memref<!tpu.dma_semaphore, #tpu.memory_space<semaphore_mem>>)
      %dma_wait3A_390 = arith.constant 11 : i32
      %dma_wait3A_391 = arith.constant 0 : i32
      %dma_wait3A_392 = tpu.memref_slice %arg7[%dma_wait3A_390, %dma_wait3A_391] : memref<25x100xi32, #tpu.memory_space<vmem>> -> memref<1x100xi32, #tpu.memory_space<vmem>>
      %dma_wait3A_393 = tpu.memref_squeeze %dma_wait3A_392 : memref<1x100xi32, #tpu.memory_space<vmem>> -> memref<100xi32, #tpu.memory_space<vmem>>
      %dma_wait3A_394 = arith.constant 0 : i32
      %dma_wait3A_395 = arith.constant 0 : i32
      %dma_wait3A_396 = tpu.memref_slice %arg4[%dma_wait3A_394, %dma_wait3A_395] : memref<10240x128xf32, #tpu.memory_space<hbm>> -> memref<10240x128xf32, #tpu.memory_space<hbm>>
      tpu.wait_indirect_dma semaphore(%arg15 : memref<!tpu.dma_semaphore, #tpu.memory_space<semaphore_mem>>) src(%dma_wait3A_396 : memref<10240x128xf32, #tpu.memory_space<hbm>>) dst(%arg11 : memref<100x128xf32, #tpu.memory_space<vmem>>)
      %dma_start3A_397 = arith.constant 11 : i32
      %dma_start3A_398 = arith.constant 0 : i32
      %dma_start3A_399 = tpu.memref_slice %arg8[%dma_start3A_397, %dma_start3A_398] : memref<25x100xi32, #tpu.memory_space<vmem>> -> memref<1x100xi32, #tpu.memory_space<vmem>>
      %dma_start3A_400 = tpu.memref_squeeze %dma_start3A_399 : memref<1x100xi32, #tpu.memory_space<vmem>> -> memref<100xi32, #tpu.memory_space<vmem>>
      %dma_start3A_401 = arith.constant 0 : i32
      %dma_start3A_402 = arith.constant 0 : i32
      %dma_start3A_403 = tpu.memref_slice %arg12[%dma_start3A_401, %dma_start3A_402] : memref<10240x128xf32, #tpu.memory_space<vmem_shared>> -> memref<10240x128xf32, #tpu.memory_space<vmem_shared>>
      tpu.enqueue_indirect_dma source(%arg11 : memref<100x128xf32, #tpu.memory_space<vmem>>) target(%dma_start3A_403 : memref<10240x128xf32, #tpu.memory_space<vmem_shared>>) offsets(%dma_start3A_400 : memref<100xi32, #tpu.memory_space<vmem>>) semaphore(%arg18 : memref<!tpu.dma_semaphore, #tpu.memory_space<semaphore_mem>>) {add = true}
      %dma_wait3A_404 = arith.constant 11 : i32
      %dma_wait3A_405 = arith.constant 0 : i32
      %dma_wait3A_406 = tpu.memref_slice %arg8[%dma_wait3A_404, %dma_wait3A_405] : memref<25x100xi32, #tpu.memory_space<vmem>> -> memref<1x100xi32, #tpu.memory_space<vmem>>
      %dma_wait3A_407 = tpu.memref_squeeze %dma_wait3A_406 : memref<1x100xi32, #tpu.memory_space<vmem>> -> memref<100xi32, #tpu.memory_space<vmem>>
      %dma_wait3A_408 = arith.constant 0 : i32
      %dma_wait3A_409 = arith.constant 0 : i32
      %dma_wait3A_410 = tpu.memref_slice %arg12[%dma_wait3A_408, %dma_wait3A_409] : memref<10240x128xf32, #tpu.memory_space<vmem_shared>> -> memref<10240x128xf32, #tpu.memory_space<vmem_shared>>
      tpu.wait_indirect_dma semaphore(%arg18 : memref<!tpu.dma_semaphore, #tpu.memory_space<semaphore_mem>>) src(%arg11 : memref<100x128xf32, #tpu.memory_space<vmem>>) dst(%dma_wait3A_410 : memref<10240x128xf32, #tpu.memory_space<vmem_shared>>)
      %dma_start3A_411 = arith.constant 14 : i32
      %dma_start3A_412 = arith.constant 0 : i32
      %dma_start3A_413 = tpu.memref_slice %arg7[%dma_start3A_411, %dma_start3A_412] : memref<25x100xi32, #tpu.memory_space<vmem>> -> memref<1x100xi32, #tpu.memory_space<vmem>>
      %dma_start3A_414 = tpu.memref_squeeze %dma_start3A_413 : memref<1x100xi32, #tpu.memory_space<vmem>> -> memref<100xi32, #tpu.memory_space<vmem>>
      %dma_start3A_415 = arith.constant 0 : i32
      %dma_start3A_416 = arith.constant 0 : i32
      %dma_start3A_417 = tpu.memref_slice %arg4[%dma_start3A_415, %dma_start3A_416] : memref<10240x128xf32, #tpu.memory_space<hbm>> -> memref<10240x128xf32, #tpu.memory_space<hbm>>
      tpu.enqueue_indirect_dma source(%dma_start3A_417 : memref<10240x128xf32, #tpu.memory_space<hbm>>) target(%arg11 : memref<100x128xf32, #tpu.memory_space<vmem>>) offsets(%dma_start3A_414 : memref<100xi32, #tpu.memory_space<vmem>>) semaphore(%arg15 : memref<!tpu.dma_semaphore, #tpu.memory_space<semaphore_mem>>)
      %dma_wait3A_418 = arith.constant 12 : i32
      %dma_wait3A_419 = arith.constant 0 : i32
      %dma_wait3A_420 = tpu.memref_slice %arg7[%dma_wait3A_418, %dma_wait3A_419] : memref<25x100xi32, #tpu.memory_space<vmem>> -> memref<1x100xi32, #tpu.memory_space<vmem>>
      %dma_wait3A_421 = tpu.memref_squeeze %dma_wait3A_420 : memref<1x100xi32, #tpu.memory_space<vmem>> -> memref<100xi32, #tpu.memory_space<vmem>>
      %dma_wait3A_422 = arith.constant 0 : i32
      %dma_wait3A_423 = arith.constant 0 : i32
      %dma_wait3A_424 = tpu.memref_slice %arg4[%dma_wait3A_422, %dma_wait3A_423] : memref<10240x128xf32, #tpu.memory_space<hbm>> -> memref<10240x128xf32, #tpu.memory_space<hbm>>
      tpu.wait_indirect_dma semaphore(%arg13 : memref<!tpu.dma_semaphore, #tpu.memory_space<semaphore_mem>>) src(%dma_wait3A_424 : memref<10240x128xf32, #tpu.memory_space<hbm>>) dst(%arg9 : memref<100x128xf32, #tpu.memory_space<vmem>>)
      %dma_start3A_425 = arith.constant 12 : i32
      %dma_start3A_426 = arith.constant 0 : i32
      %dma_start3A_427 = tpu.memref_slice %arg8[%dma_start3A_425, %dma_start3A_426] : memref<25x100xi32, #tpu.memory_space<vmem>> -> memref<1x100xi32, #tpu.memory_space<vmem>>
      %dma_start3A_428 = tpu.memref_squeeze %dma_start3A_427 : memref<1x100xi32, #tpu.memory_space<vmem>> -> memref<100xi32, #tpu.memory_space<vmem>>
      %dma_start3A_429 = arith.constant 0 : i32
      %dma_start3A_430 = arith.constant 0 : i32
      %dma_start3A_431 = tpu.memref_slice %arg12[%dma_start3A_429, %dma_start3A_430] : memref<10240x128xf32, #tpu.memory_space<vmem_shared>> -> memref<10240x128xf32, #tpu.memory_space<vmem_shared>>
      tpu.enqueue_indirect_dma source(%arg9 : memref<100x128xf32, #tpu.memory_space<vmem>>) target(%dma_start3A_431 : memref<10240x128xf32, #tpu.memory_space<vmem_shared>>) offsets(%dma_start3A_428 : memref<100xi32, #tpu.memory_space<vmem>>) semaphore(%arg16 : memref<!tpu.dma_semaphore, #tpu.memory_space<semaphore_mem>>) {add = true}
      %dma_wait3A_432 = arith.constant 12 : i32
      %dma_wait3A_433 = arith.constant 0 : i32
      %dma_wait3A_434 = tpu.memref_slice %arg8[%dma_wait3A_432, %dma_wait3A_433] : memref<25x100xi32, #tpu.memory_space<vmem>> -> memref<1x100xi32, #tpu.memory_space<vmem>>
      %dma_wait3A_435 = tpu.memref_squeeze %dma_wait3A_434 : memref<1x100xi32, #tpu.memory_space<vmem>> -> memref<100xi32, #tpu.memory_space<vmem>>
      %dma_wait3A_436 = arith.constant 0 : i32
      %dma_wait3A_437 = arith.constant 0 : i32
      %dma_wait3A_438 = tpu.memref_slice %arg12[%dma_wait3A_436, %dma_wait3A_437] : memref<10240x128xf32, #tpu.memory_space<vmem_shared>> -> memref<10240x128xf32, #tpu.memory_space<vmem_shared>>
      tpu.wait_indirect_dma semaphore(%arg16 : memref<!tpu.dma_semaphore, #tpu.memory_space<semaphore_mem>>) src(%arg9 : memref<100x128xf32, #tpu.memory_space<vmem>>) dst(%dma_wait3A_438 : memref<10240x128xf32, #tpu.memory_space<vmem_shared>>)
      %dma_start3A_439 = arith.constant 15 : i32
      %dma_start3A_440 = arith.constant 0 : i32
      %dma_start3A_441 = tpu.memref_slice %arg7[%dma_start3A_439, %dma_start3A_440] : memref<25x100xi32, #tpu.memory_space<vmem>> -> memref<1x100xi32, #tpu.memory_space<vmem>>
      %dma_start3A_442 = tpu.memref_squeeze %dma_start3A_441 : memref<1x100xi32, #tpu.memory_space<vmem>> -> memref<100xi32, #tpu.memory_space<vmem>>
      %dma_start3A_443 = arith.constant 0 : i32
      %dma_start3A_444 = arith.constant 0 : i32
      %dma_start3A_445 = tpu.memref_slice %arg4[%dma_start3A_443, %dma_start3A_444] : memref<10240x128xf32, #tpu.memory_space<hbm>> -> memref<10240x128xf32, #tpu.memory_space<hbm>>
      tpu.enqueue_indirect_dma source(%dma_start3A_445 : memref<10240x128xf32, #tpu.memory_space<hbm>>) target(%arg9 : memref<100x128xf32, #tpu.memory_space<vmem>>) offsets(%dma_start3A_442 : memref<100xi32, #tpu.memory_space<vmem>>) semaphore(%arg13 : memref<!tpu.dma_semaphore, #tpu.memory_space<semaphore_mem>>)
      %dma_wait3A_446 = arith.constant 13 : i32
      %dma_wait3A_447 = arith.constant 0 : i32
      %dma_wait3A_448 = tpu.memref_slice %arg7[%dma_wait3A_446, %dma_wait3A_447] : memref<25x100xi32, #tpu.memory_space<vmem>> -> memref<1x100xi32, #tpu.memory_space<vmem>>
      %dma_wait3A_449 = tpu.memref_squeeze %dma_wait3A_448 : memref<1x100xi32, #tpu.memory_space<vmem>> -> memref<100xi32, #tpu.memory_space<vmem>>
      %dma_wait3A_450 = arith.constant 0 : i32
      %dma_wait3A_451 = arith.constant 0 : i32
      %dma_wait3A_452 = tpu.memref_slice %arg4[%dma_wait3A_450, %dma_wait3A_451] : memref<10240x128xf32, #tpu.memory_space<hbm>> -> memref<10240x128xf32, #tpu.memory_space<hbm>>
      tpu.wait_indirect_dma semaphore(%arg14 : memref<!tpu.dma_semaphore, #tpu.memory_space<semaphore_mem>>) src(%dma_wait3A_452 : memref<10240x128xf32, #tpu.memory_space<hbm>>) dst(%arg10 : memref<100x128xf32, #tpu.memory_space<vmem>>)
      %dma_start3A_453 = arith.constant 13 : i32
      %dma_start3A_454 = arith.constant 0 : i32
      %dma_start3A_455 = tpu.memref_slice %arg8[%dma_start3A_453, %dma_start3A_454] : memref<25x100xi32, #tpu.memory_space<vmem>> -> memref<1x100xi32, #tpu.memory_space<vmem>>
      %dma_start3A_456 = tpu.memref_squeeze %dma_start3A_455 : memref<1x100xi32, #tpu.memory_space<vmem>> -> memref<100xi32, #tpu.memory_space<vmem>>
      %dma_start3A_457 = arith.constant 0 : i32
      %dma_start3A_458 = arith.constant 0 : i32
      %dma_start3A_459 = tpu.memref_slice %arg12[%dma_start3A_457, %dma_start3A_458] : memref<10240x128xf32, #tpu.memory_space<vmem_shared>> -> memref<10240x128xf32, #tpu.memory_space<vmem_shared>>
      tpu.enqueue_indirect_dma source(%arg10 : memref<100x128xf32, #tpu.memory_space<vmem>>) target(%dma_start3A_459 : memref<10240x128xf32, #tpu.memory_space<vmem_shared>>) offsets(%dma_start3A_456 : memref<100xi32, #tpu.memory_space<vmem>>) semaphore(%arg17 : memref<!tpu.dma_semaphore, #tpu.memory_space<semaphore_mem>>) {add = true}
      %dma_wait3A_460 = arith.constant 13 : i32
      %dma_wait3A_461 = arith.constant 0 : i32
      %dma_wait3A_462 = tpu.memref_slice %arg8[%dma_wait3A_460, %dma_wait3A_461] : memref<25x100xi32, #tpu.memory_space<vmem>> -> memref<1x100xi32, #tpu.memory_space<vmem>>
      %dma_wait3A_463 = tpu.memref_squeeze %dma_wait3A_462 : memref<1x100xi32, #tpu.memory_space<vmem>> -> memref<100xi32, #tpu.memory_space<vmem>>
      %dma_wait3A_464 = arith.constant 0 : i32
      %dma_wait3A_465 = arith.constant 0 : i32
      %dma_wait3A_466 = tpu.memref_slice %arg12[%dma_wait3A_464, %dma_wait3A_465] : memref<10240x128xf32, #tpu.memory_space<vmem_shared>> -> memref<10240x128xf32, #tpu.memory_space<vmem_shared>>
      tpu.wait_indirect_dma semaphore(%arg17 : memref<!tpu.dma_semaphore, #tpu.memory_space<semaphore_mem>>) src(%arg10 : memref<100x128xf32, #tpu.memory_space<vmem>>) dst(%dma_wait3A_466 : memref<10240x128xf32, #tpu.memory_space<vmem_shared>>)
      %dma_start3A_467 = arith.constant 16 : i32
      %dma_start3A_468 = arith.constant 0 : i32
      %dma_start3A_469 = tpu.memref_slice %arg7[%dma_start3A_467, %dma_start3A_468] : memref<25x100xi32, #tpu.memory_space<vmem>> -> memref<1x100xi32, #tpu.memory_space<vmem>>
      %dma_start3A_470 = tpu.memref_squeeze %dma_start3A_469 : memref<1x100xi32, #tpu.memory_space<vmem>> -> memref<100xi32, #tpu.memory_space<vmem>>
      %dma_start3A_471 = arith.constant 0 : i32
      %dma_start3A_472 = arith.constant 0 : i32
      %dma_start3A_473 = tpu.memref_slice %arg4[%dma_start3A_471, %dma_start3A_472] : memref<10240x128xf32, #tpu.memory_space<hbm>> -> memref<10240x128xf32, #tpu.memory_space<hbm>>
      tpu.enqueue_indirect_dma source(%dma_start3A_473 : memref<10240x128xf32, #tpu.memory_space<hbm>>) target(%arg10 : memref<100x128xf32, #tpu.memory_space<vmem>>) offsets(%dma_start3A_470 : memref<100xi32, #tpu.memory_space<vmem>>) semaphore(%arg14 : memref<!tpu.dma_semaphore, #tpu.memory_space<semaphore_mem>>)
      %dma_wait3A_474 = arith.constant 14 : i32
      %dma_wait3A_475 = arith.constant 0 : i32
      %dma_wait3A_476 = tpu.memref_slice %arg7[%dma_wait3A_474, %dma_wait3A_475] : memref<25x100xi32, #tpu.memory_space<vmem>> -> memref<1x100xi32, #tpu.memory_space<vmem>>
      %dma_wait3A_477 = tpu.memref_squeeze %dma_wait3A_476 : memref<1x100xi32, #tpu.memory_space<vmem>> -> memref<100xi32, #tpu.memory_space<vmem>>
      %dma_wait3A_478 = arith.constant 0 : i32
      %dma_wait3A_479 = arith.constant 0 : i32
      %dma_wait3A_480 = tpu.memref_slice %arg4[%dma_wait3A_478, %dma_wait3A_479] : memref<10240x128xf32, #tpu.memory_space<hbm>> -> memref<10240x128xf32, #tpu.memory_space<hbm>>
      tpu.wait_indirect_dma semaphore(%arg15 : memref<!tpu.dma_semaphore, #tpu.memory_space<semaphore_mem>>) src(%dma_wait3A_480 : memref<10240x128xf32, #tpu.memory_space<hbm>>) dst(%arg11 : memref<100x128xf32, #tpu.memory_space<vmem>>)
      %dma_start3A_481 = arith.constant 14 : i32
      %dma_start3A_482 = arith.constant 0 : i32
      %dma_start3A_483 = tpu.memref_slice %arg8[%dma_start3A_481, %dma_start3A_482] : memref<25x100xi32, #tpu.memory_space<vmem>> -> memref<1x100xi32, #tpu.memory_space<vmem>>
      %dma_start3A_484 = tpu.memref_squeeze %dma_start3A_483 : memref<1x100xi32, #tpu.memory_space<vmem>> -> memref<100xi32, #tpu.memory_space<vmem>>
      %dma_start3A_485 = arith.constant 0 : i32
      %dma_start3A_486 = arith.constant 0 : i32
      %dma_start3A_487 = tpu.memref_slice %arg12[%dma_start3A_485, %dma_start3A_486] : memref<10240x128xf32, #tpu.memory_space<vmem_shared>> -> memref<10240x128xf32, #tpu.memory_space<vmem_shared>>
      tpu.enqueue_indirect_dma source(%arg11 : memref<100x128xf32, #tpu.memory_space<vmem>>) target(%dma_start3A_487 : memref<10240x128xf32, #tpu.memory_space<vmem_shared>>) offsets(%dma_start3A_484 : memref<100xi32, #tpu.memory_space<vmem>>) semaphore(%arg18 : memref<!tpu.dma_semaphore, #tpu.memory_space<semaphore_mem>>) {add = true}
      %dma_wait3A_488 = arith.constant 14 : i32
      %dma_wait3A_489 = arith.constant 0 : i32
      %dma_wait3A_490 = tpu.memref_slice %arg8[%dma_wait3A_488, %dma_wait3A_489] : memref<25x100xi32, #tpu.memory_space<vmem>> -> memref<1x100xi32, #tpu.memory_space<vmem>>
      %dma_wait3A_491 = tpu.memref_squeeze %dma_wait3A_490 : memref<1x100xi32, #tpu.memory_space<vmem>> -> memref<100xi32, #tpu.memory_space<vmem>>
      %dma_wait3A_492 = arith.constant 0 : i32
      %dma_wait3A_493 = arith.constant 0 : i32
      %dma_wait3A_494 = tpu.memref_slice %arg12[%dma_wait3A_492, %dma_wait3A_493] : memref<10240x128xf32, #tpu.memory_space<vmem_shared>> -> memref<10240x128xf32, #tpu.memory_space<vmem_shared>>
      tpu.wait_indirect_dma semaphore(%arg18 : memref<!tpu.dma_semaphore, #tpu.memory_space<semaphore_mem>>) src(%arg11 : memref<100x128xf32, #tpu.memory_space<vmem>>) dst(%dma_wait3A_494 : memref<10240x128xf32, #tpu.memory_space<vmem_shared>>)
      %dma_start3A_495 = arith.constant 17 : i32
      %dma_start3A_496 = arith.constant 0 : i32
      %dma_start3A_497 = tpu.memref_slice %arg7[%dma_start3A_495, %dma_start3A_496] : memref<25x100xi32, #tpu.memory_space<vmem>> -> memref<1x100xi32, #tpu.memory_space<vmem>>
      %dma_start3A_498 = tpu.memref_squeeze %dma_start3A_497 : memref<1x100xi32, #tpu.memory_space<vmem>> -> memref<100xi32, #tpu.memory_space<vmem>>
      %dma_start3A_499 = arith.constant 0 : i32
      %dma_start3A_500 = arith.constant 0 : i32
      %dma_start3A_501 = tpu.memref_slice %arg4[%dma_start3A_499, %dma_start3A_500] : memref<10240x128xf32, #tpu.memory_space<hbm>> -> memref<10240x128xf32, #tpu.memory_space<hbm>>
      tpu.enqueue_indirect_dma source(%dma_start3A_501 : memref<10240x128xf32, #tpu.memory_space<hbm>>) target(%arg11 : memref<100x128xf32, #tpu.memory_space<vmem>>) offsets(%dma_start3A_498 : memref<100xi32, #tpu.memory_space<vmem>>) semaphore(%arg15 : memref<!tpu.dma_semaphore, #tpu.memory_space<semaphore_mem>>)
      %dma_wait3A_502 = arith.constant 15 : i32
      %dma_wait3A_503 = arith.constant 0 : i32
      %dma_wait3A_504 = tpu.memref_slice %arg7[%dma_wait3A_502, %dma_wait3A_503] : memref<25x100xi32, #tpu.memory_space<vmem>> -> memref<1x100xi32, #tpu.memory_space<vmem>>
      %dma_wait3A_505 = tpu.memref_squeeze %dma_wait3A_504 : memref<1x100xi32, #tpu.memory_space<vmem>> -> memref<100xi32, #tpu.memory_space<vmem>>
      %dma_wait3A_506 = arith.constant 0 : i32
      %dma_wait3A_507 = arith.constant 0 : i32
      %dma_wait3A_508 = tpu.memref_slice %arg4[%dma_wait3A_506, %dma_wait3A_507] : memref<10240x128xf32, #tpu.memory_space<hbm>> -> memref<10240x128xf32, #tpu.memory_space<hbm>>
      tpu.wait_indirect_dma semaphore(%arg13 : memref<!tpu.dma_semaphore, #tpu.memory_space<semaphore_mem>>) src(%dma_wait3A_508 : memref<10240x128xf32, #tpu.memory_space<hbm>>) dst(%arg9 : memref<100x128xf32, #tpu.memory_space<vmem>>)
      %dma_start3A_509 = arith.constant 15 : i32
      %dma_start3A_510 = arith.constant 0 : i32
      %dma_start3A_511 = tpu.memref_slice %arg8[%dma_start3A_509, %dma_start3A_510] : memref<25x100xi32, #tpu.memory_space<vmem>> -> memref<1x100xi32, #tpu.memory_space<vmem>>
      %dma_start3A_512 = tpu.memref_squeeze %dma_start3A_511 : memref<1x100xi32, #tpu.memory_space<vmem>> -> memref<100xi32, #tpu.memory_space<vmem>>
      %dma_start3A_513 = arith.constant 0 : i32
      %dma_start3A_514 = arith.constant 0 : i32
      %dma_start3A_515 = tpu.memref_slice %arg12[%dma_start3A_513, %dma_start3A_514] : memref<10240x128xf32, #tpu.memory_space<vmem_shared>> -> memref<10240x128xf32, #tpu.memory_space<vmem_shared>>
      tpu.enqueue_indirect_dma source(%arg9 : memref<100x128xf32, #tpu.memory_space<vmem>>) target(%dma_start3A_515 : memref<10240x128xf32, #tpu.memory_space<vmem_shared>>) offsets(%dma_start3A_512 : memref<100xi32, #tpu.memory_space<vmem>>) semaphore(%arg16 : memref<!tpu.dma_semaphore, #tpu.memory_space<semaphore_mem>>) {add = true}
      %dma_wait3A_516 = arith.constant 15 : i32
      %dma_wait3A_517 = arith.constant 0 : i32
      %dma_wait3A_518 = tpu.memref_slice %arg8[%dma_wait3A_516, %dma_wait3A_517] : memref<25x100xi32, #tpu.memory_space<vmem>> -> memref<1x100xi32, #tpu.memory_space<vmem>>
      %dma_wait3A_519 = tpu.memref_squeeze %dma_wait3A_518 : memref<1x100xi32, #tpu.memory_space<vmem>> -> memref<100xi32, #tpu.memory_space<vmem>>
      %dma_wait3A_520 = arith.constant 0 : i32
      %dma_wait3A_521 = arith.constant 0 : i32
      %dma_wait3A_522 = tpu.memref_slice %arg12[%dma_wait3A_520, %dma_wait3A_521] : memref<10240x128xf32, #tpu.memory_space<vmem_shared>> -> memref<10240x128xf32, #tpu.memory_space<vmem_shared>>
      tpu.wait_indirect_dma semaphore(%arg16 : memref<!tpu.dma_semaphore, #tpu.memory_space<semaphore_mem>>) src(%arg9 : memref<100x128xf32, #tpu.memory_space<vmem>>) dst(%dma_wait3A_522 : memref<10240x128xf32, #tpu.memory_space<vmem_shared>>)
      %dma_start3A_523 = arith.constant 18 : i32
      %dma_start3A_524 = arith.constant 0 : i32
      %dma_start3A_525 = tpu.memref_slice %arg7[%dma_start3A_523, %dma_start3A_524] : memref<25x100xi32, #tpu.memory_space<vmem>> -> memref<1x100xi32, #tpu.memory_space<vmem>>
      %dma_start3A_526 = tpu.memref_squeeze %dma_start3A_525 : memref<1x100xi32, #tpu.memory_space<vmem>> -> memref<100xi32, #tpu.memory_space<vmem>>
      %dma_start3A_527 = arith.constant 0 : i32
      %dma_start3A_528 = arith.constant 0 : i32
      %dma_start3A_529 = tpu.memref_slice %arg4[%dma_start3A_527, %dma_start3A_528] : memref<10240x128xf32, #tpu.memory_space<hbm>> -> memref<10240x128xf32, #tpu.memory_space<hbm>>
      tpu.enqueue_indirect_dma source(%dma_start3A_529 : memref<10240x128xf32, #tpu.memory_space<hbm>>) target(%arg9 : memref<100x128xf32, #tpu.memory_space<vmem>>) offsets(%dma_start3A_526 : memref<100xi32, #tpu.memory_space<vmem>>) semaphore(%arg13 : memref<!tpu.dma_semaphore, #tpu.memory_space<semaphore_mem>>)
      %dma_wait3A_530 = arith.constant 16 : i32
      %dma_wait3A_531 = arith.constant 0 : i32
      %dma_wait3A_532 = tpu.memref_slice %arg7[%dma_wait3A_530, %dma_wait3A_531] : memref<25x100xi32, #tpu.memory_space<vmem>> -> memref<1x100xi32, #tpu.memory_space<vmem>>
      %dma_wait3A_533 = tpu.memref_squeeze %dma_wait3A_532 : memref<1x100xi32, #tpu.memory_space<vmem>> -> memref<100xi32, #tpu.memory_space<vmem>>
      %dma_wait3A_534 = arith.constant 0 : i32
      %dma_wait3A_535 = arith.constant 0 : i32
      %dma_wait3A_536 = tpu.memref_slice %arg4[%dma_wait3A_534, %dma_wait3A_535] : memref<10240x128xf32, #tpu.memory_space<hbm>> -> memref<10240x128xf32, #tpu.memory_space<hbm>>
      tpu.wait_indirect_dma semaphore(%arg14 : memref<!tpu.dma_semaphore, #tpu.memory_space<semaphore_mem>>) src(%dma_wait3A_536 : memref<10240x128xf32, #tpu.memory_space<hbm>>) dst(%arg10 : memref<100x128xf32, #tpu.memory_space<vmem>>)
      %dma_start3A_537 = arith.constant 16 : i32
      %dma_start3A_538 = arith.constant 0 : i32
      %dma_start3A_539 = tpu.memref_slice %arg8[%dma_start3A_537, %dma_start3A_538] : memref<25x100xi32, #tpu.memory_space<vmem>> -> memref<1x100xi32, #tpu.memory_space<vmem>>
      %dma_start3A_540 = tpu.memref_squeeze %dma_start3A_539 : memref<1x100xi32, #tpu.memory_space<vmem>> -> memref<100xi32, #tpu.memory_space<vmem>>
      %dma_start3A_541 = arith.constant 0 : i32
      %dma_start3A_542 = arith.constant 0 : i32
      %dma_start3A_543 = tpu.memref_slice %arg12[%dma_start3A_541, %dma_start3A_542] : memref<10240x128xf32, #tpu.memory_space<vmem_shared>> -> memref<10240x128xf32, #tpu.memory_space<vmem_shared>>
      tpu.enqueue_indirect_dma source(%arg10 : memref<100x128xf32, #tpu.memory_space<vmem>>) target(%dma_start3A_543 : memref<10240x128xf32, #tpu.memory_space<vmem_shared>>) offsets(%dma_start3A_540 : memref<100xi32, #tpu.memory_space<vmem>>) semaphore(%arg17 : memref<!tpu.dma_semaphore, #tpu.memory_space<semaphore_mem>>) {add = true}
      %dma_wait3A_544 = arith.constant 16 : i32
      %dma_wait3A_545 = arith.constant 0 : i32
      %dma_wait3A_546 = tpu.memref_slice %arg8[%dma_wait3A_544, %dma_wait3A_545] : memref<25x100xi32, #tpu.memory_space<vmem>> -> memref<1x100xi32, #tpu.memory_space<vmem>>
      %dma_wait3A_547 = tpu.memref_squeeze %dma_wait3A_546 : memref<1x100xi32, #tpu.memory_space<vmem>> -> memref<100xi32, #tpu.memory_space<vmem>>
      %dma_wait3A_548 = arith.constant 0 : i32
      %dma_wait3A_549 = arith.constant 0 : i32
      %dma_wait3A_550 = tpu.memref_slice %arg12[%dma_wait3A_548, %dma_wait3A_549] : memref<10240x128xf32, #tpu.memory_space<vmem_shared>> -> memref<10240x128xf32, #tpu.memory_space<vmem_shared>>
      tpu.wait_indirect_dma semaphore(%arg17 : memref<!tpu.dma_semaphore, #tpu.memory_space<semaphore_mem>>) src(%arg10 : memref<100x128xf32, #tpu.memory_space<vmem>>) dst(%dma_wait3A_550 : memref<10240x128xf32, #tpu.memory_space<vmem_shared>>)
      %dma_start3A_551 = arith.constant 19 : i32
      %dma_start3A_552 = arith.constant 0 : i32
      %dma_start3A_553 = tpu.memref_slice %arg7[%dma_start3A_551, %dma_start3A_552] : memref<25x100xi32, #tpu.memory_space<vmem>> -> memref<1x100xi32, #tpu.memory_space<vmem>>
      %dma_start3A_554 = tpu.memref_squeeze %dma_start3A_553 : memref<1x100xi32, #tpu.memory_space<vmem>> -> memref<100xi32, #tpu.memory_space<vmem>>
      %dma_start3A_555 = arith.constant 0 : i32
      %dma_start3A_556 = arith.constant 0 : i32
      %dma_start3A_557 = tpu.memref_slice %arg4[%dma_start3A_555, %dma_start3A_556] : memref<10240x128xf32, #tpu.memory_space<hbm>> -> memref<10240x128xf32, #tpu.memory_space<hbm>>
      tpu.enqueue_indirect_dma source(%dma_start3A_557 : memref<10240x128xf32, #tpu.memory_space<hbm>>) target(%arg10 : memref<100x128xf32, #tpu.memory_space<vmem>>) offsets(%dma_start3A_554 : memref<100xi32, #tpu.memory_space<vmem>>) semaphore(%arg14 : memref<!tpu.dma_semaphore, #tpu.memory_space<semaphore_mem>>)
      %dma_wait3A_558 = arith.constant 17 : i32
      %dma_wait3A_559 = arith.constant 0 : i32
      %dma_wait3A_560 = tpu.memref_slice %arg7[%dma_wait3A_558, %dma_wait3A_559] : memref<25x100xi32, #tpu.memory_space<vmem>> -> memref<1x100xi32, #tpu.memory_space<vmem>>
      %dma_wait3A_561 = tpu.memref_squeeze %dma_wait3A_560 : memref<1x100xi32, #tpu.memory_space<vmem>> -> memref<100xi32, #tpu.memory_space<vmem>>
      %dma_wait3A_562 = arith.constant 0 : i32
      %dma_wait3A_563 = arith.constant 0 : i32
      %dma_wait3A_564 = tpu.memref_slice %arg4[%dma_wait3A_562, %dma_wait3A_563] : memref<10240x128xf32, #tpu.memory_space<hbm>> -> memref<10240x128xf32, #tpu.memory_space<hbm>>
      tpu.wait_indirect_dma semaphore(%arg15 : memref<!tpu.dma_semaphore, #tpu.memory_space<semaphore_mem>>) src(%dma_wait3A_564 : memref<10240x128xf32, #tpu.memory_space<hbm>>) dst(%arg11 : memref<100x128xf32, #tpu.memory_space<vmem>>)
      %dma_start3A_565 = arith.constant 17 : i32
      %dma_start3A_566 = arith.constant 0 : i32
      %dma_start3A_567 = tpu.memref_slice %arg8[%dma_start3A_565, %dma_start3A_566] : memref<25x100xi32, #tpu.memory_space<vmem>> -> memref<1x100xi32, #tpu.memory_space<vmem>>
      %dma_start3A_568 = tpu.memref_squeeze %dma_start3A_567 : memref<1x100xi32, #tpu.memory_space<vmem>> -> memref<100xi32, #tpu.memory_space<vmem>>
      %dma_start3A_569 = arith.constant 0 : i32
      %dma_start3A_570 = arith.constant 0 : i32
      %dma_start3A_571 = tpu.memref_slice %arg12[%dma_start3A_569, %dma_start3A_570] : memref<10240x128xf32, #tpu.memory_space<vmem_shared>> -> memref<10240x128xf32, #tpu.memory_space<vmem_shared>>
      tpu.enqueue_indirect_dma source(%arg11 : memref<100x128xf32, #tpu.memory_space<vmem>>) target(%dma_start3A_571 : memref<10240x128xf32, #tpu.memory_space<vmem_shared>>) offsets(%dma_start3A_568 : memref<100xi32, #tpu.memory_space<vmem>>) semaphore(%arg18 : memref<!tpu.dma_semaphore, #tpu.memory_space<semaphore_mem>>) {add = true}
      %dma_wait3A_572 = arith.constant 17 : i32
      %dma_wait3A_573 = arith.constant 0 : i32
      %dma_wait3A_574 = tpu.memref_slice %arg8[%dma_wait3A_572, %dma_wait3A_573] : memref<25x100xi32, #tpu.memory_space<vmem>> -> memref<1x100xi32, #tpu.memory_space<vmem>>
      %dma_wait3A_575 = tpu.memref_squeeze %dma_wait3A_574 : memref<1x100xi32, #tpu.memory_space<vmem>> -> memref<100xi32, #tpu.memory_space<vmem>>
      %dma_wait3A_576 = arith.constant 0 : i32
      %dma_wait3A_577 = arith.constant 0 : i32
      %dma_wait3A_578 = tpu.memref_slice %arg12[%dma_wait3A_576, %dma_wait3A_577] : memref<10240x128xf32, #tpu.memory_space<vmem_shared>> -> memref<10240x128xf32, #tpu.memory_space<vmem_shared>>
      tpu.wait_indirect_dma semaphore(%arg18 : memref<!tpu.dma_semaphore, #tpu.memory_space<semaphore_mem>>) src(%arg11 : memref<100x128xf32, #tpu.memory_space<vmem>>) dst(%dma_wait3A_578 : memref<10240x128xf32, #tpu.memory_space<vmem_shared>>)
      %dma_start3A_579 = arith.constant 20 : i32
      %dma_start3A_580 = arith.constant 0 : i32
      %dma_start3A_581 = tpu.memref_slice %arg7[%dma_start3A_579, %dma_start3A_580] : memref<25x100xi32, #tpu.memory_space<vmem>> -> memref<1x100xi32, #tpu.memory_space<vmem>>
      %dma_start3A_582 = tpu.memref_squeeze %dma_start3A_581 : memref<1x100xi32, #tpu.memory_space<vmem>> -> memref<100xi32, #tpu.memory_space<vmem>>
      %dma_start3A_583 = arith.constant 0 : i32
      %dma_start3A_584 = arith.constant 0 : i32
      %dma_start3A_585 = tpu.memref_slice %arg4[%dma_start3A_583, %dma_start3A_584] : memref<10240x128xf32, #tpu.memory_space<hbm>> -> memref<10240x128xf32, #tpu.memory_space<hbm>>
      tpu.enqueue_indirect_dma source(%dma_start3A_585 : memref<10240x128xf32, #tpu.memory_space<hbm>>) target(%arg11 : memref<100x128xf32, #tpu.memory_space<vmem>>) offsets(%dma_start3A_582 : memref<100xi32, #tpu.memory_space<vmem>>) semaphore(%arg15 : memref<!tpu.dma_semaphore, #tpu.memory_space<semaphore_mem>>)
      %dma_wait3A_586 = arith.constant 18 : i32
      %dma_wait3A_587 = arith.constant 0 : i32
      %dma_wait3A_588 = tpu.memref_slice %arg7[%dma_wait3A_586, %dma_wait3A_587] : memref<25x100xi32, #tpu.memory_space<vmem>> -> memref<1x100xi32, #tpu.memory_space<vmem>>
      %dma_wait3A_589 = tpu.memref_squeeze %dma_wait3A_588 : memref<1x100xi32, #tpu.memory_space<vmem>> -> memref<100xi32, #tpu.memory_space<vmem>>
      %dma_wait3A_590 = arith.constant 0 : i32
      %dma_wait3A_591 = arith.constant 0 : i32
      %dma_wait3A_592 = tpu.memref_slice %arg4[%dma_wait3A_590, %dma_wait3A_591] : memref<10240x128xf32, #tpu.memory_space<hbm>> -> memref<10240x128xf32, #tpu.memory_space<hbm>>
      tpu.wait_indirect_dma semaphore(%arg13 : memref<!tpu.dma_semaphore, #tpu.memory_space<semaphore_mem>>) src(%dma_wait3A_592 : memref<10240x128xf32, #tpu.memory_space<hbm>>) dst(%arg9 : memref<100x128xf32, #tpu.memory_space<vmem>>)
      %dma_start3A_593 = arith.constant 18 : i32
      %dma_start3A_594 = arith.constant 0 : i32
      %dma_start3A_595 = tpu.memref_slice %arg8[%dma_start3A_593, %dma_start3A_594] : memref<25x100xi32, #tpu.memory_space<vmem>> -> memref<1x100xi32, #tpu.memory_space<vmem>>
      %dma_start3A_596 = tpu.memref_squeeze %dma_start3A_595 : memref<1x100xi32, #tpu.memory_space<vmem>> -> memref<100xi32, #tpu.memory_space<vmem>>
      %dma_start3A_597 = arith.constant 0 : i32
      %dma_start3A_598 = arith.constant 0 : i32
      %dma_start3A_599 = tpu.memref_slice %arg12[%dma_start3A_597, %dma_start3A_598] : memref<10240x128xf32, #tpu.memory_space<vmem_shared>> -> memref<10240x128xf32, #tpu.memory_space<vmem_shared>>
      tpu.enqueue_indirect_dma source(%arg9 : memref<100x128xf32, #tpu.memory_space<vmem>>) target(%dma_start3A_599 : memref<10240x128xf32, #tpu.memory_space<vmem_shared>>) offsets(%dma_start3A_596 : memref<100xi32, #tpu.memory_space<vmem>>) semaphore(%arg16 : memref<!tpu.dma_semaphore, #tpu.memory_space<semaphore_mem>>) {add = true}
      %dma_wait3A_600 = arith.constant 18 : i32
      %dma_wait3A_601 = arith.constant 0 : i32
      %dma_wait3A_602 = tpu.memref_slice %arg8[%dma_wait3A_600, %dma_wait3A_601] : memref<25x100xi32, #tpu.memory_space<vmem>> -> memref<1x100xi32, #tpu.memory_space<vmem>>
      %dma_wait3A_603 = tpu.memref_squeeze %dma_wait3A_602 : memref<1x100xi32, #tpu.memory_space<vmem>> -> memref<100xi32, #tpu.memory_space<vmem>>
      %dma_wait3A_604 = arith.constant 0 : i32
      %dma_wait3A_605 = arith.constant 0 : i32
      %dma_wait3A_606 = tpu.memref_slice %arg12[%dma_wait3A_604, %dma_wait3A_605] : memref<10240x128xf32, #tpu.memory_space<vmem_shared>> -> memref<10240x128xf32, #tpu.memory_space<vmem_shared>>
      tpu.wait_indirect_dma semaphore(%arg16 : memref<!tpu.dma_semaphore, #tpu.memory_space<semaphore_mem>>) src(%arg9 : memref<100x128xf32, #tpu.memory_space<vmem>>) dst(%dma_wait3A_606 : memref<10240x128xf32, #tpu.memory_space<vmem_shared>>)
      %dma_start3A_607 = arith.constant 21 : i32
      %dma_start3A_608 = arith.constant 0 : i32
      %dma_start3A_609 = tpu.memref_slice %arg7[%dma_start3A_607, %dma_start3A_608] : memref<25x100xi32, #tpu.memory_space<vmem>> -> memref<1x100xi32, #tpu.memory_space<vmem>>
      %dma_start3A_610 = tpu.memref_squeeze %dma_start3A_609 : memref<1x100xi32, #tpu.memory_space<vmem>> -> memref<100xi32, #tpu.memory_space<vmem>>
      %dma_start3A_611 = arith.constant 0 : i32
      %dma_start3A_612 = arith.constant 0 : i32
      %dma_start3A_613 = tpu.memref_slice %arg4[%dma_start3A_611, %dma_start3A_612] : memref<10240x128xf32, #tpu.memory_space<hbm>> -> memref<10240x128xf32, #tpu.memory_space<hbm>>
      tpu.enqueue_indirect_dma source(%dma_start3A_613 : memref<10240x128xf32, #tpu.memory_space<hbm>>) target(%arg9 : memref<100x128xf32, #tpu.memory_space<vmem>>) offsets(%dma_start3A_610 : memref<100xi32, #tpu.memory_space<vmem>>) semaphore(%arg13 : memref<!tpu.dma_semaphore, #tpu.memory_space<semaphore_mem>>)
      %dma_wait3A_614 = arith.constant 19 : i32
      %dma_wait3A_615 = arith.constant 0 : i32
      %dma_wait3A_616 = tpu.memref_slice %arg7[%dma_wait3A_614, %dma_wait3A_615] : memref<25x100xi32, #tpu.memory_space<vmem>> -> memref<1x100xi32, #tpu.memory_space<vmem>>
      %dma_wait3A_617 = tpu.memref_squeeze %dma_wait3A_616 : memref<1x100xi32, #tpu.memory_space<vmem>> -> memref<100xi32, #tpu.memory_space<vmem>>
      %dma_wait3A_618 = arith.constant 0 : i32
      %dma_wait3A_619 = arith.constant 0 : i32
      %dma_wait3A_620 = tpu.memref_slice %arg4[%dma_wait3A_618, %dma_wait3A_619] : memref<10240x128xf32, #tpu.memory_space<hbm>> -> memref<10240x128xf32, #tpu.memory_space<hbm>>
      tpu.wait_indirect_dma semaphore(%arg14 : memref<!tpu.dma_semaphore, #tpu.memory_space<semaphore_mem>>) src(%dma_wait3A_620 : memref<10240x128xf32, #tpu.memory_space<hbm>>) dst(%arg10 : memref<100x128xf32, #tpu.memory_space<vmem>>)
      %dma_start3A_621 = arith.constant 19 : i32
      %dma_start3A_622 = arith.constant 0 : i32
      %dma_start3A_623 = tpu.memref_slice %arg8[%dma_start3A_621, %dma_start3A_622] : memref<25x100xi32, #tpu.memory_space<vmem>> -> memref<1x100xi32, #tpu.memory_space<vmem>>
      %dma_start3A_624 = tpu.memref_squeeze %dma_start3A_623 : memref<1x100xi32, #tpu.memory_space<vmem>> -> memref<100xi32, #tpu.memory_space<vmem>>
      %dma_start3A_625 = arith.constant 0 : i32
      %dma_start3A_626 = arith.constant 0 : i32
      %dma_start3A_627 = tpu.memref_slice %arg12[%dma_start3A_625, %dma_start3A_626] : memref<10240x128xf32, #tpu.memory_space<vmem_shared>> -> memref<10240x128xf32, #tpu.memory_space<vmem_shared>>
      tpu.enqueue_indirect_dma source(%arg10 : memref<100x128xf32, #tpu.memory_space<vmem>>) target(%dma_start3A_627 : memref<10240x128xf32, #tpu.memory_space<vmem_shared>>) offsets(%dma_start3A_624 : memref<100xi32, #tpu.memory_space<vmem>>) semaphore(%arg17 : memref<!tpu.dma_semaphore, #tpu.memory_space<semaphore_mem>>) {add = true}
      %dma_wait3A_628 = arith.constant 19 : i32
      %dma_wait3A_629 = arith.constant 0 : i32
      %dma_wait3A_630 = tpu.memref_slice %arg8[%dma_wait3A_628, %dma_wait3A_629] : memref<25x100xi32, #tpu.memory_space<vmem>> -> memref<1x100xi32, #tpu.memory_space<vmem>>
      %dma_wait3A_631 = tpu.memref_squeeze %dma_wait3A_630 : memref<1x100xi32, #tpu.memory_space<vmem>> -> memref<100xi32, #tpu.memory_space<vmem>>
      %dma_wait3A_632 = arith.constant 0 : i32
      %dma_wait3A_633 = arith.constant 0 : i32
      %dma_wait3A_634 = tpu.memref_slice %arg12[%dma_wait3A_632, %dma_wait3A_633] : memref<10240x128xf32, #tpu.memory_space<vmem_shared>> -> memref<10240x128xf32, #tpu.memory_space<vmem_shared>>
      tpu.wait_indirect_dma semaphore(%arg17 : memref<!tpu.dma_semaphore, #tpu.memory_space<semaphore_mem>>) src(%arg10 : memref<100x128xf32, #tpu.memory_space<vmem>>) dst(%dma_wait3A_634 : memref<10240x128xf32, #tpu.memory_space<vmem_shared>>)
      %dma_start3A_635 = arith.constant 22 : i32
      %dma_start3A_636 = arith.constant 0 : i32
      %dma_start3A_637 = tpu.memref_slice %arg7[%dma_start3A_635, %dma_start3A_636] : memref<25x100xi32, #tpu.memory_space<vmem>> -> memref<1x100xi32, #tpu.memory_space<vmem>>
      %dma_start3A_638 = tpu.memref_squeeze %dma_start3A_637 : memref<1x100xi32, #tpu.memory_space<vmem>> -> memref<100xi32, #tpu.memory_space<vmem>>
      %dma_start3A_639 = arith.constant 0 : i32
      %dma_start3A_640 = arith.constant 0 : i32
      %dma_start3A_641 = tpu.memref_slice %arg4[%dma_start3A_639, %dma_start3A_640] : memref<10240x128xf32, #tpu.memory_space<hbm>> -> memref<10240x128xf32, #tpu.memory_space<hbm>>
      tpu.enqueue_indirect_dma source(%dma_start3A_641 : memref<10240x128xf32, #tpu.memory_space<hbm>>) target(%arg10 : memref<100x128xf32, #tpu.memory_space<vmem>>) offsets(%dma_start3A_638 : memref<100xi32, #tpu.memory_space<vmem>>) semaphore(%arg14 : memref<!tpu.dma_semaphore, #tpu.memory_space<semaphore_mem>>)
      %dma_wait3A_642 = arith.constant 20 : i32
      %dma_wait3A_643 = arith.constant 0 : i32
      %dma_wait3A_644 = tpu.memref_slice %arg7[%dma_wait3A_642, %dma_wait3A_643] : memref<25x100xi32, #tpu.memory_space<vmem>> -> memref<1x100xi32, #tpu.memory_space<vmem>>
      %dma_wait3A_645 = tpu.memref_squeeze %dma_wait3A_644 : memref<1x100xi32, #tpu.memory_space<vmem>> -> memref<100xi32, #tpu.memory_space<vmem>>
      %dma_wait3A_646 = arith.constant 0 : i32
      %dma_wait3A_647 = arith.constant 0 : i32
      %dma_wait3A_648 = tpu.memref_slice %arg4[%dma_wait3A_646, %dma_wait3A_647] : memref<10240x128xf32, #tpu.memory_space<hbm>> -> memref<10240x128xf32, #tpu.memory_space<hbm>>
      tpu.wait_indirect_dma semaphore(%arg15 : memref<!tpu.dma_semaphore, #tpu.memory_space<semaphore_mem>>) src(%dma_wait3A_648 : memref<10240x128xf32, #tpu.memory_space<hbm>>) dst(%arg11 : memref<100x128xf32, #tpu.memory_space<vmem>>)
      %dma_start3A_649 = arith.constant 20 : i32
      %dma_start3A_650 = arith.constant 0 : i32
      %dma_start3A_651 = tpu.memref_slice %arg8[%dma_start3A_649, %dma_start3A_650] : memref<25x100xi32, #tpu.memory_space<vmem>> -> memref<1x100xi32, #tpu.memory_space<vmem>>
      %dma_start3A_652 = tpu.memref_squeeze %dma_start3A_651 : memref<1x100xi32, #tpu.memory_space<vmem>> -> memref<100xi32, #tpu.memory_space<vmem>>
      %dma_start3A_653 = arith.constant 0 : i32
      %dma_start3A_654 = arith.constant 0 : i32
      %dma_start3A_655 = tpu.memref_slice %arg12[%dma_start3A_653, %dma_start3A_654] : memref<10240x128xf32, #tpu.memory_space<vmem_shared>> -> memref<10240x128xf32, #tpu.memory_space<vmem_shared>>
      tpu.enqueue_indirect_dma source(%arg11 : memref<100x128xf32, #tpu.memory_space<vmem>>) target(%dma_start3A_655 : memref<10240x128xf32, #tpu.memory_space<vmem_shared>>) offsets(%dma_start3A_652 : memref<100xi32, #tpu.memory_space<vmem>>) semaphore(%arg18 : memref<!tpu.dma_semaphore, #tpu.memory_space<semaphore_mem>>) {add = true}
      %dma_wait3A_656 = arith.constant 20 : i32
      %dma_wait3A_657 = arith.constant 0 : i32
      %dma_wait3A_658 = tpu.memref_slice %arg8[%dma_wait3A_656, %dma_wait3A_657] : memref<25x100xi32, #tpu.memory_space<vmem>> -> memref<1x100xi32, #tpu.memory_space<vmem>>
      %dma_wait3A_659 = tpu.memref_squeeze %dma_wait3A_658 : memref<1x100xi32, #tpu.memory_space<vmem>> -> memref<100xi32, #tpu.memory_space<vmem>>
      %dma_wait3A_660 = arith.constant 0 : i32
      %dma_wait3A_661 = arith.constant 0 : i32
      %dma_wait3A_662 = tpu.memref_slice %arg12[%dma_wait3A_660, %dma_wait3A_661] : memref<10240x128xf32, #tpu.memory_space<vmem_shared>> -> memref<10240x128xf32, #tpu.memory_space<vmem_shared>>
      tpu.wait_indirect_dma semaphore(%arg18 : memref<!tpu.dma_semaphore, #tpu.memory_space<semaphore_mem>>) src(%arg11 : memref<100x128xf32, #tpu.memory_space<vmem>>) dst(%dma_wait3A_662 : memref<10240x128xf32, #tpu.memory_space<vmem_shared>>)
      %dma_start3A_663 = arith.constant 23 : i32
      %dma_start3A_664 = arith.constant 0 : i32
      %dma_start3A_665 = tpu.memref_slice %arg7[%dma_start3A_663, %dma_start3A_664] : memref<25x100xi32, #tpu.memory_space<vmem>> -> memref<1x100xi32, #tpu.memory_space<vmem>>
      %dma_start3A_666 = tpu.memref_squeeze %dma_start3A_665 : memref<1x100xi32, #tpu.memory_space<vmem>> -> memref<100xi32, #tpu.memory_space<vmem>>
      %dma_start3A_667 = arith.constant 0 : i32
      %dma_start3A_668 = arith.constant 0 : i32
      %dma_start3A_669 = tpu.memref_slice %arg4[%dma_start3A_667, %dma_start3A_668] : memref<10240x128xf32, #tpu.memory_space<hbm>> -> memref<10240x128xf32, #tpu.memory_space<hbm>>
      tpu.enqueue_indirect_dma source(%dma_start3A_669 : memref<10240x128xf32, #tpu.memory_space<hbm>>) target(%arg11 : memref<100x128xf32, #tpu.memory_space<vmem>>) offsets(%dma_start3A_666 : memref<100xi32, #tpu.memory_space<vmem>>) semaphore(%arg15 : memref<!tpu.dma_semaphore, #tpu.memory_space<semaphore_mem>>)
      %dma_wait3A_670 = arith.constant 21 : i32
      %dma_wait3A_671 = arith.constant 0 : i32
      %dma_wait3A_672 = tpu.memref_slice %arg7[%dma_wait3A_670, %dma_wait3A_671] : memref<25x100xi32, #tpu.memory_space<vmem>> -> memref<1x100xi32, #tpu.memory_space<vmem>>
      %dma_wait3A_673 = tpu.memref_squeeze %dma_wait3A_672 : memref<1x100xi32, #tpu.memory_space<vmem>> -> memref<100xi32, #tpu.memory_space<vmem>>
      %dma_wait3A_674 = arith.constant 0 : i32
      %dma_wait3A_675 = arith.constant 0 : i32
      %dma_wait3A_676 = tpu.memref_slice %arg4[%dma_wait3A_674, %dma_wait3A_675] : memref<10240x128xf32, #tpu.memory_space<hbm>> -> memref<10240x128xf32, #tpu.memory_space<hbm>>
      tpu.wait_indirect_dma semaphore(%arg13 : memref<!tpu.dma_semaphore, #tpu.memory_space<semaphore_mem>>) src(%dma_wait3A_676 : memref<10240x128xf32, #tpu.memory_space<hbm>>) dst(%arg9 : memref<100x128xf32, #tpu.memory_space<vmem>>)
      %dma_start3A_677 = arith.constant 21 : i32
      %dma_start3A_678 = arith.constant 0 : i32
      %dma_start3A_679 = tpu.memref_slice %arg8[%dma_start3A_677, %dma_start3A_678] : memref<25x100xi32, #tpu.memory_space<vmem>> -> memref<1x100xi32, #tpu.memory_space<vmem>>
      %dma_start3A_680 = tpu.memref_squeeze %dma_start3A_679 : memref<1x100xi32, #tpu.memory_space<vmem>> -> memref<100xi32, #tpu.memory_space<vmem>>
      %dma_start3A_681 = arith.constant 0 : i32
      %dma_start3A_682 = arith.constant 0 : i32
      %dma_start3A_683 = tpu.memref_slice %arg12[%dma_start3A_681, %dma_start3A_682] : memref<10240x128xf32, #tpu.memory_space<vmem_shared>> -> memref<10240x128xf32, #tpu.memory_space<vmem_shared>>
      tpu.enqueue_indirect_dma source(%arg9 : memref<100x128xf32, #tpu.memory_space<vmem>>) target(%dma_start3A_683 : memref<10240x128xf32, #tpu.memory_space<vmem_shared>>) offsets(%dma_start3A_680 : memref<100xi32, #tpu.memory_space<vmem>>) semaphore(%arg16 : memref<!tpu.dma_semaphore, #tpu.memory_space<semaphore_mem>>) {add = true}
      %dma_wait3A_684 = arith.constant 21 : i32
      %dma_wait3A_685 = arith.constant 0 : i32
      %dma_wait3A_686 = tpu.memref_slice %arg8[%dma_wait3A_684, %dma_wait3A_685] : memref<25x100xi32, #tpu.memory_space<vmem>> -> memref<1x100xi32, #tpu.memory_space<vmem>>
      %dma_wait3A_687 = tpu.memref_squeeze %dma_wait3A_686 : memref<1x100xi32, #tpu.memory_space<vmem>> -> memref<100xi32, #tpu.memory_space<vmem>>
      %dma_wait3A_688 = arith.constant 0 : i32
      %dma_wait3A_689 = arith.constant 0 : i32
      %dma_wait3A_690 = tpu.memref_slice %arg12[%dma_wait3A_688, %dma_wait3A_689] : memref<10240x128xf32, #tpu.memory_space<vmem_shared>> -> memref<10240x128xf32, #tpu.memory_space<vmem_shared>>
      tpu.wait_indirect_dma semaphore(%arg16 : memref<!tpu.dma_semaphore, #tpu.memory_space<semaphore_mem>>) src(%arg9 : memref<100x128xf32, #tpu.memory_space<vmem>>) dst(%dma_wait3A_690 : memref<10240x128xf32, #tpu.memory_space<vmem_shared>>)
      %dma_start3A_691 = arith.constant 24 : i32
      %dma_start3A_692 = arith.constant 0 : i32
      %dma_start3A_693 = tpu.memref_slice %arg7[%dma_start3A_691, %dma_start3A_692] : memref<25x100xi32, #tpu.memory_space<vmem>> -> memref<1x100xi32, #tpu.memory_space<vmem>>
      %dma_start3A_694 = tpu.memref_squeeze %dma_start3A_693 : memref<1x100xi32, #tpu.memory_space<vmem>> -> memref<100xi32, #tpu.memory_space<vmem>>
      %dma_start3A_695 = arith.constant 0 : i32
      %dma_start3A_696 = arith.constant 0 : i32
      %dma_start3A_697 = tpu.memref_slice %arg4[%dma_start3A_695, %dma_start3A_696] : memref<10240x128xf32, #tpu.memory_space<hbm>> -> memref<10240x128xf32, #tpu.memory_space<hbm>>
      tpu.enqueue_indirect_dma source(%dma_start3A_697 : memref<10240x128xf32, #tpu.memory_space<hbm>>) target(%arg9 : memref<100x128xf32, #tpu.memory_space<vmem>>) offsets(%dma_start3A_694 : memref<100xi32, #tpu.memory_space<vmem>>) semaphore(%arg13 : memref<!tpu.dma_semaphore, #tpu.memory_space<semaphore_mem>>)
      %dma_wait3A_698 = arith.constant 22 : i32
      %dma_wait3A_699 = arith.constant 0 : i32
      %dma_wait3A_700 = tpu.memref_slice %arg7[%dma_wait3A_698, %dma_wait3A_699] : memref<25x100xi32, #tpu.memory_space<vmem>> -> memref<1x100xi32, #tpu.memory_space<vmem>>
      %dma_wait3A_701 = tpu.memref_squeeze %dma_wait3A_700 : memref<1x100xi32, #tpu.memory_space<vmem>> -> memref<100xi32, #tpu.memory_space<vmem>>
      %dma_wait3A_702 = arith.constant 0 : i32
      %dma_wait3A_703 = arith.constant 0 : i32
      %dma_wait3A_704 = tpu.memref_slice %arg4[%dma_wait3A_702, %dma_wait3A_703] : memref<10240x128xf32, #tpu.memory_space<hbm>> -> memref<10240x128xf32, #tpu.memory_space<hbm>>
      tpu.wait_indirect_dma semaphore(%arg14 : memref<!tpu.dma_semaphore, #tpu.memory_space<semaphore_mem>>) src(%dma_wait3A_704 : memref<10240x128xf32, #tpu.memory_space<hbm>>) dst(%arg10 : memref<100x128xf32, #tpu.memory_space<vmem>>)
      %dma_start3A_705 = arith.constant 22 : i32
      %dma_start3A_706 = arith.constant 0 : i32
      %dma_start3A_707 = tpu.memref_slice %arg8[%dma_start3A_705, %dma_start3A_706] : memref<25x100xi32, #tpu.memory_space<vmem>> -> memref<1x100xi32, #tpu.memory_space<vmem>>
      %dma_start3A_708 = tpu.memref_squeeze %dma_start3A_707 : memref<1x100xi32, #tpu.memory_space<vmem>> -> memref<100xi32, #tpu.memory_space<vmem>>
      %dma_start3A_709 = arith.constant 0 : i32
      %dma_start3A_710 = arith.constant 0 : i32
      %dma_start3A_711 = tpu.memref_slice %arg12[%dma_start3A_709, %dma_start3A_710] : memref<10240x128xf32, #tpu.memory_space<vmem_shared>> -> memref<10240x128xf32, #tpu.memory_space<vmem_shared>>
      tpu.enqueue_indirect_dma source(%arg10 : memref<100x128xf32, #tpu.memory_space<vmem>>) target(%dma_start3A_711 : memref<10240x128xf32, #tpu.memory_space<vmem_shared>>) offsets(%dma_start3A_708 : memref<100xi32, #tpu.memory_space<vmem>>) semaphore(%arg17 : memref<!tpu.dma_semaphore, #tpu.memory_space<semaphore_mem>>) {add = true}
      %dma_wait3A_712 = arith.constant 23 : i32
      %dma_wait3A_713 = arith.constant 0 : i32
      %dma_wait3A_714 = tpu.memref_slice %arg7[%dma_wait3A_712, %dma_wait3A_713] : memref<25x100xi32, #tpu.memory_space<vmem>> -> memref<1x100xi32, #tpu.memory_space<vmem>>
      %dma_wait3A_715 = tpu.memref_squeeze %dma_wait3A_714 : memref<1x100xi32, #tpu.memory_space<vmem>> -> memref<100xi32, #tpu.memory_space<vmem>>
      %dma_wait3A_716 = arith.constant 0 : i32
      %dma_wait3A_717 = arith.constant 0 : i32
      %dma_wait3A_718 = tpu.memref_slice %arg4[%dma_wait3A_716, %dma_wait3A_717] : memref<10240x128xf32, #tpu.memory_space<hbm>> -> memref<10240x128xf32, #tpu.memory_space<hbm>>
      tpu.wait_indirect_dma semaphore(%arg15 : memref<!tpu.dma_semaphore, #tpu.memory_space<semaphore_mem>>) src(%dma_wait3A_718 : memref<10240x128xf32, #tpu.memory_space<hbm>>) dst(%arg11 : memref<100x128xf32, #tpu.memory_space<vmem>>)
      %dma_start3A_719 = arith.constant 23 : i32
      %dma_start3A_720 = arith.constant 0 : i32
      %dma_start3A_721 = tpu.memref_slice %arg8[%dma_start3A_719, %dma_start3A_720] : memref<25x100xi32, #tpu.memory_space<vmem>> -> memref<1x100xi32, #tpu.memory_space<vmem>>
      %dma_start3A_722 = tpu.memref_squeeze %dma_start3A_721 : memref<1x100xi32, #tpu.memory_space<vmem>> -> memref<100xi32, #tpu.memory_space<vmem>>
      %dma_start3A_723 = arith.constant 0 : i32
      %dma_start3A_724 = arith.constant 0 : i32
      %dma_start3A_725 = tpu.memref_slice %arg12[%dma_start3A_723, %dma_start3A_724] : memref<10240x128xf32, #tpu.memory_space<vmem_shared>> -> memref<10240x128xf32, #tpu.memory_space<vmem_shared>>
      tpu.enqueue_indirect_dma source(%arg11 : memref<100x128xf32, #tpu.memory_space<vmem>>) target(%dma_start3A_725 : memref<10240x128xf32, #tpu.memory_space<vmem_shared>>) offsets(%dma_start3A_722 : memref<100xi32, #tpu.memory_space<vmem>>) semaphore(%arg18 : memref<!tpu.dma_semaphore, #tpu.memory_space<semaphore_mem>>) {add = true}
      %dma_wait3A_726 = arith.constant 24 : i32
      %dma_wait3A_727 = arith.constant 0 : i32
      %dma_wait3A_728 = tpu.memref_slice %arg7[%dma_wait3A_726, %dma_wait3A_727] : memref<25x100xi32, #tpu.memory_space<vmem>> -> memref<1x100xi32, #tpu.memory_space<vmem>>
      %dma_wait3A_729 = tpu.memref_squeeze %dma_wait3A_728 : memref<1x100xi32, #tpu.memory_space<vmem>> -> memref<100xi32, #tpu.memory_space<vmem>>
      %dma_wait3A_730 = arith.constant 0 : i32
      %dma_wait3A_731 = arith.constant 0 : i32
      %dma_wait3A_732 = tpu.memref_slice %arg4[%dma_wait3A_730, %dma_wait3A_731] : memref<10240x128xf32, #tpu.memory_space<hbm>> -> memref<10240x128xf32, #tpu.memory_space<hbm>>
      tpu.wait_indirect_dma semaphore(%arg13 : memref<!tpu.dma_semaphore, #tpu.memory_space<semaphore_mem>>) src(%dma_wait3A_732 : memref<10240x128xf32, #tpu.memory_space<hbm>>) dst(%arg9 : memref<100x128xf32, #tpu.memory_space<vmem>>)
      %dma_start3A_733 = arith.constant 24 : i32
      %dma_start3A_734 = arith.constant 0 : i32
      %dma_start3A_735 = tpu.memref_slice %arg8[%dma_start3A_733, %dma_start3A_734] : memref<25x100xi32, #tpu.memory_space<vmem>> -> memref<1x100xi32, #tpu.memory_space<vmem>>
      %dma_start3A_736 = tpu.memref_squeeze %dma_start3A_735 : memref<1x100xi32, #tpu.memory_space<vmem>> -> memref<100xi32, #tpu.memory_space<vmem>>
      %dma_start3A_737 = arith.constant 0 : i32
      %dma_start3A_738 = arith.constant 0 : i32
      %dma_start3A_739 = tpu.memref_slice %arg12[%dma_start3A_737, %dma_start3A_738] : memref<10240x128xf32, #tpu.memory_space<vmem_shared>> -> memref<10240x128xf32, #tpu.memory_space<vmem_shared>>
      tpu.enqueue_indirect_dma source(%arg9 : memref<100x128xf32, #tpu.memory_space<vmem>>) target(%dma_start3A_739 : memref<10240x128xf32, #tpu.memory_space<vmem_shared>>) offsets(%dma_start3A_736 : memref<100xi32, #tpu.memory_space<vmem>>) semaphore(%arg16 : memref<!tpu.dma_semaphore, #tpu.memory_space<semaphore_mem>>) {add = true}
      %dma_wait3A_740 = arith.constant 22 : i32
      %dma_wait3A_741 = arith.constant 0 : i32
      %dma_wait3A_742 = tpu.memref_slice %arg8[%dma_wait3A_740, %dma_wait3A_741] : memref<25x100xi32, #tpu.memory_space<vmem>> -> memref<1x100xi32, #tpu.memory_space<vmem>>
      %dma_wait3A_743 = tpu.memref_squeeze %dma_wait3A_742 : memref<1x100xi32, #tpu.memory_space<vmem>> -> memref<100xi32, #tpu.memory_space<vmem>>
      %dma_wait3A_744 = arith.constant 0 : i32
      %dma_wait3A_745 = arith.constant 0 : i32
      %dma_wait3A_746 = tpu.memref_slice %arg12[%dma_wait3A_744, %dma_wait3A_745] : memref<10240x128xf32, #tpu.memory_space<vmem_shared>> -> memref<10240x128xf32, #tpu.memory_space<vmem_shared>>
      tpu.wait_indirect_dma semaphore(%arg17 : memref<!tpu.dma_semaphore, #tpu.memory_space<semaphore_mem>>) src(%arg10 : memref<100x128xf32, #tpu.memory_space<vmem>>) dst(%dma_wait3A_746 : memref<10240x128xf32, #tpu.memory_space<vmem_shared>>)
      %dma_wait3A_747 = arith.constant 23 : i32
      %dma_wait3A_748 = arith.constant 0 : i32
      %dma_wait3A_749 = tpu.memref_slice %arg8[%dma_wait3A_747, %dma_wait3A_748] : memref<25x100xi32, #tpu.memory_space<vmem>> -> memref<1x100xi32, #tpu.memory_space<vmem>>
      %dma_wait3A_750 = tpu.memref_squeeze %dma_wait3A_749 : memref<1x100xi32, #tpu.memory_space<vmem>> -> memref<100xi32, #tpu.memory_space<vmem>>
      %dma_wait3A_751 = arith.constant 0 : i32
      %dma_wait3A_752 = arith.constant 0 : i32
      %dma_wait3A_753 = tpu.memref_slice %arg12[%dma_wait3A_751, %dma_wait3A_752] : memref<10240x128xf32, #tpu.memory_space<vmem_shared>> -> memref<10240x128xf32, #tpu.memory_space<vmem_shared>>
      tpu.wait_indirect_dma semaphore(%arg18 : memref<!tpu.dma_semaphore, #tpu.memory_space<semaphore_mem>>) src(%arg11 : memref<100x128xf32, #tpu.memory_space<vmem>>) dst(%dma_wait3A_753 : memref<10240x128xf32, #tpu.memory_space<vmem_shared>>)
      %dma_wait3A_754 = arith.constant 24 : i32
      %dma_wait3A_755 = arith.constant 0 : i32
      %dma_wait3A_756 = tpu.memref_slice %arg8[%dma_wait3A_754, %dma_wait3A_755] : memref<25x100xi32, #tpu.memory_space<vmem>> -> memref<1x100xi32, #tpu.memory_space<vmem>>
      %dma_wait3A_757 = tpu.memref_squeeze %dma_wait3A_756 : memref<1x100xi32, #tpu.memory_space<vmem>> -> memref<100xi32, #tpu.memory_space<vmem>>
      %dma_wait3A_758 = arith.constant 0 : i32
      %dma_wait3A_759 = arith.constant 0 : i32
      %dma_wait3A_760 = tpu.memref_slice %arg12[%dma_wait3A_758, %dma_wait3A_759] : memref<10240x128xf32, #tpu.memory_space<vmem_shared>> -> memref<10240x128xf32, #tpu.memory_space<vmem_shared>>
      tpu.wait_indirect_dma semaphore(%arg16 : memref<!tpu.dma_semaphore, #tpu.memory_space<semaphore_mem>>) src(%arg9 : memref<100x128xf32, #tpu.memory_space<vmem>>) dst(%dma_wait3A_760 : memref<10240x128xf32, #tpu.memory_space<vmem_shared>>)
    }
    %while3A_22 = arith.constant 1 : i32
    scf.for %while3A_28 = %while3A_20 to %while3A_16 step %while3A_22  : i32 {
      %mul3A_29 = arith.muli %while3A_28, %while3A : i32
      %add3A_30 = arith.addi %mul3A_4, %mul3A_29 : i32
      %dma_start3A = arith.constant 0 : i32
      %dma_start3A_31 = arith.constant 0 : i32
      %dma_start3A_32 = tpu.memref_slice %arg2[%add3A_30, %dma_start3A, %dma_start3A_31] : memref<128x25x100xi32, #tpu.memory_space<hbm>> -> memref<1x25x100xi32, #tpu.memory_space<hbm>>
      %dma_start3A_33 = tpu.memref_squeeze %dma_start3A_32 : memref<1x25x100xi32, #tpu.memory_space<hbm>> -> memref<25x100xi32, #tpu.memory_space<hbm>>
      %dma_start3A_34 = arith.constant 0 : i32
      %dma_start3A_35 = arith.constant 0 : i32
      %dma_start3A_36 = tpu.memref_slice %arg2[%add3A_30, %dma_start3A_34, %dma_start3A_35] : memref<128x25x100xi32, #tpu.memory_space<hbm>> -> memref<1x25x100xi32, #tpu.memory_space<hbm>>
      %dma_start3A_37 = tpu.memref_squeeze %dma_start3A_36 : memref<1x25x100xi32, #tpu.memory_space<hbm>> -> memref<25x100xi32, #tpu.memory_space<hbm>>
      tpu.enqueue_dma source(%dma_start3A_37 : memref<25x100xi32, #tpu.memory_space<hbm>>) target(%arg7 : memref<25x100xi32, #tpu.memory_space<vmem>>) target_semaphore(%arg19 : memref<!tpu.dma_semaphore, #tpu.memory_space<semaphore_mem>>)
      %dma_start3A_38 = arith.constant 0 : i32
      %dma_start3A_39 = arith.constant 0 : i32
      %dma_start3A_40 = tpu.memref_slice %arg3[%add3A_30, %dma_start3A_38, %dma_start3A_39] : memref<128x25x100xi32, #tpu.memory_space<hbm>> -> memref<1x25x100xi32, #tpu.memory_space<hbm>>
      %dma_start3A_41 = tpu.memref_squeeze %dma_start3A_40 : memref<1x25x100xi32, #tpu.memory_space<hbm>> -> memref<25x100xi32, #tpu.memory_space<hbm>>
      %dma_start3A_42 = arith.constant 0 : i32
      %dma_start3A_43 = arith.constant 0 : i32
      %dma_start3A_44 = tpu.memref_slice %arg3[%add3A_30, %dma_start3A_42, %dma_start3A_43] : memref<128x25x100xi32, #tpu.memory_space<hbm>> -> memref<1x25x100xi32, #tpu.memory_space<hbm>>
      %dma_start3A_45 = tpu.memref_squeeze %dma_start3A_44 : memref<1x25x100xi32, #tpu.memory_space<hbm>> -> memref<25x100xi32, #tpu.memory_space<hbm>>
      tpu.enqueue_dma source(%dma_start3A_45 : memref<25x100xi32, #tpu.memory_space<hbm>>) target(%arg8 : memref<25x100xi32, #tpu.memory_space<vmem>>) target_semaphore(%arg19 : memref<!tpu.dma_semaphore, #tpu.memory_space<semaphore_mem>>)
      %dma_wait3A = arith.constant 0 : i32
      %dma_wait3A_46 = arith.constant 0 : i32
      %dma_wait3A_47 = tpu.memref_slice %arg2[%add3A_30, %dma_wait3A, %dma_wait3A_46] : memref<128x25x100xi32, #tpu.memory_space<hbm>> -> memref<1x25x100xi32, #tpu.memory_space<hbm>>
      %dma_wait3A_48 = tpu.memref_squeeze %dma_wait3A_47 : memref<1x25x100xi32, #tpu.memory_space<hbm>> -> memref<25x100xi32, #tpu.memory_space<hbm>>
      %dma_wait3A_49 = arith.constant 0 : i32
      %dma_wait3A_50 = arith.constant 0 : i32
      %dma_wait3A_51 = tpu.memref_slice %arg2[%add3A_30, %dma_wait3A_49, %dma_wait3A_50] : memref<128x25x100xi32, #tpu.memory_space<hbm>> -> memref<1x25x100xi32, #tpu.memory_space<hbm>>
      %dma_wait3A_52 = tpu.memref_squeeze %dma_wait3A_51 : memref<1x25x100xi32, #tpu.memory_space<hbm>> -> memref<25x100xi32, #tpu.memory_space<hbm>>
      tpu.wait_dma2 semaphore(%arg19 : memref<!tpu.dma_semaphore, #tpu.memory_space<semaphore_mem>>) src(%dma_wait3A_52 : memref<25x100xi32, #tpu.memory_space<hbm>>) dst(%arg7 : memref<25x100xi32, #tpu.memory_space<vmem>>)
      %dma_wait3A_53 = arith.constant 0 : i32
      %dma_wait3A_54 = arith.constant 0 : i32
      %dma_wait3A_55 = tpu.memref_slice %arg3[%add3A_30, %dma_wait3A_53, %dma_wait3A_54] : memref<128x25x100xi32, #tpu.memory_space<hbm>> -> memref<1x25x100xi32, #tpu.memory_space<hbm>>
      %dma_wait3A_56 = tpu.memref_squeeze %dma_wait3A_55 : memref<1x25x100xi32, #tpu.memory_space<hbm>> -> memref<25x100xi32, #tpu.memory_space<hbm>>
      %dma_wait3A_57 = arith.constant 0 : i32
      %dma_wait3A_58 = arith.constant 0 : i32
      %dma_wait3A_59 = tpu.memref_slice %arg3[%add3A_30, %dma_wait3A_57, %dma_wait3A_58] : memref<128x25x100xi32, #tpu.memory_space<hbm>> -> memref<1x25x100xi32, #tpu.memory_space<hbm>>
      %dma_wait3A_60 = tpu.memref_squeeze %dma_wait3A_59 : memref<1x25x100xi32, #tpu.memory_space<hbm>> -> memref<25x100xi32, #tpu.memory_space<hbm>>
      tpu.wait_dma2 semaphore(%arg19 : memref<!tpu.dma_semaphore, #tpu.memory_space<semaphore_mem>>) src(%dma_wait3A_60 : memref<25x100xi32, #tpu.memory_space<hbm>>) dst(%arg8 : memref<25x100xi32, #tpu.memory_space<vmem>>)
      %dma_start3A_61 = arith.constant 0 : i32
      %dma_start3A_62 = arith.constant 0 : i32
      %dma_start3A_63 = tpu.memref_slice %arg7[%dma_start3A_61, %dma_start3A_62] : memref<25x100xi32, #tpu.memory_space<vmem>> -> memref<1x100xi32, #tpu.memory_space<vmem>>
      %dma_start3A_64 = tpu.memref_squeeze %dma_start3A_63 : memref<1x100xi32, #tpu.memory_space<vmem>> -> memref<100xi32, #tpu.memory_space<vmem>>
      %dma_start3A_65 = arith.constant 0 : i32
      %dma_start3A_66 = arith.constant 0 : i32
      %dma_start3A_67 = tpu.memref_slice %arg4[%dma_start3A_65, %dma_start3A_66] : memref<10240x128xf32, #tpu.memory_space<hbm>> -> memref<10240x128xf32, #tpu.memory_space<hbm>>
      tpu.enqueue_indirect_dma source(%dma_start3A_67 : memref<10240x128xf32, #tpu.memory_space<hbm>>) target(%arg9 : memref<100x128xf32, #tpu.memory_space<vmem>>) offsets(%dma_start3A_64 : memref<100xi32, #tpu.memory_space<vmem>>) semaphore(%arg13 : memref<!tpu.dma_semaphore, #tpu.memory_space<semaphore_mem>>)
      %dma_start3A_68 = arith.constant 1 : i32
      %dma_start3A_69 = arith.constant 0 : i32
      %dma_start3A_70 = tpu.memref_slice %arg7[%dma_start3A_68, %dma_start3A_69] : memref<25x100xi32, #tpu.memory_space<vmem>> -> memref<1x100xi32, #tpu.memory_space<vmem>>
      %dma_start3A_71 = tpu.memref_squeeze %dma_start3A_70 : memref<1x100xi32, #tpu.memory_space<vmem>> -> memref<100xi32, #tpu.memory_space<vmem>>
      %dma_start3A_72 = arith.constant 0 : i32
      %dma_start3A_73 = arith.constant 0 : i32
      %dma_start3A_74 = tpu.memref_slice %arg4[%dma_start3A_72, %dma_start3A_73] : memref<10240x128xf32, #tpu.memory_space<hbm>> -> memref<10240x128xf32, #tpu.memory_space<hbm>>
      tpu.enqueue_indirect_dma source(%dma_start3A_74 : memref<10240x128xf32, #tpu.memory_space<hbm>>) target(%arg10 : memref<100x128xf32, #tpu.memory_space<vmem>>) offsets(%dma_start3A_71 : memref<100xi32, #tpu.memory_space<vmem>>) semaphore(%arg14 : memref<!tpu.dma_semaphore, #tpu.memory_space<semaphore_mem>>)
      %dma_start3A_75 = arith.constant 2 : i32
      %dma_start3A_76 = arith.constant 0 : i32
      %dma_start3A_77 = tpu.memref_slice %arg7[%dma_start3A_75, %dma_start3A_76] : memref<25x100xi32, #tpu.memory_space<vmem>> -> memref<1x100xi32, #tpu.memory_space<vmem>>
      %dma_start3A_78 = tpu.memref_squeeze %dma_start3A_77 : memref<1x100xi32, #tpu.memory_space<vmem>> -> memref<100xi32, #tpu.memory_space<vmem>>
      %dma_start3A_79 = arith.constant 0 : i32
      %dma_start3A_80 = arith.constant 0 : i32
      %dma_start3A_81 = tpu.memref_slice %arg4[%dma_start3A_79, %dma_start3A_80] : memref<10240x128xf32, #tpu.memory_space<hbm>> -> memref<10240x128xf32, #tpu.memory_space<hbm>>
      tpu.enqueue_indirect_dma source(%dma_start3A_81 : memref<10240x128xf32, #tpu.memory_space<hbm>>) target(%arg11 : memref<100x128xf32, #tpu.memory_space<vmem>>) offsets(%dma_start3A_78 : memref<100xi32, #tpu.memory_space<vmem>>) semaphore(%arg15 : memref<!tpu.dma_semaphore, #tpu.memory_space<semaphore_mem>>)
      %dma_wait3A_82 = arith.constant 0 : i32
      %dma_wait3A_83 = arith.constant 0 : i32
      %dma_wait3A_84 = tpu.memref_slice %arg7[%dma_wait3A_82, %dma_wait3A_83] : memref<25x100xi32, #tpu.memory_space<vmem>> -> memref<1x100xi32, #tpu.memory_space<vmem>>
      %dma_wait3A_85 = tpu.memref_squeeze %dma_wait3A_84 : memref<1x100xi32, #tpu.memory_space<vmem>> -> memref<100xi32, #tpu.memory_space<vmem>>
      %dma_wait3A_86 = arith.constant 0 : i32
      %dma_wait3A_87 = arith.constant 0 : i32
      %dma_wait3A_88 = tpu.memref_slice %arg4[%dma_wait3A_86, %dma_wait3A_87] : memref<10240x128xf32, #tpu.memory_space<hbm>> -> memref<10240x128xf32, #tpu.memory_space<hbm>>
      tpu.wait_indirect_dma semaphore(%arg13 : memref<!tpu.dma_semaphore, #tpu.memory_space<semaphore_mem>>) src(%dma_wait3A_88 : memref<10240x128xf32, #tpu.memory_space<hbm>>) dst(%arg9 : memref<100x128xf32, #tpu.memory_space<vmem>>)
      %dma_start3A_89 = arith.constant 0 : i32
      %dma_start3A_90 = arith.constant 0 : i32
      %dma_start3A_91 = tpu.memref_slice %arg8[%dma_start3A_89, %dma_start3A_90] : memref<25x100xi32, #tpu.memory_space<vmem>> -> memref<1x100xi32, #tpu.memory_space<vmem>>
      %dma_start3A_92 = tpu.memref_squeeze %dma_start3A_91 : memref<1x100xi32, #tpu.memory_space<vmem>> -> memref<100xi32, #tpu.memory_space<vmem>>
      %dma_start3A_93 = arith.constant 0 : i32
      %dma_start3A_94 = arith.constant 0 : i32
      %dma_start3A_95 = tpu.memref_slice %arg12[%dma_start3A_93, %dma_start3A_94] : memref<10240x128xf32, #tpu.memory_space<vmem_shared>> -> memref<10240x128xf32, #tpu.memory_space<vmem_shared>>
      tpu.enqueue_indirect_dma source(%arg9 : memref<100x128xf32, #tpu.memory_space<vmem>>) target(%dma_start3A_95 : memref<10240x128xf32, #tpu.memory_space<vmem_shared>>) offsets(%dma_start3A_92 : memref<100xi32, #tpu.memory_space<vmem>>) semaphore(%arg16 : memref<!tpu.dma_semaphore, #tpu.memory_space<semaphore_mem>>) {add = true}
      %dma_wait3A_96 = arith.constant 0 : i32
      %dma_wait3A_97 = arith.constant 0 : i32
      %dma_wait3A_98 = tpu.memref_slice %arg8[%dma_wait3A_96, %dma_wait3A_97] : memref<25x100xi32, #tpu.memory_space<vmem>> -> memref<1x100xi32, #tpu.memory_space<vmem>>
      %dma_wait3A_99 = tpu.memref_squeeze %dma_wait3A_98 : memref<1x100xi32, #tpu.memory_space<vmem>> -> memref<100xi32, #tpu.memory_space<vmem>>
      %dma_wait3A_100 = arith.constant 0 : i32
      %dma_wait3A_101 = arith.constant 0 : i32
      %dma_wait3A_102 = tpu.memref_slice %arg12[%dma_wait3A_100, %dma_wait3A_101] : memref<10240x128xf32, #tpu.memory_space<vmem_shared>> -> memref<10240x128xf32, #tpu.memory_space<vmem_shared>>
      tpu.wait_indirect_dma semaphore(%arg16 : memref<!tpu.dma_semaphore, #tpu.memory_space<semaphore_mem>>) src(%arg9 : memref<100x128xf32, #tpu.memory_space<vmem>>) dst(%dma_wait3A_102 : memref<10240x128xf32, #tpu.memory_space<vmem_shared>>)
      %dma_start3A_103 = arith.constant 3 : i32
      %dma_start3A_104 = arith.constant 0 : i32
      %dma_start3A_105 = tpu.memref_slice %arg7[%dma_start3A_103, %dma_start3A_104] : memref<25x100xi32, #tpu.memory_space<vmem>> -> memref<1x100xi32, #tpu.memory_space<vmem>>
      %dma_start3A_106 = tpu.memref_squeeze %dma_start3A_105 : memref<1x100xi32, #tpu.memory_space<vmem>> -> memref<100xi32, #tpu.memory_space<vmem>>
      %dma_start3A_107 = arith.constant 0 : i32
      %dma_start3A_108 = arith.constant 0 : i32
      %dma_start3A_109 = tpu.memref_slice %arg4[%dma_start3A_107, %dma_start3A_108] : memref<10240x128xf32, #tpu.memory_space<hbm>> -> memref<10240x128xf32, #tpu.memory_space<hbm>>
      tpu.enqueue_indirect_dma source(%dma_start3A_109 : memref<10240x128xf32, #tpu.memory_space<hbm>>) target(%arg9 : memref<100x128xf32, #tpu.memory_space<vmem>>) offsets(%dma_start3A_106 : memref<100xi32, #tpu.memory_space<vmem>>) semaphore(%arg13 : memref<!tpu.dma_semaphore, #tpu.memory_space<semaphore_mem>>)
      %dma_wait3A_110 = arith.constant 1 : i32
      %dma_wait3A_111 = arith.constant 0 : i32
      %dma_wait3A_112 = tpu.memref_slice %arg7[%dma_wait3A_110, %dma_wait3A_111] : memref<25x100xi32, #tpu.memory_space<vmem>> -> memref<1x100xi32, #tpu.memory_space<vmem>>
      %dma_wait3A_113 = tpu.memref_squeeze %dma_wait3A_112 : memref<1x100xi32, #tpu.memory_space<vmem>> -> memref<100xi32, #tpu.memory_space<vmem>>
      %dma_wait3A_114 = arith.constant 0 : i32
      %dma_wait3A_115 = arith.constant 0 : i32
      %dma_wait3A_116 = tpu.memref_slice %arg4[%dma_wait3A_114, %dma_wait3A_115] : memref<10240x128xf32, #tpu.memory_space<hbm>> -> memref<10240x128xf32, #tpu.memory_space<hbm>>
      tpu.wait_indirect_dma semaphore(%arg14 : memref<!tpu.dma_semaphore, #tpu.memory_space<semaphore_mem>>) src(%dma_wait3A_116 : memref<10240x128xf32, #tpu.memory_space<hbm>>) dst(%arg10 : memref<100x128xf32, #tpu.memory_space<vmem>>)
      %dma_start3A_117 = arith.constant 1 : i32
      %dma_start3A_118 = arith.constant 0 : i32
      %dma_start3A_119 = tpu.memref_slice %arg8[%dma_start3A_117, %dma_start3A_118] : memref<25x100xi32, #tpu.memory_space<vmem>> -> memref<1x100xi32, #tpu.memory_space<vmem>>
      %dma_start3A_120 = tpu.memref_squeeze %dma_start3A_119 : memref<1x100xi32, #tpu.memory_space<vmem>> -> memref<100xi32, #tpu.memory_space<vmem>>
      %dma_start3A_121 = arith.constant 0 : i32
      %dma_start3A_122 = arith.constant 0 : i32
      %dma_start3A_123 = tpu.memref_slice %arg12[%dma_start3A_121, %dma_start3A_122] : memref<10240x128xf32, #tpu.memory_space<vmem_shared>> -> memref<10240x128xf32, #tpu.memory_space<vmem_shared>>
      tpu.enqueue_indirect_dma source(%arg10 : memref<100x128xf32, #tpu.memory_space<vmem>>) target(%dma_start3A_123 : memref<10240x128xf32, #tpu.memory_space<vmem_shared>>) offsets(%dma_start3A_120 : memref<100xi32, #tpu.memory_space<vmem>>) semaphore(%arg17 : memref<!tpu.dma_semaphore, #tpu.memory_space<semaphore_mem>>) {add = true}
      %dma_wait3A_124 = arith.constant 1 : i32
      %dma_wait3A_125 = arith.constant 0 : i32
      %dma_wait3A_126 = tpu.memref_slice %arg8[%dma_wait3A_124, %dma_wait3A_125] : memref<25x100xi32, #tpu.memory_space<vmem>> -> memref<1x100xi32, #tpu.memory_space<vmem>>
      %dma_wait3A_127 = tpu.memref_squeeze %dma_wait3A_126 : memref<1x100xi32, #tpu.memory_space<vmem>> -> memref<100xi32, #tpu.memory_space<vmem>>
      %dma_wait3A_128 = arith.constant 0 : i32
      %dma_wait3A_129 = arith.constant 0 : i32
      %dma_wait3A_130 = tpu.memref_slice %arg12[%dma_wait3A_128, %dma_wait3A_129] : memref<10240x128xf32, #tpu.memory_space<vmem_shared>> -> memref<10240x128xf32, #tpu.memory_space<vmem_shared>>
      tpu.wait_indirect_dma semaphore(%arg17 : memref<!tpu.dma_semaphore, #tpu.memory_space<semaphore_mem>>) src(%arg10 : memref<100x128xf32, #tpu.memory_space<vmem>>) dst(%dma_wait3A_130 : memref<10240x128xf32, #tpu.memory_space<vmem_shared>>)
      %dma_start3A_131 = arith.constant 4 : i32
      %dma_start3A_132 = arith.constant 0 : i32
      %dma_start3A_133 = tpu.memref_slice %arg7[%dma_start3A_131, %dma_start3A_132] : memref<25x100xi32, #tpu.memory_space<vmem>> -> memref<1x100xi32, #tpu.memory_space<vmem>>
      %dma_start3A_134 = tpu.memref_squeeze %dma_start3A_133 : memref<1x100xi32, #tpu.memory_space<vmem>> -> memref<100xi32, #tpu.memory_space<vmem>>
      %dma_start3A_135 = arith.constant 0 : i32
      %dma_start3A_136 = arith.constant 0 : i32
      %dma_start3A_137 = tpu.memref_slice %arg4[%dma_start3A_135, %dma_start3A_136] : memref<10240x128xf32, #tpu.memory_space<hbm>> -> memref<10240x128xf32, #tpu.memory_space<hbm>>
      tpu.enqueue_indirect_dma source(%dma_start3A_137 : memref<10240x128xf32, #tpu.memory_space<hbm>>) target(%arg10 : memref<100x128xf32, #tpu.memory_space<vmem>>) offsets(%dma_start3A_134 : memref<100xi32, #tpu.memory_space<vmem>>) semaphore(%arg14 : memref<!tpu.dma_semaphore, #tpu.memory_space<semaphore_mem>>)
      %dma_wait3A_138 = arith.constant 2 : i32
      %dma_wait3A_139 = arith.constant 0 : i32
      %dma_wait3A_140 = tpu.memref_slice %arg7[%dma_wait3A_138, %dma_wait3A_139] : memref<25x100xi32, #tpu.memory_space<vmem>> -> memref<1x100xi32, #tpu.memory_space<vmem>>
      %dma_wait3A_141 = tpu.memref_squeeze %dma_wait3A_140 : memref<1x100xi32, #tpu.memory_space<vmem>> -> memref<100xi32, #tpu.memory_space<vmem>>
      %dma_wait3A_142 = arith.constant 0 : i32
      %dma_wait3A_143 = arith.constant 0 : i32
      %dma_wait3A_144 = tpu.memref_slice %arg4[%dma_wait3A_142, %dma_wait3A_143] : memref<10240x128xf32, #tpu.memory_space<hbm>> -> memref<10240x128xf32, #tpu.memory_space<hbm>>
      tpu.wait_indirect_dma semaphore(%arg15 : memref<!tpu.dma_semaphore, #tpu.memory_space<semaphore_mem>>) src(%dma_wait3A_144 : memref<10240x128xf32, #tpu.memory_space<hbm>>) dst(%arg11 : memref<100x128xf32, #tpu.memory_space<vmem>>)
      %dma_start3A_145 = arith.constant 2 : i32
      %dma_start3A_146 = arith.constant 0 : i32
      %dma_start3A_147 = tpu.memref_slice %arg8[%dma_start3A_145, %dma_start3A_146] : memref<25x100xi32, #tpu.memory_space<vmem>> -> memref<1x100xi32, #tpu.memory_space<vmem>>
      %dma_start3A_148 = tpu.memref_squeeze %dma_start3A_147 : memref<1x100xi32, #tpu.memory_space<vmem>> -> memref<100xi32, #tpu.memory_space<vmem>>
      %dma_start3A_149 = arith.constant 0 : i32
      %dma_start3A_150 = arith.constant 0 : i32
      %dma_start3A_151 = tpu.memref_slice %arg12[%dma_start3A_149, %dma_start3A_150] : memref<10240x128xf32, #tpu.memory_space<vmem_shared>> -> memref<10240x128xf32, #tpu.memory_space<vmem_shared>>
      tpu.enqueue_indirect_dma source(%arg11 : memref<100x128xf32, #tpu.memory_space<vmem>>) target(%dma_start3A_151 : memref<10240x128xf32, #tpu.memory_space<vmem_shared>>) offsets(%dma_start3A_148 : memref<100xi32, #tpu.memory_space<vmem>>) semaphore(%arg18 : memref<!tpu.dma_semaphore, #tpu.memory_space<semaphore_mem>>) {add = true}
      %dma_wait3A_152 = arith.constant 2 : i32
      %dma_wait3A_153 = arith.constant 0 : i32
      %dma_wait3A_154 = tpu.memref_slice %arg8[%dma_wait3A_152, %dma_wait3A_153] : memref<25x100xi32, #tpu.memory_space<vmem>> -> memref<1x100xi32, #tpu.memory_space<vmem>>
      %dma_wait3A_155 = tpu.memref_squeeze %dma_wait3A_154 : memref<1x100xi32, #tpu.memory_space<vmem>> -> memref<100xi32, #tpu.memory_space<vmem>>
      %dma_wait3A_156 = arith.constant 0 : i32
      %dma_wait3A_157 = arith.constant 0 : i32
      %dma_wait3A_158 = tpu.memref_slice %arg12[%dma_wait3A_156, %dma_wait3A_157] : memref<10240x128xf32, #tpu.memory_space<vmem_shared>> -> memref<10240x128xf32, #tpu.memory_space<vmem_shared>>
      tpu.wait_indirect_dma semaphore(%arg18 : memref<!tpu.dma_semaphore, #tpu.memory_space<semaphore_mem>>) src(%arg11 : memref<100x128xf32, #tpu.memory_space<vmem>>) dst(%dma_wait3A_158 : memref<10240x128xf32, #tpu.memory_space<vmem_shared>>)
      %dma_start3A_159 = arith.constant 5 : i32
      %dma_start3A_160 = arith.constant 0 : i32
      %dma_start3A_161 = tpu.memref_slice %arg7[%dma_start3A_159, %dma_start3A_160] : memref<25x100xi32, #tpu.memory_space<vmem>> -> memref<1x100xi32, #tpu.memory_space<vmem>>
      %dma_start3A_162 = tpu.memref_squeeze %dma_start3A_161 : memref<1x100xi32, #tpu.memory_space<vmem>> -> memref<100xi32, #tpu.memory_space<vmem>>
      %dma_start3A_163 = arith.constant 0 : i32
      %dma_start3A_164 = arith.constant 0 : i32
      %dma_start3A_165 = tpu.memref_slice %arg4[%dma_start3A_163, %dma_start3A_164] : memref<10240x128xf32, #tpu.memory_space<hbm>> -> memref<10240x128xf32, #tpu.memory_space<hbm>>
      tpu.enqueue_indirect_dma source(%dma_start3A_165 : memref<10240x128xf32, #tpu.memory_space<hbm>>) target(%arg11 : memref<100x128xf32, #tpu.memory_space<vmem>>) offsets(%dma_start3A_162 : memref<100xi32, #tpu.memory_space<vmem>>) semaphore(%arg15 : memref<!tpu.dma_semaphore, #tpu.memory_space<semaphore_mem>>)
      %dma_wait3A_166 = arith.constant 3 : i32
      %dma_wait3A_167 = arith.constant 0 : i32
      %dma_wait3A_168 = tpu.memref_slice %arg7[%dma_wait3A_166, %dma_wait3A_167] : memref<25x100xi32, #tpu.memory_space<vmem>> -> memref<1x100xi32, #tpu.memory_space<vmem>>
      %dma_wait3A_169 = tpu.memref_squeeze %dma_wait3A_168 : memref<1x100xi32, #tpu.memory_space<vmem>> -> memref<100xi32, #tpu.memory_space<vmem>>
      %dma_wait3A_170 = arith.constant 0 : i32
      %dma_wait3A_171 = arith.constant 0 : i32
      %dma_wait3A_172 = tpu.memref_slice %arg4[%dma_wait3A_170, %dma_wait3A_171] : memref<10240x128xf32, #tpu.memory_space<hbm>> -> memref<10240x128xf32, #tpu.memory_space<hbm>>
      tpu.wait_indirect_dma semaphore(%arg13 : memref<!tpu.dma_semaphore, #tpu.memory_space<semaphore_mem>>) src(%dma_wait3A_172 : memref<10240x128xf32, #tpu.memory_space<hbm>>) dst(%arg9 : memref<100x128xf32, #tpu.memory_space<vmem>>)
      %dma_start3A_173 = arith.constant 3 : i32
      %dma_start3A_174 = arith.constant 0 : i32
      %dma_start3A_175 = tpu.memref_slice %arg8[%dma_start3A_173, %dma_start3A_174] : memref<25x100xi32, #tpu.memory_space<vmem>> -> memref<1x100xi32, #tpu.memory_space<vmem>>
      %dma_start3A_176 = tpu.memref_squeeze %dma_start3A_175 : memref<1x100xi32, #tpu.memory_space<vmem>> -> memref<100xi32, #tpu.memory_space<vmem>>
      %dma_start3A_177 = arith.constant 0 : i32
      %dma_start3A_178 = arith.constant 0 : i32
      %dma_start3A_179 = tpu.memref_slice %arg12[%dma_start3A_177, %dma_start3A_178] : memref<10240x128xf32, #tpu.memory_space<vmem_shared>> -> memref<10240x128xf32, #tpu.memory_space<vmem_shared>>
      tpu.enqueue_indirect_dma source(%arg9 : memref<100x128xf32, #tpu.memory_space<vmem>>) target(%dma_start3A_179 : memref<10240x128xf32, #tpu.memory_space<vmem_shared>>) offsets(%dma_start3A_176 : memref<100xi32, #tpu.memory_space<vmem>>) semaphore(%arg16 : memref<!tpu.dma_semaphore, #tpu.memory_space<semaphore_mem>>) {add = true}
      %dma_wait3A_180 = arith.constant 3 : i32
      %dma_wait3A_181 = arith.constant 0 : i32
      %dma_wait3A_182 = tpu.memref_slice %arg8[%dma_wait3A_180, %dma_wait3A_181] : memref<25x100xi32, #tpu.memory_space<vmem>> -> memref<1x100xi32, #tpu.memory_space<vmem>>
      %dma_wait3A_183 = tpu.memref_squeeze %dma_wait3A_182 : memref<1x100xi32, #tpu.memory_space<vmem>> -> memref<100xi32, #tpu.memory_space<vmem>>
      %dma_wait3A_184 = arith.constant 0 : i32
      %dma_wait3A_185 = arith.constant 0 : i32
      %dma_wait3A_186 = tpu.memref_slice %arg12[%dma_wait3A_184, %dma_wait3A_185] : memref<10240x128xf32, #tpu.memory_space<vmem_shared>> -> memref<10240x128xf32, #tpu.memory_space<vmem_shared>>
      tpu.wait_indirect_dma semaphore(%arg16 : memref<!tpu.dma_semaphore, #tpu.memory_space<semaphore_mem>>) src(%arg9 : memref<100x128xf32, #tpu.memory_space<vmem>>) dst(%dma_wait3A_186 : memref<10240x128xf32, #tpu.memory_space<vmem_shared>>)
      %dma_start3A_187 = arith.constant 6 : i32
      %dma_start3A_188 = arith.constant 0 : i32
      %dma_start3A_189 = tpu.memref_slice %arg7[%dma_start3A_187, %dma_start3A_188] : memref<25x100xi32, #tpu.memory_space<vmem>> -> memref<1x100xi32, #tpu.memory_space<vmem>>
      %dma_start3A_190 = tpu.memref_squeeze %dma_start3A_189 : memref<1x100xi32, #tpu.memory_space<vmem>> -> memref<100xi32, #tpu.memory_space<vmem>>
      %dma_start3A_191 = arith.constant 0 : i32
      %dma_start3A_192 = arith.constant 0 : i32
      %dma_start3A_193 = tpu.memref_slice %arg4[%dma_start3A_191, %dma_start3A_192] : memref<10240x128xf32, #tpu.memory_space<hbm>> -> memref<10240x128xf32, #tpu.memory_space<hbm>>
      tpu.enqueue_indirect_dma source(%dma_start3A_193 : memref<10240x128xf32, #tpu.memory_space<hbm>>) target(%arg9 : memref<100x128xf32, #tpu.memory_space<vmem>>) offsets(%dma_start3A_190 : memref<100xi32, #tpu.memory_space<vmem>>) semaphore(%arg13 : memref<!tpu.dma_semaphore, #tpu.memory_space<semaphore_mem>>)
      %dma_wait3A_194 = arith.constant 4 : i32
      %dma_wait3A_195 = arith.constant 0 : i32
      %dma_wait3A_196 = tpu.memref_slice %arg7[%dma_wait3A_194, %dma_wait3A_195] : memref<25x100xi32, #tpu.memory_space<vmem>> -> memref<1x100xi32, #tpu.memory_space<vmem>>
      %dma_wait3A_197 = tpu.memref_squeeze %dma_wait3A_196 : memref<1x100xi32, #tpu.memory_space<vmem>> -> memref<100xi32, #tpu.memory_space<vmem>>
      %dma_wait3A_198 = arith.constant 0 : i32
      %dma_wait3A_199 = arith.constant 0 : i32
      %dma_wait3A_200 = tpu.memref_slice %arg4[%dma_wait3A_198, %dma_wait3A_199] : memref<10240x128xf32, #tpu.memory_space<hbm>> -> memref<10240x128xf32, #tpu.memory_space<hbm>>
      tpu.wait_indirect_dma semaphore(%arg14 : memref<!tpu.dma_semaphore, #tpu.memory_space<semaphore_mem>>) src(%dma_wait3A_200 : memref<10240x128xf32, #tpu.memory_space<hbm>>) dst(%arg10 : memref<100x128xf32, #tpu.memory_space<vmem>>)
      %dma_start3A_201 = arith.constant 4 : i32
      %dma_start3A_202 = arith.constant 0 : i32
      %dma_start3A_203 = tpu.memref_slice %arg8[%dma_start3A_201, %dma_start3A_202] : memref<25x100xi32, #tpu.memory_space<vmem>> -> memref<1x100xi32, #tpu.memory_space<vmem>>
      %dma_start3A_204 = tpu.memref_squeeze %dma_start3A_203 : memref<1x100xi32, #tpu.memory_space<vmem>> -> memref<100xi32, #tpu.memory_space<vmem>>
      %dma_start3A_205 = arith.constant 0 : i32
      %dma_start3A_206 = arith.constant 0 : i32
      %dma_start3A_207 = tpu.memref_slice %arg12[%dma_start3A_205, %dma_start3A_206] : memref<10240x128xf32, #tpu.memory_space<vmem_shared>> -> memref<10240x128xf32, #tpu.memory_space<vmem_shared>>
      tpu.enqueue_indirect_dma source(%arg10 : memref<100x128xf32, #tpu.memory_space<vmem>>) target(%dma_start3A_207 : memref<10240x128xf32, #tpu.memory_space<vmem_shared>>) offsets(%dma_start3A_204 : memref<100xi32, #tpu.memory_space<vmem>>) semaphore(%arg17 : memref<!tpu.dma_semaphore, #tpu.memory_space<semaphore_mem>>) {add = true}
      %dma_wait3A_208 = arith.constant 4 : i32
      %dma_wait3A_209 = arith.constant 0 : i32
      %dma_wait3A_210 = tpu.memref_slice %arg8[%dma_wait3A_208, %dma_wait3A_209] : memref<25x100xi32, #tpu.memory_space<vmem>> -> memref<1x100xi32, #tpu.memory_space<vmem>>
      %dma_wait3A_211 = tpu.memref_squeeze %dma_wait3A_210 : memref<1x100xi32, #tpu.memory_space<vmem>> -> memref<100xi32, #tpu.memory_space<vmem>>
      %dma_wait3A_212 = arith.constant 0 : i32
      %dma_wait3A_213 = arith.constant 0 : i32
      %dma_wait3A_214 = tpu.memref_slice %arg12[%dma_wait3A_212, %dma_wait3A_213] : memref<10240x128xf32, #tpu.memory_space<vmem_shared>> -> memref<10240x128xf32, #tpu.memory_space<vmem_shared>>
      tpu.wait_indirect_dma semaphore(%arg17 : memref<!tpu.dma_semaphore, #tpu.memory_space<semaphore_mem>>) src(%arg10 : memref<100x128xf32, #tpu.memory_space<vmem>>) dst(%dma_wait3A_214 : memref<10240x128xf32, #tpu.memory_space<vmem_shared>>)
      %dma_start3A_215 = arith.constant 7 : i32
      %dma_start3A_216 = arith.constant 0 : i32
      %dma_start3A_217 = tpu.memref_slice %arg7[%dma_start3A_215, %dma_start3A_216] : memref<25x100xi32, #tpu.memory_space<vmem>> -> memref<1x100xi32, #tpu.memory_space<vmem>>
      %dma_start3A_218 = tpu.memref_squeeze %dma_start3A_217 : memref<1x100xi32, #tpu.memory_space<vmem>> -> memref<100xi32, #tpu.memory_space<vmem>>
      %dma_start3A_219 = arith.constant 0 : i32
      %dma_start3A_220 = arith.constant 0 : i32
      %dma_start3A_221 = tpu.memref_slice %arg4[%dma_start3A_219, %dma_start3A_220] : memref<10240x128xf32, #tpu.memory_space<hbm>> -> memref<10240x128xf32, #tpu.memory_space<hbm>>
      tpu.enqueue_indirect_dma source(%dma_start3A_221 : memref<10240x128xf32, #tpu.memory_space<hbm>>) target(%arg10 : memref<100x128xf32, #tpu.memory_space<vmem>>) offsets(%dma_start3A_218 : memref<100xi32, #tpu.memory_space<vmem>>) semaphore(%arg14 : memref<!tpu.dma_semaphore, #tpu.memory_space<semaphore_mem>>)
      %dma_wait3A_222 = arith.constant 5 : i32
      %dma_wait3A_223 = arith.constant 0 : i32
      %dma_wait3A_224 = tpu.memref_slice %arg7[%dma_wait3A_222, %dma_wait3A_223] : memref<25x100xi32, #tpu.memory_space<vmem>> -> memref<1x100xi32, #tpu.memory_space<vmem>>
      %dma_wait3A_225 = tpu.memref_squeeze %dma_wait3A_224 : memref<1x100xi32, #tpu.memory_space<vmem>> -> memref<100xi32, #tpu.memory_space<vmem>>
      %dma_wait3A_226 = arith.constant 0 : i32
      %dma_wait3A_227 = arith.constant 0 : i32
      %dma_wait3A_228 = tpu.memref_slice %arg4[%dma_wait3A_226, %dma_wait3A_227] : memref<10240x128xf32, #tpu.memory_space<hbm>> -> memref<10240x128xf32, #tpu.memory_space<hbm>>
      tpu.wait_indirect_dma semaphore(%arg15 : memref<!tpu.dma_semaphore, #tpu.memory_space<semaphore_mem>>) src(%dma_wait3A_228 : memref<10240x128xf32, #tpu.memory_space<hbm>>) dst(%arg11 : memref<100x128xf32, #tpu.memory_space<vmem>>)
      %dma_start3A_229 = arith.constant 5 : i32
      %dma_start3A_230 = arith.constant 0 : i32
      %dma_start3A_231 = tpu.memref_slice %arg8[%dma_start3A_229, %dma_start3A_230] : memref<25x100xi32, #tpu.memory_space<vmem>> -> memref<1x100xi32, #tpu.memory_space<vmem>>
      %dma_start3A_232 = tpu.memref_squeeze %dma_start3A_231 : memref<1x100xi32, #tpu.memory_space<vmem>> -> memref<100xi32, #tpu.memory_space<vmem>>
      %dma_start3A_233 = arith.constant 0 : i32
      %dma_start3A_234 = arith.constant 0 : i32
      %dma_start3A_235 = tpu.memref_slice %arg12[%dma_start3A_233, %dma_start3A_234] : memref<10240x128xf32, #tpu.memory_space<vmem_shared>> -> memref<10240x128xf32, #tpu.memory_space<vmem_shared>>
      tpu.enqueue_indirect_dma source(%arg11 : memref<100x128xf32, #tpu.memory_space<vmem>>) target(%dma_start3A_235 : memref<10240x128xf32, #tpu.memory_space<vmem_shared>>) offsets(%dma_start3A_232 : memref<100xi32, #tpu.memory_space<vmem>>) semaphore(%arg18 : memref<!tpu.dma_semaphore, #tpu.memory_space<semaphore_mem>>) {add = true}
      %dma_wait3A_236 = arith.constant 5 : i32
      %dma_wait3A_237 = arith.constant 0 : i32
      %dma_wait3A_238 = tpu.memref_slice %arg8[%dma_wait3A_236, %dma_wait3A_237] : memref<25x100xi32, #tpu.memory_space<vmem>> -> memref<1x100xi32, #tpu.memory_space<vmem>>
      %dma_wait3A_239 = tpu.memref_squeeze %dma_wait3A_238 : memref<1x100xi32, #tpu.memory_space<vmem>> -> memref<100xi32, #tpu.memory_space<vmem>>
      %dma_wait3A_240 = arith.constant 0 : i32
      %dma_wait3A_241 = arith.constant 0 : i32
      %dma_wait3A_242 = tpu.memref_slice %arg12[%dma_wait3A_240, %dma_wait3A_241] : memref<10240x128xf32, #tpu.memory_space<vmem_shared>> -> memref<10240x128xf32, #tpu.memory_space<vmem_shared>>
      tpu.wait_indirect_dma semaphore(%arg18 : memref<!tpu.dma_semaphore, #tpu.memory_space<semaphore_mem>>) src(%arg11 : memref<100x128xf32, #tpu.memory_space<vmem>>) dst(%dma_wait3A_242 : memref<10240x128xf32, #tpu.memory_space<vmem_shared>>)
      %dma_start3A_243 = arith.constant 8 : i32
      %dma_start3A_244 = arith.constant 0 : i32
      %dma_start3A_245 = tpu.memref_slice %arg7[%dma_start3A_243, %dma_start3A_244] : memref<25x100xi32, #tpu.memory_space<vmem>> -> memref<1x100xi32, #tpu.memory_space<vmem>>
      %dma_start3A_246 = tpu.memref_squeeze %dma_start3A_245 : memref<1x100xi32, #tpu.memory_space<vmem>> -> memref<100xi32, #tpu.memory_space<vmem>>
      %dma_start3A_247 = arith.constant 0 : i32
      %dma_start3A_248 = arith.constant 0 : i32
      %dma_start3A_249 = tpu.memref_slice %arg4[%dma_start3A_247, %dma_start3A_248] : memref<10240x128xf32, #tpu.memory_space<hbm>> -> memref<10240x128xf32, #tpu.memory_space<hbm>>
      tpu.enqueue_indirect_dma source(%dma_start3A_249 : memref<10240x128xf32, #tpu.memory_space<hbm>>) target(%arg11 : memref<100x128xf32, #tpu.memory_space<vmem>>) offsets(%dma_start3A_246 : memref<100xi32, #tpu.memory_space<vmem>>) semaphore(%arg15 : memref<!tpu.dma_semaphore, #tpu.memory_space<semaphore_mem>>)
      %dma_wait3A_250 = arith.constant 6 : i32
      %dma_wait3A_251 = arith.constant 0 : i32
      %dma_wait3A_252 = tpu.memref_slice %arg7[%dma_wait3A_250, %dma_wait3A_251] : memref<25x100xi32, #tpu.memory_space<vmem>> -> memref<1x100xi32, #tpu.memory_space<vmem>>
      %dma_wait3A_253 = tpu.memref_squeeze %dma_wait3A_252 : memref<1x100xi32, #tpu.memory_space<vmem>> -> memref<100xi32, #tpu.memory_space<vmem>>
      %dma_wait3A_254 = arith.constant 0 : i32
      %dma_wait3A_255 = arith.constant 0 : i32
      %dma_wait3A_256 = tpu.memref_slice %arg4[%dma_wait3A_254, %dma_wait3A_255] : memref<10240x128xf32, #tpu.memory_space<hbm>> -> memref<10240x128xf32, #tpu.memory_space<hbm>>
      tpu.wait_indirect_dma semaphore(%arg13 : memref<!tpu.dma_semaphore, #tpu.memory_space<semaphore_mem>>) src(%dma_wait3A_256 : memref<10240x128xf32, #tpu.memory_space<hbm>>) dst(%arg9 : memref<100x128xf32, #tpu.memory_space<vmem>>)
      %dma_start3A_257 = arith.constant 6 : i32
      %dma_start3A_258 = arith.constant 0 : i32
      %dma_start3A_259 = tpu.memref_slice %arg8[%dma_start3A_257, %dma_start3A_258] : memref<25x100xi32, #tpu.memory_space<vmem>> -> memref<1x100xi32, #tpu.memory_space<vmem>>
      %dma_start3A_260 = tpu.memref_squeeze %dma_start3A_259 : memref<1x100xi32, #tpu.memory_space<vmem>> -> memref<100xi32, #tpu.memory_space<vmem>>
      %dma_start3A_261 = arith.constant 0 : i32
      %dma_start3A_262 = arith.constant 0 : i32
      %dma_start3A_263 = tpu.memref_slice %arg12[%dma_start3A_261, %dma_start3A_262] : memref<10240x128xf32, #tpu.memory_space<vmem_shared>> -> memref<10240x128xf32, #tpu.memory_space<vmem_shared>>
      tpu.enqueue_indirect_dma source(%arg9 : memref<100x128xf32, #tpu.memory_space<vmem>>) target(%dma_start3A_263 : memref<10240x128xf32, #tpu.memory_space<vmem_shared>>) offsets(%dma_start3A_260 : memref<100xi32, #tpu.memory_space<vmem>>) semaphore(%arg16 : memref<!tpu.dma_semaphore, #tpu.memory_space<semaphore_mem>>) {add = true}
      %dma_wait3A_264 = arith.constant 6 : i32
      %dma_wait3A_265 = arith.constant 0 : i32
      %dma_wait3A_266 = tpu.memref_slice %arg8[%dma_wait3A_264, %dma_wait3A_265] : memref<25x100xi32, #tpu.memory_space<vmem>> -> memref<1x100xi32, #tpu.memory_space<vmem>>
      %dma_wait3A_267 = tpu.memref_squeeze %dma_wait3A_266 : memref<1x100xi32, #tpu.memory_space<vmem>> -> memref<100xi32, #tpu.memory_space<vmem>>
      %dma_wait3A_268 = arith.constant 0 : i32
      %dma_wait3A_269 = arith.constant 0 : i32
      %dma_wait3A_270 = tpu.memref_slice %arg12[%dma_wait3A_268, %dma_wait3A_269] : memref<10240x128xf32, #tpu.memory_space<vmem_shared>> -> memref<10240x128xf32, #tpu.memory_space<vmem_shared>>
      tpu.wait_indirect_dma semaphore(%arg16 : memref<!tpu.dma_semaphore, #tpu.memory_space<semaphore_mem>>) src(%arg9 : memref<100x128xf32, #tpu.memory_space<vmem>>) dst(%dma_wait3A_270 : memref<10240x128xf32, #tpu.memory_space<vmem_shared>>)
      %dma_start3A_271 = arith.constant 9 : i32
      %dma_start3A_272 = arith.constant 0 : i32
      %dma_start3A_273 = tpu.memref_slice %arg7[%dma_start3A_271, %dma_start3A_272] : memref<25x100xi32, #tpu.memory_space<vmem>> -> memref<1x100xi32, #tpu.memory_space<vmem>>
      %dma_start3A_274 = tpu.memref_squeeze %dma_start3A_273 : memref<1x100xi32, #tpu.memory_space<vmem>> -> memref<100xi32, #tpu.memory_space<vmem>>
      %dma_start3A_275 = arith.constant 0 : i32
      %dma_start3A_276 = arith.constant 0 : i32
      %dma_start3A_277 = tpu.memref_slice %arg4[%dma_start3A_275, %dma_start3A_276] : memref<10240x128xf32, #tpu.memory_space<hbm>> -> memref<10240x128xf32, #tpu.memory_space<hbm>>
      tpu.enqueue_indirect_dma source(%dma_start3A_277 : memref<10240x128xf32, #tpu.memory_space<hbm>>) target(%arg9 : memref<100x128xf32, #tpu.memory_space<vmem>>) offsets(%dma_start3A_274 : memref<100xi32, #tpu.memory_space<vmem>>) semaphore(%arg13 : memref<!tpu.dma_semaphore, #tpu.memory_space<semaphore_mem>>)
      %dma_wait3A_278 = arith.constant 7 : i32
      %dma_wait3A_279 = arith.constant 0 : i32
      %dma_wait3A_280 = tpu.memref_slice %arg7[%dma_wait3A_278, %dma_wait3A_279] : memref<25x100xi32, #tpu.memory_space<vmem>> -> memref<1x100xi32, #tpu.memory_space<vmem>>
      %dma_wait3A_281 = tpu.memref_squeeze %dma_wait3A_280 : memref<1x100xi32, #tpu.memory_space<vmem>> -> memref<100xi32, #tpu.memory_space<vmem>>
      %dma_wait3A_282 = arith.constant 0 : i32
      %dma_wait3A_283 = arith.constant 0 : i32
      %dma_wait3A_284 = tpu.memref_slice %arg4[%dma_wait3A_282, %dma_wait3A_283] : memref<10240x128xf32, #tpu.memory_space<hbm>> -> memref<10240x128xf32, #tpu.memory_space<hbm>>
      tpu.wait_indirect_dma semaphore(%arg14 : memref<!tpu.dma_semaphore, #tpu.memory_space<semaphore_mem>>) src(%dma_wait3A_284 : memref<10240x128xf32, #tpu.memory_space<hbm>>) dst(%arg10 : memref<100x128xf32, #tpu.memory_space<vmem>>)
      %dma_start3A_285 = arith.constant 7 : i32
      %dma_start3A_286 = arith.constant 0 : i32
      %dma_start3A_287 = tpu.memref_slice %arg8[%dma_start3A_285, %dma_start3A_286] : memref<25x100xi32, #tpu.memory_space<vmem>> -> memref<1x100xi32, #tpu.memory_space<vmem>>
      %dma_start3A_288 = tpu.memref_squeeze %dma_start3A_287 : memref<1x100xi32, #tpu.memory_space<vmem>> -> memref<100xi32, #tpu.memory_space<vmem>>
      %dma_start3A_289 = arith.constant 0 : i32
      %dma_start3A_290 = arith.constant 0 : i32
      %dma_start3A_291 = tpu.memref_slice %arg12[%dma_start3A_289, %dma_start3A_290] : memref<10240x128xf32, #tpu.memory_space<vmem_shared>> -> memref<10240x128xf32, #tpu.memory_space<vmem_shared>>
      tpu.enqueue_indirect_dma source(%arg10 : memref<100x128xf32, #tpu.memory_space<vmem>>) target(%dma_start3A_291 : memref<10240x128xf32, #tpu.memory_space<vmem_shared>>) offsets(%dma_start3A_288 : memref<100xi32, #tpu.memory_space<vmem>>) semaphore(%arg17 : memref<!tpu.dma_semaphore, #tpu.memory_space<semaphore_mem>>) {add = true}
      %dma_wait3A_292 = arith.constant 7 : i32
      %dma_wait3A_293 = arith.constant 0 : i32
      %dma_wait3A_294 = tpu.memref_slice %arg8[%dma_wait3A_292, %dma_wait3A_293] : memref<25x100xi32, #tpu.memory_space<vmem>> -> memref<1x100xi32, #tpu.memory_space<vmem>>
      %dma_wait3A_295 = tpu.memref_squeeze %dma_wait3A_294 : memref<1x100xi32, #tpu.memory_space<vmem>> -> memref<100xi32, #tpu.memory_space<vmem>>
      %dma_wait3A_296 = arith.constant 0 : i32
      %dma_wait3A_297 = arith.constant 0 : i32
      %dma_wait3A_298 = tpu.memref_slice %arg12[%dma_wait3A_296, %dma_wait3A_297] : memref<10240x128xf32, #tpu.memory_space<vmem_shared>> -> memref<10240x128xf32, #tpu.memory_space<vmem_shared>>
      tpu.wait_indirect_dma semaphore(%arg17 : memref<!tpu.dma_semaphore, #tpu.memory_space<semaphore_mem>>) src(%arg10 : memref<100x128xf32, #tpu.memory_space<vmem>>) dst(%dma_wait3A_298 : memref<10240x128xf32, #tpu.memory_space<vmem_shared>>)
      %dma_start3A_299 = arith.constant 10 : i32
      %dma_start3A_300 = arith.constant 0 : i32
      %dma_start3A_301 = tpu.memref_slice %arg7[%dma_start3A_299, %dma_start3A_300] : memref<25x100xi32, #tpu.memory_space<vmem>> -> memref<1x100xi32, #tpu.memory_space<vmem>>
      %dma_start3A_302 = tpu.memref_squeeze %dma_start3A_301 : memref<1x100xi32, #tpu.memory_space<vmem>> -> memref<100xi32, #tpu.memory_space<vmem>>
      %dma_start3A_303 = arith.constant 0 : i32
      %dma_start3A_304 = arith.constant 0 : i32
      %dma_start3A_305 = tpu.memref_slice %arg4[%dma_start3A_303, %dma_start3A_304] : memref<10240x128xf32, #tpu.memory_space<hbm>> -> memref<10240x128xf32, #tpu.memory_space<hbm>>
      tpu.enqueue_indirect_dma source(%dma_start3A_305 : memref<10240x128xf32, #tpu.memory_space<hbm>>) target(%arg10 : memref<100x128xf32, #tpu.memory_space<vmem>>) offsets(%dma_start3A_302 : memref<100xi32, #tpu.memory_space<vmem>>) semaphore(%arg14 : memref<!tpu.dma_semaphore, #tpu.memory_space<semaphore_mem>>)
      %dma_wait3A_306 = arith.constant 8 : i32
      %dma_wait3A_307 = arith.constant 0 : i32
      %dma_wait3A_308 = tpu.memref_slice %arg7[%dma_wait3A_306, %dma_wait3A_307] : memref<25x100xi32, #tpu.memory_space<vmem>> -> memref<1x100xi32, #tpu.memory_space<vmem>>
      %dma_wait3A_309 = tpu.memref_squeeze %dma_wait3A_308 : memref<1x100xi32, #tpu.memory_space<vmem>> -> memref<100xi32, #tpu.memory_space<vmem>>
      %dma_wait3A_310 = arith.constant 0 : i32
      %dma_wait3A_311 = arith.constant 0 : i32
      %dma_wait3A_312 = tpu.memref_slice %arg4[%dma_wait3A_310, %dma_wait3A_311] : memref<10240x128xf32, #tpu.memory_space<hbm>> -> memref<10240x128xf32, #tpu.memory_space<hbm>>
      tpu.wait_indirect_dma semaphore(%arg15 : memref<!tpu.dma_semaphore, #tpu.memory_space<semaphore_mem>>) src(%dma_wait3A_312 : memref<10240x128xf32, #tpu.memory_space<hbm>>) dst(%arg11 : memref<100x128xf32, #tpu.memory_space<vmem>>)
      %dma_start3A_313 = arith.constant 8 : i32
      %dma_start3A_314 = arith.constant 0 : i32
      %dma_start3A_315 = tpu.memref_slice %arg8[%dma_start3A_313, %dma_start3A_314] : memref<25x100xi32, #tpu.memory_space<vmem>> -> memref<1x100xi32, #tpu.memory_space<vmem>>
      %dma_start3A_316 = tpu.memref_squeeze %dma_start3A_315 : memref<1x100xi32, #tpu.memory_space<vmem>> -> memref<100xi32, #tpu.memory_space<vmem>>
      %dma_start3A_317 = arith.constant 0 : i32
      %dma_start3A_318 = arith.constant 0 : i32
      %dma_start3A_319 = tpu.memref_slice %arg12[%dma_start3A_317, %dma_start3A_318] : memref<10240x128xf32, #tpu.memory_space<vmem_shared>> -> memref<10240x128xf32, #tpu.memory_space<vmem_shared>>
      tpu.enqueue_indirect_dma source(%arg11 : memref<100x128xf32, #tpu.memory_space<vmem>>) target(%dma_start3A_319 : memref<10240x128xf32, #tpu.memory_space<vmem_shared>>) offsets(%dma_start3A_316 : memref<100xi32, #tpu.memory_space<vmem>>) semaphore(%arg18 : memref<!tpu.dma_semaphore, #tpu.memory_space<semaphore_mem>>) {add = true}
      %dma_wait3A_320 = arith.constant 8 : i32
      %dma_wait3A_321 = arith.constant 0 : i32
      %dma_wait3A_322 = tpu.memref_slice %arg8[%dma_wait3A_320, %dma_wait3A_321] : memref<25x100xi32, #tpu.memory_space<vmem>> -> memref<1x100xi32, #tpu.memory_space<vmem>>
      %dma_wait3A_323 = tpu.memref_squeeze %dma_wait3A_322 : memref<1x100xi32, #tpu.memory_space<vmem>> -> memref<100xi32, #tpu.memory_space<vmem>>
      %dma_wait3A_324 = arith.constant 0 : i32
      %dma_wait3A_325 = arith.constant 0 : i32
      %dma_wait3A_326 = tpu.memref_slice %arg12[%dma_wait3A_324, %dma_wait3A_325] : memref<10240x128xf32, #tpu.memory_space<vmem_shared>> -> memref<10240x128xf32, #tpu.memory_space<vmem_shared>>
      tpu.wait_indirect_dma semaphore(%arg18 : memref<!tpu.dma_semaphore, #tpu.memory_space<semaphore_mem>>) src(%arg11 : memref<100x128xf32, #tpu.memory_space<vmem>>) dst(%dma_wait3A_326 : memref<10240x128xf32, #tpu.memory_space<vmem_shared>>)
      %dma_start3A_327 = arith.constant 11 : i32
      %dma_start3A_328 = arith.constant 0 : i32
      %dma_start3A_329 = tpu.memref_slice %arg7[%dma_start3A_327, %dma_start3A_328] : memref<25x100xi32, #tpu.memory_space<vmem>> -> memref<1x100xi32, #tpu.memory_space<vmem>>
      %dma_start3A_330 = tpu.memref_squeeze %dma_start3A_329 : memref<1x100xi32, #tpu.memory_space<vmem>> -> memref<100xi32, #tpu.memory_space<vmem>>
      %dma_start3A_331 = arith.constant 0 : i32
      %dma_start3A_332 = arith.constant 0 : i32
      %dma_start3A_333 = tpu.memref_slice %arg4[%dma_start3A_331, %dma_start3A_332] : memref<10240x128xf32, #tpu.memory_space<hbm>> -> memref<10240x128xf32, #tpu.memory_space<hbm>>
      tpu.enqueue_indirect_dma source(%dma_start3A_333 : memref<10240x128xf32, #tpu.memory_space<hbm>>) target(%arg11 : memref<100x128xf32, #tpu.memory_space<vmem>>) offsets(%dma_start3A_330 : memref<100xi32, #tpu.memory_space<vmem>>) semaphore(%arg15 : memref<!tpu.dma_semaphore, #tpu.memory_space<semaphore_mem>>)
      %dma_wait3A_334 = arith.constant 9 : i32
      %dma_wait3A_335 = arith.constant 0 : i32
      %dma_wait3A_336 = tpu.memref_slice %arg7[%dma_wait3A_334, %dma_wait3A_335] : memref<25x100xi32, #tpu.memory_space<vmem>> -> memref<1x100xi32, #tpu.memory_space<vmem>>
      %dma_wait3A_337 = tpu.memref_squeeze %dma_wait3A_336 : memref<1x100xi32, #tpu.memory_space<vmem>> -> memref<100xi32, #tpu.memory_space<vmem>>
      %dma_wait3A_338 = arith.constant 0 : i32
      %dma_wait3A_339 = arith.constant 0 : i32
      %dma_wait3A_340 = tpu.memref_slice %arg4[%dma_wait3A_338, %dma_wait3A_339] : memref<10240x128xf32, #tpu.memory_space<hbm>> -> memref<10240x128xf32, #tpu.memory_space<hbm>>
      tpu.wait_indirect_dma semaphore(%arg13 : memref<!tpu.dma_semaphore, #tpu.memory_space<semaphore_mem>>) src(%dma_wait3A_340 : memref<10240x128xf32, #tpu.memory_space<hbm>>) dst(%arg9 : memref<100x128xf32, #tpu.memory_space<vmem>>)
      %dma_start3A_341 = arith.constant 9 : i32
      %dma_start3A_342 = arith.constant 0 : i32
      %dma_start3A_343 = tpu.memref_slice %arg8[%dma_start3A_341, %dma_start3A_342] : memref<25x100xi32, #tpu.memory_space<vmem>> -> memref<1x100xi32, #tpu.memory_space<vmem>>
      %dma_start3A_344 = tpu.memref_squeeze %dma_start3A_343 : memref<1x100xi32, #tpu.memory_space<vmem>> -> memref<100xi32, #tpu.memory_space<vmem>>
      %dma_start3A_345 = arith.constant 0 : i32
      %dma_start3A_346 = arith.constant 0 : i32
      %dma_start3A_347 = tpu.memref_slice %arg12[%dma_start3A_345, %dma_start3A_346] : memref<10240x128xf32, #tpu.memory_space<vmem_shared>> -> memref<10240x128xf32, #tpu.memory_space<vmem_shared>>
      tpu.enqueue_indirect_dma source(%arg9 : memref<100x128xf32, #tpu.memory_space<vmem>>) target(%dma_start3A_347 : memref<10240x128xf32, #tpu.memory_space<vmem_shared>>) offsets(%dma_start3A_344 : memref<100xi32, #tpu.memory_space<vmem>>) semaphore(%arg16 : memref<!tpu.dma_semaphore, #tpu.memory_space<semaphore_mem>>) {add = true}
      %dma_wait3A_348 = arith.constant 9 : i32
      %dma_wait3A_349 = arith.constant 0 : i32
      %dma_wait3A_350 = tpu.memref_slice %arg8[%dma_wait3A_348, %dma_wait3A_349] : memref<25x100xi32, #tpu.memory_space<vmem>> -> memref<1x100xi32, #tpu.memory_space<vmem>>
      %dma_wait3A_351 = tpu.memref_squeeze %dma_wait3A_350 : memref<1x100xi32, #tpu.memory_space<vmem>> -> memref<100xi32, #tpu.memory_space<vmem>>
      %dma_wait3A_352 = arith.constant 0 : i32
      %dma_wait3A_353 = arith.constant 0 : i32
      %dma_wait3A_354 = tpu.memref_slice %arg12[%dma_wait3A_352, %dma_wait3A_353] : memref<10240x128xf32, #tpu.memory_space<vmem_shared>> -> memref<10240x128xf32, #tpu.memory_space<vmem_shared>>
      tpu.wait_indirect_dma semaphore(%arg16 : memref<!tpu.dma_semaphore, #tpu.memory_space<semaphore_mem>>) src(%arg9 : memref<100x128xf32, #tpu.memory_space<vmem>>) dst(%dma_wait3A_354 : memref<10240x128xf32, #tpu.memory_space<vmem_shared>>)
      %dma_start3A_355 = arith.constant 12 : i32
      %dma_start3A_356 = arith.constant 0 : i32
      %dma_start3A_357 = tpu.memref_slice %arg7[%dma_start3A_355, %dma_start3A_356] : memref<25x100xi32, #tpu.memory_space<vmem>> -> memref<1x100xi32, #tpu.memory_space<vmem>>
      %dma_start3A_358 = tpu.memref_squeeze %dma_start3A_357 : memref<1x100xi32, #tpu.memory_space<vmem>> -> memref<100xi32, #tpu.memory_space<vmem>>
      %dma_start3A_359 = arith.constant 0 : i32
      %dma_start3A_360 = arith.constant 0 : i32
      %dma_start3A_361 = tpu.memref_slice %arg4[%dma_start3A_359, %dma_start3A_360] : memref<10240x128xf32, #tpu.memory_space<hbm>> -> memref<10240x128xf32, #tpu.memory_space<hbm>>
      tpu.enqueue_indirect_dma source(%dma_start3A_361 : memref<10240x128xf32, #tpu.memory_space<hbm>>) target(%arg9 : memref<100x128xf32, #tpu.memory_space<vmem>>) offsets(%dma_start3A_358 : memref<100xi32, #tpu.memory_space<vmem>>) semaphore(%arg13 : memref<!tpu.dma_semaphore, #tpu.memory_space<semaphore_mem>>)
      %dma_wait3A_362 = arith.constant 10 : i32
      %dma_wait3A_363 = arith.constant 0 : i32
      %dma_wait3A_364 = tpu.memref_slice %arg7[%dma_wait3A_362, %dma_wait3A_363] : memref<25x100xi32, #tpu.memory_space<vmem>> -> memref<1x100xi32, #tpu.memory_space<vmem>>
      %dma_wait3A_365 = tpu.memref_squeeze %dma_wait3A_364 : memref<1x100xi32, #tpu.memory_space<vmem>> -> memref<100xi32, #tpu.memory_space<vmem>>
      %dma_wait3A_366 = arith.constant 0 : i32
      %dma_wait3A_367 = arith.constant 0 : i32
      %dma_wait3A_368 = tpu.memref_slice %arg4[%dma_wait3A_366, %dma_wait3A_367] : memref<10240x128xf32, #tpu.memory_space<hbm>> -> memref<10240x128xf32, #tpu.memory_space<hbm>>
      tpu.wait_indirect_dma semaphore(%arg14 : memref<!tpu.dma_semaphore, #tpu.memory_space<semaphore_mem>>) src(%dma_wait3A_368 : memref<10240x128xf32, #tpu.memory_space<hbm>>) dst(%arg10 : memref<100x128xf32, #tpu.memory_space<vmem>>)
      %dma_start3A_369 = arith.constant 10 : i32
      %dma_start3A_370 = arith.constant 0 : i32
      %dma_start3A_371 = tpu.memref_slice %arg8[%dma_start3A_369, %dma_start3A_370] : memref<25x100xi32, #tpu.memory_space<vmem>> -> memref<1x100xi32, #tpu.memory_space<vmem>>
      %dma_start3A_372 = tpu.memref_squeeze %dma_start3A_371 : memref<1x100xi32, #tpu.memory_space<vmem>> -> memref<100xi32, #tpu.memory_space<vmem>>
      %dma_start3A_373 = arith.constant 0 : i32
      %dma_start3A_374 = arith.constant 0 : i32
      %dma_start3A_375 = tpu.memref_slice %arg12[%dma_start3A_373, %dma_start3A_374] : memref<10240x128xf32, #tpu.memory_space<vmem_shared>> -> memref<10240x128xf32, #tpu.memory_space<vmem_shared>>
      tpu.enqueue_indirect_dma source(%arg10 : memref<100x128xf32, #tpu.memory_space<vmem>>) target(%dma_start3A_375 : memref<10240x128xf32, #tpu.memory_space<vmem_shared>>) offsets(%dma_start3A_372 : memref<100xi32, #tpu.memory_space<vmem>>) semaphore(%arg17 : memref<!tpu.dma_semaphore, #tpu.memory_space<semaphore_mem>>) {add = true}
      %dma_wait3A_376 = arith.constant 10 : i32
      %dma_wait3A_377 = arith.constant 0 : i32
      %dma_wait3A_378 = tpu.memref_slice %arg8[%dma_wait3A_376, %dma_wait3A_377] : memref<25x100xi32, #tpu.memory_space<vmem>> -> memref<1x100xi32, #tpu.memory_space<vmem>>
      %dma_wait3A_379 = tpu.memref_squeeze %dma_wait3A_378 : memref<1x100xi32, #tpu.memory_space<vmem>> -> memref<100xi32, #tpu.memory_space<vmem>>
      %dma_wait3A_380 = arith.constant 0 : i32
      %dma_wait3A_381 = arith.constant 0 : i32
      %dma_wait3A_382 = tpu.memref_slice %arg12[%dma_wait3A_380, %dma_wait3A_381] : memref<10240x128xf32, #tpu.memory_space<vmem_shared>> -> memref<10240x128xf32, #tpu.memory_space<vmem_shared>>
      tpu.wait_indirect_dma semaphore(%arg17 : memref<!tpu.dma_semaphore, #tpu.memory_space<semaphore_mem>>) src(%arg10 : memref<100x128xf32, #tpu.memory_space<vmem>>) dst(%dma_wait3A_382 : memref<10240x128xf32, #tpu.memory_space<vmem_shared>>)
      %dma_start3A_383 = arith.constant 13 : i32
      %dma_start3A_384 = arith.constant 0 : i32
      %dma_start3A_385 = tpu.memref_slice %arg7[%dma_start3A_383, %dma_start3A_384] : memref<25x100xi32, #tpu.memory_space<vmem>> -> memref<1x100xi32, #tpu.memory_space<vmem>>
      %dma_start3A_386 = tpu.memref_squeeze %dma_start3A_385 : memref<1x100xi32, #tpu.memory_space<vmem>> -> memref<100xi32, #tpu.memory_space<vmem>>
      %dma_start3A_387 = arith.constant 0 : i32
      %dma_start3A_388 = arith.constant 0 : i32
      %dma_start3A_389 = tpu.memref_slice %arg4[%dma_start3A_387, %dma_start3A_388] : memref<10240x128xf32, #tpu.memory_space<hbm>> -> memref<10240x128xf32, #tpu.memory_space<hbm>>
      tpu.enqueue_indirect_dma source(%dma_start3A_389 : memref<10240x128xf32, #tpu.memory_space<hbm>>) target(%arg10 : memref<100x128xf32, #tpu.memory_space<vmem>>) offsets(%dma_start3A_386 : memref<100xi32, #tpu.memory_space<vmem>>) semaphore(%arg14 : memref<!tpu.dma_semaphore, #tpu.memory_space<semaphore_mem>>)
      %dma_wait3A_390 = arith.constant 11 : i32
      %dma_wait3A_391 = arith.constant 0 : i32
      %dma_wait3A_392 = tpu.memref_slice %arg7[%dma_wait3A_390, %dma_wait3A_391] : memref<25x100xi32, #tpu.memory_space<vmem>> -> memref<1x100xi32, #tpu.memory_space<vmem>>
      %dma_wait3A_393 = tpu.memref_squeeze %dma_wait3A_392 : memref<1x100xi32, #tpu.memory_space<vmem>> -> memref<100xi32, #tpu.memory_space<vmem>>
      %dma_wait3A_394 = arith.constant 0 : i32
      %dma_wait3A_395 = arith.constant 0 : i32
      %dma_wait3A_396 = tpu.memref_slice %arg4[%dma_wait3A_394, %dma_wait3A_395] : memref<10240x128xf32, #tpu.memory_space<hbm>> -> memref<10240x128xf32, #tpu.memory_space<hbm>>
      tpu.wait_indirect_dma semaphore(%arg15 : memref<!tpu.dma_semaphore, #tpu.memory_space<semaphore_mem>>) src(%dma_wait3A_396 : memref<10240x128xf32, #tpu.memory_space<hbm>>) dst(%arg11 : memref<100x128xf32, #tpu.memory_space<vmem>>)
      %dma_start3A_397 = arith.constant 11 : i32
      %dma_start3A_398 = arith.constant 0 : i32
      %dma_start3A_399 = tpu.memref_slice %arg8[%dma_start3A_397, %dma_start3A_398] : memref<25x100xi32, #tpu.memory_space<vmem>> -> memref<1x100xi32, #tpu.memory_space<vmem>>
      %dma_start3A_400 = tpu.memref_squeeze %dma_start3A_399 : memref<1x100xi32, #tpu.memory_space<vmem>> -> memref<100xi32, #tpu.memory_space<vmem>>
      %dma_start3A_401 = arith.constant 0 : i32
      %dma_start3A_402 = arith.constant 0 : i32
      %dma_start3A_403 = tpu.memref_slice %arg12[%dma_start3A_401, %dma_start3A_402] : memref<10240x128xf32, #tpu.memory_space<vmem_shared>> -> memref<10240x128xf32, #tpu.memory_space<vmem_shared>>
      tpu.enqueue_indirect_dma source(%arg11 : memref<100x128xf32, #tpu.memory_space<vmem>>) target(%dma_start3A_403 : memref<10240x128xf32, #tpu.memory_space<vmem_shared>>) offsets(%dma_start3A_400 : memref<100xi32, #tpu.memory_space<vmem>>) semaphore(%arg18 : memref<!tpu.dma_semaphore, #tpu.memory_space<semaphore_mem>>) {add = true}
      %dma_wait3A_404 = arith.constant 11 : i32
      %dma_wait3A_405 = arith.constant 0 : i32
      %dma_wait3A_406 = tpu.memref_slice %arg8[%dma_wait3A_404, %dma_wait3A_405] : memref<25x100xi32, #tpu.memory_space<vmem>> -> memref<1x100xi32, #tpu.memory_space<vmem>>
      %dma_wait3A_407 = tpu.memref_squeeze %dma_wait3A_406 : memref<1x100xi32, #tpu.memory_space<vmem>> -> memref<100xi32, #tpu.memory_space<vmem>>
      %dma_wait3A_408 = arith.constant 0 : i32
      %dma_wait3A_409 = arith.constant 0 : i32
      %dma_wait3A_410 = tpu.memref_slice %arg12[%dma_wait3A_408, %dma_wait3A_409] : memref<10240x128xf32, #tpu.memory_space<vmem_shared>> -> memref<10240x128xf32, #tpu.memory_space<vmem_shared>>
      tpu.wait_indirect_dma semaphore(%arg18 : memref<!tpu.dma_semaphore, #tpu.memory_space<semaphore_mem>>) src(%arg11 : memref<100x128xf32, #tpu.memory_space<vmem>>) dst(%dma_wait3A_410 : memref<10240x128xf32, #tpu.memory_space<vmem_shared>>)
      %dma_start3A_411 = arith.constant 14 : i32
      %dma_start3A_412 = arith.constant 0 : i32
      %dma_start3A_413 = tpu.memref_slice %arg7[%dma_start3A_411, %dma_start3A_412] : memref<25x100xi32, #tpu.memory_space<vmem>> -> memref<1x100xi32, #tpu.memory_space<vmem>>
      %dma_start3A_414 = tpu.memref_squeeze %dma_start3A_413 : memref<1x100xi32, #tpu.memory_space<vmem>> -> memref<100xi32, #tpu.memory_space<vmem>>
      %dma_start3A_415 = arith.constant 0 : i32
      %dma_start3A_416 = arith.constant 0 : i32
      %dma_start3A_417 = tpu.memref_slice %arg4[%dma_start3A_415, %dma_start3A_416] : memref<10240x128xf32, #tpu.memory_space<hbm>> -> memref<10240x128xf32, #tpu.memory_space<hbm>>
      tpu.enqueue_indirect_dma source(%dma_start3A_417 : memref<10240x128xf32, #tpu.memory_space<hbm>>) target(%arg11 : memref<100x128xf32, #tpu.memory_space<vmem>>) offsets(%dma_start3A_414 : memref<100xi32, #tpu.memory_space<vmem>>) semaphore(%arg15 : memref<!tpu.dma_semaphore, #tpu.memory_space<semaphore_mem>>)
      %dma_wait3A_418 = arith.constant 12 : i32
      %dma_wait3A_419 = arith.constant 0 : i32
      %dma_wait3A_420 = tpu.memref_slice %arg7[%dma_wait3A_418, %dma_wait3A_419] : memref<25x100xi32, #tpu.memory_space<vmem>> -> memref<1x100xi32, #tpu.memory_space<vmem>>
      %dma_wait3A_421 = tpu.memref_squeeze %dma_wait3A_420 : memref<1x100xi32, #tpu.memory_space<vmem>> -> memref<100xi32, #tpu.memory_space<vmem>>
      %dma_wait3A_422 = arith.constant 0 : i32
      %dma_wait3A_423 = arith.constant 0 : i32
      %dma_wait3A_424 = tpu.memref_slice %arg4[%dma_wait3A_422, %dma_wait3A_423] : memref<10240x128xf32, #tpu.memory_space<hbm>> -> memref<10240x128xf32, #tpu.memory_space<hbm>>
      tpu.wait_indirect_dma semaphore(%arg13 : memref<!tpu.dma_semaphore, #tpu.memory_space<semaphore_mem>>) src(%dma_wait3A_424 : memref<10240x128xf32, #tpu.memory_space<hbm>>) dst(%arg9 : memref<100x128xf32, #tpu.memory_space<vmem>>)
      %dma_start3A_425 = arith.constant 12 : i32
      %dma_start3A_426 = arith.constant 0 : i32
      %dma_start3A_427 = tpu.memref_slice %arg8[%dma_start3A_425, %dma_start3A_426] : memref<25x100xi32, #tpu.memory_space<vmem>> -> memref<1x100xi32, #tpu.memory_space<vmem>>
      %dma_start3A_428 = tpu.memref_squeeze %dma_start3A_427 : memref<1x100xi32, #tpu.memory_space<vmem>> -> memref<100xi32, #tpu.memory_space<vmem>>
      %dma_start3A_429 = arith.constant 0 : i32
      %dma_start3A_430 = arith.constant 0 : i32
      %dma_start3A_431 = tpu.memref_slice %arg12[%dma_start3A_429, %dma_start3A_430] : memref<10240x128xf32, #tpu.memory_space<vmem_shared>> -> memref<10240x128xf32, #tpu.memory_space<vmem_shared>>
      tpu.enqueue_indirect_dma source(%arg9 : memref<100x128xf32, #tpu.memory_space<vmem>>) target(%dma_start3A_431 : memref<10240x128xf32, #tpu.memory_space<vmem_shared>>) offsets(%dma_start3A_428 : memref<100xi32, #tpu.memory_space<vmem>>) semaphore(%arg16 : memref<!tpu.dma_semaphore, #tpu.memory_space<semaphore_mem>>) {add = true}
      %dma_wait3A_432 = arith.constant 12 : i32
      %dma_wait3A_433 = arith.constant 0 : i32
      %dma_wait3A_434 = tpu.memref_slice %arg8[%dma_wait3A_432, %dma_wait3A_433] : memref<25x100xi32, #tpu.memory_space<vmem>> -> memref<1x100xi32, #tpu.memory_space<vmem>>
      %dma_wait3A_435 = tpu.memref_squeeze %dma_wait3A_434 : memref<1x100xi32, #tpu.memory_space<vmem>> -> memref<100xi32, #tpu.memory_space<vmem>>
      %dma_wait3A_436 = arith.constant 0 : i32
      %dma_wait3A_437 = arith.constant 0 : i32
      %dma_wait3A_438 = tpu.memref_slice %arg12[%dma_wait3A_436, %dma_wait3A_437] : memref<10240x128xf32, #tpu.memory_space<vmem_shared>> -> memref<10240x128xf32, #tpu.memory_space<vmem_shared>>
      tpu.wait_indirect_dma semaphore(%arg16 : memref<!tpu.dma_semaphore, #tpu.memory_space<semaphore_mem>>) src(%arg9 : memref<100x128xf32, #tpu.memory_space<vmem>>) dst(%dma_wait3A_438 : memref<10240x128xf32, #tpu.memory_space<vmem_shared>>)
      %dma_start3A_439 = arith.constant 15 : i32
      %dma_start3A_440 = arith.constant 0 : i32
      %dma_start3A_441 = tpu.memref_slice %arg7[%dma_start3A_439, %dma_start3A_440] : memref<25x100xi32, #tpu.memory_space<vmem>> -> memref<1x100xi32, #tpu.memory_space<vmem>>
      %dma_start3A_442 = tpu.memref_squeeze %dma_start3A_441 : memref<1x100xi32, #tpu.memory_space<vmem>> -> memref<100xi32, #tpu.memory_space<vmem>>
      %dma_start3A_443 = arith.constant 0 : i32
      %dma_start3A_444 = arith.constant 0 : i32
      %dma_start3A_445 = tpu.memref_slice %arg4[%dma_start3A_443, %dma_start3A_444] : memref<10240x128xf32, #tpu.memory_space<hbm>> -> memref<10240x128xf32, #tpu.memory_space<hbm>>
      tpu.enqueue_indirect_dma source(%dma_start3A_445 : memref<10240x128xf32, #tpu.memory_space<hbm>>) target(%arg9 : memref<100x128xf32, #tpu.memory_space<vmem>>) offsets(%dma_start3A_442 : memref<100xi32, #tpu.memory_space<vmem>>) semaphore(%arg13 : memref<!tpu.dma_semaphore, #tpu.memory_space<semaphore_mem>>)
      %dma_wait3A_446 = arith.constant 13 : i32
      %dma_wait3A_447 = arith.constant 0 : i32
      %dma_wait3A_448 = tpu.memref_slice %arg7[%dma_wait3A_446, %dma_wait3A_447] : memref<25x100xi32, #tpu.memory_space<vmem>> -> memref<1x100xi32, #tpu.memory_space<vmem>>
      %dma_wait3A_449 = tpu.memref_squeeze %dma_wait3A_448 : memref<1x100xi32, #tpu.memory_space<vmem>> -> memref<100xi32, #tpu.memory_space<vmem>>
      %dma_wait3A_450 = arith.constant 0 : i32
      %dma_wait3A_451 = arith.constant 0 : i32
      %dma_wait3A_452 = tpu.memref_slice %arg4[%dma_wait3A_450, %dma_wait3A_451] : memref<10240x128xf32, #tpu.memory_space<hbm>> -> memref<10240x128xf32, #tpu.memory_space<hbm>>
      tpu.wait_indirect_dma semaphore(%arg14 : memref<!tpu.dma_semaphore, #tpu.memory_space<semaphore_mem>>) src(%dma_wait3A_452 : memref<10240x128xf32, #tpu.memory_space<hbm>>) dst(%arg10 : memref<100x128xf32, #tpu.memory_space<vmem>>)
      %dma_start3A_453 = arith.constant 13 : i32
      %dma_start3A_454 = arith.constant 0 : i32
      %dma_start3A_455 = tpu.memref_slice %arg8[%dma_start3A_453, %dma_start3A_454] : memref<25x100xi32, #tpu.memory_space<vmem>> -> memref<1x100xi32, #tpu.memory_space<vmem>>
      %dma_start3A_456 = tpu.memref_squeeze %dma_start3A_455 : memref<1x100xi32, #tpu.memory_space<vmem>> -> memref<100xi32, #tpu.memory_space<vmem>>
      %dma_start3A_457 = arith.constant 0 : i32
      %dma_start3A_458 = arith.constant 0 : i32
      %dma_start3A_459 = tpu.memref_slice %arg12[%dma_start3A_457, %dma_start3A_458] : memref<10240x128xf32, #tpu.memory_space<vmem_shared>> -> memref<10240x128xf32, #tpu.memory_space<vmem_shared>>
      tpu.enqueue_indirect_dma source(%arg10 : memref<100x128xf32, #tpu.memory_space<vmem>>) target(%dma_start3A_459 : memref<10240x128xf32, #tpu.memory_space<vmem_shared>>) offsets(%dma_start3A_456 : memref<100xi32, #tpu.memory_space<vmem>>) semaphore(%arg17 : memref<!tpu.dma_semaphore, #tpu.memory_space<semaphore_mem>>) {add = true}
      %dma_wait3A_460 = arith.constant 13 : i32
      %dma_wait3A_461 = arith.constant 0 : i32
      %dma_wait3A_462 = tpu.memref_slice %arg8[%dma_wait3A_460, %dma_wait3A_461] : memref<25x100xi32, #tpu.memory_space<vmem>> -> memref<1x100xi32, #tpu.memory_space<vmem>>
      %dma_wait3A_463 = tpu.memref_squeeze %dma_wait3A_462 : memref<1x100xi32, #tpu.memory_space<vmem>> -> memref<100xi32, #tpu.memory_space<vmem>>
      %dma_wait3A_464 = arith.constant 0 : i32
      %dma_wait3A_465 = arith.constant 0 : i32
      %dma_wait3A_466 = tpu.memref_slice %arg12[%dma_wait3A_464, %dma_wait3A_465] : memref<10240x128xf32, #tpu.memory_space<vmem_shared>> -> memref<10240x128xf32, #tpu.memory_space<vmem_shared>>
      tpu.wait_indirect_dma semaphore(%arg17 : memref<!tpu.dma_semaphore, #tpu.memory_space<semaphore_mem>>) src(%arg10 : memref<100x128xf32, #tpu.memory_space<vmem>>) dst(%dma_wait3A_466 : memref<10240x128xf32, #tpu.memory_space<vmem_shared>>)
      %dma_start3A_467 = arith.constant 16 : i32
      %dma_start3A_468 = arith.constant 0 : i32
      %dma_start3A_469 = tpu.memref_slice %arg7[%dma_start3A_467, %dma_start3A_468] : memref<25x100xi32, #tpu.memory_space<vmem>> -> memref<1x100xi32, #tpu.memory_space<vmem>>
      %dma_start3A_470 = tpu.memref_squeeze %dma_start3A_469 : memref<1x100xi32, #tpu.memory_space<vmem>> -> memref<100xi32, #tpu.memory_space<vmem>>
      %dma_start3A_471 = arith.constant 0 : i32
      %dma_start3A_472 = arith.constant 0 : i32
      %dma_start3A_473 = tpu.memref_slice %arg4[%dma_start3A_471, %dma_start3A_472] : memref<10240x128xf32, #tpu.memory_space<hbm>> -> memref<10240x128xf32, #tpu.memory_space<hbm>>
      tpu.enqueue_indirect_dma source(%dma_start3A_473 : memref<10240x128xf32, #tpu.memory_space<hbm>>) target(%arg10 : memref<100x128xf32, #tpu.memory_space<vmem>>) offsets(%dma_start3A_470 : memref<100xi32, #tpu.memory_space<vmem>>) semaphore(%arg14 : memref<!tpu.dma_semaphore, #tpu.memory_space<semaphore_mem>>)
      %dma_wait3A_474 = arith.constant 14 : i32
      %dma_wait3A_475 = arith.constant 0 : i32
      %dma_wait3A_476 = tpu.memref_slice %arg7[%dma_wait3A_474, %dma_wait3A_475] : memref<25x100xi32, #tpu.memory_space<vmem>> -> memref<1x100xi32, #tpu.memory_space<vmem>>
      %dma_wait3A_477 = tpu.memref_squeeze %dma_wait3A_476 : memref<1x100xi32, #tpu.memory_space<vmem>> -> memref<100xi32, #tpu.memory_space<vmem>>
      %dma_wait3A_478 = arith.constant 0 : i32
      %dma_wait3A_479 = arith.constant 0 : i32
      %dma_wait3A_480 = tpu.memref_slice %arg4[%dma_wait3A_478, %dma_wait3A_479] : memref<10240x128xf32, #tpu.memory_space<hbm>> -> memref<10240x128xf32, #tpu.memory_space<hbm>>
      tpu.wait_indirect_dma semaphore(%arg15 : memref<!tpu.dma_semaphore, #tpu.memory_space<semaphore_mem>>) src(%dma_wait3A_480 : memref<10240x128xf32, #tpu.memory_space<hbm>>) dst(%arg11 : memref<100x128xf32, #tpu.memory_space<vmem>>)
      %dma_start3A_481 = arith.constant 14 : i32
      %dma_start3A_482 = arith.constant 0 : i32
      %dma_start3A_483 = tpu.memref_slice %arg8[%dma_start3A_481, %dma_start3A_482] : memref<25x100xi32, #tpu.memory_space<vmem>> -> memref<1x100xi32, #tpu.memory_space<vmem>>
      %dma_start3A_484 = tpu.memref_squeeze %dma_start3A_483 : memref<1x100xi32, #tpu.memory_space<vmem>> -> memref<100xi32, #tpu.memory_space<vmem>>
      %dma_start3A_485 = arith.constant 0 : i32
      %dma_start3A_486 = arith.constant 0 : i32
      %dma_start3A_487 = tpu.memref_slice %arg12[%dma_start3A_485, %dma_start3A_486] : memref<10240x128xf32, #tpu.memory_space<vmem_shared>> -> memref<10240x128xf32, #tpu.memory_space<vmem_shared>>
      tpu.enqueue_indirect_dma source(%arg11 : memref<100x128xf32, #tpu.memory_space<vmem>>) target(%dma_start3A_487 : memref<10240x128xf32, #tpu.memory_space<vmem_shared>>) offsets(%dma_start3A_484 : memref<100xi32, #tpu.memory_space<vmem>>) semaphore(%arg18 : memref<!tpu.dma_semaphore, #tpu.memory_space<semaphore_mem>>) {add = true}
      %dma_wait3A_488 = arith.constant 14 : i32
      %dma_wait3A_489 = arith.constant 0 : i32
      %dma_wait3A_490 = tpu.memref_slice %arg8[%dma_wait3A_488, %dma_wait3A_489] : memref<25x100xi32, #tpu.memory_space<vmem>> -> memref<1x100xi32, #tpu.memory_space<vmem>>
      %dma_wait3A_491 = tpu.memref_squeeze %dma_wait3A_490 : memref<1x100xi32, #tpu.memory_space<vmem>> -> memref<100xi32, #tpu.memory_space<vmem>>
      %dma_wait3A_492 = arith.constant 0 : i32
      %dma_wait3A_493 = arith.constant 0 : i32
      %dma_wait3A_494 = tpu.memref_slice %arg12[%dma_wait3A_492, %dma_wait3A_493] : memref<10240x128xf32, #tpu.memory_space<vmem_shared>> -> memref<10240x128xf32, #tpu.memory_space<vmem_shared>>
      tpu.wait_indirect_dma semaphore(%arg18 : memref<!tpu.dma_semaphore, #tpu.memory_space<semaphore_mem>>) src(%arg11 : memref<100x128xf32, #tpu.memory_space<vmem>>) dst(%dma_wait3A_494 : memref<10240x128xf32, #tpu.memory_space<vmem_shared>>)
      %dma_start3A_495 = arith.constant 17 : i32
      %dma_start3A_496 = arith.constant 0 : i32
      %dma_start3A_497 = tpu.memref_slice %arg7[%dma_start3A_495, %dma_start3A_496] : memref<25x100xi32, #tpu.memory_space<vmem>> -> memref<1x100xi32, #tpu.memory_space<vmem>>
      %dma_start3A_498 = tpu.memref_squeeze %dma_start3A_497 : memref<1x100xi32, #tpu.memory_space<vmem>> -> memref<100xi32, #tpu.memory_space<vmem>>
      %dma_start3A_499 = arith.constant 0 : i32
      %dma_start3A_500 = arith.constant 0 : i32
      %dma_start3A_501 = tpu.memref_slice %arg4[%dma_start3A_499, %dma_start3A_500] : memref<10240x128xf32, #tpu.memory_space<hbm>> -> memref<10240x128xf32, #tpu.memory_space<hbm>>
      tpu.enqueue_indirect_dma source(%dma_start3A_501 : memref<10240x128xf32, #tpu.memory_space<hbm>>) target(%arg11 : memref<100x128xf32, #tpu.memory_space<vmem>>) offsets(%dma_start3A_498 : memref<100xi32, #tpu.memory_space<vmem>>) semaphore(%arg15 : memref<!tpu.dma_semaphore, #tpu.memory_space<semaphore_mem>>)
      %dma_wait3A_502 = arith.constant 15 : i32
      %dma_wait3A_503 = arith.constant 0 : i32
      %dma_wait3A_504 = tpu.memref_slice %arg7[%dma_wait3A_502, %dma_wait3A_503] : memref<25x100xi32, #tpu.memory_space<vmem>> -> memref<1x100xi32, #tpu.memory_space<vmem>>
      %dma_wait3A_505 = tpu.memref_squeeze %dma_wait3A_504 : memref<1x100xi32, #tpu.memory_space<vmem>> -> memref<100xi32, #tpu.memory_space<vmem>>
      %dma_wait3A_506 = arith.constant 0 : i32
      %dma_wait3A_507 = arith.constant 0 : i32
      %dma_wait3A_508 = tpu.memref_slice %arg4[%dma_wait3A_506, %dma_wait3A_507] : memref<10240x128xf32, #tpu.memory_space<hbm>> -> memref<10240x128xf32, #tpu.memory_space<hbm>>
      tpu.wait_indirect_dma semaphore(%arg13 : memref<!tpu.dma_semaphore, #tpu.memory_space<semaphore_mem>>) src(%dma_wait3A_508 : memref<10240x128xf32, #tpu.memory_space<hbm>>) dst(%arg9 : memref<100x128xf32, #tpu.memory_space<vmem>>)
      %dma_start3A_509 = arith.constant 15 : i32
      %dma_start3A_510 = arith.constant 0 : i32
      %dma_start3A_511 = tpu.memref_slice %arg8[%dma_start3A_509, %dma_start3A_510] : memref<25x100xi32, #tpu.memory_space<vmem>> -> memref<1x100xi32, #tpu.memory_space<vmem>>
      %dma_start3A_512 = tpu.memref_squeeze %dma_start3A_511 : memref<1x100xi32, #tpu.memory_space<vmem>> -> memref<100xi32, #tpu.memory_space<vmem>>
      %dma_start3A_513 = arith.constant 0 : i32
      %dma_start3A_514 = arith.constant 0 : i32
      %dma_start3A_515 = tpu.memref_slice %arg12[%dma_start3A_513, %dma_start3A_514] : memref<10240x128xf32, #tpu.memory_space<vmem_shared>> -> memref<10240x128xf32, #tpu.memory_space<vmem_shared>>
      tpu.enqueue_indirect_dma source(%arg9 : memref<100x128xf32, #tpu.memory_space<vmem>>) target(%dma_start3A_515 : memref<10240x128xf32, #tpu.memory_space<vmem_shared>>) offsets(%dma_start3A_512 : memref<100xi32, #tpu.memory_space<vmem>>) semaphore(%arg16 : memref<!tpu.dma_semaphore, #tpu.memory_space<semaphore_mem>>) {add = true}
      %dma_wait3A_516 = arith.constant 15 : i32
      %dma_wait3A_517 = arith.constant 0 : i32
      %dma_wait3A_518 = tpu.memref_slice %arg8[%dma_wait3A_516, %dma_wait3A_517] : memref<25x100xi32, #tpu.memory_space<vmem>> -> memref<1x100xi32, #tpu.memory_space<vmem>>
      %dma_wait3A_519 = tpu.memref_squeeze %dma_wait3A_518 : memref<1x100xi32, #tpu.memory_space<vmem>> -> memref<100xi32, #tpu.memory_space<vmem>>
      %dma_wait3A_520 = arith.constant 0 : i32
      %dma_wait3A_521 = arith.constant 0 : i32
      %dma_wait3A_522 = tpu.memref_slice %arg12[%dma_wait3A_520, %dma_wait3A_521] : memref<10240x128xf32, #tpu.memory_space<vmem_shared>> -> memref<10240x128xf32, #tpu.memory_space<vmem_shared>>
      tpu.wait_indirect_dma semaphore(%arg16 : memref<!tpu.dma_semaphore, #tpu.memory_space<semaphore_mem>>) src(%arg9 : memref<100x128xf32, #tpu.memory_space<vmem>>) dst(%dma_wait3A_522 : memref<10240x128xf32, #tpu.memory_space<vmem_shared>>)
      %dma_start3A_523 = arith.constant 18 : i32
      %dma_start3A_524 = arith.constant 0 : i32
      %dma_start3A_525 = tpu.memref_slice %arg7[%dma_start3A_523, %dma_start3A_524] : memref<25x100xi32, #tpu.memory_space<vmem>> -> memref<1x100xi32, #tpu.memory_space<vmem>>
      %dma_start3A_526 = tpu.memref_squeeze %dma_start3A_525 : memref<1x100xi32, #tpu.memory_space<vmem>> -> memref<100xi32, #tpu.memory_space<vmem>>
      %dma_start3A_527 = arith.constant 0 : i32
      %dma_start3A_528 = arith.constant 0 : i32
      %dma_start3A_529 = tpu.memref_slice %arg4[%dma_start3A_527, %dma_start3A_528] : memref<10240x128xf32, #tpu.memory_space<hbm>> -> memref<10240x128xf32, #tpu.memory_space<hbm>>
      tpu.enqueue_indirect_dma source(%dma_start3A_529 : memref<10240x128xf32, #tpu.memory_space<hbm>>) target(%arg9 : memref<100x128xf32, #tpu.memory_space<vmem>>) offsets(%dma_start3A_526 : memref<100xi32, #tpu.memory_space<vmem>>) semaphore(%arg13 : memref<!tpu.dma_semaphore, #tpu.memory_space<semaphore_mem>>)
      %dma_wait3A_530 = arith.constant 16 : i32
      %dma_wait3A_531 = arith.constant 0 : i32
      %dma_wait3A_532 = tpu.memref_slice %arg7[%dma_wait3A_530, %dma_wait3A_531] : memref<25x100xi32, #tpu.memory_space<vmem>> -> memref<1x100xi32, #tpu.memory_space<vmem>>
      %dma_wait3A_533 = tpu.memref_squeeze %dma_wait3A_532 : memref<1x100xi32, #tpu.memory_space<vmem>> -> memref<100xi32, #tpu.memory_space<vmem>>
      %dma_wait3A_534 = arith.constant 0 : i32
      %dma_wait3A_535 = arith.constant 0 : i32
      %dma_wait3A_536 = tpu.memref_slice %arg4[%dma_wait3A_534, %dma_wait3A_535] : memref<10240x128xf32, #tpu.memory_space<hbm>> -> memref<10240x128xf32, #tpu.memory_space<hbm>>
      tpu.wait_indirect_dma semaphore(%arg14 : memref<!tpu.dma_semaphore, #tpu.memory_space<semaphore_mem>>) src(%dma_wait3A_536 : memref<10240x128xf32, #tpu.memory_space<hbm>>) dst(%arg10 : memref<100x128xf32, #tpu.memory_space<vmem>>)
      %dma_start3A_537 = arith.constant 16 : i32
      %dma_start3A_538 = arith.constant 0 : i32
      %dma_start3A_539 = tpu.memref_slice %arg8[%dma_start3A_537, %dma_start3A_538] : memref<25x100xi32, #tpu.memory_space<vmem>> -> memref<1x100xi32, #tpu.memory_space<vmem>>
      %dma_start3A_540 = tpu.memref_squeeze %dma_start3A_539 : memref<1x100xi32, #tpu.memory_space<vmem>> -> memref<100xi32, #tpu.memory_space<vmem>>
      %dma_start3A_541 = arith.constant 0 : i32
      %dma_start3A_542 = arith.constant 0 : i32
      %dma_start3A_543 = tpu.memref_slice %arg12[%dma_start3A_541, %dma_start3A_542] : memref<10240x128xf32, #tpu.memory_space<vmem_shared>> -> memref<10240x128xf32, #tpu.memory_space<vmem_shared>>
      tpu.enqueue_indirect_dma source(%arg10 : memref<100x128xf32, #tpu.memory_space<vmem>>) target(%dma_start3A_543 : memref<10240x128xf32, #tpu.memory_space<vmem_shared>>) offsets(%dma_start3A_540 : memref<100xi32, #tpu.memory_space<vmem>>) semaphore(%arg17 : memref<!tpu.dma_semaphore, #tpu.memory_space<semaphore_mem>>) {add = true}
      %dma_wait3A_544 = arith.constant 16 : i32
      %dma_wait3A_545 = arith.constant 0 : i32
      %dma_wait3A_546 = tpu.memref_slice %arg8[%dma_wait3A_544, %dma_wait3A_545] : memref<25x100xi32, #tpu.memory_space<vmem>> -> memref<1x100xi32, #tpu.memory_space<vmem>>
      %dma_wait3A_547 = tpu.memref_squeeze %dma_wait3A_546 : memref<1x100xi32, #tpu.memory_space<vmem>> -> memref<100xi32, #tpu.memory_space<vmem>>
      %dma_wait3A_548 = arith.constant 0 : i32
      %dma_wait3A_549 = arith.constant 0 : i32
      %dma_wait3A_550 = tpu.memref_slice %arg12[%dma_wait3A_548, %dma_wait3A_549] : memref<10240x128xf32, #tpu.memory_space<vmem_shared>> -> memref<10240x128xf32, #tpu.memory_space<vmem_shared>>
      tpu.wait_indirect_dma semaphore(%arg17 : memref<!tpu.dma_semaphore, #tpu.memory_space<semaphore_mem>>) src(%arg10 : memref<100x128xf32, #tpu.memory_space<vmem>>) dst(%dma_wait3A_550 : memref<10240x128xf32, #tpu.memory_space<vmem_shared>>)
      %dma_start3A_551 = arith.constant 19 : i32
      %dma_start3A_552 = arith.constant 0 : i32
      %dma_start3A_553 = tpu.memref_slice %arg7[%dma_start3A_551, %dma_start3A_552] : memref<25x100xi32, #tpu.memory_space<vmem>> -> memref<1x100xi32, #tpu.memory_space<vmem>>
      %dma_start3A_554 = tpu.memref_squeeze %dma_start3A_553 : memref<1x100xi32, #tpu.memory_space<vmem>> -> memref<100xi32, #tpu.memory_space<vmem>>
      %dma_start3A_555 = arith.constant 0 : i32
      %dma_start3A_556 = arith.constant 0 : i32
      %dma_start3A_557 = tpu.memref_slice %arg4[%dma_start3A_555, %dma_start3A_556] : memref<10240x128xf32, #tpu.memory_space<hbm>> -> memref<10240x128xf32, #tpu.memory_space<hbm>>
      tpu.enqueue_indirect_dma source(%dma_start3A_557 : memref<10240x128xf32, #tpu.memory_space<hbm>>) target(%arg10 : memref<100x128xf32, #tpu.memory_space<vmem>>) offsets(%dma_start3A_554 : memref<100xi32, #tpu.memory_space<vmem>>) semaphore(%arg14 : memref<!tpu.dma_semaphore, #tpu.memory_space<semaphore_mem>>)
      %dma_wait3A_558 = arith.constant 17 : i32
      %dma_wait3A_559 = arith.constant 0 : i32
      %dma_wait3A_560 = tpu.memref_slice %arg7[%dma_wait3A_558, %dma_wait3A_559] : memref<25x100xi32, #tpu.memory_space<vmem>> -> memref<1x100xi32, #tpu.memory_space<vmem>>
      %dma_wait3A_561 = tpu.memref_squeeze %dma_wait3A_560 : memref<1x100xi32, #tpu.memory_space<vmem>> -> memref<100xi32, #tpu.memory_space<vmem>>
      %dma_wait3A_562 = arith.constant 0 : i32
      %dma_wait3A_563 = arith.constant 0 : i32
      %dma_wait3A_564 = tpu.memref_slice %arg4[%dma_wait3A_562, %dma_wait3A_563] : memref<10240x128xf32, #tpu.memory_space<hbm>> -> memref<10240x128xf32, #tpu.memory_space<hbm>>
      tpu.wait_indirect_dma semaphore(%arg15 : memref<!tpu.dma_semaphore, #tpu.memory_space<semaphore_mem>>) src(%dma_wait3A_564 : memref<10240x128xf32, #tpu.memory_space<hbm>>) dst(%arg11 : memref<100x128xf32, #tpu.memory_space<vmem>>)
      %dma_start3A_565 = arith.constant 17 : i32
      %dma_start3A_566 = arith.constant 0 : i32
      %dma_start3A_567 = tpu.memref_slice %arg8[%dma_start3A_565, %dma_start3A_566] : memref<25x100xi32, #tpu.memory_space<vmem>> -> memref<1x100xi32, #tpu.memory_space<vmem>>
      %dma_start3A_568 = tpu.memref_squeeze %dma_start3A_567 : memref<1x100xi32, #tpu.memory_space<vmem>> -> memref<100xi32, #tpu.memory_space<vmem>>
      %dma_start3A_569 = arith.constant 0 : i32
      %dma_start3A_570 = arith.constant 0 : i32
      %dma_start3A_571 = tpu.memref_slice %arg12[%dma_start3A_569, %dma_start3A_570] : memref<10240x128xf32, #tpu.memory_space<vmem_shared>> -> memref<10240x128xf32, #tpu.memory_space<vmem_shared>>
      tpu.enqueue_indirect_dma source(%arg11 : memref<100x128xf32, #tpu.memory_space<vmem>>) target(%dma_start3A_571 : memref<10240x128xf32, #tpu.memory_space<vmem_shared>>) offsets(%dma_start3A_568 : memref<100xi32, #tpu.memory_space<vmem>>) semaphore(%arg18 : memref<!tpu.dma_semaphore, #tpu.memory_space<semaphore_mem>>) {add = true}
      %dma_wait3A_572 = arith.constant 17 : i32
      %dma_wait3A_573 = arith.constant 0 : i32
      %dma_wait3A_574 = tpu.memref_slice %arg8[%dma_wait3A_572, %dma_wait3A_573] : memref<25x100xi32, #tpu.memory_space<vmem>> -> memref<1x100xi32, #tpu.memory_space<vmem>>
      %dma_wait3A_575 = tpu.memref_squeeze %dma_wait3A_574 : memref<1x100xi32, #tpu.memory_space<vmem>> -> memref<100xi32, #tpu.memory_space<vmem>>
      %dma_wait3A_576 = arith.constant 0 : i32
      %dma_wait3A_577 = arith.constant 0 : i32
      %dma_wait3A_578 = tpu.memref_slice %arg12[%dma_wait3A_576, %dma_wait3A_577] : memref<10240x128xf32, #tpu.memory_space<vmem_shared>> -> memref<10240x128xf32, #tpu.memory_space<vmem_shared>>
      tpu.wait_indirect_dma semaphore(%arg18 : memref<!tpu.dma_semaphore, #tpu.memory_space<semaphore_mem>>) src(%arg11 : memref<100x128xf32, #tpu.memory_space<vmem>>) dst(%dma_wait3A_578 : memref<10240x128xf32, #tpu.memory_space<vmem_shared>>)
      %dma_start3A_579 = arith.constant 20 : i32
      %dma_start3A_580 = arith.constant 0 : i32
      %dma_start3A_581 = tpu.memref_slice %arg7[%dma_start3A_579, %dma_start3A_580] : memref<25x100xi32, #tpu.memory_space<vmem>> -> memref<1x100xi32, #tpu.memory_space<vmem>>
      %dma_start3A_582 = tpu.memref_squeeze %dma_start3A_581 : memref<1x100xi32, #tpu.memory_space<vmem>> -> memref<100xi32, #tpu.memory_space<vmem>>
      %dma_start3A_583 = arith.constant 0 : i32
      %dma_start3A_584 = arith.constant 0 : i32
      %dma_start3A_585 = tpu.memref_slice %arg4[%dma_start3A_583, %dma_start3A_584] : memref<10240x128xf32, #tpu.memory_space<hbm>> -> memref<10240x128xf32, #tpu.memory_space<hbm>>
      tpu.enqueue_indirect_dma source(%dma_start3A_585 : memref<10240x128xf32, #tpu.memory_space<hbm>>) target(%arg11 : memref<100x128xf32, #tpu.memory_space<vmem>>) offsets(%dma_start3A_582 : memref<100xi32, #tpu.memory_space<vmem>>) semaphore(%arg15 : memref<!tpu.dma_semaphore, #tpu.memory_space<semaphore_mem>>)
      %dma_wait3A_586 = arith.constant 18 : i32
      %dma_wait3A_587 = arith.constant 0 : i32
      %dma_wait3A_588 = tpu.memref_slice %arg7[%dma_wait3A_586, %dma_wait3A_587] : memref<25x100xi32, #tpu.memory_space<vmem>> -> memref<1x100xi32, #tpu.memory_space<vmem>>
      %dma_wait3A_589 = tpu.memref_squeeze %dma_wait3A_588 : memref<1x100xi32, #tpu.memory_space<vmem>> -> memref<100xi32, #tpu.memory_space<vmem>>
      %dma_wait3A_590 = arith.constant 0 : i32
      %dma_wait3A_591 = arith.constant 0 : i32
      %dma_wait3A_592 = tpu.memref_slice %arg4[%dma_wait3A_590, %dma_wait3A_591] : memref<10240x128xf32, #tpu.memory_space<hbm>> -> memref<10240x128xf32, #tpu.memory_space<hbm>>
      tpu.wait_indirect_dma semaphore(%arg13 : memref<!tpu.dma_semaphore, #tpu.memory_space<semaphore_mem>>) src(%dma_wait3A_592 : memref<10240x128xf32, #tpu.memory_space<hbm>>) dst(%arg9 : memref<100x128xf32, #tpu.memory_space<vmem>>)
      %dma_start3A_593 = arith.constant 18 : i32
      %dma_start3A_594 = arith.constant 0 : i32
      %dma_start3A_595 = tpu.memref_slice %arg8[%dma_start3A_593, %dma_start3A_594] : memref<25x100xi32, #tpu.memory_space<vmem>> -> memref<1x100xi32, #tpu.memory_space<vmem>>
      %dma_start3A_596 = tpu.memref_squeeze %dma_start3A_595 : memref<1x100xi32, #tpu.memory_space<vmem>> -> memref<100xi32, #tpu.memory_space<vmem>>
      %dma_start3A_597 = arith.constant 0 : i32
      %dma_start3A_598 = arith.constant 0 : i32
      %dma_start3A_599 = tpu.memref_slice %arg12[%dma_start3A_597, %dma_start3A_598] : memref<10240x128xf32, #tpu.memory_space<vmem_shared>> -> memref<10240x128xf32, #tpu.memory_space<vmem_shared>>
      tpu.enqueue_indirect_dma source(%arg9 : memref<100x128xf32, #tpu.memory_space<vmem>>) target(%dma_start3A_599 : memref<10240x128xf32, #tpu.memory_space<vmem_shared>>) offsets(%dma_start3A_596 : memref<100xi32, #tpu.memory_space<vmem>>) semaphore(%arg16 : memref<!tpu.dma_semaphore, #tpu.memory_space<semaphore_mem>>) {add = true}
      %dma_wait3A_600 = arith.constant 18 : i32
      %dma_wait3A_601 = arith.constant 0 : i32
      %dma_wait3A_602 = tpu.memref_slice %arg8[%dma_wait3A_600, %dma_wait3A_601] : memref<25x100xi32, #tpu.memory_space<vmem>> -> memref<1x100xi32, #tpu.memory_space<vmem>>
      %dma_wait3A_603 = tpu.memref_squeeze %dma_wait3A_602 : memref<1x100xi32, #tpu.memory_space<vmem>> -> memref<100xi32, #tpu.memory_space<vmem>>
      %dma_wait3A_604 = arith.constant 0 : i32
      %dma_wait3A_605 = arith.constant 0 : i32
      %dma_wait3A_606 = tpu.memref_slice %arg12[%dma_wait3A_604, %dma_wait3A_605] : memref<10240x128xf32, #tpu.memory_space<vmem_shared>> -> memref<10240x128xf32, #tpu.memory_space<vmem_shared>>
      tpu.wait_indirect_dma semaphore(%arg16 : memref<!tpu.dma_semaphore, #tpu.memory_space<semaphore_mem>>) src(%arg9 : memref<100x128xf32, #tpu.memory_space<vmem>>) dst(%dma_wait3A_606 : memref<10240x128xf32, #tpu.memory_space<vmem_shared>>)
      %dma_start3A_607 = arith.constant 21 : i32
      %dma_start3A_608 = arith.constant 0 : i32
      %dma_start3A_609 = tpu.memref_slice %arg7[%dma_start3A_607, %dma_start3A_608] : memref<25x100xi32, #tpu.memory_space<vmem>> -> memref<1x100xi32, #tpu.memory_space<vmem>>
      %dma_start3A_610 = tpu.memref_squeeze %dma_start3A_609 : memref<1x100xi32, #tpu.memory_space<vmem>> -> memref<100xi32, #tpu.memory_space<vmem>>
      %dma_start3A_611 = arith.constant 0 : i32
      %dma_start3A_612 = arith.constant 0 : i32
      %dma_start3A_613 = tpu.memref_slice %arg4[%dma_start3A_611, %dma_start3A_612] : memref<10240x128xf32, #tpu.memory_space<hbm>> -> memref<10240x128xf32, #tpu.memory_space<hbm>>
      tpu.enqueue_indirect_dma source(%dma_start3A_613 : memref<10240x128xf32, #tpu.memory_space<hbm>>) target(%arg9 : memref<100x128xf32, #tpu.memory_space<vmem>>) offsets(%dma_start3A_610 : memref<100xi32, #tpu.memory_space<vmem>>) semaphore(%arg13 : memref<!tpu.dma_semaphore, #tpu.memory_space<semaphore_mem>>)
      %dma_wait3A_614 = arith.constant 19 : i32
      %dma_wait3A_615 = arith.constant 0 : i32
      %dma_wait3A_616 = tpu.memref_slice %arg7[%dma_wait3A_614, %dma_wait3A_615] : memref<25x100xi32, #tpu.memory_space<vmem>> -> memref<1x100xi32, #tpu.memory_space<vmem>>
      %dma_wait3A_617 = tpu.memref_squeeze %dma_wait3A_616 : memref<1x100xi32, #tpu.memory_space<vmem>> -> memref<100xi32, #tpu.memory_space<vmem>>
      %dma_wait3A_618 = arith.constant 0 : i32
      %dma_wait3A_619 = arith.constant 0 : i32
      %dma_wait3A_620 = tpu.memref_slice %arg4[%dma_wait3A_618, %dma_wait3A_619] : memref<10240x128xf32, #tpu.memory_space<hbm>> -> memref<10240x128xf32, #tpu.memory_space<hbm>>
      tpu.wait_indirect_dma semaphore(%arg14 : memref<!tpu.dma_semaphore, #tpu.memory_space<semaphore_mem>>) src(%dma_wait3A_620 : memref<10240x128xf32, #tpu.memory_space<hbm>>) dst(%arg10 : memref<100x128xf32, #tpu.memory_space<vmem>>)
      %dma_start3A_621 = arith.constant 19 : i32
      %dma_start3A_622 = arith.constant 0 : i32
      %dma_start3A_623 = tpu.memref_slice %arg8[%dma_start3A_621, %dma_start3A_622] : memref<25x100xi32, #tpu.memory_space<vmem>> -> memref<1x100xi32, #tpu.memory_space<vmem>>
      %dma_start3A_624 = tpu.memref_squeeze %dma_start3A_623 : memref<1x100xi32, #tpu.memory_space<vmem>> -> memref<100xi32, #tpu.memory_space<vmem>>
      %dma_start3A_625 = arith.constant 0 : i32
      %dma_start3A_626 = arith.constant 0 : i32
      %dma_start3A_627 = tpu.memref_slice %arg12[%dma_start3A_625, %dma_start3A_626] : memref<10240x128xf32, #tpu.memory_space<vmem_shared>> -> memref<10240x128xf32, #tpu.memory_space<vmem_shared>>
      tpu.enqueue_indirect_dma source(%arg10 : memref<100x128xf32, #tpu.memory_space<vmem>>) target(%dma_start3A_627 : memref<10240x128xf32, #tpu.memory_space<vmem_shared>>) offsets(%dma_start3A_624 : memref<100xi32, #tpu.memory_space<vmem>>) semaphore(%arg17 : memref<!tpu.dma_semaphore, #tpu.memory_space<semaphore_mem>>) {add = true}
      %dma_wait3A_628 = arith.constant 19 : i32
      %dma_wait3A_629 = arith.constant 0 : i32
      %dma_wait3A_630 = tpu.memref_slice %arg8[%dma_wait3A_628, %dma_wait3A_629] : memref<25x100xi32, #tpu.memory_space<vmem>> -> memref<1x100xi32, #tpu.memory_space<vmem>>
      %dma_wait3A_631 = tpu.memref_squeeze %dma_wait3A_630 : memref<1x100xi32, #tpu.memory_space<vmem>> -> memref<100xi32, #tpu.memory_space<vmem>>
      %dma_wait3A_632 = arith.constant 0 : i32
      %dma_wait3A_633 = arith.constant 0 : i32
      %dma_wait3A_634 = tpu.memref_slice %arg12[%dma_wait3A_632, %dma_wait3A_633] : memref<10240x128xf32, #tpu.memory_space<vmem_shared>> -> memref<10240x128xf32, #tpu.memory_space<vmem_shared>>
      tpu.wait_indirect_dma semaphore(%arg17 : memref<!tpu.dma_semaphore, #tpu.memory_space<semaphore_mem>>) src(%arg10 : memref<100x128xf32, #tpu.memory_space<vmem>>) dst(%dma_wait3A_634 : memref<10240x128xf32, #tpu.memory_space<vmem_shared>>)
      %dma_start3A_635 = arith.constant 22 : i32
      %dma_start3A_636 = arith.constant 0 : i32
      %dma_start3A_637 = tpu.memref_slice %arg7[%dma_start3A_635, %dma_start3A_636] : memref<25x100xi32, #tpu.memory_space<vmem>> -> memref<1x100xi32, #tpu.memory_space<vmem>>
      %dma_start3A_638 = tpu.memref_squeeze %dma_start3A_637 : memref<1x100xi32, #tpu.memory_space<vmem>> -> memref<100xi32, #tpu.memory_space<vmem>>
      %dma_start3A_639 = arith.constant 0 : i32
      %dma_start3A_640 = arith.constant 0 : i32
      %dma_start3A_641 = tpu.memref_slice %arg4[%dma_start3A_639, %dma_start3A_640] : memref<10240x128xf32, #tpu.memory_space<hbm>> -> memref<10240x128xf32, #tpu.memory_space<hbm>>
      tpu.enqueue_indirect_dma source(%dma_start3A_641 : memref<10240x128xf32, #tpu.memory_space<hbm>>) target(%arg10 : memref<100x128xf32, #tpu.memory_space<vmem>>) offsets(%dma_start3A_638 : memref<100xi32, #tpu.memory_space<vmem>>) semaphore(%arg14 : memref<!tpu.dma_semaphore, #tpu.memory_space<semaphore_mem>>)
      %dma_wait3A_642 = arith.constant 20 : i32
      %dma_wait3A_643 = arith.constant 0 : i32
      %dma_wait3A_644 = tpu.memref_slice %arg7[%dma_wait3A_642, %dma_wait3A_643] : memref<25x100xi32, #tpu.memory_space<vmem>> -> memref<1x100xi32, #tpu.memory_space<vmem>>
      %dma_wait3A_645 = tpu.memref_squeeze %dma_wait3A_644 : memref<1x100xi32, #tpu.memory_space<vmem>> -> memref<100xi32, #tpu.memory_space<vmem>>
      %dma_wait3A_646 = arith.constant 0 : i32
      %dma_wait3A_647 = arith.constant 0 : i32
      %dma_wait3A_648 = tpu.memref_slice %arg4[%dma_wait3A_646, %dma_wait3A_647] : memref<10240x128xf32, #tpu.memory_space<hbm>> -> memref<10240x128xf32, #tpu.memory_space<hbm>>
      tpu.wait_indirect_dma semaphore(%arg15 : memref<!tpu.dma_semaphore, #tpu.memory_space<semaphore_mem>>) src(%dma_wait3A_648 : memref<10240x128xf32, #tpu.memory_space<hbm>>) dst(%arg11 : memref<100x128xf32, #tpu.memory_space<vmem>>)
      %dma_start3A_649 = arith.constant 20 : i32
      %dma_start3A_650 = arith.constant 0 : i32
      %dma_start3A_651 = tpu.memref_slice %arg8[%dma_start3A_649, %dma_start3A_650] : memref<25x100xi32, #tpu.memory_space<vmem>> -> memref<1x100xi32, #tpu.memory_space<vmem>>
      %dma_start3A_652 = tpu.memref_squeeze %dma_start3A_651 : memref<1x100xi32, #tpu.memory_space<vmem>> -> memref<100xi32, #tpu.memory_space<vmem>>
      %dma_start3A_653 = arith.constant 0 : i32
      %dma_start3A_654 = arith.constant 0 : i32
      %dma_start3A_655 = tpu.memref_slice %arg12[%dma_start3A_653, %dma_start3A_654] : memref<10240x128xf32, #tpu.memory_space<vmem_shared>> -> memref<10240x128xf32, #tpu.memory_space<vmem_shared>>
      tpu.enqueue_indirect_dma source(%arg11 : memref<100x128xf32, #tpu.memory_space<vmem>>) target(%dma_start3A_655 : memref<10240x128xf32, #tpu.memory_space<vmem_shared>>) offsets(%dma_start3A_652 : memref<100xi32, #tpu.memory_space<vmem>>) semaphore(%arg18 : memref<!tpu.dma_semaphore, #tpu.memory_space<semaphore_mem>>) {add = true}
      %dma_wait3A_656 = arith.constant 20 : i32
      %dma_wait3A_657 = arith.constant 0 : i32
      %dma_wait3A_658 = tpu.memref_slice %arg8[%dma_wait3A_656, %dma_wait3A_657] : memref<25x100xi32, #tpu.memory_space<vmem>> -> memref<1x100xi32, #tpu.memory_space<vmem>>
      %dma_wait3A_659 = tpu.memref_squeeze %dma_wait3A_658 : memref<1x100xi32, #tpu.memory_space<vmem>> -> memref<100xi32, #tpu.memory_space<vmem>>
      %dma_wait3A_660 = arith.constant 0 : i32
      %dma_wait3A_661 = arith.constant 0 : i32
      %dma_wait3A_662 = tpu.memref_slice %arg12[%dma_wait3A_660, %dma_wait3A_661] : memref<10240x128xf32, #tpu.memory_space<vmem_shared>> -> memref<10240x128xf32, #tpu.memory_space<vmem_shared>>
      tpu.wait_indirect_dma semaphore(%arg18 : memref<!tpu.dma_semaphore, #tpu.memory_space<semaphore_mem>>) src(%arg11 : memref<100x128xf32, #tpu.memory_space<vmem>>) dst(%dma_wait3A_662 : memref<10240x128xf32, #tpu.memory_space<vmem_shared>>)
      %dma_start3A_663 = arith.constant 23 : i32
      %dma_start3A_664 = arith.constant 0 : i32
      %dma_start3A_665 = tpu.memref_slice %arg7[%dma_start3A_663, %dma_start3A_664] : memref<25x100xi32, #tpu.memory_space<vmem>> -> memref<1x100xi32, #tpu.memory_space<vmem>>
      %dma_start3A_666 = tpu.memref_squeeze %dma_start3A_665 : memref<1x100xi32, #tpu.memory_space<vmem>> -> memref<100xi32, #tpu.memory_space<vmem>>
      %dma_start3A_667 = arith.constant 0 : i32
      %dma_start3A_668 = arith.constant 0 : i32
      %dma_start3A_669 = tpu.memref_slice %arg4[%dma_start3A_667, %dma_start3A_668] : memref<10240x128xf32, #tpu.memory_space<hbm>> -> memref<10240x128xf32, #tpu.memory_space<hbm>>
      tpu.enqueue_indirect_dma source(%dma_start3A_669 : memref<10240x128xf32, #tpu.memory_space<hbm>>) target(%arg11 : memref<100x128xf32, #tpu.memory_space<vmem>>) offsets(%dma_start3A_666 : memref<100xi32, #tpu.memory_space<vmem>>) semaphore(%arg15 : memref<!tpu.dma_semaphore, #tpu.memory_space<semaphore_mem>>)
      %dma_wait3A_670 = arith.constant 21 : i32
      %dma_wait3A_671 = arith.constant 0 : i32
      %dma_wait3A_672 = tpu.memref_slice %arg7[%dma_wait3A_670, %dma_wait3A_671] : memref<25x100xi32, #tpu.memory_space<vmem>> -> memref<1x100xi32, #tpu.memory_space<vmem>>
      %dma_wait3A_673 = tpu.memref_squeeze %dma_wait3A_672 : memref<1x100xi32, #tpu.memory_space<vmem>> -> memref<100xi32, #tpu.memory_space<vmem>>
      %dma_wait3A_674 = arith.constant 0 : i32
      %dma_wait3A_675 = arith.constant 0 : i32
      %dma_wait3A_676 = tpu.memref_slice %arg4[%dma_wait3A_674, %dma_wait3A_675] : memref<10240x128xf32, #tpu.memory_space<hbm>> -> memref<10240x128xf32, #tpu.memory_space<hbm>>
      tpu.wait_indirect_dma semaphore(%arg13 : memref<!tpu.dma_semaphore, #tpu.memory_space<semaphore_mem>>) src(%dma_wait3A_676 : memref<10240x128xf32, #tpu.memory_space<hbm>>) dst(%arg9 : memref<100x128xf32, #tpu.memory_space<vmem>>)
      %dma_start3A_677 = arith.constant 21 : i32
      %dma_start3A_678 = arith.constant 0 : i32
      %dma_start3A_679 = tpu.memref_slice %arg8[%dma_start3A_677, %dma_start3A_678] : memref<25x100xi32, #tpu.memory_space<vmem>> -> memref<1x100xi32, #tpu.memory_space<vmem>>
      %dma_start3A_680 = tpu.memref_squeeze %dma_start3A_679 : memref<1x100xi32, #tpu.memory_space<vmem>> -> memref<100xi32, #tpu.memory_space<vmem>>
      %dma_start3A_681 = arith.constant 0 : i32
      %dma_start3A_682 = arith.constant 0 : i32
      %dma_start3A_683 = tpu.memref_slice %arg12[%dma_start3A_681, %dma_start3A_682] : memref<10240x128xf32, #tpu.memory_space<vmem_shared>> -> memref<10240x128xf32, #tpu.memory_space<vmem_shared>>
      tpu.enqueue_indirect_dma source(%arg9 : memref<100x128xf32, #tpu.memory_space<vmem>>) target(%dma_start3A_683 : memref<10240x128xf32, #tpu.memory_space<vmem_shared>>) offsets(%dma_start3A_680 : memref<100xi32, #tpu.memory_space<vmem>>) semaphore(%arg16 : memref<!tpu.dma_semaphore, #tpu.memory_space<semaphore_mem>>) {add = true}
      %dma_wait3A_684 = arith.constant 21 : i32
      %dma_wait3A_685 = arith.constant 0 : i32
      %dma_wait3A_686 = tpu.memref_slice %arg8[%dma_wait3A_684, %dma_wait3A_685] : memref<25x100xi32, #tpu.memory_space<vmem>> -> memref<1x100xi32, #tpu.memory_space<vmem>>
      %dma_wait3A_687 = tpu.memref_squeeze %dma_wait3A_686 : memref<1x100xi32, #tpu.memory_space<vmem>> -> memref<100xi32, #tpu.memory_space<vmem>>
      %dma_wait3A_688 = arith.constant 0 : i32
      %dma_wait3A_689 = arith.constant 0 : i32
      %dma_wait3A_690 = tpu.memref_slice %arg12[%dma_wait3A_688, %dma_wait3A_689] : memref<10240x128xf32, #tpu.memory_space<vmem_shared>> -> memref<10240x128xf32, #tpu.memory_space<vmem_shared>>
      tpu.wait_indirect_dma semaphore(%arg16 : memref<!tpu.dma_semaphore, #tpu.memory_space<semaphore_mem>>) src(%arg9 : memref<100x128xf32, #tpu.memory_space<vmem>>) dst(%dma_wait3A_690 : memref<10240x128xf32, #tpu.memory_space<vmem_shared>>)
      %dma_start3A_691 = arith.constant 24 : i32
      %dma_start3A_692 = arith.constant 0 : i32
      %dma_start3A_693 = tpu.memref_slice %arg7[%dma_start3A_691, %dma_start3A_692] : memref<25x100xi32, #tpu.memory_space<vmem>> -> memref<1x100xi32, #tpu.memory_space<vmem>>
      %dma_start3A_694 = tpu.memref_squeeze %dma_start3A_693 : memref<1x100xi32, #tpu.memory_space<vmem>> -> memref<100xi32, #tpu.memory_space<vmem>>
      %dma_start3A_695 = arith.constant 0 : i32
      %dma_start3A_696 = arith.constant 0 : i32
      %dma_start3A_697 = tpu.memref_slice %arg4[%dma_start3A_695, %dma_start3A_696] : memref<10240x128xf32, #tpu.memory_space<hbm>> -> memref<10240x128xf32, #tpu.memory_space<hbm>>
      tpu.enqueue_indirect_dma source(%dma_start3A_697 : memref<10240x128xf32, #tpu.memory_space<hbm>>) target(%arg9 : memref<100x128xf32, #tpu.memory_space<vmem>>) offsets(%dma_start3A_694 : memref<100xi32, #tpu.memory_space<vmem>>) semaphore(%arg13 : memref<!tpu.dma_semaphore, #tpu.memory_space<semaphore_mem>>)
      %dma_wait3A_698 = arith.constant 22 : i32
      %dma_wait3A_699 = arith.constant 0 : i32
      %dma_wait3A_700 = tpu.memref_slice %arg7[%dma_wait3A_698, %dma_wait3A_699] : memref<25x100xi32, #tpu.memory_space<vmem>> -> memref<1x100xi32, #tpu.memory_space<vmem>>
      %dma_wait3A_701 = tpu.memref_squeeze %dma_wait3A_700 : memref<1x100xi32, #tpu.memory_space<vmem>> -> memref<100xi32, #tpu.memory_space<vmem>>
      %dma_wait3A_702 = arith.constant 0 : i32
      %dma_wait3A_703 = arith.constant 0 : i32
      %dma_wait3A_704 = tpu.memref_slice %arg4[%dma_wait3A_702, %dma_wait3A_703] : memref<10240x128xf32, #tpu.memory_space<hbm>> -> memref<10240x128xf32, #tpu.memory_space<hbm>>
      tpu.wait_indirect_dma semaphore(%arg14 : memref<!tpu.dma_semaphore, #tpu.memory_space<semaphore_mem>>) src(%dma_wait3A_704 : memref<10240x128xf32, #tpu.memory_space<hbm>>) dst(%arg10 : memref<100x128xf32, #tpu.memory_space<vmem>>)
      %dma_start3A_705 = arith.constant 22 : i32
      %dma_start3A_706 = arith.constant 0 : i32
      %dma_start3A_707 = tpu.memref_slice %arg8[%dma_start3A_705, %dma_start3A_706] : memref<25x100xi32, #tpu.memory_space<vmem>> -> memref<1x100xi32, #tpu.memory_space<vmem>>
      %dma_start3A_708 = tpu.memref_squeeze %dma_start3A_707 : memref<1x100xi32, #tpu.memory_space<vmem>> -> memref<100xi32, #tpu.memory_space<vmem>>
      %dma_start3A_709 = arith.constant 0 : i32
      %dma_start3A_710 = arith.constant 0 : i32
      %dma_start3A_711 = tpu.memref_slice %arg12[%dma_start3A_709, %dma_start3A_710] : memref<10240x128xf32, #tpu.memory_space<vmem_shared>> -> memref<10240x128xf32, #tpu.memory_space<vmem_shared>>
      tpu.enqueue_indirect_dma source(%arg10 : memref<100x128xf32, #tpu.memory_space<vmem>>) target(%dma_start3A_711 : memref<10240x128xf32, #tpu.memory_space<vmem_shared>>) offsets(%dma_start3A_708 : memref<100xi32, #tpu.memory_space<vmem>>) semaphore(%arg17 : memref<!tpu.dma_semaphore, #tpu.memory_space<semaphore_mem>>) {add = true}
      %dma_wait3A_712 = arith.constant 23 : i32
      %dma_wait3A_713 = arith.constant 0 : i32
      %dma_wait3A_714 = tpu.memref_slice %arg7[%dma_wait3A_712, %dma_wait3A_713] : memref<25x100xi32, #tpu.memory_space<vmem>> -> memref<1x100xi32, #tpu.memory_space<vmem>>
      %dma_wait3A_715 = tpu.memref_squeeze %dma_wait3A_714 : memref<1x100xi32, #tpu.memory_space<vmem>> -> memref<100xi32, #tpu.memory_space<vmem>>
      %dma_wait3A_716 = arith.constant 0 : i32
      %dma_wait3A_717 = arith.constant 0 : i32
      %dma_wait3A_718 = tpu.memref_slice %arg4[%dma_wait3A_716, %dma_wait3A_717] : memref<10240x128xf32, #tpu.memory_space<hbm>> -> memref<10240x128xf32, #tpu.memory_space<hbm>>
      tpu.wait_indirect_dma semaphore(%arg15 : memref<!tpu.dma_semaphore, #tpu.memory_space<semaphore_mem>>) src(%dma_wait3A_718 : memref<10240x128xf32, #tpu.memory_space<hbm>>) dst(%arg11 : memref<100x128xf32, #tpu.memory_space<vmem>>)
      %dma_start3A_719 = arith.constant 23 : i32
      %dma_start3A_720 = arith.constant 0 : i32
      %dma_start3A_721 = tpu.memref_slice %arg8[%dma_start3A_719, %dma_start3A_720] : memref<25x100xi32, #tpu.memory_space<vmem>> -> memref<1x100xi32, #tpu.memory_space<vmem>>
      %dma_start3A_722 = tpu.memref_squeeze %dma_start3A_721 : memref<1x100xi32, #tpu.memory_space<vmem>> -> memref<100xi32, #tpu.memory_space<vmem>>
      %dma_start3A_723 = arith.constant 0 : i32
      %dma_start3A_724 = arith.constant 0 : i32
      %dma_start3A_725 = tpu.memref_slice %arg12[%dma_start3A_723, %dma_start3A_724] : memref<10240x128xf32, #tpu.memory_space<vmem_shared>> -> memref<10240x128xf32, #tpu.memory_space<vmem_shared>>
      tpu.enqueue_indirect_dma source(%arg11 : memref<100x128xf32, #tpu.memory_space<vmem>>) target(%dma_start3A_725 : memref<10240x128xf32, #tpu.memory_space<vmem_shared>>) offsets(%dma_start3A_722 : memref<100xi32, #tpu.memory_space<vmem>>) semaphore(%arg18 : memref<!tpu.dma_semaphore, #tpu.memory_space<semaphore_mem>>) {add = true}
      %dma_wait3A_726 = arith.constant 24 : i32
      %dma_wait3A_727 = arith.constant 0 : i32
      %dma_wait3A_728 = tpu.memref_slice %arg7[%dma_wait3A_726, %dma_wait3A_727] : memref<25x100xi32, #tpu.memory_space<vmem>> -> memref<1x100xi32, #tpu.memory_space<vmem>>
      %dma_wait3A_729 = tpu.memref_squeeze %dma_wait3A_728 : memref<1x100xi32, #tpu.memory_space<vmem>> -> memref<100xi32, #tpu.memory_space<vmem>>
      %dma_wait3A_730 = arith.constant 0 : i32
      %dma_wait3A_731 = arith.constant 0 : i32
      %dma_wait3A_732 = tpu.memref_slice %arg4[%dma_wait3A_730, %dma_wait3A_731] : memref<10240x128xf32, #tpu.memory_space<hbm>> -> memref<10240x128xf32, #tpu.memory_space<hbm>>
      tpu.wait_indirect_dma semaphore(%arg13 : memref<!tpu.dma_semaphore, #tpu.memory_space<semaphore_mem>>) src(%dma_wait3A_732 : memref<10240x128xf32, #tpu.memory_space<hbm>>) dst(%arg9 : memref<100x128xf32, #tpu.memory_space<vmem>>)
      %dma_start3A_733 = arith.constant 24 : i32
      %dma_start3A_734 = arith.constant 0 : i32
      %dma_start3A_735 = tpu.memref_slice %arg8[%dma_start3A_733, %dma_start3A_734] : memref<25x100xi32, #tpu.memory_space<vmem>> -> memref<1x100xi32, #tpu.memory_space<vmem>>
      %dma_start3A_736 = tpu.memref_squeeze %dma_start3A_735 : memref<1x100xi32, #tpu.memory_space<vmem>> -> memref<100xi32, #tpu.memory_space<vmem>>
      %dma_start3A_737 = arith.constant 0 : i32
      %dma_start3A_738 = arith.constant 0 : i32
      %dma_start3A_739 = tpu.memref_slice %arg12[%dma_start3A_737, %dma_start3A_738] : memref<10240x128xf32, #tpu.memory_space<vmem_shared>> -> memref<10240x128xf32, #tpu.memory_space<vmem_shared>>
      tpu.enqueue_indirect_dma source(%arg9 : memref<100x128xf32, #tpu.memory_space<vmem>>) target(%dma_start3A_739 : memref<10240x128xf32, #tpu.memory_space<vmem_shared>>) offsets(%dma_start3A_736 : memref<100xi32, #tpu.memory_space<vmem>>) semaphore(%arg16 : memref<!tpu.dma_semaphore, #tpu.memory_space<semaphore_mem>>) {add = true}
      %dma_wait3A_740 = arith.constant 22 : i32
      %dma_wait3A_741 = arith.constant 0 : i32
      %dma_wait3A_742 = tpu.memref_slice %arg8[%dma_wait3A_740, %dma_wait3A_741] : memref<25x100xi32, #tpu.memory_space<vmem>> -> memref<1x100xi32, #tpu.memory_space<vmem>>
      %dma_wait3A_743 = tpu.memref_squeeze %dma_wait3A_742 : memref<1x100xi32, #tpu.memory_space<vmem>> -> memref<100xi32, #tpu.memory_space<vmem>>
      %dma_wait3A_744 = arith.constant 0 : i32
      %dma_wait3A_745 = arith.constant 0 : i32
      %dma_wait3A_746 = tpu.memref_slice %arg12[%dma_wait3A_744, %dma_wait3A_745] : memref<10240x128xf32, #tpu.memory_space<vmem_shared>> -> memref<10240x128xf32, #tpu.memory_space<vmem_shared>>
      tpu.wait_indirect_dma semaphore(%arg17 : memref<!tpu.dma_semaphore, #tpu.memory_space<semaphore_mem>>) src(%arg10 : memref<100x128xf32, #tpu.memory_space<vmem>>) dst(%dma_wait3A_746 : memref<10240x128xf32, #tpu.memory_space<vmem_shared>>)
      %dma_wait3A_747 = arith.constant 23 : i32
      %dma_wait3A_748 = arith.constant 0 : i32
      %dma_wait3A_749 = tpu.memref_slice %arg8[%dma_wait3A_747, %dma_wait3A_748] : memref<25x100xi32, #tpu.memory_space<vmem>> -> memref<1x100xi32, #tpu.memory_space<vmem>>
      %dma_wait3A_750 = tpu.memref_squeeze %dma_wait3A_749 : memref<1x100xi32, #tpu.memory_space<vmem>> -> memref<100xi32, #tpu.memory_space<vmem>>
      %dma_wait3A_751 = arith.constant 0 : i32
      %dma_wait3A_752 = arith.constant 0 : i32
      %dma_wait3A_753 = tpu.memref_slice %arg12[%dma_wait3A_751, %dma_wait3A_752] : memref<10240x128xf32, #tpu.memory_space<vmem_shared>> -> memref<10240x128xf32, #tpu.memory_space<vmem_shared>>
      tpu.wait_indirect_dma semaphore(%arg18 : memref<!tpu.dma_semaphore, #tpu.memory_space<semaphore_mem>>) src(%arg11 : memref<100x128xf32, #tpu.memory_space<vmem>>) dst(%dma_wait3A_753 : memref<10240x128xf32, #tpu.memory_space<vmem_shared>>)
      %dma_wait3A_754 = arith.constant 24 : i32
      %dma_wait3A_755 = arith.constant 0 : i32
      %dma_wait3A_756 = tpu.memref_slice %arg8[%dma_wait3A_754, %dma_wait3A_755] : memref<25x100xi32, #tpu.memory_space<vmem>> -> memref<1x100xi32, #tpu.memory_space<vmem>>
      %dma_wait3A_757 = tpu.memref_squeeze %dma_wait3A_756 : memref<1x100xi32, #tpu.memory_space<vmem>> -> memref<100xi32, #tpu.memory_space<vmem>>
      %dma_wait3A_758 = arith.constant 0 : i32
      %dma_wait3A_759 = arith.constant 0 : i32
      %dma_wait3A_760 = tpu.memref_slice %arg12[%dma_wait3A_758, %dma_wait3A_759] : memref<10240x128xf32, #tpu.memory_space<vmem_shared>> -> memref<10240x128xf32, #tpu.memory_space<vmem_shared>>
      tpu.wait_indirect_dma semaphore(%arg16 : memref<!tpu.dma_semaphore, #tpu.memory_space<semaphore_mem>>) src(%arg9 : memref<100x128xf32, #tpu.memory_space<vmem>>) dst(%dma_wait3A_760 : memref<10240x128xf32, #tpu.memory_space<vmem_shared>>)
    }
    %barrier3A_23 = arith.constant 0 : index
    tpu.barrier barrier_id(%barrier3A_23)
    %mul3A_24 = arith.constant 640 : i32
    %mul3A_25 = arith.muli %arg1, %mul3A_24 : i32
    %mul3A_26 = arith.constant 640 : i32
    %mul3A_27 = arith.muli %arg1, %mul3A_26 : i32
    "tpu.region"() ({
      %run_scoped3A = tpu.sem_alloc : memref<!tpu.dma_semaphore, #tpu.memory_space<semaphore_mem>>
      %dma_start3A = arith.constant 0 : i32
      %dma_start3A_28 = tpu.memref_slice %arg6[%arg0, %mul3A_27, %dma_start3A] : memref<2x10240x128xf32, #tpu.memory_space<hbm>> -> memref<1x640x128xf32, #tpu.memory_space<hbm>>
      %dma_start3A_29 = tpu.memref_squeeze %dma_start3A_28 : memref<1x640x128xf32, #tpu.memory_space<hbm>> -> memref<640x128xf32, #tpu.memory_space<hbm>>
      %dma_start3A_30 = arith.constant 0 : i32
      %dma_start3A_31 = tpu.memref_slice %arg12[%mul3A_25, %dma_start3A_30] : memref<10240x128xf32, #tpu.memory_space<vmem_shared>> -> memref<640x128xf32, #tpu.memory_space<vmem_shared>>
      tpu.enqueue_dma source(%dma_start3A_31 : memref<640x128xf32, #tpu.memory_space<vmem_shared>>) target(%dma_start3A_29 : memref<640x128xf32, #tpu.memory_space<hbm>>) target_semaphore(%run_scoped3A : memref<!tpu.dma_semaphore, #tpu.memory_space<semaphore_mem>>)
      %dma_wait3A = arith.constant 0 : i32
      %dma_wait3A_32 = tpu.memref_slice %arg6[%arg0, %mul3A_27, %dma_wait3A] : memref<2x10240x128xf32, #tpu.memory_space<hbm>> -> memref<1x640x128xf32, #tpu.memory_space<hbm>>
      %dma_wait3A_33 = tpu.memref_squeeze %dma_wait3A_32 : memref<1x640x128xf32, #tpu.memory_space<hbm>> -> memref<640x128xf32, #tpu.memory_space<hbm>>
      %dma_wait3A_34 = arith.constant 0 : i32
      %dma_wait3A_35 = tpu.memref_slice %arg12[%mul3A_25, %dma_wait3A_34] : memref<10240x128xf32, #tpu.memory_space<vmem_shared>> -> memref<640x128xf32, #tpu.memory_space<vmem_shared>>
      tpu.wait_dma2 semaphore(%run_scoped3A : memref<!tpu.dma_semaphore, #tpu.memory_space<semaphore_mem>>) src(%dma_wait3A_35 : memref<640x128xf32, #tpu.memory_space<vmem_shared>>) dst(%dma_wait3A_33 : memref<640x128xf32, #tpu.memory_space<hbm>>)
      tpu.yield
    }) : () -> ()
    return
  }
}

module attributes {stable_mosaic.version = 14 : i64} {
  func.func @_mlpscale_body(%arg0: i32, %arg1: memref<1024x128xf32, #tpu.memory_space<vmem>>, %arg2: memref<128x128xf32, #tpu.memory_space<vmem>>, %arg3: memref<1x128xf32, #tpu.memory_space<vmem>>, %arg4: memref<128x128xf32, #tpu.memory_space<vmem>>, %arg5: memref<1x128xf32, #tpu.memory_space<vmem>>, %arg6: memref<2x1024x1xf32, #tpu.memory_space<vmem>>, %arg7: memref<1024x128xf32, #tpu.memory_space<vmem>>, %arg8: memref<1024x128xf32, #tpu.memory_space<vmem>>) attributes {dimension_semantics = [#tpu.dimension_semantics<arbitrary>], iteration_bounds = array<i64: 10>, scalar_prefetch = 0 : i64, scratch_operands = 0 : i64, tpu.core_type = #tpu.core_type<tc>, window_params = [{transform_indices = @transform_0, window_bounds = array<i64: 1024, 128>}, {pipeline_mode = #tpu.pipeline_mode<synchronous>, transform_indices = @transform_1, window_bounds = array<i64: 128, 128>}, {pipeline_mode = #tpu.pipeline_mode<synchronous>, transform_indices = @transform_2, window_bounds = array<i64: 1, 128>}, {pipeline_mode = #tpu.pipeline_mode<synchronous>, transform_indices = @transform_3, window_bounds = array<i64: 128, 128>}, {pipeline_mode = #tpu.pipeline_mode<synchronous>, transform_indices = @transform_4, window_bounds = array<i64: 1, 128>}, {transform_indices = @transform_5, window_bounds = array<i64: 2, 1024, 1>}, {transform_indices = @transform_6, window_bounds = array<i64: 1024, 128>}, {transform_indices = @transform_7, window_bounds = array<i64: 1024, 128>}]} {
    %get3A = arith.constant 0 : index
    %get3A_0 = arith.constant 0 : index
    %get3A_1 = vector.load %arg1[%get3A, %get3A_0] : memref<1024x128xf32, #tpu.memory_space<vmem>>, vector<1024x128xf32>
    %get3A_2 = arith.constant 0 : index
    %get3A_3 = arith.constant 0 : index
    %get3A_4 = vector.load %arg2[%get3A_2, %get3A_3] : memref<128x128xf32, #tpu.memory_space<vmem>>, vector<128x128xf32>
    %dot_general3A = arith.constant dense<0.000000e+00> : vector<1024x128xf32>
    %dot_general3A_5 = tpu.matmul %get3A_1, %get3A_4, %dot_general3A {dimension_numbers = #tpu.dot_dimension_numbers<[1], [0], [0], [1], [0, 0, 1, 1], [], []>, transpose_lhs_hint = false} : vector<1024x128xf32>, vector<128x128xf32>, vector<1024x128xf32> -> vector<1024x128xf32>
    %get3A_6 = arith.constant 0 : index
    %get3A_7 = arith.constant 0 : index
    %get3A_8 = vector.load %arg3[%get3A_6, %get3A_7] : memref<1x128xf32, #tpu.memory_space<vmem>>, vector<1x128xf32>
    %add3A = vector.broadcast %get3A_8 : vector<1x128xf32> to vector<1024x128xf32>
    %add3A_9 = arith.addf %dot_general3A_5, %add3A : vector<1024x128xf32>
    %max3A = arith.constant 0.000000e+00 : f32
    %max3A_10 = vector.broadcast %max3A : f32 to vector<1024x128xf32>
    %max3A_11 = arith.maximumf %add3A_9, %max3A_10 : vector<1024x128xf32>
    %get3A_12 = arith.constant 0 : index
    %get3A_13 = arith.constant 0 : index
    %get3A_14 = vector.load %arg4[%get3A_12, %get3A_13] : memref<128x128xf32, #tpu.memory_space<vmem>>, vector<128x128xf32>
    %dot_general3A_15 = arith.constant dense<0.000000e+00> : vector<1024x128xf32>
    %dot_general3A_16 = tpu.matmul %max3A_11, %get3A_14, %dot_general3A_15 {dimension_numbers = #tpu.dot_dimension_numbers<[1], [0], [0], [1], [0, 0, 1, 1], [], []>, transpose_lhs_hint = false} : vector<1024x128xf32>, vector<128x128xf32>, vector<1024x128xf32> -> vector<1024x128xf32>
    %get3A_17 = arith.constant 0 : index
    %get3A_18 = arith.constant 0 : index
    %get3A_19 = vector.load %arg5[%get3A_17, %get3A_18] : memref<1x128xf32, #tpu.memory_space<vmem>>, vector<1x128xf32>
    %add3A_20 = vector.broadcast %get3A_19 : vector<1x128xf32> to vector<1024x128xf32>
    %add3A_21 = arith.addf %dot_general3A_16, %add3A_20 : vector<1024x128xf32>
    %swap3A = arith.constant 0 : index
    %swap3A_22 = arith.constant 0 : index
    %swap3A_23 = vector.load %arg7[%swap3A, %swap3A_22] : memref<1024x128xf32, #tpu.memory_space<vmem>>, vector<1024x128xf32>
    tpu.vector_store %arg7[%swap3A, %swap3A_22], %add3A_21 {strides = array<i32>} : memref<1024x128xf32, #tpu.memory_space<vmem>>, vector<1024x128xf32>,
    %get3A_24 = arith.constant 0 : index
    %get3A_25 = arith.constant 0 : index
    %get3A_26 = arith.constant 0 : index
    %get3A_27 = vector.load %arg6[%get3A_24, %get3A_25, %get3A_26] : memref<2x1024x1xf32, #tpu.memory_space<vmem>>, vector<2x1024x1xf32>
    %slice3A = vector.extract_strided_slice %get3A_27 {offsets = [0, 0, 0], sizes = [1, 1024, 1], strides = [1, 1, 1]} : vector<2x1024x1xf32> to vector<1x1024x1xf32>
    %squeeze3A = vector.shape_cast %slice3A : vector<1x1024x1xf32> to vector<1024x1xf32>
    %slice3A_28 = vector.extract_strided_slice %get3A_27 {offsets = [1, 0, 0], sizes = [1, 1024, 1], strides = [1, 1, 1]} : vector<2x1024x1xf32> to vector<1x1024x1xf32>
    %squeeze3A_29 = vector.shape_cast %slice3A_28 : vector<1x1024x1xf32> to vector<1024x1xf32>
    %add3A_30 = arith.addf %squeeze3A, %squeeze3A_29 : vector<1024x1xf32>
    %gt3A = arith.constant 0.000000e+00 : f32
    %gt3A_31 = vector.broadcast %gt3A : f32 to vector<1024x1xf32>
    %gt3A_32 = arith.cmpf ogt, %add3A_30, %gt3A_31 : vector<1024x1xf32>
    %max3A_33 = arith.constant 9.99999996E-13 : f32
    %max3A_34 = vector.broadcast %max3A_33 : f32 to vector<1024x1xf32>
    %max3A_35 = arith.maximumf %add3A_30, %max3A_34 : vector<1024x1xf32>
    %rsqrt3A = math.rsqrt %max3A_35 : vector<1024x1xf32>
    %broadcast_in_dim3A = arith.constant 0.000000e+00 : f32
    %broadcast_in_dim3A_36 = vector.broadcast %broadcast_in_dim3A : f32 to vector<1024x1xf32>
    %select_n3A = arith.select %gt3A_32, %rsqrt3A, %broadcast_in_dim3A_36 : vector<1024x1xi1>, vector<1024x1xf32>
    %mul3A = vector.broadcast %select_n3A : vector<1024x1xf32> to vector<1024x128xf32>
    %mul3A_37 = arith.mulf %mul3A, %add3A_21 : vector<1024x128xf32>
    %swap3A_38 = arith.constant 0 : index
    %swap3A_39 = arith.constant 0 : index
    %swap3A_40 = vector.load %arg8[%swap3A_38, %swap3A_39] : memref<1024x128xf32, #tpu.memory_space<vmem>>, vector<1024x128xf32>
    tpu.vector_store %arg8[%swap3A_38, %swap3A_39], %mul3A_37 {strides = array<i32>} : memref<1024x128xf32, #tpu.memory_space<vmem>>, vector<1024x128xf32>,
    return
  }
  func.func @transform_0(%arg0: i32) -> (i32, i32) {
    %c0_i32 = arith.constant 0 : i32
    %c0_i32_0 = arith.constant 0 : i32
    return %arg0, %c0_i32 : i32, i32
  }
  func.func @transform_1(%arg0: i32) -> (i32, i32) {
    %c0_i32 = arith.constant 0 : i32
    %c0_i32_0 = arith.constant 0 : i32
    %c0_i32_1 = arith.constant 0 : i32
    return %c0_i32, %c0_i32_0 : i32, i32
  }
  func.func @transform_2(%arg0: i32) -> (i32, i32) {
    %c0_i32 = arith.constant 0 : i32
    %c0_i32_0 = arith.constant 0 : i32
    %c0_i32_1 = arith.constant 0 : i32
    return %c0_i32, %c0_i32_0 : i32, i32
  }
  func.func @transform_3(%arg0: i32) -> (i32, i32) {
    %c0_i32 = arith.constant 0 : i32
    %c0_i32_0 = arith.constant 0 : i32
    %c0_i32_1 = arith.constant 0 : i32
    return %c0_i32, %c0_i32_0 : i32, i32
  }
  func.func @transform_4(%arg0: i32) -> (i32, i32) {
    %c0_i32 = arith.constant 0 : i32
    %c0_i32_0 = arith.constant 0 : i32
    %c0_i32_1 = arith.constant 0 : i32
    return %c0_i32, %c0_i32_0 : i32, i32
  }
  func.func @transform_5(%arg0: i32) -> (i32, i32, i32) {
    %c0_i32 = arith.constant 0 : i32
    %c0_i32_0 = arith.constant 0 : i32
    %c0_i32_1 = arith.constant 0 : i32
    return %c0_i32, %arg0, %c0_i32_0 : i32, i32, i32
  }
  func.func @transform_6(%arg0: i32) -> (i32, i32) {
    %c0_i32 = arith.constant 0 : i32
    %c0_i32_0 = arith.constant 0 : i32
    return %arg0, %c0_i32 : i32, i32
  }
  func.func @transform_7(%arg0: i32) -> (i32, i32) {
    %c0_i32 = arith.constant 0 : i32
    %c0_i32_0 = arith.constant 0 : i32
    return %arg0, %c0_i32 : i32, i32
  }
}

module attributes {stable_mosaic.version = 14 : i64} {
  func.func @_head_body(%arg0: i32, %arg1: memref<1024x128xf32, #tpu.memory_space<vmem>>, %arg2: memref<2x1024x128xf32, #tpu.memory_space<vmem>>, %arg3: memref<2x1024x1xf32, #tpu.memory_space<vmem>>, %arg4: memref<2x2x128x128xf32, #tpu.memory_space<vmem>>, %arg5: memref<128x128xf32, #tpu.memory_space<vmem>>, %arg6: memref<1x128xf32, #tpu.memory_space<vmem>>, %arg7: memref<128x128xf32, #tpu.memory_space<vmem>>, %arg8: memref<1x128xf32, #tpu.memory_space<vmem>>, %arg9: memref<128x8xf32, #tpu.memory_space<vmem>>, %arg10: memref<1x8xf32, #tpu.memory_space<vmem>>, %arg11: memref<1024x8xf32, #tpu.memory_space<vmem>>) attributes {dimension_semantics = [#tpu.dimension_semantics<arbitrary>], iteration_bounds = array<i64: 10>, scalar_prefetch = 0 : i64, scratch_operands = 0 : i64, tpu.core_type = #tpu.core_type<tc>, window_params = [{transform_indices = @transform_0, window_bounds = array<i64: 1024, 128>}, {transform_indices = @transform_1, window_bounds = array<i64: 2, 1024, 128>}, {transform_indices = @transform_2, window_bounds = array<i64: 2, 1024, 1>}, {pipeline_mode = #tpu.pipeline_mode<synchronous>, transform_indices = @transform_3, window_bounds = array<i64: 2, 2, 128, 128>}, {pipeline_mode = #tpu.pipeline_mode<synchronous>, transform_indices = @transform_4, window_bounds = array<i64: 128, 128>}, {pipeline_mode = #tpu.pipeline_mode<synchronous>, transform_indices = @transform_5, window_bounds = array<i64: 1, 128>}, {pipeline_mode = #tpu.pipeline_mode<synchronous>, transform_indices = @transform_6, window_bounds = array<i64: 128, 128>}, {pipeline_mode = #tpu.pipeline_mode<synchronous>, transform_indices = @transform_7, window_bounds = array<i64: 1, 128>}, {pipeline_mode = #tpu.pipeline_mode<synchronous>, transform_indices = @transform_8, window_bounds = array<i64: 128, 8>}, {pipeline_mode = #tpu.pipeline_mode<synchronous>, transform_indices = @transform_9, window_bounds = array<i64: 1, 8>}, {transform_indices = @transform_10, window_bounds = array<i64: 1024, 8>}]} {
    %get3A = arith.constant 0 : index
    %get3A_0 = arith.constant 0 : index
    %get3A_1 = vector.load %arg1[%get3A, %get3A_0] : memref<1024x128xf32, #tpu.memory_space<vmem>>, vector<1024x128xf32>
    %get3A_2 = arith.constant 0 : index
    %get3A_3 = arith.constant 0 : index
    %get3A_4 = arith.constant 0 : index
    %get3A_5 = vector.load %arg3[%get3A_2, %get3A_3, %get3A_4] : memref<2x1024x1xf32, #tpu.memory_space<vmem>>, vector<2x1024x1xf32>
    %slice3A = vector.extract_strided_slice %get3A_5 {offsets = [0, 0, 0], sizes = [1, 1024, 1], strides = [1, 1, 1]} : vector<2x1024x1xf32> to vector<1x1024x1xf32>
    %squeeze3A = vector.shape_cast %slice3A : vector<1x1024x1xf32> to vector<1024x1xf32>
    %slice3A_6 = vector.extract_strided_slice %get3A_5 {offsets = [1, 0, 0], sizes = [1, 1024, 1], strides = [1, 1, 1]} : vector<2x1024x1xf32> to vector<1x1024x1xf32>
    %squeeze3A_7 = vector.shape_cast %slice3A_6 : vector<1x1024x1xf32> to vector<1024x1xf32>
    %add3A = arith.addf %squeeze3A, %squeeze3A_7 : vector<1024x1xf32>
    %gt3A = arith.constant 0.000000e+00 : f32
    %gt3A_8 = vector.broadcast %gt3A : f32 to vector<1024x1xf32>
    %gt3A_9 = arith.cmpf ogt, %add3A, %gt3A_8 : vector<1024x1xf32>
    %max3A = arith.constant 9.99999996E-13 : f32
    %max3A_10 = vector.broadcast %max3A : f32 to vector<1024x1xf32>
    %max3A_11 = arith.maximumf %add3A, %max3A_10 : vector<1024x1xf32>
    %rsqrt3A = math.rsqrt %max3A_11 : vector<1024x1xf32>
    %broadcast_in_dim3A = arith.constant 0.000000e+00 : f32
    %broadcast_in_dim3A_12 = vector.broadcast %broadcast_in_dim3A : f32 to vector<1024x1xf32>
    %select_n3A = arith.select %gt3A_9, %rsqrt3A, %broadcast_in_dim3A_12 : vector<1024x1xi1>, vector<1024x1xf32>
    %get3A_13 = arith.constant 0 : index
    %get3A_14 = arith.constant 0 : index
    %get3A_15 = arith.constant 0 : index
    %get3A_16 = vector.load %arg2[%get3A_13, %get3A_14, %get3A_15] : memref<2x1024x128xf32, #tpu.memory_space<vmem>>, vector<2x1024x128xf32>
    %neg3A = arith.constant 0.000000e+00 : f32
    %neg3A_17 = vector.broadcast %neg3A : f32 to vector<1024x1xf32>
    %neg3A_18 = arith.subf %neg3A_17, %select_n3A : vector<1024x1xf32>
    %slice3A_19 = vector.extract_strided_slice %get3A_16 {offsets = [0, 0, 0], sizes = [1, 1024, 128], strides = [1, 1, 1]} : vector<2x1024x128xf32> to vector<1x1024x128xf32>
    %squeeze3A_20 = vector.shape_cast %slice3A_19 : vector<1x1024x128xf32> to vector<1024x128xf32>
    %slice3A_21 = vector.extract_strided_slice %get3A_16 {offsets = [1, 0, 0], sizes = [1, 1024, 128], strides = [1, 1, 1]} : vector<2x1024x128xf32> to vector<1x1024x128xf32>
    %squeeze3A_22 = vector.shape_cast %slice3A_21 : vector<1x1024x128xf32> to vector<1024x128xf32>
    %add3A_23 = arith.addf %squeeze3A_20, %squeeze3A_22 : vector<1024x128xf32>
    %mul3A = vector.broadcast %neg3A_18 : vector<1024x1xf32> to vector<1024x128xf32>
    %mul3A_24 = arith.mulf %mul3A, %add3A_23 : vector<1024x128xf32>
    %get3A_25 = arith.constant 0 : index
    %get3A_26 = arith.constant 0 : index
    %get3A_27 = arith.constant 0 : index
    %get3A_28 = arith.constant 0 : index
    %get3A_29 = vector.load %arg4[%get3A_25, %get3A_26, %get3A_27, %get3A_28] : memref<2x2x128x128xf32, #tpu.memory_space<vmem>>, vector<2x2x128x128xf32>
    %slice3A_30 = vector.extract_strided_slice %get3A_29 {offsets = [0, 0, 0, 0], sizes = [1, 1, 128, 128], strides = [1, 1, 1, 1]} : vector<2x2x128x128xf32> to vector<1x1x128x128xf32>
    %squeeze3A_31 = vector.shape_cast %slice3A_30 : vector<1x1x128x128xf32> to vector<128x128xf32>
    %dot_general3A = arith.constant dense<0.000000e+00> : vector<1024x128xf32>
    %dot_general3A_32 = tpu.matmul %get3A_1, %squeeze3A_31, %dot_general3A {dimension_numbers = #tpu.dot_dimension_numbers<[1], [0], [0], [1], [0, 0, 1, 1], [], []>, transpose_lhs_hint = false} : vector<1024x128xf32>, vector<128x128xf32>, vector<1024x128xf32> -> vector<1024x128xf32>
    %slice3A_33 = vector.extract_strided_slice %get3A_29 {offsets = [0, 1, 0, 0], sizes = [1, 1, 128, 128], strides = [1, 1, 1, 1]} : vector<2x2x128x128xf32> to vector<1x1x128x128xf32>
    %squeeze3A_34 = vector.shape_cast %slice3A_33 : vector<1x1x128x128xf32> to vector<128x128xf32>
    %dot_general3A_35 = arith.constant dense<0.000000e+00> : vector<1024x128xf32>
    %dot_general3A_36 = tpu.matmul %mul3A_24, %squeeze3A_34, %dot_general3A_35 {dimension_numbers = #tpu.dot_dimension_numbers<[1], [0], [0], [1], [0, 0, 1, 1], [], []>, transpose_lhs_hint = false} : vector<1024x128xf32>, vector<128x128xf32>, vector<1024x128xf32> -> vector<1024x128xf32>
    %add3A_37 = arith.addf %dot_general3A_32, %dot_general3A_36 : vector<1024x128xf32>
    %slice3A_38 = vector.extract_strided_slice %get3A_29 {offsets = [1, 0, 0, 0], sizes = [1, 1, 128, 128], strides = [1, 1, 1, 1]} : vector<2x2x128x128xf32> to vector<1x1x128x128xf32>
    %squeeze3A_39 = vector.shape_cast %slice3A_38 : vector<1x1x128x128xf32> to vector<128x128xf32>
    %dot_general3A_40 = arith.constant dense<0.000000e+00> : vector<1024x128xf32>
    %dot_general3A_41 = tpu.matmul %get3A_1, %squeeze3A_39, %dot_general3A_40 {dimension_numbers = #tpu.dot_dimension_numbers<[1], [0], [0], [1], [0, 0, 1, 1], [], []>, transpose_lhs_hint = false} : vector<1024x128xf32>, vector<128x128xf32>, vector<1024x128xf32> -> vector<1024x128xf32>
    %slice3A_42 = vector.extract_strided_slice %get3A_29 {offsets = [1, 1, 0, 0], sizes = [1, 1, 128, 128], strides = [1, 1, 1, 1]} : vector<2x2x128x128xf32> to vector<1x1x128x128xf32>
    %squeeze3A_43 = vector.shape_cast %slice3A_42 : vector<1x1x128x128xf32> to vector<128x128xf32>
    %dot_general3A_44 = arith.constant dense<0.000000e+00> : vector<1024x128xf32>
    %dot_general3A_45 = tpu.matmul %mul3A_24, %squeeze3A_43, %dot_general3A_44 {dimension_numbers = #tpu.dot_dimension_numbers<[1], [0], [0], [1], [0, 0, 1, 1], [], []>, transpose_lhs_hint = false} : vector<1024x128xf32>, vector<128x128xf32>, vector<1024x128xf32> -> vector<1024x128xf32>
    %add3A_46 = arith.addf %dot_general3A_41, %dot_general3A_45 : vector<1024x128xf32>
    %get3A_47 = arith.constant 0 : index
    %get3A_48 = arith.constant 0 : index
    %get3A_49 = vector.load %arg5[%get3A_47, %get3A_48] : memref<128x128xf32, #tpu.memory_space<vmem>>, vector<128x128xf32>
    %get3A_50 = arith.constant 0 : index
    %get3A_51 = arith.constant 0 : index
    %get3A_52 = vector.load %arg6[%get3A_50, %get3A_51] : memref<1x128xf32, #tpu.memory_space<vmem>>, vector<1x128xf32>
    %dot_general3A_53 = arith.constant dense<0.000000e+00> : vector<1024x128xf32>
    %dot_general3A_54 = tpu.matmul %add3A_37, %get3A_49, %dot_general3A_53 {dimension_numbers = #tpu.dot_dimension_numbers<[1], [0], [0], [1], [0, 0, 1, 1], [], []>, transpose_lhs_hint = false} : vector<1024x128xf32>, vector<128x128xf32>, vector<1024x128xf32> -> vector<1024x128xf32>
    %add3A_55 = vector.broadcast %get3A_52 : vector<1x128xf32> to vector<1024x128xf32>
    %add3A_56 = arith.addf %dot_general3A_54, %add3A_55 : vector<1024x128xf32>
    %tanh3A = math.tanh %add3A_56 : vector<1024x128xf32>
    %dot_general3A_57 = arith.constant dense<0.000000e+00> : vector<1024x128xf32>
    %dot_general3A_58 = tpu.matmul %add3A_46, %get3A_49, %dot_general3A_57 {dimension_numbers = #tpu.dot_dimension_numbers<[1], [0], [0], [1], [0, 0, 1, 1], [], []>, transpose_lhs_hint = false} : vector<1024x128xf32>, vector<128x128xf32>, vector<1024x128xf32> -> vector<1024x128xf32>
    %add3A_59 = vector.broadcast %get3A_52 : vector<1x128xf32> to vector<1024x128xf32>
    %add3A_60 = arith.addf %dot_general3A_58, %add3A_59 : vector<1024x128xf32>
    %tanh3A_61 = math.tanh %add3A_60 : vector<1024x128xf32>
    %get3A_62 = arith.constant 0 : index
    %get3A_63 = arith.constant 0 : index
    %get3A_64 = vector.load %arg7[%get3A_62, %get3A_63] : memref<128x128xf32, #tpu.memory_space<vmem>>, vector<128x128xf32>
    %dot_general3A_65 = arith.constant dense<0.000000e+00> : vector<1024x128xf32>
    %dot_general3A_66 = tpu.matmul %get3A_1, %get3A_64, %dot_general3A_65 {dimension_numbers = #tpu.dot_dimension_numbers<[1], [0], [0], [1], [0, 0, 1, 1], [], []>, transpose_lhs_hint = false} : vector<1024x128xf32>, vector<128x128xf32>, vector<1024x128xf32> -> vector<1024x128xf32>
    %get3A_67 = arith.constant 0 : index
    %get3A_68 = arith.constant 0 : index
    %get3A_69 = vector.load %arg8[%get3A_67, %get3A_68] : memref<1x128xf32, #tpu.memory_space<vmem>>, vector<1x128xf32>
    %add3A_70 = vector.broadcast %get3A_69 : vector<1x128xf32> to vector<1024x128xf32>
    %add3A_71 = arith.addf %dot_general3A_66, %add3A_70 : vector<1024x128xf32>
    %tanh3A_72 = math.tanh %add3A_71 : vector<1024x128xf32>
    %mul3A_73 = arith.mulf %tanh3A, %tanh3A_72 : vector<1024x128xf32>
    %reduce_sum3A = arith.constant dense<0.000000e+00> : vector<1024xf32>
    %reduce_sum3A_74 = vector.multi_reduction <add>, %mul3A_73, %reduce_sum3A [1] : vector<1024x128xf32> to vector<1024xf32>
    %broadcast_in_dim3A_75 = vector.shape_cast %reduce_sum3A_74 : vector<1024xf32> to vector<1024x1xf32>
    %mul3A_76 = arith.mulf %tanh3A_61, %tanh3A_72 : vector<1024x128xf32>
    %reduce_sum3A_77 = arith.constant dense<0.000000e+00> : vector<1024xf32>
    %reduce_sum3A_78 = vector.multi_reduction <add>, %mul3A_76, %reduce_sum3A_77 [1] : vector<1024x128xf32> to vector<1024xf32>
    %broadcast_in_dim3A_79 = vector.shape_cast %reduce_sum3A_78 : vector<1024xf32> to vector<1024x1xf32>
    %max3A_80 = arith.maximumf %broadcast_in_dim3A_75, %broadcast_in_dim3A_79 : vector<1024x1xf32>
    %sub3A = arith.subf %broadcast_in_dim3A_75, %max3A_80 : vector<1024x1xf32>
    %exp3A = math.exp %sub3A : vector<1024x1xf32>
    %sub3A_81 = arith.subf %broadcast_in_dim3A_79, %max3A_80 : vector<1024x1xf32>
    %exp3A_82 = math.exp %sub3A_81 : vector<1024x1xf32>
    %mul3A_83 = vector.broadcast %exp3A : vector<1024x1xf32> to vector<1024x128xf32>
    %mul3A_84 = arith.mulf %add3A_37, %mul3A_83 : vector<1024x128xf32>
    %mul3A_85 = vector.broadcast %exp3A_82 : vector<1024x1xf32> to vector<1024x128xf32>
    %mul3A_86 = arith.mulf %add3A_46, %mul3A_85 : vector<1024x128xf32>
    %add3A_87 = arith.addf %mul3A_84, %mul3A_86 : vector<1024x128xf32>
    %add3A_88 = arith.addf %exp3A, %exp3A_82 : vector<1024x1xf32>
    %div3A = vector.broadcast %add3A_88 : vector<1024x1xf32> to vector<1024x128xf32>
    %div3A_89 = arith.divf %add3A_87, %div3A : vector<1024x128xf32>
    %get3A_90 = arith.constant 0 : index
    %get3A_91 = arith.constant 0 : index
    %get3A_92 = vector.load %arg9[%get3A_90, %get3A_91] : memref<128x8xf32, #tpu.memory_space<vmem>>, vector<128x8xf32>
    %dot_general3A_93 = arith.constant dense<0.000000e+00> : vector<1024x8xf32>
    %dot_general3A_94 = tpu.matmul %div3A_89, %get3A_92, %dot_general3A_93 {dimension_numbers = #tpu.dot_dimension_numbers<[1], [0], [0], [1], [0, 0, 1, 1], [], []>, transpose_lhs_hint = false} : vector<1024x128xf32>, vector<128x8xf32>, vector<1024x8xf32> -> vector<1024x8xf32>
    %get3A_95 = arith.constant 0 : index
    %get3A_96 = arith.constant 0 : index
    %get3A_97 = vector.load %arg10[%get3A_95, %get3A_96] : memref<1x8xf32, #tpu.memory_space<vmem>>, vector<1x8xf32>
    %add3A_98 = vector.broadcast %get3A_97 : vector<1x8xf32> to vector<1024x8xf32>
    %add3A_99 = arith.addf %dot_general3A_94, %add3A_98 : vector<1024x8xf32>
    %swap3A = arith.constant 0 : index
    %swap3A_100 = arith.constant 0 : index
    %swap3A_101 = vector.load %arg11[%swap3A, %swap3A_100] : memref<1024x8xf32, #tpu.memory_space<vmem>>, vector<1024x8xf32>
    tpu.vector_store %arg11[%swap3A, %swap3A_100], %add3A_99 {strides = array<i32>} : memref<1024x8xf32, #tpu.memory_space<vmem>>, vector<1024x8xf32>,
    return
  }
  func.func @transform_0(%arg0: i32) -> (i32, i32) {
    %c0_i32 = arith.constant 0 : i32
    %c0_i32_0 = arith.constant 0 : i32
    return %arg0, %c0_i32 : i32, i32
  }
  func.func @transform_1(%arg0: i32) -> (i32, i32, i32) {
    %c0_i32 = arith.constant 0 : i32
    %c0_i32_0 = arith.constant 0 : i32
    %c0_i32_1 = arith.constant 0 : i32
    return %c0_i32, %arg0, %c0_i32_0 : i32, i32, i32
  }
  func.func @transform_2(%arg0: i32) -> (i32, i32, i32) {
    %c0_i32 = arith.constant 0 : i32
    %c0_i32_0 = arith.constant 0 : i32
    %c0_i32_1 = arith.constant 0 : i32
    return %c0_i32, %arg0, %c0_i32_0 : i32, i32, i32
  }
  func.func @transform_3(%arg0: i32) -> (i32, i32, i32, i32) {
    %c0_i32 = arith.constant 0 : i32
    %c0_i32_0 = arith.constant 0 : i32
    %c0_i32_1 = arith.constant 0 : i32
    %c0_i32_2 = arith.constant 0 : i32
    %c0_i32_3 = arith.constant 0 : i32
    return %c0_i32, %c0_i32_0, %c0_i32_1, %c0_i32_2 : i32, i32, i32, i32
  }
  func.func @transform_4(%arg0: i32) -> (i32, i32) {
    %c0_i32 = arith.constant 0 : i32
    %c0_i32_0 = arith.constant 0 : i32
    %c0_i32_1 = arith.constant 0 : i32
    return %c0_i32, %c0_i32_0 : i32, i32
  }
  func.func @transform_5(%arg0: i32) -> (i32, i32) {
    %c0_i32 = arith.constant 0 : i32
    %c0_i32_0 = arith.constant 0 : i32
    %c0_i32_1 = arith.constant 0 : i32
    return %c0_i32, %c0_i32_0 : i32, i32
  }
  func.func @transform_6(%arg0: i32) -> (i32, i32) {
    %c0_i32 = arith.constant 0 : i32
    %c0_i32_0 = arith.constant 0 : i32
    %c0_i32_1 = arith.constant 0 : i32
    return %c0_i32, %c0_i32_0 : i32, i32
  }
  func.func @transform_7(%arg0: i32) -> (i32, i32) {
    %c0_i32 = arith.constant 0 : i32
    %c0_i32_0 = arith.constant 0 : i32
    %c0_i32_1 = arith.constant 0 : i32
    return %c0_i32, %c0_i32_0 : i32, i32
  }
  func.func @transform_8(%arg0: i32) -> (i32, i32) {
    %c0_i32 = arith.constant 0 : i32
    %c0_i32_0 = arith.constant 0 : i32
    %c0_i32_1 = arith.constant 0 : i32
    return %c0_i32, %c0_i32_0 : i32, i32
  }
  func.func @transform_9(%arg0: i32) -> (i32, i32) {
    %c0_i32 = arith.constant 0 : i32
    %c0_i32_0 = arith.constant 0 : i32
    %c0_i32_1 = arith.constant 0 : i32
    return %c0_i32, %c0_i32_0 : i32, i32
  }
  func.func @transform_10(%arg0: i32) -> (i32, i32) {
    %c0_i32 = arith.constant 0 : i32
    %c0_i32_0 = arith.constant 0 : i32
    return %arg0, %c0_i32 : i32, i32
  }
}

</mosaic_0001>

<sc_bundles>
// kernel: kernel.6.cloned.1.call-start
scs
__scs_entry_jumppad:
0x0: {  	(pc) =	sbr.rel $0x88, $3  }
0x1: {  	(tag) =	ssettag $0x0;
	lr =	simm.s32 $0x1  }
0x2: {  	[smem:$0x3F94] =	sst lr;
	_ =	strace $0xD0000000  }
0x3: {  	_ = 	snop  }
0x4: {  	_ = 	snop  }
0x5: {  	_ = 	snop  }
0x6: {  	_ = 	snop  }
0x7: {  	_ = 	snop  }
__scs_overlays_trampoline_lowered:
0x8: {  	[smem:$0x3FA3] =	sst s0  }
0x9: {  	[smem:$0x3FA4] =	sst s1  }
0xa: {  	[smem:$0x3FA5] =	sst s2  }
0xb: {  	[smem:$0x3FA6] =	sst s3  }
0xc: {  	[smem:$0x3FA7] =	sst s4  }
0xd: {  	[smem:$0x3FA8] =	sst s5  }
0xe: {  	[smem:$0x3FA9] =	sst s6  }
0xf: {  	[smem:$0x3FAA] =	sst s7  }
0x10: {  	[smem:$0x3FAB] =	sst s8  }
0x11: {  	[smem:$0x3FAC] =	sst s9;
	s0 =	simm.s32 @!p0 $0x0  }
0x12: {  	s1 =	sld [smem:$0x3F92];
	s0 =	simm.s32 @p0 $0x1  }
0x13: {  	[smem:$0x3FAD] =	sst s0;
	s0 =	simm.s32 @!p1 $0x0  }
0x14: {  	s2 =	sld [smem:$0x3F91];
	s0 =	simm.s32 @p1 $0x1  }
0x15: {  	[smem:$0x3FAE] =	sst s0;
	s0 =	simm.s32 @!p2 $0x0  }
0x16: {  	s3 =	sld [smem:$0x3FDB];
	s0 =	simm.s32 @p2 $0x1  }
0x17: {  	s4 =	simm.s32 $0x1BF5;
	[smem:$0x3FB0] =	sst s0  }
0x18: {  	s0 =	sld [smem:$0x3F93];
	_ =	swait.ge [sflag:s4], $0x0  }
0x19: {  	s7 =	sld [smem:$0x3F94]  }
0x1a: {  	s8 =	sadd.s32 $0xFFFFE003, lr  }
0x1b: {  	s9 =	sadd.s32 $0xFFFFFEF7, lr;
	s5 =	simm.s32 $0xFFFFFFFF;
	p2 =	slt.u32 s8, $0xFFFFF086  }
0x1c: {  	p1 =	slt.u32 s9, $0xF7A;
	s5 =	simm.s32 @!p2 $0x0  }
0x1d: {  	s5 =	simm.s32 @p1 $0x1;
	p0 =	seq.s32 s7, s2  }
0x1e: {  	s7 =	smul.u32 @!p0 $0xF7A, s2;
	p2 =	seq.s32 @!p0 s5, $0x0  }
0x1f: {  	s9 =	smul.u32 $0xF7A, s1;
	s8 =	simm.s32 @!p0 $0x1BF5;
	p2 =	por !p2, p0  }
0x20: {  	[sflag:s8] =	ssyncset.s32 @!p0 $0xFFFFF086;
	s6 =	sadd.s32 @!p0 s3, s7;
	s7 =	simm.s32 @!p0 $0x108  }
0x21: {  	s3 =	sadd.s32 s3, s9;
	s6 =	sadd.s32 @!p0 $0x88, s6;
	s7 =	simm.s32 @p2 $0x1082  }
0x22: {  	[simem:s7], [sflag:s8] =	dma.local @!p0 [hbm:s6], $0xF7A  }
0x23: {  	s9 =	sor.u32 $0xD0000000, s2;
	s6 =	simm.s32 $0x108;
	_ =	swait.ge @!p0 [sflag:s8], $0x0  }
0x24: {  	s3 =	sadd.s32 $0x88, s3;
	s6 =	simm.s32 @!p1 $0x1082;
	[sflag:s4] =	ssyncset.s32 $0xFFFFF086  }
0x25: {  	[simem:s6], [sflag:s4] =	dma.local [hbm:s3], $0xF7A  }
0x26: {  	[smem:$0x3F94] =	sst s1;
	(tag) =	ssettag s2;
	_ =	strace s9  }
0x27: {  	s1 =	sld [smem:$0x3FA4]  }
0x28: {  	s2 =	sld [smem:$0x3FA5]  }
0x29: {  	s4 =	sld [smem:$0x3FA7]  }
0x2a: {  	p0 =	seq.s32 s5, $0x0;
	s5 =	sld [smem:$0x3FA8]  }
0x2b: {  	s6 =	sld [smem:$0x3FA9]  }
0x2c: {  	s7 =	sld [smem:$0x3FAA]  }
0x2d: {  	s3 =	simm.s32 $0x108;
	s8 =	sld [smem:$0x3FAB]  }
0x2e: {  	s3 =	simm.s32 @!p0 $0x1082;
	s9 =	sld [smem:$0x3FAC]  }
0x2f: {  	lr =	sadd.s32 s0, s3;
	s0 =	sld [smem:$0x3FA3]  }
0x30: {  	s3 =	sld [smem:$0x3FA6]  }
0x31: {  	[smem:$0x3FAF] =	sst s10  }
0x32: {  	s10 =	sld [smem:$0x3FAD];
	_ =	sdelay $0x3  }
0x33: {  	p0 =	seq.s32 s10, $0x1;
	s10 =	sld [smem:$0x3FAF];
	_ =	sdelay $0x3  }
0x34: {  	[smem:$0x3FAF] =	sst s10  }
0x35: {  	s10 =	sld [smem:$0x3FAE];
	_ =	sdelay $0x3  }
0x36: {  	p1 =	seq.s32 s10, $0x1;
	s10 =	sld [smem:$0x3FAF];
	_ =	sdelay $0x3  }
0x37: {  	[smem:$0x3FAF] =	sst s10  }
0x38: {  	s10 =	sld [smem:$0x3FB0]  }
0x39: {  	_ = 	snop;
	(pc) =	sbr.ind lr, $3  }
0x3a: {  	_ = 	snop  }
0x3b: {  	_ = 	snop  }
0x3c: {  	p2 =	seq.s32 s10, $0x1;
	s10 =	sld [smem:$0x3FAF]  }
0x3d: {  	_ =	shalt  }
0x3e: {  	_ =	shalt  }
0x3f: {  	_ =	shalt  }
0x40: {  	_ =	shalt  }
0x41: {  	_ =	shalt  }
0x42: {  	_ =	shalt  }
0x43: {  	_ =	shalt  }
0x44: {  	_ =	shalt  }
0x45: {  	_ =	shalt  }
0x46: {  	_ =	shalt  }
0x47: {  	_ =	shalt  }
0x48: {  	_ =	shalt  }
0x49: {  	_ =	shalt  }
0x4a: {  	_ =	shalt  }
0x4b: {  	_ =	shalt  }
0x4c: {  	_ =	shalt  }
0x4d: {  	_ =	shalt  }
0x4e: {  	_ =	shalt  }
0x4f: {  	_ =	shalt  }
0x50: {  	_ =	shalt  }
0x51: {  	_ =	shalt  }
0x52: {  	_ =	shalt  }
0x53: {  	_ =	shalt  }
0x54: {  	_ =	shalt  }
0x55: {  	_ =	shalt  }
0x56: {  	_ =	shalt  }
0x57: {  	_ =	shalt  }
0x58: {  	_ =	shalt  }
0x59: {  	_ =	shalt  }
0x5a: {  	_ =	shalt  }
0x5b: {  	_ =	shalt  }
0x5c: {  	_ =	shalt  }
0x5d: {  	_ =	shalt  }
0x5e: {  	_ =	shalt  }
0x5f: {  	_ =	shalt  }
0x60: {  	_ =	shalt  }
0x61: {  	_ =	shalt  }
0x62: {  	_ =	shalt  }
0x63: {  	_ =	shalt  }
0x64: {  	_ =	shalt  }
0x65: {  	_ =	shalt  }
0x66: {  	_ =	shalt  }
0x67: {  	_ =	shalt  }
0x68: {  	_ =	shalt  }
0x69: {  	_ =	shalt  }
0x6a: {  	_ =	shalt  }
0x6b: {  	_ =	shalt  }
0x6c: {  	_ =	shalt  }
0x6d: {  	_ =	shalt  }
0x6e: {  	_ =	shalt  }
0x6f: {  	_ =	shalt  }
0x70: {  	_ =	shalt  }
0x71: {  	_ =	shalt  }
0x72: {  	_ =	shalt  }
0x73: {  	_ =	shalt  }
0x74: {  	_ =	shalt  }
0x75: {  	_ =	shalt  }
0x76: {  	_ =	shalt  }
0x77: {  	_ =	shalt  }
0x78: {  	_ =	shalt  }
0x79: {  	_ =	shalt  }
0x7a: {  	_ =	shalt  }
0x7b: {  	_ =	shalt  }
0x7c: {  	_ =	shalt  }
0x7d: {  	_ =	shalt  }
0x7e: {  	_ =	shalt  }
0x7f: {  	_ =	shalt  }
0x80: {  	_ =	shalt  }
0x81: {  	_ =	shalt  }
0x82: {  	_ =	shalt  }
0x83: {  	_ =	shalt  }
0x84: {  	_ =	shalt  }
0x85: {  	_ =	shalt  }
0x86: {  	_ =	shalt  }
0x87: {  	_ =	shalt  }
.Lfunc_end0:
.L_simem_size_0:
called_computation_lowered:
.L_overlay_start_0:
0x88: {  	s2 =	sld [smem:$0x3FD9]  }
0x89: {  	s3 =	sld [smem:$0x3FFE];
	_ =	sdelay $0x1  }
0x8a: {  	s1 =	srdreg.scid  }
0x8b: {  	s0 =	sand.u32 $0x1, s1  }
0x8c: {  	s16 =	sshll.u32 s0, $0xA;
	s2 =	sadd.s32 s3, s2  }
0x8d: {  	s2 =	sadd.s32 s2, s16  }
0x8e: {  	[smem:$0x3FBB] =	sst s2  }
0x8f: {  	_ = 	snop  }
0x90: {  	(tm) =	ssettm $0x1  }
0x91: {  	s17 =	sld [smem:$0x3FFB];
	_ =	sdelay $0x3  }
0x92: {  	_ =	strace s17  }
0x93: {  	s2 =	sld [smem:$0x3FFC];
	_ =	sdelay $0x3  }
0x94: {  	_ =	strace s2  }
0x95: {  	s2 =	sld [smem:$0x3FFD];
	_ =	sdelay $0x3  }
0x96: {  	_ =	strace s2  }
0x97: {  	_ =	strace $0x8FFFFFFF  }
0x98: {  	s18 =	sld [smem:$0x3FDB];
	_ =	sdelay $0x1  }
0x99: {  	s19 =	simm.s32 $_scs_section_size  }
0x9a: {  	s4 =	simm.s32 $_size__tile_overlayer_lowered;
	s5 =	simm.s32 $_tile_overlayer_lowered  }
0x9b: {  	s22 =	simm.s32 $0x1BFF;
	s21 =	sshll.u32 s5, $0x1;
	s2 =	sadd.s32 s19, s18  }
0x9c: {  	s6 =	simm.s32 $0x0;
	s20 =	sshll.u32 s4, $0x1;
	s4 =	sadd.s32 s21, s2  }
0x9d: {  	[timem:s6], [sflag:s22] =	dma.local [hbm:s4], s20  }
0x9e: {  	_ =	swait.ge [sflag:s22], s20  }
0x9f: {  	s3 =	ssub.s32 $0x0, s20;
	[sflag:s22] =	ssyncset.done $0x0  }
0xa0: {  	[sflag:s22] =	ssyncadd.s32 s3;
	_ =	sdelay $0x1  }
0xa1: {  	s23 =	simm.s32 $0x1B8B  }
0xa2: {  	_ =	swait.ge [sflag:s23], $0x1  }
0xa3: {  	[sflag:s23] =	ssyncset.done $0x0  }
0xa4: {  	s25 =	simm.s32 $0x1B8E;
	s24 =	sld [smem:$0x3FFE];
	[sflag:s23] =	ssyncadd.s32 $0xFFFFFFFF  }
0xa5: {  	s26 =	simm.s32 $execute0_lowered;
	[smem:$0x3FD2] =	sst s25  }
0xa6: {  	s4 =	sshll.u32 s26, $0x1;
	_ =	strace $0x80000046;
	[dreg:$0x1] =	wrdreg $0xFFFFFFFF  }
0xa7: {  	s28 =	simm.s32 $_size_execute0_lowered;
	s2 =	sadd.s32 s2, s4;
	[dreg:$0x0] =	wrdreg $0x0  }
0xa8: {  	s4 =	sshll.u32 s28, $0x1;
	[dreg:$0x2] =	wrdreg s2  }
0xa9: {  	[dreg:$0x3] =	wrdreg s4  }
0xaa: {  	[dreg:$0x4] =	wrdreg $0xC0  }
0xab: {  	_ =	task [dreg:s6], $0x5FFFF  }
0xac: {  	[dreg:$0x1] =	wrdreg $0xFFFFFFFF  }
0xad: {  	[dreg:$0x0] =	wrdreg $0x60  }
0xae: {  	[dreg:$0x2] =	wrdreg s24  }
0xaf: {  	[dreg:$0x3] =	wrdreg $0x7A000  }
0xb0: {  	[dreg:$0x4] =	wrdreg $0x9  }
0xb1: {  	_ =	task.clear_ibuf [dreg:s6], $0x5FFFF;
	_ =	strace $0x90000046  }
0xb2: {  	s29 =	simm.s32 $0x9;
	_ =	strace $0x80000048  }
0xb3: {  	_ =	swait.ge [sflag:s29], $0x1  }
0xb4: {  	[sflag:s29] =	ssyncadd.s32 $0xFFFFFFFF  }
0xb5: {  	_ =	strace $0x90000048  }
0xb6: {  	_ =	sfence  }
0xb7: {  	s30 =	sld [smem:$0x0];
	_ =	sdelay $0x2  }
0xb8: {  	s31 =	sshll.u32 s1, $0xD;
	s1 =	sshrl.u32 s1, $0x2  }
0xb9: {  	s3 =	sand.u32 $0x4000, s31;
	s1 =	sadd.s32 s1, s30  }
0xba: {  	s0 =	sor.u32 s3, s0;
	s1 =	sshll.u32 s1, $0x11  }
0xbb: {  	s0 =	sor.u32 s1, s0  }
0xbc: {  	s0 =	sadd.s32 $0x8F2B, s0  }
0xbd: {  	[sflag:s0] =	ssyncadd.remote.s32 $0x1  }
0xbe: {  	_ =	sfence.sel $0xFFFF  }
0xbf: {  	[dreg:$0x0] =	wrdreg $0xFFFFFFFF;
	(pc) =	sbr.abs _section_cstart, $3  }
0xc0: {  	[dreg:$0x1] =	wrdreg $0xFFFFFFFF  }
0xc1: {  	_ =	task.clear_ibuf [dreg:s6], $0x2FFFF;
	_ =	strace $0x9FFFFFFF  }
0xc2: {  	(tm) =	ssettm $0x7FFFFFFF  }
0xc3: {  	_ =	shalt  }
tec
execute0_lowered:
.L_overlay_start_1:
0x0: {  	(tag) =	ssettag $0x1  }
0x1: {  	s0 =	rddreg [dreg:$0x0]  }
0x2: {  	s1 =	rddreg [dreg:$0x1];
	s2 =	srdreg.scid  }
0x3: {  	s7 =	stileid.u32;
	s23 =	simm.s32 $0x1;
	s24 =	simm.s32 $0x2780  }
0x4: {  	s25 =	simm.s32 $0x2;
	s26 =	simm.s32 $0x7500;
	s28 =	simm.s32 $0x7780  }
0x5: {  	s29 =	simm.s32 $0x0;
	s3 =	sand.u32 $0x1, s2;
	s4 =	smul.u32 $0x280, s7  }
0x6: {  	s2 =	simm.s32 $0x0;
	s5 =	sshll.u32 s7, $0x1;
	s7 =	smul.u32 $0xA000, s7  }
0x7: {  	s6 =	smul.u32 $0x2800, s3;
	[smem:$0x7FF] =	sst s2;
	s5 =	sor.u32 s3, s5  }
0x8: {  	s3 =	ssub.s32 $0x2, s3;
	_ =	strace $0x80000047;
	s5 =	smul.u32 $0x4E2, s5  }
0x9: {  	s30 =	sshrl.u32 s3, $0x1;
	s31 =	sshrl.u32 s7, $0x2;
	s6 =	sadd.s32 s4, s6  }
0xa: {  	s22 =	ssub.s32 s3, s30;
	s3 =	sadd.s32 s4, s1;
	s6 =	sshrl.u32 s6, $0x3  }
0xb: {  	s5 =	sadd.s32 s5, s0;
	s7 =	sadd.s32 $0x5000, s3;
	s8 =	sadd.s32 $0x7800, s3  }
0xc: {  	s9 =	sadd.s32 $0xA000, s3;
	s10 =	sadd.s32 $0xC800, s3;
	s11 =	sadd.s32 $0xF000, s3  }
0xd: {  	s12 =	sadd.s32 $0x11800, s3;
	s13 =	sadd.s32 $0x14000, s3;
	s14 =	sadd.s32 $0x16800, s3  }
0xe: {  	s15 =	sadd.s32 $0x19000, s3;
	s16 =	sadd.s32 $0x1B800, s3;
	s17 =	sadd.s32 $0x1E000, s3  }
0xf: {  	s18 =	sadd.s32 $0x20800, s3;
	s19 =	sadd.s32 $0x23000, s3;
	s20 =	sadd.s32 $0x25800, s3  }
0x10: {  	s22 =	smax.u32 s22, $0x1;
	s0 =	sadd.s32 s6, s0;
	s4 =	sadd.s32 $0x2000, s5  }
0x11: {  	v0 =	vimm.f32 $0.0e+00;
	v1 =	vimm.f32 $1.000000000e+00;
	s5 =	sadd.s32 s31, s1;
	s6 =	sadd.s32 $0x2800, s3;
	s21 =	sadd.s32 $0xBE00, s0  }
.LBB2_1:
0x12: {  	[tilespmem:s2], [sflag:$0x1] =	stream.linear.gather [hbm4b:s4+s2], $0x2710, $0x38;
	[tilespmem:$0xA200] =	vst v63  }
0x13: {  	s0 =	simm.s32 $0x40;
	s1 =	simm.s32 $0x0  }
.LBB2_2:
0x14: {  	p0 =	sne.s32 s0, $0x9FC0;
	[tilespmem:s1+$0x2780] =	vst v0;
	s1 =	smov.u32 s0;
	s0 =	sadd.s32 $0x40, s0  }
.Ltmp0:
0x15: {  	(pc) =	sbr.rel @p0 .LBB2_2-.Ltmp0, $2  }
0x16: {  	_ =	sdelay $0x2  }
0x17: {  	s1 =	sshra.s32 s1, $0x2  }
0x18: {  	[tilespmem:s1+$0x2780] =	vst v0  }
0x19: {  	_ =	swait.ge [sflag:s23], $0x2710  }
0x1a: {  	[sflag:s23] =	ssyncset.done $0x0  }
0x1b: {  	s0 =	simm.s32 $0x0;
	s1 =	simm.s32 $0xC0;
	[sflag:s23] =	ssyncadd.s32 $0xFFFFD8F0  }
.LBB2_4:
0x1c: {  	v2 =	vld [tilespmem:s1+$0xFFFFFF40];
	_ =	sdelay $0x7  }
0x1d: {  	[tilespmem:v2+s24+$0x0] =	vst.idx.add.f32.msk $0xffff, v1  }
0x1e: {  	v2 =	vld [tilespmem:s1+$0xFFFFFF50];
	_ =	sdelay $0x7  }
0x1f: {  	[tilespmem:v2+s24+$0x0] =	vst.idx.add.f32.msk $0xffff, v1  }
0x20: {  	v2 =	vld [tilespmem:s1+$0xFFFFFF60];
	_ =	sdelay $0x7  }
0x21: {  	[tilespmem:v2+s24+$0x0] =	vst.idx.add.f32.msk $0xffff, v1  }
0x22: {  	v2 =	vld [tilespmem:s1+$0xFFFFFF70];
	_ =	sdelay $0x7  }
0x23: {  	[tilespmem:v2+s24+$0x0] =	vst.idx.add.f32.msk $0xffff, v1  }
0x24: {  	v2 =	vld [tilespmem:s1+$0xFFFFFF80];
	_ =	sdelay $0x7  }
0x25: {  	[tilespmem:v2+s24+$0x0] =	vst.idx.add.f32.msk $0xffff, v1  }
0x26: {  	v2 =	vld [tilespmem:s1+$0xFFFFFF90];
	_ =	sdelay $0x7  }
0x27: {  	[tilespmem:v2+s24+$0x0] =	vst.idx.add.f32.msk $0xffff, v1  }
0x28: {  	v2 =	vld [tilespmem:s1+$0xFFFFFFA0];
	_ =	sdelay $0x7  }
0x29: {  	[tilespmem:v2+s24+$0x0] =	vst.idx.add.f32.msk $0xffff, v1  }
0x2a: {  	v2 =	vld [tilespmem:s1+$0xFFFFFFB0];
	_ =	sdelay $0x7  }
0x2b: {  	s30 =	sand.u32 $0x3FF0, s0;
	[tilespmem:v2+s24+$0x0] =	vst.idx.add.f32.msk $0xffff, v1  }
0x2c: {  	v2 =	vld [tilespmem:s30+$0x80];
	_ =	sdelay $0x7  }
0x2d: {  	[tilespmem:v2+s24+$0x0] =	vst.idx.add.f32.msk $0xffff, v1  }
0x2e: {  	v2 =	vld [tilespmem:s1+$0xFFFFFFD0];
	_ =	sdelay $0x7  }
0x2f: {  	[tilespmem:v2+s24+$0x0] =	vst.idx.add.f32.msk $0xffff, v1  }
0x30: {  	v2 =	vld [tilespmem:s1+$0xFFFFFFE0];
	_ =	sdelay $0x7  }
0x31: {  	[tilespmem:v2+s24+$0x0] =	vst.idx.add.f32.msk $0xffff, v1  }
0x32: {  	v2 =	vld [tilespmem:s1+$0xFFFFFFF0];
	_ =	sdelay $0x7  }
0x33: {  	[tilespmem:v2+s24+$0x0] =	vst.idx.add.f32.msk $0xffff, v1  }
0x34: {  	v2 =	vld [tilespmem:s1+$0x0];
	_ =	sdelay $0x7  }
0x35: {  	[tilespmem:v2+s24+$0x0] =	vst.idx.add.f32.msk $0xffff, v1  }
0x36: {  	v2 =	vld [tilespmem:s1+$0x10];
	_ =	sdelay $0x7  }
0x37: {  	[tilespmem:v2+s24+$0x0] =	vst.idx.add.f32.msk $0xffff, v1  }
0x38: {  	v2 =	vld [tilespmem:s1+$0x20];
	_ =	sdelay $0x7  }
0x39: {  	[tilespmem:v2+s24+$0x0] =	vst.idx.add.f32.msk $0xffff, v1  }
0x3a: {  	v2 =	vld [tilespmem:s1+$0x30];
	_ =	sdelay $0x7  }
0x3b: {  	[tilespmem:v2+s24+$0x0] =	vst.idx.add.f32.msk $0xffff, v1  }
0x3c: {  	v2 =	vld [tilespmem:s30+$0x100];
	_ =	sdelay $0x7  }
0x3d: {  	[tilespmem:v2+s24+$0x0] =	vst.idx.add.f32.msk $0xffff, v1  }
0x3e: {  	v2 =	vld [tilespmem:s1+$0x50];
	_ =	sdelay $0x7  }
0x3f: {  	[tilespmem:v2+s24+$0x0] =	vst.idx.add.f32.msk $0xffff, v1  }
0x40: {  	v2 =	vld [tilespmem:s1+$0x60];
	_ =	sdelay $0x7  }
0x41: {  	[tilespmem:v2+s24+$0x0] =	vst.idx.add.f32.msk $0xffff, v1  }
0x42: {  	v2 =	vld [tilespmem:s1+$0x70];
	_ =	sdelay $0x7  }
0x43: {  	[tilespmem:v2+s24+$0x0] =	vst.idx.add.f32.msk $0xffff, v1  }
0x44: {  	v2 =	vld [tilespmem:s1+$0x80];
	_ =	sdelay $0x7  }
0x45: {  	[tilespmem:v2+s24+$0x0] =	vst.idx.add.f32.msk $0xffff, v1  }
0x46: {  	v2 =	vld [tilespmem:s1+$0x90];
	_ =	sdelay $0x7  }
0x47: {  	[tilespmem:v2+s24+$0x0] =	vst.idx.add.f32.msk $0xffff, v1  }
0x48: {  	v2 =	vld [tilespmem:s1+$0xA0];
	_ =	sdelay $0x7  }
0x49: {  	[tilespmem:v2+s24+$0x0] =	vst.idx.add.f32.msk $0xffff, v1  }
0x4a: {  	v2 =	vld [tilespmem:s1+$0xB0];
	_ =	sdelay $0x7  }
0x4b: {  	[tilespmem:v2+s24+$0x0] =	vst.idx.add.f32.msk $0xffff, v1  }
0x4c: {  	v2 =	vld [tilespmem:s30+$0x180];
	_ =	sdelay $0x2  }
0x4d: {  	p0 =	sne.s32 s0, $0x2580  }
.Ltmp1:
0x4e: {  	_ = 	snop;
	(pc) =	sbr.rel @p0 .LBB2_4-.Ltmp1, $2  }
0x4f: {  	_ =	sdelay $0x2  }
0x50: {  	s0 =	sadd.s32 $0x190, s0;
	s1 =	sadd.s32 $0x190, s1;
	[tilespmem:v2+s24+$0x0] =	vst.idx.add.f32.msk $0xffff, v1  }
0x51: {  	[spmem:s5] =	stream.linear.scatter [tilespmem:s24], [sflag:$0x2], $0x2800, $0x38;
	[tilespmem:$0xA200] =	vst v63  }
0x52: {  	_ =	swait.ge [sflag:s25], $0x2800  }
0x53: {  	[sflag:s25] =	ssyncset.done $0x0  }
0x54: {  	[sflag:s25] =	ssyncadd.s32 $0xFFFFD800  }
0x55: {  	s0 =	simm.s32 $0x4F80;
	[bflag:$0x0] =	sbarrier.arrive $0xFFFF  }
0x56: {  	[tilespmem:s0], [sflag:$0x1] =	stream.linear.gather [spmem:s3], $0x280, $0x38;
	[tilespmem:$0xA200] =	vst v63  }
0x57: {  	s1 =	simm.s32 $0x5200  }
0x58: {  	[tilespmem:s1], [sflag:$0x1] =	stream.linear.gather [spmem:s6], $0x280, $0x38;
	[tilespmem:$0xA200] =	vst v63  }
0x59: {  	s1 =	simm.s32 $0x5480  }
0x5a: {  	[tilespmem:s1], [sflag:$0x1] =	stream.linear.gather [spmem:s7], $0x280, $0x38;
	[tilespmem:$0xA200] =	vst v63  }
0x5b: {  	s1 =	simm.s32 $0x5700  }
0x5c: {  	[tilespmem:s1], [sflag:$0x1] =	stream.linear.gather [spmem:s8], $0x280, $0x38;
	[tilespmem:$0xA200] =	vst v63  }
0x5d: {  	s1 =	simm.s32 $0x5980  }
0x5e: {  	[tilespmem:s1], [sflag:$0x1] =	stream.linear.gather [spmem:s9], $0x280, $0x38;
	[tilespmem:$0xA200] =	vst v63  }
0x5f: {  	s1 =	simm.s32 $0x5C00  }
0x60: {  	[tilespmem:s1], [sflag:$0x1] =	stream.linear.gather [spmem:s10], $0x280, $0x38;
	[tilespmem:$0xA200] =	vst v63  }
0x61: {  	s1 =	simm.s32 $0x5E80  }
0x62: {  	[tilespmem:s1], [sflag:$0x1] =	stream.linear.gather [spmem:s11], $0x280, $0x38;
	[tilespmem:$0xA200] =	vst v63  }
0x63: {  	s1 =	simm.s32 $0x6100  }
0x64: {  	[tilespmem:s1], [sflag:$0x1] =	stream.linear.gather [spmem:s12], $0x280, $0x38;
	[tilespmem:$0xA200] =	vst v63  }
0x65: {  	s1 =	simm.s32 $0x6380  }
0x66: {  	[tilespmem:s1], [sflag:$0x1] =	stream.linear.gather [spmem:s13], $0x280, $0x38;
	[tilespmem:$0xA200] =	vst v63  }
0x67: {  	s1 =	simm.s32 $0x6600  }
0x68: {  	[tilespmem:s1], [sflag:$0x1] =	stream.linear.gather [spmem:s14], $0x280, $0x38;
	[tilespmem:$0xA200] =	vst v63  }
0x69: {  	s1 =	simm.s32 $0x6880  }
0x6a: {  	[tilespmem:s1], [sflag:$0x1] =	stream.linear.gather [spmem:s15], $0x280, $0x38;
	[tilespmem:$0xA200] =	vst v63  }
0x6b: {  	s1 =	simm.s32 $0x6B00  }
0x6c: {  	[tilespmem:s1], [sflag:$0x1] =	stream.linear.gather [spmem:s16], $0x280, $0x38;
	[tilespmem:$0xA200] =	vst v63  }
0x6d: {  	s1 =	simm.s32 $0x6D80  }
0x6e: {  	[tilespmem:s1], [sflag:$0x1] =	stream.linear.gather [spmem:s17], $0x280, $0x38;
	[tilespmem:$0xA200] =	vst v63  }
0x6f: {  	s1 =	simm.s32 $0x7000  }
0x70: {  	[tilespmem:s1], [sflag:$0x1] =	stream.linear.gather [spmem:s18], $0x280, $0x38;
	[tilespmem:$0xA200] =	vst v63  }
0x71: {  	s1 =	simm.s32 $0x7280  }
0x72: {  	[tilespmem:s1], [sflag:$0x1] =	stream.linear.gather [spmem:s19], $0x280, $0x38;
	[tilespmem:$0xA200] =	vst v63  }
0x73: {  	_ = 	snop  }
0x74: {  	[tilespmem:s26], [sflag:$0x1] =	stream.linear.gather [spmem:s20], $0x280, $0x38;
	[tilespmem:$0xA200] =	vst v63  }
0x75: {  	_ =	swait.ge [sflag:s23], $0x280  }
0x76: {  	[sflag:s23] =	ssyncset.done $0x0  }
0x77: {  	[sflag:s23] =	ssyncadd.s32 $0xFFFFFD80  }
0x78: {  	_ =	swait.ge [sflag:s23], $0x280  }
0x79: {  	[sflag:s23] =	ssyncset.done $0x0  }
0x7a: {  	[sflag:s23] =	ssyncadd.s32 $0xFFFFFD80  }
0x7b: {  	_ =	swait.ge [sflag:s23], $0x280  }
0x7c: {  	[sflag:s23] =	ssyncset.done $0x0  }
0x7d: {  	[sflag:s23] =	ssyncadd.s32 $0xFFFFFD80  }
0x7e: {  	_ =	swait.ge [sflag:s23], $0x280  }
0x7f: {  	[sflag:s23] =	ssyncset.done $0x0  }
0x80: {  	[sflag:s23] =	ssyncadd.s32 $0xFFFFFD80  }
0x81: {  	_ =	swait.ge [sflag:s23], $0x280  }
0x82: {  	[sflag:s23] =	ssyncset.done $0x0  }
0x83: {  	[sflag:s23] =	ssyncadd.s32 $0xFFFFFD80  }
0x84: {  	_ =	swait.ge [sflag:s23], $0x280  }
0x85: {  	[sflag:s23] =	ssyncset.done $0x0  }
0x86: {  	[sflag:s23] =	ssyncadd.s32 $0xFFFFFD80  }
0x87: {  	_ =	swait.ge [sflag:s23], $0x280  }
0x88: {  	[sflag:s23] =	ssyncset.done $0x0  }
0x89: {  	[sflag:s23] =	ssyncadd.s32 $0xFFFFFD80  }
0x8a: {  	_ =	swait.ge [sflag:s23], $0x280  }
0x8b: {  	[sflag:s23] =	ssyncset.done $0x0  }
0x8c: {  	[sflag:s23] =	ssyncadd.s32 $0xFFFFFD80  }
0x8d: {  	_ =	swait.ge [sflag:s23], $0x280  }
0x8e: {  	[sflag:s23] =	ssyncset.done $0x0  }
0x8f: {  	[sflag:s23] =	ssyncadd.s32 $0xFFFFFD80  }
0x90: {  	_ =	swait.ge [sflag:s23], $0x280  }
0x91: {  	[sflag:s23] =	ssyncset.done $0x0  }
0x92: {  	[sflag:s23] =	ssyncadd.s32 $0xFFFFFD80  }
0x93: {  	_ =	swait.ge [sflag:s23], $0x280  }
0x94: {  	[sflag:s23] =	ssyncset.done $0x0  }
0x95: {  	[sflag:s23] =	ssyncadd.s32 $0xFFFFFD80  }
0x96: {  	_ =	swait.ge [sflag:s23], $0x280  }
0x97: {  	[sflag:s23] =	ssyncset.done $0x0  }
0x98: {  	[sflag:s23] =	ssyncadd.s32 $0xFFFFFD80  }
0x99: {  	_ =	swait.ge [sflag:s23], $0x280  }
0x9a: {  	[sflag:s23] =	ssyncset.done $0x0  }
0x9b: {  	[sflag:s23] =	ssyncadd.s32 $0xFFFFFD80  }
0x9c: {  	_ =	swait.ge [sflag:s23], $0x280  }
0x9d: {  	[sflag:s23] =	ssyncset.done $0x0  }
0x9e: {  	[sflag:s23] =	ssyncadd.s32 $0xFFFFFD80  }
0x9f: {  	_ =	swait.ge [sflag:s23], $0x280  }
0xa0: {  	[sflag:s23] =	ssyncset.done $0x0  }
0xa1: {  	[sflag:s23] =	ssyncadd.s32 $0xFFFFFD80  }
0xa2: {  	_ =	swait.ge [sflag:s23], $0x280  }
0xa3: {  	s1 =	simm.s32 $0x0;
	[sflag:s23] =	ssyncset.done $0x0  }
0xa4: {  	s1 =	sand.u32 $0x3F0, s1;
	[sflag:s23] =	ssyncadd.s32 $0xFFFFFD80  }
0xa5: {  	v2 =	vld [tilespmem:s1+$0x5200]  }
0xa6: {  	v3 =	vld [tilespmem:s0+$0x0];
	_ =	sdelay $0x1  }
0xa7: {  	v4 =	vld [tilespmem:s1+$0x5480];
	_ =	sdelay $0x1  }
0xa8: {  	v5 =	vld [tilespmem:s1+$0x5700]  }
0xa9: {  	v2 =	vadd.f32 v2, v3  }
0xaa: {  	v3 =	vld [tilespmem:s1+$0x5980]  }
0xab: {  	v2 =	vadd.f32 v4, v2  }
0xac: {  	v56 =	vld [tilespmem:s1+$0x5C00]  }
0xad: {  	v2 =	vadd.f32 v5, v2  }
0xae: {  	v57 =	vld [tilespmem:s1+$0x5E80]  }
0xaf: {  	v2 =	vadd.f32 v3, v2  }
0xb0: {  	v3 =	vld [tilespmem:s1+$0x6100]  }
0xb1: {  	v2 =	vadd.f32 v56, v2  }
0xb2: {  	v58 =	vld [tilespmem:s1+$0x6380]  }
0xb3: {  	v2 =	vadd.f32 v57, v2  }
0xb4: {  	v59 =	vld [tilespmem:s1+$0x6600]  }
0xb5: {  	v2 =	vadd.f32 v3, v2  }
0xb6: {  	v3 =	vld [tilespmem:s1+$0x6880]  }
0xb7: {  	v2 =	vadd.f32 v58, v2  }
0xb8: {  	v60 =	vld [tilespmem:s1+$0x6B00]  }
0xb9: {  	v2 =	vadd.f32 v59, v2  }
0xba: {  	v61 =	vld [tilespmem:s1+$0x6D80]  }
0xbb: {  	v2 =	vadd.f32 v3, v2  }
0xbc: {  	v3 =	vld [tilespmem:s1+$0x7000]  }
0xbd: {  	v2 =	vadd.f32 v60, v2  }
0xbe: {  	v62 =	vld [tilespmem:s1+$0x7280]  }
0xbf: {  	v2 =	vadd.f32 v61, v2  }
0xc0: {  	v63 =	vld [tilespmem:s1+$0x7500]  }
0xc1: {  	v2 =	vadd.f32 v3, v2;
	_ =	sdelay $0x1  }
0xc2: {  	v2 =	vadd.f32 v62, v2;
	_ =	sdelay $0x1  }
0xc3: {  	v2 =	vadd.f32 v63, v2  }
0xc4: {  	s30 =	simm.s32 $0x7780;
	s1 =	simm.s32 $0x10  }
0xc5: {  	s31 =	sand.u32 $0x3F0, s1;
	[tilespmem:s30+$0x0] =	vst v2  }
0xc6: {  	s0 =	simm.s32 $0x4F90;
	s1 =	simm.s32 $0x20;
	v2 =	vld [tilespmem:s31+$0x5200]  }
.LBB2_6:
0xc7: {  	p0 =	sne.s32 s1, $0x270;
	v3 =	vld [tilespmem:s0+$0x0];
	_ =	sdelay $0x1  }
0xc8: {  	v4 =	vld [tilespmem:s31+$0x5480];
	_ =	sdelay $0x1  }
0xc9: {  	v5 =	vld [tilespmem:s31+$0x5700]  }
0xca: {  	v2 =	vadd.f32 v2, v3  }
0xcb: {  	v3 =	vld [tilespmem:s31+$0x5980]  }
0xcc: {  	v2 =	vadd.f32 v4, v2  }
0xcd: {  	v4 =	vld [tilespmem:s31+$0x5C00]  }
0xce: {  	v2 =	vadd.f32 v5, v2  }
0xcf: {  	v5 =	vld [tilespmem:s31+$0x5E80]  }
0xd0: {  	v2 =	vadd.f32 v3, v2  }
0xd1: {  	v3 =	vld [tilespmem:s31+$0x6100]  }
0xd2: {  	v2 =	vadd.f32 v4, v2  }
0xd3: {  	v4 =	vld [tilespmem:s31+$0x6380]  }
0xd4: {  	v2 =	vadd.f32 v5, v2  }
0xd5: {  	v5 =	vld [tilespmem:s31+$0x6600]  }
0xd6: {  	v2 =	vadd.f32 v3, v2  }
0xd7: {  	v3 =	vld [tilespmem:s31+$0x6880]  }
0xd8: {  	v2 =	vadd.f32 v4, v2  }
0xd9: {  	v4 =	vld [tilespmem:s31+$0x6B00]  }
0xda: {  	v2 =	vadd.f32 v5, v2  }
0xdb: {  	v5 =	vld [tilespmem:s31+$0x6D80]  }
0xdc: {  	v2 =	vadd.f32 v3, v2  }
0xdd: {  	v3 =	vld [tilespmem:s31+$0x7000]  }
0xde: {  	v2 =	vadd.f32 v4, v2  }
0xdf: {  	v4 =	vld [tilespmem:s31+$0x7280]  }
0xe0: {  	v2 =	vadd.f32 v5, v2  }
0xe1: {  	v5 =	vld [tilespmem:s31+$0x7500]  }
0xe2: {  	v2 =	vadd.f32 v3, v2;
	_ =	sdelay $0x1  }
0xe3: {  	v2 =	vadd.f32 v4, v2  }
.Ltmp2:
0xe4: {  	(pc) =	sbr.rel @p0 .LBB2_6-.Ltmp2, $4  }
0xe5: {  	v2 =	vadd.f32 v5, v2  }
0xe6: {  	s30 =	sadd.s32 $0x10, s30  }
0xe7: {  	s31 =	sand.u32 $0x3F0, s1;
	[tilespmem:s30+$0x0] =	vst v2  }
0xe8: {  	s0 =	sadd.s32 $0x10, s0;
	s1 =	sadd.s32 $0x10, s1;
	v2 =	vld [tilespmem:s31+$0x5200]  }
0xe9: {  	v3 =	vld [tilespmem:s0+$0x0];
	_ =	sdelay $0x1  }
0xea: {  	v4 =	vld [tilespmem:s31+$0x5480];
	_ =	sdelay $0x1  }
0xeb: {  	v5 =	vld [tilespmem:s31+$0x5700]  }
0xec: {  	v2 =	vadd.f32 v2, v3  }
0xed: {  	v3 =	vld [tilespmem:s31+$0x5980]  }
0xee: {  	v2 =	vadd.f32 v4, v2  }
0xef: {  	v56 =	vld [tilespmem:s31+$0x5C00]  }
0xf0: {  	v2 =	vadd.f32 v5, v2  }
0xf1: {  	v57 =	vld [tilespmem:s31+$0x5E80]  }
0xf2: {  	v2 =	vadd.f32 v3, v2  }
0xf3: {  	v3 =	vld [tilespmem:s31+$0x6100]  }
0xf4: {  	v2 =	vadd.f32 v56, v2  }
0xf5: {  	v58 =	vld [tilespmem:s31+$0x6380]  }
0xf6: {  	v2 =	vadd.f32 v57, v2  }
0xf7: {  	v59 =	vld [tilespmem:s31+$0x6600]  }
0xf8: {  	v2 =	vadd.f32 v3, v2  }
0xf9: {  	v3 =	vld [tilespmem:s31+$0x6880]  }
0xfa: {  	v2 =	vadd.f32 v58, v2  }
0xfb: {  	v60 =	vld [tilespmem:s31+$0x6B00]  }
0xfc: {  	v2 =	vadd.f32 v59, v2  }
0xfd: {  	v61 =	vld [tilespmem:s31+$0x6D80]  }
0xfe: {  	v2 =	vadd.f32 v3, v2  }
0xff: {  	v3 =	vld [tilespmem:s31+$0x7000]  }
0x100: {  	v2 =	vadd.f32 v60, v2  }
0x101: {  	v62 =	vld [tilespmem:s31+$0x7280]  }
0x102: {  	v2 =	vadd.f32 v61, v2  }
0x103: {  	v63 =	vld [tilespmem:s31+$0x7500]  }
0x104: {  	v2 =	vadd.f32 v3, v2;
	_ =	sdelay $0x1  }
0x105: {  	v2 =	vadd.f32 v62, v2;
	_ =	sdelay $0x1  }
0x106: {  	s29 =	sadd.s32 $0x1, s29;
	v2 =	vadd.f32 v63, v2  }
0x107: {  	p0 =	sne.s32 s29, s22;
	s31 =	sadd.s32 $0x10, s30  }
.Ltmp3:
0x108: {  	[tilespmem:s31+$0x0] =	vst v2;
	(pc) =	sbr.rel @p0 .LBB2_1-.Ltmp3, $4  }
0x109: {  	[hbm4b:s21+s2] =	stream.linear.scatter [tilespmem:s28], [sflag:$0x2], $0x280, $0x38;
	[tilespmem:$0xA200] =	vst v63  }
0x10a: {  	_ =	swait.ge [sflag:s25], $0x280  }
0x10b: {  	[sflag:s25] =	ssyncset.done $0x0  }
0x10c: {  	[sflag:s25] =	ssyncadd.s32 $0xFFFFFD80  }
0x10d: {  	_ =	sfence.sel $0x180000  }
0x10e: {  	[bflag:$0x0] =	sbarrier.arrive $0xFFFF  }
0x10f: {  	_ =	strace $0x90000047  }
0x110: {  	s0 =	stileid.u32;
	[bflag:$0x2] =	sbarrier.arrive $0xFFFF  }
0x111: {  	p0 =	sne.s32 s0, $0x0;
	s0 =	rddreg [dreg:$0x2]  }
0x112: {  	s0 =	sadd.s32 @!p0 $0x100000, s0  }
0x113: {  	[sflag:s0] =	ssyncadd.tile.s32 @!p0 $0x1;
	_ =	shalt  }
.Lfunc_end2:
_tile_overlayer_lowered:
.L_overlay_start_2:
0x114: {  	(tag) =	ssettag $0x2  }
0x115: {  	s0 =	rddreg [dreg:$0x0];
	s2 =	stileid.u32  }
0x116: {  	s1 =	rddreg [dreg:$0x1];
	p0 =	sne.s32 s2, $0x0  }
0x117: {  	s3 =	rddreg [dreg:$0x2];
	[bflag:$0x3] =	sbarrier.arrive $0xFFFF;
	s2 =	simm.s32 @!p0 $0x1C02  }
0x118: {  	[timem:s3], [sflag:s2] =	dma.local @!p0 [hbm:s0], s1  }
0x119: {  	s0 =	simm.s32 @!p0 $0x2  }
0x11a: {  	_ =	swait.ge @!p0 [sflag:s0], s1  }
0x11b: {  	s1 =	ssub.s32 @!p0 $0x0, s1;
	[sflag:s0] =	ssyncset.done @!p0 $0x0  }
0x11c: {  	[sflag:s0] =	ssyncadd.s32 @!p0 s1  }
0x11d: {  	[bflag:$0x3] =	sbarrier.arrive $0xFFFF  }
0x11e: {  	_ =	shalt  }

// kernel: kernel.9.cloned.1.call-start
scs
__scs_entry_jumppad:
0x0: {  	(pc) =	sbr.rel $0x88, $3  }
0x1: {  	(tag) =	ssettag $0x0;
	lr =	simm.s32 $0x1  }
0x2: {  	[smem:$0x3F94] =	sst lr;
	_ =	strace $0xD0000000  }
0x3: {  	_ = 	snop  }
0x4: {  	_ = 	snop  }
0x5: {  	_ = 	snop  }
0x6: {  	_ = 	snop  }
0x7: {  	_ = 	snop  }
__scs_overlays_trampoline_lowered:
0x8: {  	[smem:$0x3FA3] =	sst s0  }
0x9: {  	[smem:$0x3FA4] =	sst s1  }
0xa: {  	[smem:$0x3FA5] =	sst s2  }
0xb: {  	[smem:$0x3FA6] =	sst s3  }
0xc: {  	[smem:$0x3FA7] =	sst s4  }
0xd: {  	[smem:$0x3FA8] =	sst s5  }
0xe: {  	[smem:$0x3FA9] =	sst s6  }
0xf: {  	[smem:$0x3FAA] =	sst s7  }
0x10: {  	[smem:$0x3FAB] =	sst s8  }
0x11: {  	[smem:$0x3FAC] =	sst s9;
	s0 =	simm.s32 @!p0 $0x0  }
0x12: {  	s1 =	sld [smem:$0x3F92];
	s0 =	simm.s32 @p0 $0x1  }
0x13: {  	[smem:$0x3FAD] =	sst s0;
	s0 =	simm.s32 @!p1 $0x0  }
0x14: {  	s2 =	sld [smem:$0x3F91];
	s0 =	simm.s32 @p1 $0x1  }
0x15: {  	[smem:$0x3FAE] =	sst s0;
	s0 =	simm.s32 @!p2 $0x0  }
0x16: {  	s3 =	sld [smem:$0x3FDB];
	s0 =	simm.s32 @p2 $0x1  }
0x17: {  	s4 =	simm.s32 $0x1BF5;
	[smem:$0x3FB0] =	sst s0  }
0x18: {  	s0 =	sld [smem:$0x3F93];
	_ =	swait.ge [sflag:s4], $0x0  }
0x19: {  	s7 =	sld [smem:$0x3F94]  }
0x1a: {  	s8 =	sadd.s32 $0xFFFFE003, lr  }
0x1b: {  	s9 =	sadd.s32 $0xFFFFFEF7, lr;
	s5 =	simm.s32 $0xFFFFFFFF;
	p2 =	slt.u32 s8, $0xFFFFF086  }
0x1c: {  	p1 =	slt.u32 s9, $0xF7A;
	s5 =	simm.s32 @!p2 $0x0  }
0x1d: {  	s5 =	simm.s32 @p1 $0x1;
	p0 =	seq.s32 s7, s2  }
0x1e: {  	s7 =	smul.u32 @!p0 $0xF7A, s2;
	p2 =	seq.s32 @!p0 s5, $0x0  }
0x1f: {  	s9 =	smul.u32 $0xF7A, s1;
	s8 =	simm.s32 @!p0 $0x1BF5;
	p2 =	por !p2, p0  }
0x20: {  	[sflag:s8] =	ssyncset.s32 @!p0 $0xFFFFF086;
	s6 =	sadd.s32 @!p0 s3, s7;
	s7 =	simm.s32 @!p0 $0x108  }
0x21: {  	s3 =	sadd.s32 s3, s9;
	s6 =	sadd.s32 @!p0 $0x88, s6;
	s7 =	simm.s32 @p2 $0x1082  }
0x22: {  	[simem:s7], [sflag:s8] =	dma.local @!p0 [hbm:s6], $0xF7A  }
0x23: {  	s9 =	sor.u32 $0xD0000000, s2;
	s6 =	simm.s32 $0x108;
	_ =	swait.ge @!p0 [sflag:s8], $0x0  }
0x24: {  	s3 =	sadd.s32 $0x88, s3;
	s6 =	simm.s32 @!p1 $0x1082;
	[sflag:s4] =	ssyncset.s32 $0xFFFFF086  }
0x25: {  	[simem:s6], [sflag:s4] =	dma.local [hbm:s3], $0xF7A  }
0x26: {  	[smem:$0x3F94] =	sst s1;
	(tag) =	ssettag s2;
	_ =	strace s9  }
0x27: {  	s1 =	sld [smem:$0x3FA4]  }
0x28: {  	s2 =	sld [smem:$0x3FA5]  }
0x29: {  	s4 =	sld [smem:$0x3FA7]  }
0x2a: {  	p0 =	seq.s32 s5, $0x0;
	s5 =	sld [smem:$0x3FA8]  }
0x2b: {  	s6 =	sld [smem:$0x3FA9]  }
0x2c: {  	s7 =	sld [smem:$0x3FAA]  }
0x2d: {  	s3 =	simm.s32 $0x108;
	s8 =	sld [smem:$0x3FAB]  }
0x2e: {  	s3 =	simm.s32 @!p0 $0x1082;
	s9 =	sld [smem:$0x3FAC]  }
0x2f: {  	lr =	sadd.s32 s0, s3;
	s0 =	sld [smem:$0x3FA3]  }
0x30: {  	s3 =	sld [smem:$0x3FA6]  }
0x31: {  	[smem:$0x3FAF] =	sst s10  }
0x32: {  	s10 =	sld [smem:$0x3FAD];
	_ =	sdelay $0x3  }
0x33: {  	p0 =	seq.s32 s10, $0x1;
	s10 =	sld [smem:$0x3FAF];
	_ =	sdelay $0x3  }
0x34: {  	[smem:$0x3FAF] =	sst s10  }
0x35: {  	s10 =	sld [smem:$0x3FAE];
	_ =	sdelay $0x3  }
0x36: {  	p1 =	seq.s32 s10, $0x1;
	s10 =	sld [smem:$0x3FAF];
	_ =	sdelay $0x3  }
0x37: {  	[smem:$0x3FAF] =	sst s10  }
0x38: {  	s10 =	sld [smem:$0x3FB0]  }
0x39: {  	_ = 	snop;
	(pc) =	sbr.ind lr, $3  }
0x3a: {  	_ = 	snop  }
0x3b: {  	_ = 	snop  }
0x3c: {  	p2 =	seq.s32 s10, $0x1;
	s10 =	sld [smem:$0x3FAF]  }
0x3d: {  	_ =	shalt  }
0x3e: {  	_ =	shalt  }
0x3f: {  	_ =	shalt  }
0x40: {  	_ =	shalt  }
0x41: {  	_ =	shalt  }
0x42: {  	_ =	shalt  }
0x43: {  	_ =	shalt  }
0x44: {  	_ =	shalt  }
0x45: {  	_ =	shalt  }
0x46: {  	_ =	shalt  }
0x47: {  	_ =	shalt  }
0x48: {  	_ =	shalt  }
0x49: {  	_ =	shalt  }
0x4a: {  	_ =	shalt  }
0x4b: {  	_ =	shalt  }
0x4c: {  	_ =	shalt  }
0x4d: {  	_ =	shalt  }
0x4e: {  	_ =	shalt  }
0x4f: {  	_ =	shalt  }
0x50: {  	_ =	shalt  }
0x51: {  	_ =	shalt  }
0x52: {  	_ =	shalt  }
0x53: {  	_ =	shalt  }
0x54: {  	_ =	shalt  }
0x55: {  	_ =	shalt  }
0x56: {  	_ =	shalt  }
0x57: {  	_ =	shalt  }
0x58: {  	_ =	shalt  }
0x59: {  	_ =	shalt  }
0x5a: {  	_ =	shalt  }
0x5b: {  	_ =	shalt  }
0x5c: {  	_ =	shalt  }
0x5d: {  	_ =	shalt  }
0x5e: {  	_ =	shalt  }
0x5f: {  	_ =	shalt  }
0x60: {  	_ =	shalt  }
0x61: {  	_ =	shalt  }
0x62: {  	_ =	shalt  }
0x63: {  	_ =	shalt  }
0x64: {  	_ =	shalt  }
0x65: {  	_ =	shalt  }
0x66: {  	_ =	shalt  }
0x67: {  	_ =	shalt  }
0x68: {  	_ =	shalt  }
0x69: {  	_ =	shalt  }
0x6a: {  	_ =	shalt  }
0x6b: {  	_ =	shalt  }
0x6c: {  	_ =	shalt  }
0x6d: {  	_ =	shalt  }
0x6e: {  	_ =	shalt  }
0x6f: {  	_ =	shalt  }
0x70: {  	_ =	shalt  }
0x71: {  	_ =	shalt  }
0x72: {  	_ =	shalt  }
0x73: {  	_ =	shalt  }
0x74: {  	_ =	shalt  }
0x75: {  	_ =	shalt  }
0x76: {  	_ =	shalt  }
0x77: {  	_ =	shalt  }
0x78: {  	_ =	shalt  }
0x79: {  	_ =	shalt  }
0x7a: {  	_ =	shalt  }
0x7b: {  	_ =	shalt  }
0x7c: {  	_ =	shalt  }
0x7d: {  	_ =	shalt  }
0x7e: {  	_ =	shalt  }
0x7f: {  	_ =	shalt  }
0x80: {  	_ =	shalt  }
0x81: {  	_ =	shalt  }
0x82: {  	_ =	shalt  }
0x83: {  	_ =	shalt  }
0x84: {  	_ =	shalt  }
0x85: {  	_ =	shalt  }
0x86: {  	_ =	shalt  }
0x87: {  	_ =	shalt  }
.Lfunc_end0:
.L_simem_size_0:
called_computation.1_lowered:
.L_overlay_start_0:
0x88: {  	s2 =	sld [smem:$0x3FD9]  }
0x89: {  	s3 =	sld [smem:$0x3FFE];
	_ =	sdelay $0x1  }
0x8a: {  	s1 =	srdreg.scid  }
0x8b: {  	s0 =	sand.u32 $0x1, s1  }
0x8c: {  	s16 =	sshll.u32 s0, $0xA;
	s2 =	sadd.s32 s3, s2  }
0x8d: {  	s2 =	sadd.s32 s2, s16  }
0x8e: {  	[smem:$0x3FBB] =	sst s2  }
0x8f: {  	_ = 	snop  }
0x90: {  	(tm) =	ssettm $0x1  }
0x91: {  	s17 =	sld [smem:$0x3FFB];
	_ =	sdelay $0x3  }
0x92: {  	_ =	strace s17  }
0x93: {  	s2 =	sld [smem:$0x3FFC];
	_ =	sdelay $0x3  }
0x94: {  	_ =	strace s2  }
0x95: {  	s2 =	sld [smem:$0x3FFD];
	_ =	sdelay $0x3  }
0x96: {  	_ =	strace s2  }
0x97: {  	_ =	strace $0x8FFFFFFF  }
0x98: {  	s18 =	sld [smem:$0x3FDB];
	_ =	sdelay $0x1  }
0x99: {  	s19 =	simm.s32 $_scs_section_size  }
0x9a: {  	s4 =	simm.s32 $_size__tile_overlayer_lowered;
	s5 =	simm.s32 $_tile_overlayer_lowered  }
0x9b: {  	s22 =	simm.s32 $0x1BFF;
	s21 =	sshll.u32 s5, $0x1;
	s2 =	sadd.s32 s19, s18  }
0x9c: {  	s6 =	simm.s32 $0x0;
	s20 =	sshll.u32 s4, $0x1;
	s4 =	sadd.s32 s21, s2  }
0x9d: {  	[timem:s6], [sflag:s22] =	dma.local [hbm:s4], s20  }
0x9e: {  	_ =	swait.ge [sflag:s22], s20  }
0x9f: {  	s3 =	ssub.s32 $0x0, s20;
	[sflag:s22] =	ssyncset.done $0x0  }
0xa0: {  	[sflag:s22] =	ssyncadd.s32 s3;
	_ =	sdelay $0x1  }
0xa1: {  	s23 =	simm.s32 $0x1B8B  }
0xa2: {  	_ =	swait.ge [sflag:s23], $0x1  }
0xa3: {  	[sflag:s23] =	ssyncset.done $0x0  }
0xa4: {  	s25 =	simm.s32 $0x1B8E;
	s24 =	sld [smem:$0x3FFE];
	[sflag:s23] =	ssyncadd.s32 $0xFFFFFFFF  }
0xa5: {  	s26 =	simm.s32 $execute0_lowered;
	[smem:$0x3FD2] =	sst s25  }
0xa6: {  	s4 =	sshll.u32 s26, $0x1;
	_ =	strace $0x80000049;
	[dreg:$0x1] =	wrdreg $0xFFFFFFFF  }
0xa7: {  	s28 =	simm.s32 $_size_execute0_lowered;
	s2 =	sadd.s32 s2, s4;
	[dreg:$0x0] =	wrdreg $0x0  }
0xa8: {  	s4 =	sshll.u32 s28, $0x1;
	[dreg:$0x2] =	wrdreg s2  }
0xa9: {  	[dreg:$0x3] =	wrdreg s4  }
0xaa: {  	[dreg:$0x4] =	wrdreg $0xC0  }
0xab: {  	_ =	task [dreg:s6], $0x5FFFF  }
0xac: {  	[dreg:$0x1] =	wrdreg $0xFFFFFFFF  }
0xad: {  	[dreg:$0x0] =	wrdreg $0x60  }
0xae: {  	[dreg:$0x2] =	wrdreg s24  }
0xaf: {  	[dreg:$0x3] =	wrdreg $0xBC000  }
0xb0: {  	[dreg:$0x4] =	wrdreg $0x9  }
0xb1: {  	_ =	task.clear_ibuf [dreg:s6], $0x5FFFF;
	_ =	strace $0x90000049  }
0xb2: {  	s29 =	simm.s32 $0x9;
	_ =	strace $0x8000004B  }
0xb3: {  	_ =	swait.ge [sflag:s29], $0x1  }
0xb4: {  	[sflag:s29] =	ssyncadd.s32 $0xFFFFFFFF  }
0xb5: {  	_ =	strace $0x9000004B  }
0xb6: {  	_ =	sfence  }
0xb7: {  	s30 =	sld [smem:$0x0];
	_ =	sdelay $0x2  }
0xb8: {  	s31 =	sshll.u32 s1, $0xD;
	s1 =	sshrl.u32 s1, $0x2  }
0xb9: {  	s3 =	sand.u32 $0x4000, s31;
	s1 =	sadd.s32 s1, s30  }
0xba: {  	s0 =	sor.u32 s3, s0;
	s1 =	sshll.u32 s1, $0x11  }
0xbb: {  	s0 =	sor.u32 s1, s0  }
0xbc: {  	s0 =	sadd.s32 $0x8F2B, s0  }
0xbd: {  	[sflag:s0] =	ssyncadd.remote.s32 $0x1  }
0xbe: {  	_ =	sfence.sel $0xFFFF  }
0xbf: {  	[dreg:$0x0] =	wrdreg $0xFFFFFFFF;
	(pc) =	sbr.abs _section_cstart, $3  }
0xc0: {  	[dreg:$0x1] =	wrdreg $0xFFFFFFFF  }
0xc1: {  	_ =	task.clear_ibuf [dreg:s6], $0x2FFFF;
	_ =	strace $0x9FFFFFFF  }
0xc2: {  	(tm) =	ssettm $0x7FFFFFFF  }
0xc3: {  	_ =	shalt  }
tec
execute0_lowered:
.L_overlay_start_1:
0x0: {  	(tag) =	ssettag $0x1  }
0x1: {  	s0 =	rddreg [dreg:$0x0]  }
0x2: {  	s2 =	rddreg [dreg:$0x1];
	s3 =	simm.s32 $0x0  }
0x3: {  	s6 =	simm.s32 $0x100;
	[smem:$0x7FF] =	sst s3  }
0x4: {  	s7 =	simm.s32 $0x180;
	_ =	strace $0x8000004A;
	[dreg:$0x6] =	wrdreg s6  }
0x5: {  	s9 =	simm.s32 $0x1080;
	[dreg:$0x7] =	wrdreg s7  }
0x6: {  	s8 =	stileid.u32;
	s10 =	simm.s32 $0x200;
	[dreg:$0x8] =	wrdreg s9  }
0x7: {  	s1 =	srdreg.scid;
	s11 =	simm.s32 $0x1100;
	[dreg:$0x9] =	wrdreg s10  }
0x8: {  	s12 =	simm.s32 $0x280;
	s13 =	simm.s32 $0x1180;
	[dreg:$0xa] =	wrdreg s11  }
0x9: {  	s14 =	simm.s32 $0x300;
	s15 =	simm.s32 $0x1200;
	[dreg:$0xb] =	wrdreg s12  }
0xa: {  	s16 =	simm.s32 $0x380;
	s17 =	simm.s32 $0x1280;
	[dreg:$0xc] =	wrdreg s13  }
0xb: {  	s18 =	simm.s32 $0x400;
	s19 =	simm.s32 $0x1300;
	[dreg:$0xd] =	wrdreg s14  }
0xc: {  	s21 =	simm.s32 $0x480;
	s23 =	simm.s32 $0x1380;
	[dreg:$0xe] =	wrdreg s15  }
0xd: {  	s24 =	simm.s32 $0x500;
	s26 =	simm.s32 $0x1400;
	[dreg:$0xf] =	wrdreg s16  }
0xe: {  	s28 =	simm.s32 $0xB00;
	s29 =	simm.s32 $0x1A00;
	[dreg:$0x10] =	wrdreg s17  }
0xf: {  	s30 =	simm.s32 $0xB80;
	s31 =	simm.s32 $0x1A80;
	[dreg:$0x11] =	wrdreg s18  }
0x10: {  	s4 =	sshll.u32 s8, $0xC;
	s1 =	sand.u32 $0x1, s1;
	[dreg:$0x12] =	wrdreg s19  }
0x11: {  	s22 =	smul.u32 $0x50000, s8;
	s4 =	sadd.s32 s4, s0;
	[dreg:$0x13] =	wrdreg s21  }
0x12: {  	s5 =	sshll.u32 s1, $0xB;
	s6 =	smul.u32 $0x140000, s1;
	[dreg:$0x14] =	wrdreg s23  }
0x13: {  	s7 =	smul.u32 $0x14000, s8;
	s9 =	sadd.s32 $0x2000, s0;
	[dreg:$0x15] =	wrdreg s24  }
0x14: {  	s1 =	ssub.s32 $0x2, s1;
	[dreg:$0x16] =	wrdreg s26;
	s10 =	simm.s32 $0x1480  }
0x15: {  	s11 =	simm.s32 $0x600;
	s12 =	simm.s32 $0x1500;
	[smem:$0x7F0] =	sst s9  }
0x16: {  	s13 =	simm.s32 $0x680;
	s14 =	simm.s32 $0x1580;
	[dreg:$0x18] =	wrdreg s10  }
0x17: {  	s15 =	simm.s32 $0x700;
	s16 =	simm.s32 $0x1600;
	[dreg:$0x19] =	wrdreg s11  }
0x18: {  	s17 =	simm.s32 $0x780;
	s18 =	simm.s32 $0x1680;
	[dreg:$0x1a] =	wrdreg s12  }
0x19: {  	s19 =	simm.s32 $0x800;
	s21 =	simm.s32 $0x880;
	[dreg:$0x1b] =	wrdreg s13  }
0x1a: {  	s23 =	simm.s32 $0x900;
	s24 =	simm.s32 $0x1800;
	[dreg:$0x1c] =	wrdreg s14  }
0x1b: {  	s26 =	simm.s32 $0x1880;
	s4 =	sadd.s32 s5, s4;
	[dreg:$0x1d] =	wrdreg s15  }
0x1c: {  	s20 =	sshrl.u32 s1, $0x1;
	s25 =	sshrl.u32 s22, $0x2;
	[dreg:$0x1e] =	wrdreg s16  }
0x1d: {  	s9 =	sshll.u32 s8, $0x6;
	s10 =	simm.s32 $0x8;
	[dreg:$0x1f] =	wrdreg s17  }
0x1e: {  	s11 =	simm.s32 $0x1000;
	s12 =	simm.s32 $0x7;
	[smem:$0x7F3] =	sst s18  }
0x1f: {  	s13 =	simm.s32 $0x64;
	s14 =	simm.s32 $0x2000;
	[smem:$0x7F4] =	sst s19  }
0x20: {  	s15 =	simm.s32 $0x5400;
	s16 =	simm.s32 $0x8800;
	[smem:$0x7F6] =	sst s21  }
0x21: {  	s17 =	simm.s32 $0x1;
	s22 =	simm.s32 $0x1780;
	[smem:$0x7F8] =	sst s23  }
0x22: {  	s18 =	simm.s32 $0x4;
	s19 =	simm.s32 $0x2;
	[smem:$0x7F9] =	sst s24  }
0x23: {  	s21 =	simm.s32 $0x3;
	[smem:$0x7FB] =	sst s26;
	s24 =	simm.s32 $0x1900  }
0x24: {  	s26 =	simm.s32 $0x1980;
	s23 =	simm.s32 $0x0;
	s5 =	sadd.s32 $0x1C800, s4  }
0x25: {  	s4 =	sadd.s32 $0xC800, s4;
	s6 =	sadd.s32 s7, s6;
	[smem:$0x7F7] =	sst s22  }
0x26: {  	s1 =	ssub.s32 s1, s20;
	s7 =	simm.s32 $0x580;
	[dreg:$0x3] =	wrdreg s5  }
0x27: {  	s8 =	sor.u32 $0x1C08, s9;
	s20 =	simm.s32 $0x1700;
	[dreg:$0x4] =	wrdreg s4  }
0x28: {  	s22 =	simm.s32 $0x6;
	s5 =	simm.s32 $0x80;
	[dreg:$0x17] =	wrdreg s7  }
0x29: {  	s4 =	sadd.s32 $0x7C800, s0;
	s6 =	sshrl.u32 s6, $0x3;
	[smem:$0x7F5] =	sst s20  }
0x2a: {  	s1 =	smax.u32 s1, $0x1;
	s20 =	simm.s32 $0x5;
	[smem:$0x7FC] =	sst s8  }
0x2b: {  	s7 =	simm.s32 $0x1C00;
	[dreg:$0x5] =	wrdreg s5;
	s0 =	sadd.s32 s6, s0  }
0x2c: {  	s6 =	sadd.s32 s25, s2;
	[smem:$0x7F2] =	sst s1;
	s25 =	simm.s32 $0x980  }
0x2d: {  	s1 =	simm.s32 $0x1B00;
	s0 =	sadd.s32 $0xA4800, s0;
	[smem:$0x7FA] =	sst s25  }
0x2e: {  	s5 =	simm.s32 $0x1B80;
	s9 =	sshrl.u32 s6, $0x3;
	[smem:$0x7F1] =	sst s0  }
0x2f: {  	s25 =	simm.s32 $0xA80;
	s0 =	simm.s32 $0xC00;
	[smem:$0x7FD] =	sst s9  }
.LBB2_1:
0x30: {  	s6 =	sld [smem:$0x7F0];
	_ =	sdelay $0x1  }
0x31: {  	[smem:$0x7EF] =	sst s23  }
0x32: {  	[spmem:s9], [sflag:s8] =	dma.local [hbm:s6], $0x2800  }
0x33: {  	_ =	swait.ge [sflag:s10], $0x2800  }
0x34: {  	[sflag:s10] =	ssyncset.done $0x0  }
0x35: {  	[sflag:s10] =	ssyncadd.s32 $0xFFFFD800  }
0x36: {  	[bflag:$0x0] =	sbarrier.arrive $0xFFFF  }
0x37: {  	s23 =	rddreg [dreg:$0x4]  }
0x38: {  	s8 =	rddreg [dreg:$0x3];
	s6 =	sadd.s32 $0x0, s23  }
0x39: {  	[tilespmem:s3], [sflag:$0x7] =	stream.linear.gather [hbm4b:s6+s3], $0xC80, $0x38;
	[tilespmem:$0x1FC00] =	vst v63  }
0x3a: {  	s10 =	sadd.s32 $0x0, s8  }
0x3b: {  	[tilespmem:s11], [sflag:$0x7] =	stream.linear.gather [hbm4b:s10+s3], $0xC80, $0x38;
	[tilespmem:$0x1FC00] =	vst v63  }
0x3c: {  	_ =	swait.ge [sflag:s12], $0xC80  }
0x3d: {  	[sflag:s12] =	ssyncset.done $0x0  }
0x3e: {  	[sflag:s12] =	ssyncadd.s32 $0xFFFFF380  }
0x3f: {  	_ =	swait.ge [sflag:s12], $0xC80  }
0x40: {  	[sflag:s12] =	ssyncset.done $0x0  }
0x41: {  	[sflag:s12] =	ssyncadd.s32 $0xFFFFF380  }
0x42: {  	[tilespmem:s14], [sflag:$0x1] =	stream.indirect.gather [hbm4b:s4+s13], $0x80, s3, s13, $0xb8;
	[tilespmem:$0x1FC00] =	vst v63  }
0x43: {  	s23 =	rddreg [dreg:$0x5]  }
0x44: {  	[tilespmem:s15], [sflag:$0x2] =	stream.indirect.gather [hbm4b:s4+s13], $0x80, s23, s13, $0xb8;
	[tilespmem:$0x1FC00] =	vst v63  }
0x45: {  	s8 =	rddreg [dreg:$0x6]  }
0x46: {  	[tilespmem:s16], [sflag:$0x3] =	stream.indirect.gather [hbm4b:s4+s13], $0x80, s8, s13, $0xb8;
	[tilespmem:$0x1FC00] =	vst v63  }
0x47: {  	_ =	swait.ge [sflag:s17], $0x3200  }
0x48: {  	[sflag:s17] =	ssyncset.done $0x0  }
0x49: {  	[sflag:s17] =	ssyncadd.s32 $0xFFFFCE00  }
0x4a: {  	[spmem:s2] =	stream.indirect.scatter.add.f32 [tilespmem:s14], [sflag:$0x4], $0x80, s11, s13, $0xb8;
	[tilespmem:$0x1FC00] =	vst v63  }
0x4b: {  	_ =	swait.ge [sflag:s18], $0x3200  }
0x4c: {  	[sflag:s18] =	ssyncset.done $0x0  }
0x4d: {  	s9 =	rddreg [dreg:$0x7];
	[sflag:s18] =	ssyncadd.s32 $0xFFFFCE00  }
0x4e: {  	[tilespmem:s14], [sflag:$0x1] =	stream.indirect.gather [hbm4b:s4+s13], $0x80, s9, s13, $0xb8;
	[tilespmem:$0x1FC00] =	vst v63  }
0x4f: {  	_ =	swait.ge [sflag:s19], $0x3200  }
0x50: {  	[sflag:s19] =	ssyncset.done $0x0  }
0x51: {  	s10 =	rddreg [dreg:$0x8];
	[sflag:s19] =	ssyncadd.s32 $0xFFFFCE00  }
0x52: {  	[spmem:s2] =	stream.indirect.scatter.add.f32 [tilespmem:s15], [sflag:$0x5], $0x80, s10, s13, $0xb8;
	[tilespmem:$0x1FC00] =	vst v63  }
0x53: {  	_ =	swait.ge [sflag:s20], $0x3200  }
0x54: {  	[sflag:s20] =	ssyncset.done $0x0  }
0x55: {  	s23 =	rddreg [dreg:$0x9];
	[sflag:s20] =	ssyncadd.s32 $0xFFFFCE00  }
0x56: {  	[tilespmem:s15], [sflag:$0x2] =	stream.indirect.gather [hbm4b:s4+s13], $0x80, s23, s13, $0xb8;
	[tilespmem:$0x1FC00] =	vst v63  }
0x57: {  	_ =	swait.ge [sflag:s21], $0x3200  }
0x58: {  	[sflag:s21] =	ssyncset.done $0x0  }
0x59: {  	s8 =	rddreg [dreg:$0xa];
	[sflag:s21] =	ssyncadd.s32 $0xFFFFCE00  }
0x5a: {  	[spmem:s2] =	stream.indirect.scatter.add.f32 [tilespmem:s16], [sflag:$0x6], $0x80, s8, s13, $0xb8;
	[tilespmem:$0x1FC00] =	vst v63  }
0x5b: {  	_ =	swait.ge [sflag:s22], $0x3200  }
0x5c: {  	[sflag:s22] =	ssyncset.done $0x0  }
0x5d: {  	s9 =	rddreg [dreg:$0xb];
	[sflag:s22] =	ssyncadd.s32 $0xFFFFCE00  }
0x5e: {  	[tilespmem:s16], [sflag:$0x3] =	stream.indirect.gather [hbm4b:s4+s13], $0x80, s9, s13, $0xb8;
	[tilespmem:$0x1FC00] =	vst v63  }
0x5f: {  	_ =	swait.ge [sflag:s17], $0x3200  }
0x60: {  	[sflag:s17] =	ssyncset.done $0x0  }
0x61: {  	s10 =	rddreg [dreg:$0xc];
	[sflag:s17] =	ssyncadd.s32 $0xFFFFCE00  }
0x62: {  	[spmem:s2] =	stream.indirect.scatter.add.f32 [tilespmem:s14], [sflag:$0x4], $0x80, s10, s13, $0xb8;
	[tilespmem:$0x1FC00] =	vst v63  }
0x63: {  	_ =	swait.ge [sflag:s18], $0x3200  }
0x64: {  	[sflag:s18] =	ssyncset.done $0x0  }
0x65: {  	s23 =	rddreg [dreg:$0xd];
	[sflag:s18] =	ssyncadd.s32 $0xFFFFCE00  }
0x66: {  	[tilespmem:s14], [sflag:$0x1] =	stream.indirect.gather [hbm4b:s4+s13], $0x80, s23, s13, $0xb8;
	[tilespmem:$0x1FC00] =	vst v63  }
0x67: {  	_ =	swait.ge [sflag:s19], $0x3200  }
0x68: {  	[sflag:s19] =	ssyncset.done $0x0  }
0x69: {  	s8 =	rddreg [dreg:$0xe];
	[sflag:s19] =	ssyncadd.s32 $0xFFFFCE00  }
0x6a: {  	[spmem:s2] =	stream.indirect.scatter.add.f32 [tilespmem:s15], [sflag:$0x5], $0x80, s8, s13, $0xb8;
	[tilespmem:$0x1FC00] =	vst v63  }
0x6b: {  	_ =	swait.ge [sflag:s20], $0x3200  }
0x6c: {  	[sflag:s20] =	ssyncset.done $0x0  }
0x6d: {  	s9 =	rddreg [dreg:$0xf];
	[sflag:s20] =	ssyncadd.s32 $0xFFFFCE00  }
0x6e: {  	[tilespmem:s15], [sflag:$0x2] =	stream.indirect.gather [hbm4b:s4+s13], $0x80, s9, s13, $0xb8;
	[tilespmem:$0x1FC00] =	vst v63  }
0x6f: {  	_ =	swait.ge [sflag:s21], $0x3200  }
0x70: {  	[sflag:s21] =	ssyncset.done $0x0  }
0x71: {  	s10 =	rddreg [dreg:$0x10];
	[sflag:s21] =	ssyncadd.s32 $0xFFFFCE00  }
0x72: {  	[spmem:s2] =	stream.indirect.scatter.add.f32 [tilespmem:s16], [sflag:$0x6], $0x80, s10, s13, $0xb8;
	[tilespmem:$0x1FC00] =	vst v63  }
0x73: {  	_ =	swait.ge [sflag:s22], $0x3200  }
0x74: {  	[sflag:s22] =	ssyncset.done $0x0  }
0x75: {  	s23 =	rddreg [dreg:$0x11];
	[sflag:s22] =	ssyncadd.s32 $0xFFFFCE00  }
0x76: {  	[tilespmem:s16], [sflag:$0x3] =	stream.indirect.gather [hbm4b:s4+s13], $0x80, s23, s13, $0xb8;
	[tilespmem:$0x1FC00] =	vst v63  }
0x77: {  	_ =	swait.ge [sflag:s17], $0x3200  }
0x78: {  	[sflag:s17] =	ssyncset.done $0x0  }
0x79: {  	s8 =	rddreg [dreg:$0x12];
	[sflag:s17] =	ssyncadd.s32 $0xFFFFCE00  }
0x7a: {  	[spmem:s2] =	stream.indirect.scatter.add.f32 [tilespmem:s14], [sflag:$0x4], $0x80, s8, s13, $0xb8;
	[tilespmem:$0x1FC00] =	vst v63  }
0x7b: {  	_ =	swait.ge [sflag:s18], $0x3200  }
0x7c: {  	[sflag:s18] =	ssyncset.done $0x0  }
0x7d: {  	s9 =	rddreg [dreg:$0x13];
	[sflag:s18] =	ssyncadd.s32 $0xFFFFCE00  }
0x7e: {  	[tilespmem:s14], [sflag:$0x1] =	stream.indirect.gather [hbm4b:s4+s13], $0x80, s9, s13, $0xb8;
	[tilespmem:$0x1FC00] =	vst v63  }
0x7f: {  	_ =	swait.ge [sflag:s19], $0x3200  }
0x80: {  	[sflag:s19] =	ssyncset.done $0x0  }
0x81: {  	s10 =	rddreg [dreg:$0x14];
	[sflag:s19] =	ssyncadd.s32 $0xFFFFCE00  }
0x82: {  	[spmem:s2] =	stream.indirect.scatter.add.f32 [tilespmem:s15], [sflag:$0x5], $0x80, s10, s13, $0xb8;
	[tilespmem:$0x1FC00] =	vst v63  }
0x83: {  	_ =	swait.ge [sflag:s20], $0x3200  }
0x84: {  	[sflag:s20] =	ssyncset.done $0x0  }
0x85: {  	s23 =	rddreg [dreg:$0x15];
	[sflag:s20] =	ssyncadd.s32 $0xFFFFCE00  }
0x86: {  	[tilespmem:s15], [sflag:$0x2] =	stream.indirect.gather [hbm4b:s4+s13], $0x80, s23, s13, $0xb8;
	[tilespmem:$0x1FC00] =	vst v63  }
0x87: {  	_ =	swait.ge [sflag:s21], $0x3200  }
0x88: {  	[sflag:s21] =	ssyncset.done $0x0  }
0x89: {  	s8 =	rddreg [dreg:$0x16];
	[sflag:s21] =	ssyncadd.s32 $0xFFFFCE00  }
0x8a: {  	[spmem:s2] =	stream.indirect.scatter.add.f32 [tilespmem:s16], [sflag:$0x6], $0x80, s8, s13, $0xb8;
	[tilespmem:$0x1FC00] =	vst v63  }
0x8b: {  	_ =	swait.ge [sflag:s22], $0x3200  }
0x8c: {  	[sflag:s22] =	ssyncset.done $0x0  }
0x8d: {  	s9 =	rddreg [dreg:$0x17];
	[sflag:s22] =	ssyncadd.s32 $0xFFFFCE00  }
0x8e: {  	[tilespmem:s16], [sflag:$0x3] =	stream.indirect.gather [hbm4b:s4+s13], $0x80, s9, s13, $0xb8;
	[tilespmem:$0x1FC00] =	vst v63  }
0x8f: {  	_ =	swait.ge [sflag:s17], $0x3200  }
0x90: {  	[sflag:s17] =	ssyncset.done $0x0  }
0x91: {  	s10 =	rddreg [dreg:$0x18];
	[sflag:s17] =	ssyncadd.s32 $0xFFFFCE00  }
0x92: {  	[spmem:s2] =	stream.indirect.scatter.add.f32 [tilespmem:s14], [sflag:$0x4], $0x80, s10, s13, $0xb8;
	[tilespmem:$0x1FC00] =	vst v63  }
0x93: {  	_ =	swait.ge [sflag:s18], $0x3200  }
0x94: {  	[sflag:s18] =	ssyncset.done $0x0  }
0x95: {  	s23 =	rddreg [dreg:$0x19];
	[sflag:s18] =	ssyncadd.s32 $0xFFFFCE00  }
0x96: {  	[tilespmem:s14], [sflag:$0x1] =	stream.indirect.gather [hbm4b:s4+s13], $0x80, s23, s13, $0xb8;
	[tilespmem:$0x1FC00] =	vst v63  }
0x97: {  	_ =	swait.ge [sflag:s19], $0x3200  }
0x98: {  	[sflag:s19] =	ssyncset.done $0x0  }
0x99: {  	s8 =	rddreg [dreg:$0x1a];
	[sflag:s19] =	ssyncadd.s32 $0xFFFFCE00  }
0x9a: {  	[spmem:s2] =	stream.indirect.scatter.add.f32 [tilespmem:s15], [sflag:$0x5], $0x80, s8, s13, $0xb8;
	[tilespmem:$0x1FC00] =	vst v63  }
0x9b: {  	_ =	swait.ge [sflag:s20], $0x3200  }
0x9c: {  	[sflag:s20] =	ssyncset.done $0x0  }
0x9d: {  	s9 =	rddreg [dreg:$0x1b];
	[sflag:s20] =	ssyncadd.s32 $0xFFFFCE00  }
0x9e: {  	[tilespmem:s15], [sflag:$0x2] =	stream.indirect.gather [hbm4b:s4+s13], $0x80, s9, s13, $0xb8;
	[tilespmem:$0x1FC00] =	vst v63  }
0x9f: {  	_ =	swait.ge [sflag:s21], $0x3200  }
0xa0: {  	[sflag:s21] =	ssyncset.done $0x0  }
0xa1: {  	s10 =	rddreg [dreg:$0x1c];
	[sflag:s21] =	ssyncadd.s32 $0xFFFFCE00  }
0xa2: {  	[spmem:s2] =	stream.indirect.scatter.add.f32 [tilespmem:s16], [sflag:$0x6], $0x80, s10, s13, $0xb8;
	[tilespmem:$0x1FC00] =	vst v63  }
0xa3: {  	_ =	swait.ge [sflag:s22], $0x3200  }
0xa4: {  	[sflag:s22] =	ssyncset.done $0x0  }
0xa5: {  	s23 =	rddreg [dreg:$0x1d];
	[sflag:s22] =	ssyncadd.s32 $0xFFFFCE00  }
0xa6: {  	[tilespmem:s16], [sflag:$0x3] =	stream.indirect.gather [hbm4b:s4+s13], $0x80, s23, s13, $0xb8;
	[tilespmem:$0x1FC00] =	vst v63  }
0xa7: {  	_ =	swait.ge [sflag:s17], $0x3200  }
0xa8: {  	[sflag:s17] =	ssyncset.done $0x0  }
0xa9: {  	s8 =	rddreg [dreg:$0x1e];
	[sflag:s17] =	ssyncadd.s32 $0xFFFFCE00  }
0xaa: {  	[spmem:s2] =	stream.indirect.scatter.add.f32 [tilespmem:s14], [sflag:$0x4], $0x80, s8, s13, $0xb8;
	[tilespmem:$0x1FC00] =	vst v63  }
0xab: {  	_ =	swait.ge [sflag:s18], $0x3200  }
0xac: {  	[sflag:s18] =	ssyncset.done $0x0  }
0xad: {  	s9 =	rddreg [dreg:$0x1f];
	[sflag:s18] =	ssyncadd.s32 $0xFFFFCE00  }
0xae: {  	[tilespmem:s14], [sflag:$0x1] =	stream.indirect.gather [hbm4b:s4+s13], $0x80, s9, s13, $0xb8;
	[tilespmem:$0x1FC00] =	vst v63  }
0xaf: {  	_ =	swait.ge [sflag:s19], $0x3200  }
0xb0: {  	s10 =	sld [smem:$0x7F3]  }
0xb1: {  	[sflag:s19] =	ssyncset.done $0x0  }
0xb2: {  	[sflag:s19] =	ssyncadd.s32 $0xFFFFCE00  }
0xb3: {  	[spmem:s2] =	stream.indirect.scatter.add.f32 [tilespmem:s15], [sflag:$0x5], $0x80, s10, s13, $0xb8;
	[tilespmem:$0x1FC00] =	vst v63  }
0xb4: {  	_ =	swait.ge [sflag:s20], $0x3200  }
0xb5: {  	s23 =	sld [smem:$0x7F4]  }
0xb6: {  	[sflag:s20] =	ssyncset.done $0x0  }
0xb7: {  	[sflag:s20] =	ssyncadd.s32 $0xFFFFCE00  }
0xb8: {  	[tilespmem:s15], [sflag:$0x2] =	stream.indirect.gather [hbm4b:s4+s13], $0x80, s23, s13, $0xb8;
	[tilespmem:$0x1FC00] =	vst v63  }
0xb9: {  	_ =	swait.ge [sflag:s21], $0x3200  }
0xba: {  	s8 =	sld [smem:$0x7F5]  }
0xbb: {  	[sflag:s21] =	ssyncset.done $0x0  }
0xbc: {  	[sflag:s21] =	ssyncadd.s32 $0xFFFFCE00  }
0xbd: {  	[spmem:s2] =	stream.indirect.scatter.add.f32 [tilespmem:s16], [sflag:$0x6], $0x80, s8, s13, $0xb8;
	[tilespmem:$0x1FC00] =	vst v63  }
0xbe: {  	_ =	swait.ge [sflag:s22], $0x3200  }
0xbf: {  	s9 =	sld [smem:$0x7F6]  }
0xc0: {  	[sflag:s22] =	ssyncset.done $0x0  }
0xc1: {  	[sflag:s22] =	ssyncadd.s32 $0xFFFFCE00  }
0xc2: {  	[tilespmem:s16], [sflag:$0x3] =	stream.indirect.gather [hbm4b:s4+s13], $0x80, s9, s13, $0xb8;
	[tilespmem:$0x1FC00] =	vst v63  }
0xc3: {  	_ =	swait.ge [sflag:s17], $0x3200  }
0xc4: {  	s10 =	sld [smem:$0x7F7]  }
0xc5: {  	[sflag:s17] =	ssyncset.done $0x0  }
0xc6: {  	[sflag:s17] =	ssyncadd.s32 $0xFFFFCE00  }
0xc7: {  	[spmem:s2] =	stream.indirect.scatter.add.f32 [tilespmem:s14], [sflag:$0x4], $0x80, s10, s13, $0xb8;
	[tilespmem:$0x1FC00] =	vst v63  }
0xc8: {  	_ =	swait.ge [sflag:s18], $0x3200  }
0xc9: {  	s23 =	sld [smem:$0x7F8]  }
0xca: {  	[sflag:s18] =	ssyncset.done $0x0  }
0xcb: {  	[sflag:s18] =	ssyncadd.s32 $0xFFFFCE00  }
0xcc: {  	[tilespmem:s14], [sflag:$0x1] =	stream.indirect.gather [hbm4b:s4+s13], $0x80, s23, s13, $0xb8;
	[tilespmem:$0x1FC00] =	vst v63  }
0xcd: {  	_ =	swait.ge [sflag:s19], $0x3200  }
0xce: {  	s8 =	sld [smem:$0x7F9]  }
0xcf: {  	[sflag:s19] =	ssyncset.done $0x0  }
0xd0: {  	[sflag:s19] =	ssyncadd.s32 $0xFFFFCE00  }
0xd1: {  	[spmem:s2] =	stream.indirect.scatter.add.f32 [tilespmem:s15], [sflag:$0x5], $0x80, s8, s13, $0xb8;
	[tilespmem:$0x1FC00] =	vst v63  }
0xd2: {  	_ =	swait.ge [sflag:s20], $0x3200  }
0xd3: {  	s9 =	sld [smem:$0x7FA]  }
0xd4: {  	[sflag:s20] =	ssyncset.done $0x0  }
0xd5: {  	[sflag:s20] =	ssyncadd.s32 $0xFFFFCE00  }
0xd6: {  	[tilespmem:s15], [sflag:$0x2] =	stream.indirect.gather [hbm4b:s4+s13], $0x80, s9, s13, $0xb8;
	[tilespmem:$0x1FC00] =	vst v63  }
0xd7: {  	_ =	swait.ge [sflag:s21], $0x3200  }
0xd8: {  	s10 =	sld [smem:$0x7FB]  }
0xd9: {  	[sflag:s21] =	ssyncset.done $0x0  }
0xda: {  	[sflag:s21] =	ssyncadd.s32 $0xFFFFCE00  }
0xdb: {  	[spmem:s2] =	stream.indirect.scatter.add.f32 [tilespmem:s16], [sflag:$0x6], $0x80, s10, s13, $0xb8;
	[tilespmem:$0x1FC00] =	vst v63  }
0xdc: {  	_ =	swait.ge [sflag:s22], $0x3200  }
0xdd: {  	[sflag:s22] =	ssyncset.done $0x0  }
0xde: {  	s23 =	simm.s32 $0xA00;
	[sflag:s22] =	ssyncadd.s32 $0xFFFFCE00  }
0xdf: {  	[tilespmem:s16], [sflag:$0x3] =	stream.indirect.gather [hbm4b:s4+s13], $0x80, s23, s13, $0xb8;
	[tilespmem:$0x1FC00] =	vst v63  }
0xe0: {  	_ =	swait.ge [sflag:s17], $0x3200  }
0xe1: {  	[sflag:s17] =	ssyncset.done $0x0  }
0xe2: {  	[sflag:s17] =	ssyncadd.s32 $0xFFFFCE00  }
0xe3: {  	[spmem:s2] =	stream.indirect.scatter.add.f32 [tilespmem:s14], [sflag:$0x4], $0x80, s24, s13, $0xb8;
	[tilespmem:$0x1FC00] =	vst v63  }
0xe4: {  	_ =	swait.ge [sflag:s18], $0x3200  }
0xe5: {  	[sflag:s18] =	ssyncset.done $0x0  }
0xe6: {  	[sflag:s18] =	ssyncadd.s32 $0xFFFFCE00  }
0xe7: {  	[tilespmem:s14], [sflag:$0x1] =	stream.indirect.gather [hbm4b:s4+s13], $0x80, s25, s13, $0xb8;
	[tilespmem:$0x1FC00] =	vst v63  }
0xe8: {  	_ =	swait.ge [sflag:s19], $0x3200  }
0xe9: {  	[sflag:s19] =	ssyncset.done $0x0  }
0xea: {  	[sflag:s19] =	ssyncadd.s32 $0xFFFFCE00  }
0xeb: {  	[spmem:s2] =	stream.indirect.scatter.add.f32 [tilespmem:s15], [sflag:$0x5], $0x80, s26, s13, $0xb8;
	[tilespmem:$0x1FC00] =	vst v63  }
0xec: {  	_ =	swait.ge [sflag:s20], $0x3200  }
0xed: {  	[sflag:s20] =	ssyncset.done $0x0  }
0xee: {  	[sflag:s20] =	ssyncadd.s32 $0xFFFFCE00  }
0xef: {  	[tilespmem:s15], [sflag:$0x2] =	stream.indirect.gather [hbm4b:s4+s13], $0x80, s28, s13, $0xb8;
	[tilespmem:$0x1FC00] =	vst v63  }
0xf0: {  	_ =	swait.ge [sflag:s21], $0x3200  }
0xf1: {  	[sflag:s21] =	ssyncset.done $0x0  }
0xf2: {  	[sflag:s21] =	ssyncadd.s32 $0xFFFFCE00  }
0xf3: {  	[spmem:s2] =	stream.indirect.scatter.add.f32 [tilespmem:s16], [sflag:$0x6], $0x80, s29, s13, $0xb8;
	[tilespmem:$0x1FC00] =	vst v63  }
0xf4: {  	_ =	swait.ge [sflag:s22], $0x3200  }
0xf5: {  	[sflag:s22] =	ssyncset.done $0x0  }
0xf6: {  	[sflag:s22] =	ssyncadd.s32 $0xFFFFCE00  }
0xf7: {  	[tilespmem:s16], [sflag:$0x3] =	stream.indirect.gather [hbm4b:s4+s13], $0x80, s30, s13, $0xb8;
	[tilespmem:$0x1FC00] =	vst v63  }
0xf8: {  	_ =	swait.ge [sflag:s17], $0x3200  }
0xf9: {  	[sflag:s17] =	ssyncset.done $0x0  }
0xfa: {  	[sflag:s17] =	ssyncadd.s32 $0xFFFFCE00  }
0xfb: {  	[spmem:s2] =	stream.indirect.scatter.add.f32 [tilespmem:s14], [sflag:$0x4], $0x80, s31, s13, $0xb8;
	[tilespmem:$0x1FC00] =	vst v63  }
0xfc: {  	_ =	swait.ge [sflag:s18], $0x3200  }
0xfd: {  	[sflag:s18] =	ssyncset.done $0x0  }
0xfe: {  	[sflag:s18] =	ssyncadd.s32 $0xFFFFCE00  }
0xff: {  	[tilespmem:s14], [sflag:$0x1] =	stream.indirect.gather [hbm4b:s4+s13], $0x80, s0, s13, $0xb8;
	[tilespmem:$0x1FC00] =	vst v63  }
0x100: {  	_ =	swait.ge [sflag:s19], $0x3200  }
0x101: {  	[sflag:s19] =	ssyncset.done $0x0  }
0x102: {  	[sflag:s19] =	ssyncadd.s32 $0xFFFFCE00  }
0x103: {  	[spmem:s2] =	stream.indirect.scatter.add.f32 [tilespmem:s15], [sflag:$0x5], $0x80, s1, s13, $0xb8;
	[tilespmem:$0x1FC00] =	vst v63  }
0x104: {  	_ =	swait.ge [sflag:s21], $0x3200  }
0x105: {  	[sflag:s21] =	ssyncset.done $0x0  }
0x106: {  	[sflag:s21] =	ssyncadd.s32 $0xFFFFCE00  }
0x107: {  	[spmem:s2] =	stream.indirect.scatter.add.f32 [tilespmem:s16], [sflag:$0x6], $0x80, s5, s13, $0xb8;
	[tilespmem:$0x1FC00] =	vst v63  }
0x108: {  	_ =	swait.ge [sflag:s17], $0x3200  }
0x109: {  	[sflag:s17] =	ssyncset.done $0x0  }
0x10a: {  	[sflag:s17] =	ssyncadd.s32 $0xFFFFCE00  }
0x10b: {  	[spmem:s2] =	stream.indirect.scatter.add.f32 [tilespmem:s14], [sflag:$0x4], $0x80, s7, s13, $0xb8;
	[tilespmem:$0x1FC00] =	vst v63  }
0x10c: {  	_ =	swait.ge [sflag:s20], $0x3200  }
0x10d: {  	[sflag:s20] =	ssyncset.done $0x0  }
0x10e: {  	[sflag:s20] =	ssyncadd.s32 $0xFFFFCE00  }
0x10f: {  	_ =	swait.ge [sflag:s22], $0x3200  }
0x110: {  	[sflag:s22] =	ssyncset.done $0x0  }
0x111: {  	[sflag:s22] =	ssyncadd.s32 $0xFFFFCE00  }
0x112: {  	s6 =	simm.s32 $0x200;
	_ =	swait.ge [sflag:s18], $0x3200  }
0x113: {  	s9 =	simm.s32 $0x400;
	s10 =	rddreg [dreg:$0x4];
	[sflag:s18] =	ssyncset.done $0x0  }
.LBB2_2:
0x114: {  	[sflag:s18] =	ssyncadd.s32 $0xFFFFCE00;
	s23 =	rddreg [dreg:$0x3];
	s10 =	sadd.s32 s6, s10  }
0x115: {  	[tilespmem:s3], [sflag:$0x7] =	stream.linear.gather [hbm4b:s10+s3], $0xC80, $0x38;
	[tilespmem:$0x1FC00] =	vst v63  }
0x116: {  	s23 =	sadd.s32 s6, s23  }
0x117: {  	[tilespmem:s11], [sflag:$0x7] =	stream.linear.gather [hbm4b:s23+s3], $0xC80, $0x38;
	[tilespmem:$0x1FC00] =	vst v63  }
0x118: {  	_ =	swait.ge [sflag:s12], $0xC80  }
0x119: {  	[sflag:s12] =	ssyncset.done $0x0  }
0x11a: {  	[sflag:s12] =	ssyncadd.s32 $0xFFFFF380  }
0x11b: {  	_ =	swait.ge [sflag:s12], $0xC80  }
0x11c: {  	[sflag:s12] =	ssyncset.done $0x0  }
0x11d: {  	[sflag:s12] =	ssyncadd.s32 $0xFFFFF380  }
0x11e: {  	[tilespmem:s14], [sflag:$0x1] =	stream.indirect.gather [hbm4b:s4+s13], $0x80, s3, s13, $0xb8;
	[tilespmem:$0x1FC00] =	vst v63  }
0x11f: {  	s10 =	rddreg [dreg:$0x5]  }
0x120: {  	[tilespmem:s15], [sflag:$0x2] =	stream.indirect.gather [hbm4b:s4+s13], $0x80, s10, s13, $0xb8;
	[tilespmem:$0x1FC00] =	vst v63  }
0x121: {  	s23 =	rddreg [dreg:$0x6]  }
0x122: {  	[tilespmem:s16], [sflag:$0x3] =	stream.indirect.gather [hbm4b:s4+s13], $0x80, s23, s13, $0xb8;
	[tilespmem:$0x1FC00] =	vst v63  }
0x123: {  	_ =	swait.ge [sflag:s17], $0x3200  }
0x124: {  	[sflag:s17] =	ssyncset.done $0x0  }
0x125: {  	[sflag:s17] =	ssyncadd.s32 $0xFFFFCE00  }
0x126: {  	[spmem:s2] =	stream.indirect.scatter.add.f32 [tilespmem:s14], [sflag:$0x4], $0x80, s11, s13, $0xb8;
	[tilespmem:$0x1FC00] =	vst v63  }
0x127: {  	_ =	swait.ge [sflag:s18], $0x3200  }
0x128: {  	[sflag:s18] =	ssyncset.done $0x0  }
0x129: {  	s23 =	rddreg [dreg:$0x7];
	[sflag:s18] =	ssyncadd.s32 $0xFFFFCE00  }
0x12a: {  	[tilespmem:s14], [sflag:$0x1] =	stream.indirect.gather [hbm4b:s4+s13], $0x80, s23, s13, $0xb8;
	[tilespmem:$0x1FC00] =	vst v63  }
0x12b: {  	_ =	swait.ge [sflag:s19], $0x3200  }
0x12c: {  	[sflag:s19] =	ssyncset.done $0x0  }
0x12d: {  	s10 =	rddreg [dreg:$0x8];
	[sflag:s19] =	ssyncadd.s32 $0xFFFFCE00  }
0x12e: {  	[spmem:s2] =	stream.indirect.scatter.add.f32 [tilespmem:s15], [sflag:$0x5], $0x80, s10, s13, $0xb8;
	[tilespmem:$0x1FC00] =	vst v63  }
0x12f: {  	_ =	swait.ge [sflag:s20], $0x3200  }
0x130: {  	[sflag:s20] =	ssyncset.done $0x0  }
0x131: {  	s23 =	rddreg [dreg:$0x9];
	[sflag:s20] =	ssyncadd.s32 $0xFFFFCE00  }
0x132: {  	[tilespmem:s15], [sflag:$0x2] =	stream.indirect.gather [hbm4b:s4+s13], $0x80, s23, s13, $0xb8;
	[tilespmem:$0x1FC00] =	vst v63  }
0x133: {  	_ =	swait.ge [sflag:s21], $0x3200  }
0x134: {  	[sflag:s21] =	ssyncset.done $0x0  }
0x135: {  	s10 =	rddreg [dreg:$0xa];
	[sflag:s21] =	ssyncadd.s32 $0xFFFFCE00  }
0x136: {  	[spmem:s2] =	stream.indirect.scatter.add.f32 [tilespmem:s16], [sflag:$0x6], $0x80, s10, s13, $0xb8;
	[tilespmem:$0x1FC00] =	vst v63  }
0x137: {  	_ =	swait.ge [sflag:s22], $0x3200  }
0x138: {  	[sflag:s22] =	ssyncset.done $0x0  }
0x139: {  	s23 =	rddreg [dreg:$0xb];
	[sflag:s22] =	ssyncadd.s32 $0xFFFFCE00  }
0x13a: {  	[tilespmem:s16], [sflag:$0x3] =	stream.indirect.gather [hbm4b:s4+s13], $0x80, s23, s13, $0xb8;
	[tilespmem:$0x1FC00] =	vst v63  }
0x13b: {  	_ =	swait.ge [sflag:s17], $0x3200  }
0x13c: {  	[sflag:s17] =	ssyncset.done $0x0  }
0x13d: {  	s10 =	rddreg [dreg:$0xc];
	[sflag:s17] =	ssyncadd.s32 $0xFFFFCE00  }
0x13e: {  	[spmem:s2] =	stream.indirect.scatter.add.f32 [tilespmem:s14], [sflag:$0x4], $0x80, s10, s13, $0xb8;
	[tilespmem:$0x1FC00] =	vst v63  }
0x13f: {  	_ =	swait.ge [sflag:s18], $0x3200  }
0x140: {  	[sflag:s18] =	ssyncset.done $0x0  }
0x141: {  	s23 =	rddreg [dreg:$0xd];
	[sflag:s18] =	ssyncadd.s32 $0xFFFFCE00  }
0x142: {  	[tilespmem:s14], [sflag:$0x1] =	stream.indirect.gather [hbm4b:s4+s13], $0x80, s23, s13, $0xb8;
	[tilespmem:$0x1FC00] =	vst v63  }
0x143: {  	_ =	swait.ge [sflag:s19], $0x3200  }
0x144: {  	[sflag:s19] =	ssyncset.done $0x0  }
0x145: {  	s10 =	rddreg [dreg:$0xe];
	[sflag:s19] =	ssyncadd.s32 $0xFFFFCE00  }
0x146: {  	[spmem:s2] =	stream.indirect.scatter.add.f32 [tilespmem:s15], [sflag:$0x5], $0x80, s10, s13, $0xb8;
	[tilespmem:$0x1FC00] =	vst v63  }
0x147: {  	_ =	swait.ge [sflag:s20], $0x3200  }
0x148: {  	[sflag:s20] =	ssyncset.done $0x0  }
0x149: {  	s23 =	rddreg [dreg:$0xf];
	[sflag:s20] =	ssyncadd.s32 $0xFFFFCE00  }
0x14a: {  	[tilespmem:s15], [sflag:$0x2] =	stream.indirect.gather [hbm4b:s4+s13], $0x80, s23, s13, $0xb8;
	[tilespmem:$0x1FC00] =	vst v63  }
0x14b: {  	_ =	swait.ge [sflag:s21], $0x3200  }
0x14c: {  	[sflag:s21] =	ssyncset.done $0x0  }
0x14d: {  	s10 =	rddreg [dreg:$0x10];
	[sflag:s21] =	ssyncadd.s32 $0xFFFFCE00  }
0x14e: {  	[spmem:s2] =	stream.indirect.scatter.add.f32 [tilespmem:s16], [sflag:$0x6], $0x80, s10, s13, $0xb8;
	[tilespmem:$0x1FC00] =	vst v63  }
0x14f: {  	_ =	swait.ge [sflag:s22], $0x3200  }
0x150: {  	[sflag:s22] =	ssyncset.done $0x0  }
0x151: {  	s23 =	rddreg [dreg:$0x11];
	[sflag:s22] =	ssyncadd.s32 $0xFFFFCE00  }
0x152: {  	[tilespmem:s16], [sflag:$0x3] =	stream.indirect.gather [hbm4b:s4+s13], $0x80, s23, s13, $0xb8;
	[tilespmem:$0x1FC00] =	vst v63  }
0x153: {  	_ =	swait.ge [sflag:s17], $0x3200  }
0x154: {  	[sflag:s17] =	ssyncset.done $0x0  }
0x155: {  	s10 =	rddreg [dreg:$0x12];
	[sflag:s17] =	ssyncadd.s32 $0xFFFFCE00  }
0x156: {  	[spmem:s2] =	stream.indirect.scatter.add.f32 [tilespmem:s14], [sflag:$0x4], $0x80, s10, s13, $0xb8;
	[tilespmem:$0x1FC00] =	vst v63  }
0x157: {  	_ =	swait.ge [sflag:s18], $0x3200  }
0x158: {  	[sflag:s18] =	ssyncset.done $0x0  }
0x159: {  	s23 =	rddreg [dreg:$0x13];
	[sflag:s18] =	ssyncadd.s32 $0xFFFFCE00  }
0x15a: {  	[tilespmem:s14], [sflag:$0x1] =	stream.indirect.gather [hbm4b:s4+s13], $0x80, s23, s13, $0xb8;
	[tilespmem:$0x1FC00] =	vst v63  }
0x15b: {  	_ =	swait.ge [sflag:s19], $0x3200  }
0x15c: {  	[sflag:s19] =	ssyncset.done $0x0  }
0x15d: {  	s10 =	rddreg [dreg:$0x14];
	[sflag:s19] =	ssyncadd.s32 $0xFFFFCE00  }
0x15e: {  	[spmem:s2] =	stream.indirect.scatter.add.f32 [tilespmem:s15], [sflag:$0x5], $0x80, s10, s13, $0xb8;
	[tilespmem:$0x1FC00] =	vst v63  }
0x15f: {  	_ =	swait.ge [sflag:s20], $0x3200  }
0x160: {  	[sflag:s20] =	ssyncset.done $0x0  }
0x161: {  	s23 =	rddreg [dreg:$0x15];
	[sflag:s20] =	ssyncadd.s32 $0xFFFFCE00  }
0x162: {  	[tilespmem:s15], [sflag:$0x2] =	stream.indirect.gather [hbm4b:s4+s13], $0x80, s23, s13, $0xb8;
	[tilespmem:$0x1FC00] =	vst v63  }
0x163: {  	_ =	swait.ge [sflag:s21], $0x3200  }
0x164: {  	[sflag:s21] =	ssyncset.done $0x0  }
0x165: {  	s10 =	rddreg [dreg:$0x16];
	[sflag:s21] =	ssyncadd.s32 $0xFFFFCE00  }
0x166: {  	[spmem:s2] =	stream.indirect.scatter.add.f32 [tilespmem:s16], [sflag:$0x6], $0x80, s10, s13, $0xb8;
	[tilespmem:$0x1FC00] =	vst v63  }
0x167: {  	_ =	swait.ge [sflag:s22], $0x3200  }
0x168: {  	[sflag:s22] =	ssyncset.done $0x0  }
0x169: {  	s23 =	rddreg [dreg:$0x17];
	[sflag:s22] =	ssyncadd.s32 $0xFFFFCE00  }
0x16a: {  	[tilespmem:s16], [sflag:$0x3] =	stream.indirect.gather [hbm4b:s4+s13], $0x80, s23, s13, $0xb8;
	[tilespmem:$0x1FC00] =	vst v63  }
0x16b: {  	_ =	swait.ge [sflag:s17], $0x3200  }
0x16c: {  	[sflag:s17] =	ssyncset.done $0x0  }
0x16d: {  	s10 =	rddreg [dreg:$0x18];
	[sflag:s17] =	ssyncadd.s32 $0xFFFFCE00  }
0x16e: {  	[spmem:s2] =	stream.indirect.scatter.add.f32 [tilespmem:s14], [sflag:$0x4], $0x80, s10, s13, $0xb8;
	[tilespmem:$0x1FC00] =	vst v63  }
0x16f: {  	_ =	swait.ge [sflag:s18], $0x3200  }
0x170: {  	[sflag:s18] =	ssyncset.done $0x0  }
0x171: {  	s23 =	rddreg [dreg:$0x19];
	[sflag:s18] =	ssyncadd.s32 $0xFFFFCE00  }
0x172: {  	[tilespmem:s14], [sflag:$0x1] =	stream.indirect.gather [hbm4b:s4+s13], $0x80, s23, s13, $0xb8;
	[tilespmem:$0x1FC00] =	vst v63  }
0x173: {  	_ =	swait.ge [sflag:s19], $0x3200  }
0x174: {  	[sflag:s19] =	ssyncset.done $0x0  }
0x175: {  	s10 =	rddreg [dreg:$0x1a];
	[sflag:s19] =	ssyncadd.s32 $0xFFFFCE00  }
0x176: {  	[spmem:s2] =	stream.indirect.scatter.add.f32 [tilespmem:s15], [sflag:$0x5], $0x80, s10, s13, $0xb8;
	[tilespmem:$0x1FC00] =	vst v63  }
0x177: {  	_ =	swait.ge [sflag:s20], $0x3200  }
0x178: {  	[sflag:s20] =	ssyncset.done $0x0  }
0x179: {  	s23 =	rddreg [dreg:$0x1b];
	[sflag:s20] =	ssyncadd.s32 $0xFFFFCE00  }
0x17a: {  	[tilespmem:s15], [sflag:$0x2] =	stream.indirect.gather [hbm4b:s4+s13], $0x80, s23, s13, $0xb8;
	[tilespmem:$0x1FC00] =	vst v63  }
0x17b: {  	_ =	swait.ge [sflag:s21], $0x3200  }
0x17c: {  	[sflag:s21] =	ssyncset.done $0x0  }
0x17d: {  	s10 =	rddreg [dreg:$0x1c];
	[sflag:s21] =	ssyncadd.s32 $0xFFFFCE00  }
0x17e: {  	[spmem:s2] =	stream.indirect.scatter.add.f32 [tilespmem:s16], [sflag:$0x6], $0x80, s10, s13, $0xb8;
	[tilespmem:$0x1FC00] =	vst v63  }
0x17f: {  	_ =	swait.ge [sflag:s22], $0x3200  }
0x180: {  	[sflag:s22] =	ssyncset.done $0x0  }
0x181: {  	s23 =	rddreg [dreg:$0x1d];
	[sflag:s22] =	ssyncadd.s32 $0xFFFFCE00  }
0x182: {  	[tilespmem:s16], [sflag:$0x3] =	stream.indirect.gather [hbm4b:s4+s13], $0x80, s23, s13, $0xb8;
	[tilespmem:$0x1FC00] =	vst v63  }
0x183: {  	_ =	swait.ge [sflag:s17], $0x3200  }
0x184: {  	[sflag:s17] =	ssyncset.done $0x0  }
0x185: {  	s10 =	rddreg [dreg:$0x1e];
	[sflag:s17] =	ssyncadd.s32 $0xFFFFCE00  }
0x186: {  	[spmem:s2] =	stream.indirect.scatter.add.f32 [tilespmem:s14], [sflag:$0x4], $0x80, s10, s13, $0xb8;
	[tilespmem:$0x1FC00] =	vst v63  }
0x187: {  	_ =	swait.ge [sflag:s18], $0x3200  }
0x188: {  	[sflag:s18] =	ssyncset.done $0x0  }
0x189: {  	s23 =	rddreg [dreg:$0x1f];
	[sflag:s18] =	ssyncadd.s32 $0xFFFFCE00  }
0x18a: {  	[tilespmem:s14], [sflag:$0x1] =	stream.indirect.gather [hbm4b:s4+s13], $0x80, s23, s13, $0xb8;
	[tilespmem:$0x1FC00] =	vst v63  }
0x18b: {  	_ =	swait.ge [sflag:s19], $0x3200  }
0x18c: {  	s10 =	sld [smem:$0x7F3]  }
0x18d: {  	[sflag:s19] =	ssyncset.done $0x0  }
0x18e: {  	[sflag:s19] =	ssyncadd.s32 $0xFFFFCE00  }
0x18f: {  	[spmem:s2] =	stream.indirect.scatter.add.f32 [tilespmem:s15], [sflag:$0x5], $0x80, s10, s13, $0xb8;
	[tilespmem:$0x1FC00] =	vst v63  }
0x190: {  	_ =	swait.ge [sflag:s20], $0x3200  }
0x191: {  	s23 =	sld [smem:$0x7F4]  }
0x192: {  	[sflag:s20] =	ssyncset.done $0x0  }
0x193: {  	[sflag:s20] =	ssyncadd.s32 $0xFFFFCE00  }
0x194: {  	[tilespmem:s15], [sflag:$0x2] =	stream.indirect.gather [hbm4b:s4+s13], $0x80, s23, s13, $0xb8;
	[tilespmem:$0x1FC00] =	vst v63  }
0x195: {  	_ =	swait.ge [sflag:s21], $0x3200  }
0x196: {  	s10 =	sld [smem:$0x7F5]  }
0x197: {  	[sflag:s21] =	ssyncset.done $0x0  }
0x198: {  	[sflag:s21] =	ssyncadd.s32 $0xFFFFCE00  }
0x199: {  	[spmem:s2] =	stream.indirect.scatter.add.f32 [tilespmem:s16], [sflag:$0x6], $0x80, s10, s13, $0xb8;
	[tilespmem:$0x1FC00] =	vst v63  }
0x19a: {  	_ =	swait.ge [sflag:s22], $0x3200  }
0x19b: {  	s23 =	sld [smem:$0x7F6]  }
0x19c: {  	[sflag:s22] =	ssyncset.done $0x0  }
0x19d: {  	[sflag:s22] =	ssyncadd.s32 $0xFFFFCE00  }
0x19e: {  	[tilespmem:s16], [sflag:$0x3] =	stream.indirect.gather [hbm4b:s4+s13], $0x80, s23, s13, $0xb8;
	[tilespmem:$0x1FC00] =	vst v63  }
0x19f: {  	_ =	swait.ge [sflag:s17], $0x3200  }
0x1a0: {  	s10 =	sld [smem:$0x7F7]  }
0x1a1: {  	[sflag:s17] =	ssyncset.done $0x0  }
0x1a2: {  	[sflag:s17] =	ssyncadd.s32 $0xFFFFCE00  }
0x1a3: {  	[spmem:s2] =	stream.indirect.scatter.add.f32 [tilespmem:s14], [sflag:$0x4], $0x80, s10, s13, $0xb8;
	[tilespmem:$0x1FC00] =	vst v63  }
0x1a4: {  	_ =	swait.ge [sflag:s18], $0x3200  }
0x1a5: {  	s23 =	sld [smem:$0x7F8]  }
0x1a6: {  	[sflag:s18] =	ssyncset.done $0x0  }
0x1a7: {  	[sflag:s18] =	ssyncadd.s32 $0xFFFFCE00  }
0x1a8: {  	[tilespmem:s14], [sflag:$0x1] =	stream.indirect.gather [hbm4b:s4+s13], $0x80, s23, s13, $0xb8;
	[tilespmem:$0x1FC00] =	vst v63  }
0x1a9: {  	_ =	swait.ge [sflag:s19], $0x3200  }
0x1aa: {  	s10 =	sld [smem:$0x7F9]  }
0x1ab: {  	[sflag:s19] =	ssyncset.done $0x0  }
0x1ac: {  	[sflag:s19] =	ssyncadd.s32 $0xFFFFCE00  }
0x1ad: {  	[spmem:s2] =	stream.indirect.scatter.add.f32 [tilespmem:s15], [sflag:$0x5], $0x80, s10, s13, $0xb8;
	[tilespmem:$0x1FC00] =	vst v63  }
0x1ae: {  	_ =	swait.ge [sflag:s20], $0x3200  }
0x1af: {  	s23 =	sld [smem:$0x7FA]  }
0x1b0: {  	[sflag:s20] =	ssyncset.done $0x0  }
0x1b1: {  	[sflag:s20] =	ssyncadd.s32 $0xFFFFCE00  }
0x1b2: {  	[tilespmem:s15], [sflag:$0x2] =	stream.indirect.gather [hbm4b:s4+s13], $0x80, s23, s13, $0xb8;
	[tilespmem:$0x1FC00] =	vst v63  }
0x1b3: {  	_ =	swait.ge [sflag:s21], $0x3200  }
0x1b4: {  	s10 =	sld [smem:$0x7FB]  }
0x1b5: {  	[sflag:s21] =	ssyncset.done $0x0  }
0x1b6: {  	[sflag:s21] =	ssyncadd.s32 $0xFFFFCE00  }
0x1b7: {  	[spmem:s2] =	stream.indirect.scatter.add.f32 [tilespmem:s16], [sflag:$0x6], $0x80, s10, s13, $0xb8;
	[tilespmem:$0x1FC00] =	vst v63  }
0x1b8: {  	_ =	swait.ge [sflag:s22], $0x3200  }
0x1b9: {  	[sflag:s22] =	ssyncset.done $0x0  }
0x1ba: {  	s23 =	simm.s32 $0xA00;
	[sflag:s22] =	ssyncadd.s32 $0xFFFFCE00  }
0x1bb: {  	[tilespmem:s16], [sflag:$0x3] =	stream.indirect.gather [hbm4b:s4+s13], $0x80, s23, s13, $0xb8;
	[tilespmem:$0x1FC00] =	vst v63  }
0x1bc: {  	_ =	swait.ge [sflag:s17], $0x3200  }
0x1bd: {  	[sflag:s17] =	ssyncset.done $0x0  }
0x1be: {  	[sflag:s17] =	ssyncadd.s32 $0xFFFFCE00  }
0x1bf: {  	[spmem:s2] =	stream.indirect.scatter.add.f32 [tilespmem:s14], [sflag:$0x4], $0x80, s24, s13, $0xb8;
	[tilespmem:$0x1FC00] =	vst v63  }
0x1c0: {  	_ =	swait.ge [sflag:s18], $0x3200  }
0x1c1: {  	[sflag:s18] =	ssyncset.done $0x0  }
0x1c2: {  	[sflag:s18] =	ssyncadd.s32 $0xFFFFCE00  }
0x1c3: {  	[tilespmem:s14], [sflag:$0x1] =	stream.indirect.gather [hbm4b:s4+s13], $0x80, s25, s13, $0xb8;
	[tilespmem:$0x1FC00] =	vst v63  }
0x1c4: {  	_ =	swait.ge [sflag:s19], $0x3200  }
0x1c5: {  	[sflag:s19] =	ssyncset.done $0x0  }
0x1c6: {  	[sflag:s19] =	ssyncadd.s32 $0xFFFFCE00  }
0x1c7: {  	[spmem:s2] =	stream.indirect.scatter.add.f32 [tilespmem:s15], [sflag:$0x5], $0x80, s26, s13, $0xb8;
	[tilespmem:$0x1FC00] =	vst v63  }
0x1c8: {  	_ =	swait.ge [sflag:s20], $0x3200  }
0x1c9: {  	[sflag:s20] =	ssyncset.done $0x0  }
0x1ca: {  	[sflag:s20] =	ssyncadd.s32 $0xFFFFCE00  }
0x1cb: {  	[tilespmem:s15], [sflag:$0x2] =	stream.indirect.gather [hbm4b:s4+s13], $0x80, s28, s13, $0xb8;
	[tilespmem:$0x1FC00] =	vst v63  }
0x1cc: {  	_ =	swait.ge [sflag:s21], $0x3200  }
0x1cd: {  	[sflag:s21] =	ssyncset.done $0x0  }
0x1ce: {  	[sflag:s21] =	ssyncadd.s32 $0xFFFFCE00  }
0x1cf: {  	[spmem:s2] =	stream.indirect.scatter.add.f32 [tilespmem:s16], [sflag:$0x6], $0x80, s29, s13, $0xb8;
	[tilespmem:$0x1FC00] =	vst v63  }
0x1d0: {  	_ =	swait.ge [sflag:s22], $0x3200  }
0x1d1: {  	[sflag:s22] =	ssyncset.done $0x0  }
0x1d2: {  	[sflag:s22] =	ssyncadd.s32 $0xFFFFCE00  }
0x1d3: {  	[tilespmem:s16], [sflag:$0x3] =	stream.indirect.gather [hbm4b:s4+s13], $0x80, s30, s13, $0xb8;
	[tilespmem:$0x1FC00] =	vst v63  }
0x1d4: {  	_ =	swait.ge [sflag:s17], $0x3200  }
0x1d5: {  	[sflag:s17] =	ssyncset.done $0x0  }
0x1d6: {  	[sflag:s17] =	ssyncadd.s32 $0xFFFFCE00  }
0x1d7: {  	[spmem:s2] =	stream.indirect.scatter.add.f32 [tilespmem:s14], [sflag:$0x4], $0x80, s31, s13, $0xb8;
	[tilespmem:$0x1FC00] =	vst v63  }
0x1d8: {  	_ =	swait.ge [sflag:s18], $0x3200  }
0x1d9: {  	[sflag:s18] =	ssyncset.done $0x0  }
0x1da: {  	[sflag:s18] =	ssyncadd.s32 $0xFFFFCE00  }
0x1db: {  	[tilespmem:s14], [sflag:$0x1] =	stream.indirect.gather [hbm4b:s4+s13], $0x80, s0, s13, $0xb8;
	[tilespmem:$0x1FC00] =	vst v63  }
0x1dc: {  	_ =	swait.ge [sflag:s19], $0x3200  }
0x1dd: {  	[sflag:s19] =	ssyncset.done $0x0  }
0x1de: {  	[sflag:s19] =	ssyncadd.s32 $0xFFFFCE00  }
0x1df: {  	[spmem:s2] =	stream.indirect.scatter.add.f32 [tilespmem:s15], [sflag:$0x5], $0x80, s1, s13, $0xb8;
	[tilespmem:$0x1FC00] =	vst v63  }
0x1e0: {  	_ =	swait.ge [sflag:s21], $0x3200  }
0x1e1: {  	[sflag:s21] =	ssyncset.done $0x0  }
0x1e2: {  	[sflag:s21] =	ssyncadd.s32 $0xFFFFCE00  }
0x1e3: {  	[spmem:s2] =	stream.indirect.scatter.add.f32 [tilespmem:s16], [sflag:$0x6], $0x80, s5, s13, $0xb8;
	[tilespmem:$0x1FC00] =	vst v63  }
0x1e4: {  	_ =	swait.ge [sflag:s17], $0x3200  }
0x1e5: {  	[sflag:s17] =	ssyncset.done $0x0  }
0x1e6: {  	[sflag:s17] =	ssyncadd.s32 $0xFFFFCE00  }
0x1e7: {  	[spmem:s2] =	stream.indirect.scatter.add.f32 [tilespmem:s14], [sflag:$0x4], $0x80, s7, s13, $0xb8;
	[tilespmem:$0x1FC00] =	vst v63  }
0x1e8: {  	_ =	swait.ge [sflag:s20], $0x3200  }
0x1e9: {  	[sflag:s20] =	ssyncset.done $0x0  }
0x1ea: {  	p0 =	sne.s32 s9, $0x600;
	[sflag:s20] =	ssyncadd.s32 $0xFFFFCE00  }
.Ltmp0:
0x1eb: {  	_ =	swait.ge [sflag:s22], $0x3200;
	(pc) =	sbr.rel @p0 .LBB2_2-.Ltmp0, $4  }
0x1ec: {  	[sflag:s22] =	ssyncset.done $0x0  }
0x1ed: {  	[sflag:s22] =	ssyncadd.s32 $0xFFFFCE00  }
0x1ee: {  	s8 =	smov.u32 s9;
	s9 =	sadd.s32 $0x200, s9;
	_ =	swait.ge [sflag:s18], $0x3200  }
0x1ef: {  	s6 =	smov.u32 s8;
	s10 =	rddreg [dreg:$0x4];
	[sflag:s18] =	ssyncset.done $0x0  }
0x1f0: {  	s8 =	rddreg [dreg:$0x3];
	[sflag:s18] =	ssyncadd.s32 $0xFFFFCE00;
	s9 =	sadd.s32 s6, s10  }
0x1f1: {  	[tilespmem:s3], [sflag:$0x7] =	stream.linear.gather [hbm4b:s9+s3], $0xC80, $0x38;
	[tilespmem:$0x1FC00] =	vst v63  }
0x1f2: {  	s9 =	sadd.s32 s6, s8  }
0x1f3: {  	[tilespmem:s11], [sflag:$0x7] =	stream.linear.gather [hbm4b:s9+s3], $0xC80, $0x38;
	[tilespmem:$0x1FC00] =	vst v63  }
0x1f4: {  	_ =	swait.ge [sflag:s12], $0xC80  }
0x1f5: {  	[sflag:s12] =	ssyncset.done $0x0  }
0x1f6: {  	[sflag:s12] =	ssyncadd.s32 $0xFFFFF380  }
0x1f7: {  	_ =	swait.ge [sflag:s12], $0xC80  }
0x1f8: {  	[sflag:s12] =	ssyncset.done $0x0  }
0x1f9: {  	[sflag:s12] =	ssyncadd.s32 $0xFFFFF380  }
0x1fa: {  	[tilespmem:s14], [sflag:$0x1] =	stream.indirect.gather [hbm4b:s4+s13], $0x80, s3, s13, $0xb8;
	[tilespmem:$0x1FC00] =	vst v63  }
0x1fb: {  	s10 =	rddreg [dreg:$0x5]  }
0x1fc: {  	[tilespmem:s15], [sflag:$0x2] =	stream.indirect.gather [hbm4b:s4+s13], $0x80, s10, s13, $0xb8;
	[tilespmem:$0x1FC00] =	vst v63  }
0x1fd: {  	s23 =	rddreg [dreg:$0x6]  }
0x1fe: {  	[tilespmem:s16], [sflag:$0x3] =	stream.indirect.gather [hbm4b:s4+s13], $0x80, s23, s13, $0xb8;
	[tilespmem:$0x1FC00] =	vst v63  }
0x1ff: {  	_ =	swait.ge [sflag:s17], $0x3200  }
0x200: {  	[sflag:s17] =	ssyncset.done $0x0  }
0x201: {  	[sflag:s17] =	ssyncadd.s32 $0xFFFFCE00  }
0x202: {  	[spmem:s2] =	stream.indirect.scatter.add.f32 [tilespmem:s14], [sflag:$0x4], $0x80, s11, s13, $0xb8;
	[tilespmem:$0x1FC00] =	vst v63  }
0x203: {  	_ =	swait.ge [sflag:s18], $0x3200  }
0x204: {  	[sflag:s18] =	ssyncset.done $0x0  }
0x205: {  	s8 =	rddreg [dreg:$0x7];
	[sflag:s18] =	ssyncadd.s32 $0xFFFFCE00  }
0x206: {  	[tilespmem:s14], [sflag:$0x1] =	stream.indirect.gather [hbm4b:s4+s13], $0x80, s8, s13, $0xb8;
	[tilespmem:$0x1FC00] =	vst v63  }
0x207: {  	_ =	swait.ge [sflag:s19], $0x3200  }
0x208: {  	[sflag:s19] =	ssyncset.done $0x0  }
0x209: {  	s9 =	rddreg [dreg:$0x8];
	[sflag:s19] =	ssyncadd.s32 $0xFFFFCE00  }
0x20a: {  	[spmem:s2] =	stream.indirect.scatter.add.f32 [tilespmem:s15], [sflag:$0x5], $0x80, s9, s13, $0xb8;
	[tilespmem:$0x1FC00] =	vst v63  }
0x20b: {  	_ =	swait.ge [sflag:s20], $0x3200  }
0x20c: {  	[sflag:s20] =	ssyncset.done $0x0  }
0x20d: {  	s10 =	rddreg [dreg:$0x9];
	[sflag:s20] =	ssyncadd.s32 $0xFFFFCE00  }
0x20e: {  	[tilespmem:s15], [sflag:$0x2] =	stream.indirect.gather [hbm4b:s4+s13], $0x80, s10, s13, $0xb8;
	[tilespmem:$0x1FC00] =	vst v63  }
0x20f: {  	_ =	swait.ge [sflag:s21], $0x3200  }
0x210: {  	[sflag:s21] =	ssyncset.done $0x0  }
0x211: {  	s23 =	rddreg [dreg:$0xa];
	[sflag:s21] =	ssyncadd.s32 $0xFFFFCE00  }
0x212: {  	[spmem:s2] =	stream.indirect.scatter.add.f32 [tilespmem:s16], [sflag:$0x6], $0x80, s23, s13, $0xb8;
	[tilespmem:$0x1FC00] =	vst v63  }
0x213: {  	_ =	swait.ge [sflag:s22], $0x3200  }
0x214: {  	[sflag:s22] =	ssyncset.done $0x0  }
0x215: {  	s8 =	rddreg [dreg:$0xb];
	[sflag:s22] =	ssyncadd.s32 $0xFFFFCE00  }
0x216: {  	[tilespmem:s16], [sflag:$0x3] =	stream.indirect.gather [hbm4b:s4+s13], $0x80, s8, s13, $0xb8;
	[tilespmem:$0x1FC00] =	vst v63  }
0x217: {  	_ =	swait.ge [sflag:s17], $0x3200  }
0x218: {  	[sflag:s17] =	ssyncset.done $0x0  }
0x219: {  	s9 =	rddreg [dreg:$0xc];
	[sflag:s17] =	ssyncadd.s32 $0xFFFFCE00  }
0x21a: {  	[spmem:s2] =	stream.indirect.scatter.add.f32 [tilespmem:s14], [sflag:$0x4], $0x80, s9, s13, $0xb8;
	[tilespmem:$0x1FC00] =	vst v63  }
0x21b: {  	_ =	swait.ge [sflag:s18], $0x3200  }
0x21c: {  	[sflag:s18] =	ssyncset.done $0x0  }
0x21d: {  	s10 =	rddreg [dreg:$0xd];
	[sflag:s18] =	ssyncadd.s32 $0xFFFFCE00  }
0x21e: {  	[tilespmem:s14], [sflag:$0x1] =	stream.indirect.gather [hbm4b:s4+s13], $0x80, s10, s13, $0xb8;
	[tilespmem:$0x1FC00] =	vst v63  }
0x21f: {  	_ =	swait.ge [sflag:s19], $0x3200  }
0x220: {  	[sflag:s19] =	ssyncset.done $0x0  }
0x221: {  	s23 =	rddreg [dreg:$0xe];
	[sflag:s19] =	ssyncadd.s32 $0xFFFFCE00  }
0x222: {  	[spmem:s2] =	stream.indirect.scatter.add.f32 [tilespmem:s15], [sflag:$0x5], $0x80, s23, s13, $0xb8;
	[tilespmem:$0x1FC00] =	vst v63  }
0x223: {  	_ =	swait.ge [sflag:s20], $0x3200  }
0x224: {  	[sflag:s20] =	ssyncset.done $0x0  }
0x225: {  	s8 =	rddreg [dreg:$0xf];
	[sflag:s20] =	ssyncadd.s32 $0xFFFFCE00  }
0x226: {  	[tilespmem:s15], [sflag:$0x2] =	stream.indirect.gather [hbm4b:s4+s13], $0x80, s8, s13, $0xb8;
	[tilespmem:$0x1FC00] =	vst v63  }
0x227: {  	_ =	swait.ge [sflag:s21], $0x3200  }
0x228: {  	[sflag:s21] =	ssyncset.done $0x0  }
0x229: {  	s9 =	rddreg [dreg:$0x10];
	[sflag:s21] =	ssyncadd.s32 $0xFFFFCE00  }
0x22a: {  	[spmem:s2] =	stream.indirect.scatter.add.f32 [tilespmem:s16], [sflag:$0x6], $0x80, s9, s13, $0xb8;
	[tilespmem:$0x1FC00] =	vst v63  }
0x22b: {  	_ =	swait.ge [sflag:s22], $0x3200  }
0x22c: {  	[sflag:s22] =	ssyncset.done $0x0  }
0x22d: {  	s10 =	rddreg [dreg:$0x11];
	[sflag:s22] =	ssyncadd.s32 $0xFFFFCE00  }
0x22e: {  	[tilespmem:s16], [sflag:$0x3] =	stream.indirect.gather [hbm4b:s4+s13], $0x80, s10, s13, $0xb8;
	[tilespmem:$0x1FC00] =	vst v63  }
0x22f: {  	_ =	swait.ge [sflag:s17], $0x3200  }
0x230: {  	[sflag:s17] =	ssyncset.done $0x0  }
0x231: {  	s23 =	rddreg [dreg:$0x12];
	[sflag:s17] =	ssyncadd.s32 $0xFFFFCE00  }
0x232: {  	[spmem:s2] =	stream.indirect.scatter.add.f32 [tilespmem:s14], [sflag:$0x4], $0x80, s23, s13, $0xb8;
	[tilespmem:$0x1FC00] =	vst v63  }
0x233: {  	_ =	swait.ge [sflag:s18], $0x3200  }
0x234: {  	[sflag:s18] =	ssyncset.done $0x0  }
0x235: {  	s8 =	rddreg [dreg:$0x13];
	[sflag:s18] =	ssyncadd.s32 $0xFFFFCE00  }
0x236: {  	[tilespmem:s14], [sflag:$0x1] =	stream.indirect.gather [hbm4b:s4+s13], $0x80, s8, s13, $0xb8;
	[tilespmem:$0x1FC00] =	vst v63  }
0x237: {  	_ =	swait.ge [sflag:s19], $0x3200  }
0x238: {  	[sflag:s19] =	ssyncset.done $0x0  }
0x239: {  	s9 =	rddreg [dreg:$0x14];
	[sflag:s19] =	ssyncadd.s32 $0xFFFFCE00  }
0x23a: {  	[spmem:s2] =	stream.indirect.scatter.add.f32 [tilespmem:s15], [sflag:$0x5], $0x80, s9, s13, $0xb8;
	[tilespmem:$0x1FC00] =	vst v63  }
0x23b: {  	_ =	swait.ge [sflag:s20], $0x3200  }
0x23c: {  	[sflag:s20] =	ssyncset.done $0x0  }
0x23d: {  	s10 =	rddreg [dreg:$0x15];
	[sflag:s20] =	ssyncadd.s32 $0xFFFFCE00  }
0x23e: {  	[tilespmem:s15], [sflag:$0x2] =	stream.indirect.gather [hbm4b:s4+s13], $0x80, s10, s13, $0xb8;
	[tilespmem:$0x1FC00] =	vst v63  }
0x23f: {  	_ =	swait.ge [sflag:s21], $0x3200  }
0x240: {  	[sflag:s21] =	ssyncset.done $0x0  }
0x241: {  	s23 =	rddreg [dreg:$0x16];
	[sflag:s21] =	ssyncadd.s32 $0xFFFFCE00  }
0x242: {  	[spmem:s2] =	stream.indirect.scatter.add.f32 [tilespmem:s16], [sflag:$0x6], $0x80, s23, s13, $0xb8;
	[tilespmem:$0x1FC00] =	vst v63  }
0x243: {  	_ =	swait.ge [sflag:s22], $0x3200  }
0x244: {  	[sflag:s22] =	ssyncset.done $0x0  }
0x245: {  	s8 =	rddreg [dreg:$0x17];
	[sflag:s22] =	ssyncadd.s32 $0xFFFFCE00  }
0x246: {  	[tilespmem:s16], [sflag:$0x3] =	stream.indirect.gather [hbm4b:s4+s13], $0x80, s8, s13, $0xb8;
	[tilespmem:$0x1FC00] =	vst v63  }
0x247: {  	_ =	swait.ge [sflag:s17], $0x3200  }
0x248: {  	[sflag:s17] =	ssyncset.done $0x0  }
0x249: {  	s9 =	rddreg [dreg:$0x18];
	[sflag:s17] =	ssyncadd.s32 $0xFFFFCE00  }
0x24a: {  	[spmem:s2] =	stream.indirect.scatter.add.f32 [tilespmem:s14], [sflag:$0x4], $0x80, s9, s13, $0xb8;
	[tilespmem:$0x1FC00] =	vst v63  }
0x24b: {  	_ =	swait.ge [sflag:s18], $0x3200  }
0x24c: {  	[sflag:s18] =	ssyncset.done $0x0  }
0x24d: {  	s10 =	rddreg [dreg:$0x19];
	[sflag:s18] =	ssyncadd.s32 $0xFFFFCE00  }
0x24e: {  	[tilespmem:s14], [sflag:$0x1] =	stream.indirect.gather [hbm4b:s4+s13], $0x80, s10, s13, $0xb8;
	[tilespmem:$0x1FC00] =	vst v63  }
0x24f: {  	_ =	swait.ge [sflag:s19], $0x3200  }
0x250: {  	[sflag:s19] =	ssyncset.done $0x0  }
0x251: {  	s23 =	rddreg [dreg:$0x1a];
	[sflag:s19] =	ssyncadd.s32 $0xFFFFCE00  }
0x252: {  	[spmem:s2] =	stream.indirect.scatter.add.f32 [tilespmem:s15], [sflag:$0x5], $0x80, s23, s13, $0xb8;
	[tilespmem:$0x1FC00] =	vst v63  }
0x253: {  	_ =	swait.ge [sflag:s20], $0x3200  }
0x254: {  	[sflag:s20] =	ssyncset.done $0x0  }
0x255: {  	s8 =	rddreg [dreg:$0x1b];
	[sflag:s20] =	ssyncadd.s32 $0xFFFFCE00  }
0x256: {  	[tilespmem:s15], [sflag:$0x2] =	stream.indirect.gather [hbm4b:s4+s13], $0x80, s8, s13, $0xb8;
	[tilespmem:$0x1FC00] =	vst v63  }
0x257: {  	_ =	swait.ge [sflag:s21], $0x3200  }
0x258: {  	[sflag:s21] =	ssyncset.done $0x0  }
0x259: {  	s9 =	rddreg [dreg:$0x1c];
	[sflag:s21] =	ssyncadd.s32 $0xFFFFCE00  }
0x25a: {  	[spmem:s2] =	stream.indirect.scatter.add.f32 [tilespmem:s16], [sflag:$0x6], $0x80, s9, s13, $0xb8;
	[tilespmem:$0x1FC00] =	vst v63  }
0x25b: {  	_ =	swait.ge [sflag:s22], $0x3200  }
0x25c: {  	[sflag:s22] =	ssyncset.done $0x0  }
0x25d: {  	s10 =	rddreg [dreg:$0x1d];
	[sflag:s22] =	ssyncadd.s32 $0xFFFFCE00  }
0x25e: {  	[tilespmem:s16], [sflag:$0x3] =	stream.indirect.gather [hbm4b:s4+s13], $0x80, s10, s13, $0xb8;
	[tilespmem:$0x1FC00] =	vst v63  }
0x25f: {  	_ =	swait.ge [sflag:s17], $0x3200  }
0x260: {  	[sflag:s17] =	ssyncset.done $0x0  }
0x261: {  	s23 =	rddreg [dreg:$0x1e];
	[sflag:s17] =	ssyncadd.s32 $0xFFFFCE00  }
0x262: {  	[spmem:s2] =	stream.indirect.scatter.add.f32 [tilespmem:s14], [sflag:$0x4], $0x80, s23, s13, $0xb8;
	[tilespmem:$0x1FC00] =	vst v63  }
0x263: {  	_ =	swait.ge [sflag:s18], $0x3200  }
0x264: {  	[sflag:s18] =	ssyncset.done $0x0  }
0x265: {  	s8 =	rddreg [dreg:$0x1f];
	[sflag:s18] =	ssyncadd.s32 $0xFFFFCE00  }
0x266: {  	[tilespmem:s14], [sflag:$0x1] =	stream.indirect.gather [hbm4b:s4+s13], $0x80, s8, s13, $0xb8;
	[tilespmem:$0x1FC00] =	vst v63  }
0x267: {  	_ =	swait.ge [sflag:s19], $0x3200  }
0x268: {  	s9 =	sld [smem:$0x7F3]  }
0x269: {  	[sflag:s19] =	ssyncset.done $0x0  }
0x26a: {  	[sflag:s19] =	ssyncadd.s32 $0xFFFFCE00  }
0x26b: {  	[spmem:s2] =	stream.indirect.scatter.add.f32 [tilespmem:s15], [sflag:$0x5], $0x80, s9, s13, $0xb8;
	[tilespmem:$0x1FC00] =	vst v63  }
0x26c: {  	_ =	swait.ge [sflag:s20], $0x3200  }
0x26d: {  	s10 =	sld [smem:$0x7F4]  }
0x26e: {  	[sflag:s20] =	ssyncset.done $0x0  }
0x26f: {  	[sflag:s20] =	ssyncadd.s32 $0xFFFFCE00  }
0x270: {  	[tilespmem:s15], [sflag:$0x2] =	stream.indirect.gather [hbm4b:s4+s13], $0x80, s10, s13, $0xb8;
	[tilespmem:$0x1FC00] =	vst v63  }
0x271: {  	_ =	swait.ge [sflag:s21], $0x3200  }
0x272: {  	s23 =	sld [smem:$0x7F5]  }
0x273: {  	[sflag:s21] =	ssyncset.done $0x0  }
0x274: {  	[sflag:s21] =	ssyncadd.s32 $0xFFFFCE00  }
0x275: {  	[spmem:s2] =	stream.indirect.scatter.add.f32 [tilespmem:s16], [sflag:$0x6], $0x80, s23, s13, $0xb8;
	[tilespmem:$0x1FC00] =	vst v63  }
0x276: {  	_ =	swait.ge [sflag:s22], $0x3200  }
0x277: {  	s8 =	sld [smem:$0x7F6]  }
0x278: {  	[sflag:s22] =	ssyncset.done $0x0  }
0x279: {  	[sflag:s22] =	ssyncadd.s32 $0xFFFFCE00  }
0x27a: {  	[tilespmem:s16], [sflag:$0x3] =	stream.indirect.gather [hbm4b:s4+s13], $0x80, s8, s13, $0xb8;
	[tilespmem:$0x1FC00] =	vst v63  }
0x27b: {  	_ =	swait.ge [sflag:s17], $0x3200  }
0x27c: {  	s9 =	sld [smem:$0x7F7]  }
0x27d: {  	[sflag:s17] =	ssyncset.done $0x0  }
0x27e: {  	[sflag:s17] =	ssyncadd.s32 $0xFFFFCE00  }
0x27f: {  	[spmem:s2] =	stream.indirect.scatter.add.f32 [tilespmem:s14], [sflag:$0x4], $0x80, s9, s13, $0xb8;
	[tilespmem:$0x1FC00] =	vst v63  }
0x280: {  	_ =	swait.ge [sflag:s18], $0x3200  }
0x281: {  	s10 =	sld [smem:$0x7F8]  }
0x282: {  	[sflag:s18] =	ssyncset.done $0x0  }
0x283: {  	[sflag:s18] =	ssyncadd.s32 $0xFFFFCE00  }
0x284: {  	[tilespmem:s14], [sflag:$0x1] =	stream.indirect.gather [hbm4b:s4+s13], $0x80, s10, s13, $0xb8;
	[tilespmem:$0x1FC00] =	vst v63  }
0x285: {  	_ =	swait.ge [sflag:s19], $0x3200  }
0x286: {  	s23 =	sld [smem:$0x7F9]  }
0x287: {  	[sflag:s19] =	ssyncset.done $0x0  }
0x288: {  	[sflag:s19] =	ssyncadd.s32 $0xFFFFCE00  }
0x289: {  	[spmem:s2] =	stream.indirect.scatter.add.f32 [tilespmem:s15], [sflag:$0x5], $0x80, s23, s13, $0xb8;
	[tilespmem:$0x1FC00] =	vst v63  }
0x28a: {  	_ =	swait.ge [sflag:s20], $0x3200  }
0x28b: {  	s8 =	sld [smem:$0x7FA]  }
0x28c: {  	[sflag:s20] =	ssyncset.done $0x0  }
0x28d: {  	[sflag:s20] =	ssyncadd.s32 $0xFFFFCE00  }
0x28e: {  	[tilespmem:s15], [sflag:$0x2] =	stream.indirect.gather [hbm4b:s4+s13], $0x80, s8, s13, $0xb8;
	[tilespmem:$0x1FC00] =	vst v63  }
0x28f: {  	_ =	swait.ge [sflag:s21], $0x3200  }
0x290: {  	s9 =	sld [smem:$0x7FB]  }
0x291: {  	[sflag:s21] =	ssyncset.done $0x0  }
0x292: {  	[sflag:s21] =	ssyncadd.s32 $0xFFFFCE00  }
0x293: {  	[spmem:s2] =	stream.indirect.scatter.add.f32 [tilespmem:s16], [sflag:$0x6], $0x80, s9, s13, $0xb8;
	[tilespmem:$0x1FC00] =	vst v63  }
0x294: {  	_ =	swait.ge [sflag:s22], $0x3200  }
0x295: {  	[sflag:s22] =	ssyncset.done $0x0  }
0x296: {  	s10 =	simm.s32 $0xA00;
	[sflag:s22] =	ssyncadd.s32 $0xFFFFCE00  }
0x297: {  	[tilespmem:s16], [sflag:$0x3] =	stream.indirect.gather [hbm4b:s4+s13], $0x80, s10, s13, $0xb8;
	[tilespmem:$0x1FC00] =	vst v63  }
0x298: {  	_ =	swait.ge [sflag:s17], $0x3200  }
0x299: {  	[sflag:s17] =	ssyncset.done $0x0  }
0x29a: {  	[sflag:s17] =	ssyncadd.s32 $0xFFFFCE00  }
0x29b: {  	[spmem:s2] =	stream.indirect.scatter.add.f32 [tilespmem:s14], [sflag:$0x4], $0x80, s24, s13, $0xb8;
	[tilespmem:$0x1FC00] =	vst v63  }
0x29c: {  	_ =	swait.ge [sflag:s18], $0x3200  }
0x29d: {  	[sflag:s18] =	ssyncset.done $0x0  }
0x29e: {  	[sflag:s18] =	ssyncadd.s32 $0xFFFFCE00  }
0x29f: {  	[tilespmem:s14], [sflag:$0x1] =	stream.indirect.gather [hbm4b:s4+s13], $0x80, s25, s13, $0xb8;
	[tilespmem:$0x1FC00] =	vst v63  }
0x2a0: {  	_ =	swait.ge [sflag:s19], $0x3200  }
0x2a1: {  	[sflag:s19] =	ssyncset.done $0x0  }
0x2a2: {  	[sflag:s19] =	ssyncadd.s32 $0xFFFFCE00  }
0x2a3: {  	[spmem:s2] =	stream.indirect.scatter.add.f32 [tilespmem:s15], [sflag:$0x5], $0x80, s26, s13, $0xb8;
	[tilespmem:$0x1FC00] =	vst v63  }
0x2a4: {  	_ =	swait.ge [sflag:s20], $0x3200  }
0x2a5: {  	[sflag:s20] =	ssyncset.done $0x0  }
0x2a6: {  	[sflag:s20] =	ssyncadd.s32 $0xFFFFCE00  }
0x2a7: {  	[tilespmem:s15], [sflag:$0x2] =	stream.indirect.gather [hbm4b:s4+s13], $0x80, s28, s13, $0xb8;
	[tilespmem:$0x1FC00] =	vst v63  }
0x2a8: {  	_ =	swait.ge [sflag:s21], $0x3200  }
0x2a9: {  	[sflag:s21] =	ssyncset.done $0x0  }
0x2aa: {  	[sflag:s21] =	ssyncadd.s32 $0xFFFFCE00  }
0x2ab: {  	[spmem:s2] =	stream.indirect.scatter.add.f32 [tilespmem:s16], [sflag:$0x6], $0x80, s29, s13, $0xb8;
	[tilespmem:$0x1FC00] =	vst v63  }
0x2ac: {  	_ =	swait.ge [sflag:s22], $0x3200  }
0x2ad: {  	[sflag:s22] =	ssyncset.done $0x0  }
0x2ae: {  	[sflag:s22] =	ssyncadd.s32 $0xFFFFCE00  }
0x2af: {  	[tilespmem:s16], [sflag:$0x3] =	stream.indirect.gather [hbm4b:s4+s13], $0x80, s30, s13, $0xb8;
	[tilespmem:$0x1FC00] =	vst v63  }
0x2b0: {  	_ =	swait.ge [sflag:s17], $0x3200  }
0x2b1: {  	[sflag:s17] =	ssyncset.done $0x0  }
0x2b2: {  	[sflag:s17] =	ssyncadd.s32 $0xFFFFCE00  }
0x2b3: {  	[spmem:s2] =	stream.indirect.scatter.add.f32 [tilespmem:s14], [sflag:$0x4], $0x80, s31, s13, $0xb8;
	[tilespmem:$0x1FC00] =	vst v63  }
0x2b4: {  	_ =	swait.ge [sflag:s18], $0x3200  }
0x2b5: {  	[sflag:s18] =	ssyncset.done $0x0  }
0x2b6: {  	[sflag:s18] =	ssyncadd.s32 $0xFFFFCE00  }
0x2b7: {  	[tilespmem:s14], [sflag:$0x1] =	stream.indirect.gather [hbm4b:s4+s13], $0x80, s0, s13, $0xb8;
	[tilespmem:$0x1FC00] =	vst v63  }
0x2b8: {  	_ =	swait.ge [sflag:s19], $0x3200  }
0x2b9: {  	[sflag:s19] =	ssyncset.done $0x0  }
0x2ba: {  	[sflag:s19] =	ssyncadd.s32 $0xFFFFCE00  }
0x2bb: {  	[spmem:s2] =	stream.indirect.scatter.add.f32 [tilespmem:s15], [sflag:$0x5], $0x80, s1, s13, $0xb8;
	[tilespmem:$0x1FC00] =	vst v63  }
0x2bc: {  	_ =	swait.ge [sflag:s21], $0x3200  }
0x2bd: {  	[sflag:s21] =	ssyncset.done $0x0  }
0x2be: {  	[sflag:s21] =	ssyncadd.s32 $0xFFFFCE00  }
0x2bf: {  	[spmem:s2] =	stream.indirect.scatter.add.f32 [tilespmem:s16], [sflag:$0x6], $0x80, s5, s13, $0xb8;
	[tilespmem:$0x1FC00] =	vst v63  }
0x2c0: {  	_ =	swait.ge [sflag:s17], $0x3200  }
0x2c1: {  	[sflag:s17] =	ssyncset.done $0x0  }
0x2c2: {  	[sflag:s17] =	ssyncadd.s32 $0xFFFFCE00  }
0x2c3: {  	[spmem:s2] =	stream.indirect.scatter.add.f32 [tilespmem:s14], [sflag:$0x4], $0x80, s7, s13, $0xb8;
	[tilespmem:$0x1FC00] =	vst v63  }
0x2c4: {  	_ =	swait.ge [sflag:s20], $0x3200  }
0x2c5: {  	[sflag:s20] =	ssyncset.done $0x0  }
0x2c6: {  	[sflag:s20] =	ssyncadd.s32 $0xFFFFCE00  }
0x2c7: {  	_ =	swait.ge [sflag:s22], $0x3200  }
0x2c8: {  	[sflag:s22] =	ssyncset.done $0x0  }
0x2c9: {  	[sflag:s22] =	ssyncadd.s32 $0xFFFFCE00  }
0x2ca: {  	_ =	swait.ge [sflag:s18], $0x3200  }
0x2cb: {  	[sflag:s18] =	ssyncset.done $0x0  }
0x2cc: {  	[sflag:s18] =	ssyncadd.s32 $0xFFFFCE00  }
0x2cd: {  	[bflag:$0x0] =	sbarrier.arrive $0xFFFF  }
0x2ce: {  	s8 =	sld [smem:$0x7FC]  }
0x2cf: {  	s23 =	sld [smem:$0x7F1]  }
0x2d0: {  	s9 =	sld [smem:$0x7FD];
	_ =	sdelay $0x1  }
0x2d1: {  	s10 =	simm.s32 $0x8  }
0x2d2: {  	[hbm:s23], [sflag:s8] =	dma.local [spmem:s9], $0x2800  }
0x2d3: {  	_ =	swait.ge [sflag:s10], $0x2800  }
0x2d4: {  	s23 =	sld [smem:$0x7EF]  }
0x2d5: {  	s6 =	sld [smem:$0x7F2];
	_ =	sdelay $0x1  }
0x2d6: {  	s23 =	sadd.s32 $0x1, s23  }
0x2d7: {  	p0 =	sne.s32 s23, s6  }
.Ltmp1:
0x2d8: {  	_ = 	snop;
	(pc) =	sbr.rel @p0 .LBB2_1-.Ltmp1, $3  }
0x2d9: {  	_ =	sdelay $0x1  }
0x2da: {  	[sflag:s10] =	ssyncset.done $0x0  }
0x2db: {  	[sflag:s10] =	ssyncadd.s32 $0xFFFFD800  }
0x2dc: {  	_ =	sfence.sel $0x180000  }
0x2dd: {  	[bflag:$0x0] =	sbarrier.arrive $0xFFFF  }
0x2de: {  	_ =	strace $0x9000004A  }
0x2df: {  	s0 =	stileid.u32;
	[bflag:$0x2] =	sbarrier.arrive $0xFFFF  }
0x2e0: {  	p0 =	sne.s32 s0, $0x0;
	s0 =	rddreg [dreg:$0x2]  }
0x2e1: {  	s0 =	sadd.s32 @!p0 $0x100000, s0  }
0x2e2: {  	[sflag:s0] =	ssyncadd.tile.s32 @!p0 $0x1;
	_ =	shalt  }
.Lfunc_end2:
_tile_overlayer_lowered:
.L_overlay_start_2:
0x2e3: {  	(tag) =	ssettag $0x2  }
0x2e4: {  	s0 =	rddreg [dreg:$0x0];
	s2 =	stileid.u32  }
0x2e5: {  	s1 =	rddreg [dreg:$0x1];
	p0 =	sne.s32 s2, $0x0  }
0x2e6: {  	s3 =	rddreg [dreg:$0x2];
	[bflag:$0x3] =	sbarrier.arrive $0xFFFF;
	s2 =	simm.s32 @!p0 $0x1C08  }
0x2e7: {  	[timem:s3], [sflag:s2] =	dma.local @!p0 [hbm:s0], s1  }
0x2e8: {  	s0 =	simm.s32 @!p0 $0x8  }
0x2e9: {  	_ =	swait.ge @!p0 [sflag:s0], s1  }
0x2ea: {  	s1 =	ssub.s32 @!p0 $0x0, s1;
	[sflag:s0] =	ssyncset.done @!p0 $0x0  }
0x2eb: {  	[sflag:s0] =	ssyncadd.s32 @!p0 s1  }
0x2ec: {  	[bflag:$0x3] =	sbarrier.arrive $0xFFFF  }
0x2ed: {  	_ =	shalt  }

</sc_bundles>
